<compile_context>
chip_gen: v7x
topology: tpu7x:2x2x1
jax: 0.10.2.dev20260603
libtpu: 0.0.44.dev20260713+nightly
codegen_flags: <defaults>
</compile_context>

<pallas_src>
import jax
import jax.numpy as jnp
from jax import lax
from jax.experimental import pallas as pl
from jax.experimental.pallas import tpu as pltpu
from jax.experimental.pallas import tpu_sc as plsc

NN = 10000
EE = 320000
FIN = 128
FOUT = 256
NCLS = 64

NC, NS = 2, 16
K = 80
NBUF = 3
ROWS_ALL = EE // K
ROWS_TILE_A = ROWS_ALL // NS
ROWS_TILE_C = ROWS_ALL // (NC * NS)
RPT = NN // NS

WIN = 5
NWIN = 25


def _deg_body(src3_hbm, dst3_hbm, z1_hbm, deg_hbm, idx_v, ones_v, tb_v, acc_s,
              dsem):
    c = lax.axis_index("c")
    s = lax.axis_index("s")

    @pl.when(s < 10)
    def _():
        pltpu.sync_copy(z1_hbm, tb_v)
        pltpu.sync_copy(tb_v, acc_s.at[pl.ds(s * 1000, 1000)])

    for u in range(K // 16):
        ones_v[pl.ds(u * 16, 16)] = jnp.full((16,), 1.0, jnp.float32)

    @pl.when(c == 0)
    def _():
        pltpu.sync_copy(src3_hbm.at[2 * s], idx_v.at[0])
        pltpu.sync_copy(src3_hbm.at[2 * s + 1], idx_v.at[1])

    @pl.when(c == 1)
    def _():
        pltpu.sync_copy(dst3_hbm.at[2 * s], idx_v.at[0])
        pltpu.sync_copy(dst3_hbm.at[2 * s + 1], idx_v.at[1])

    plsc.subcore_barrier()

    KF = 8

    def row(j):
        jj = lax.rem(j, NWIN * WIN)
        return (idx_v.at[lax.div(j, NWIN * WIN)]
                .at[lax.div(jj, WIN)].at[lax.rem(jj, WIN)])

    def chunk(j, carry):
        pltpu.async_copy(ones_v, acc_s.at[row(j)], dsem, add=True)

        @pl.when(j >= KF)
        def _():
            pltpu.make_async_copy(ones_v, acc_s.at[row(j)], dsem).wait()

        return carry

    lax.fori_loop(0, ROWS_TILE_A, chunk, None)
    for j in range(KF):
        pltpu.make_async_copy(ones_v, acc_s.at[row(j)], dsem).wait()
    plsc.subcore_barrier()

    @pl.when(s < 10)
    def _():
        pltpu.sync_copy(acc_s.at[pl.ds(s * 1000, 1000)], tb_v)
        pltpu.sync_copy(tb_v, deg_hbm.at[pl.ds(c * NN + s * 1000, 1000)])


_sc_calls = {}


def _get_sc_calls():
    if _sc_calls:
        return _sc_calls
    mesh = plsc.VectorSubcoreMesh(
        core_axis_name="c", subcore_axis_name="s",
        num_cores=NC, num_subcores=NS)
    _sc_calls["deg"] = pl.kernel(
        _deg_body,
        out_type=jax.ShapeDtypeStruct((2 * NN,), jnp.float32),
        mesh=mesh,
        scratch_types=[
            pltpu.VMEM((2, NWIN, WIN, K), jnp.int32),
            pltpu.VMEM((K,), jnp.float32),
            pltpu.VMEM((1000,), jnp.float32),
            pltpu.VMEM_SHARED((NN,), jnp.float32),
            pltpu.SemaphoreType.DMA,
        ],
    )
    _sc_calls["agg"] = pl.kernel(
        _agg_body,
        out_type=(jax.ShapeDtypeStruct((2 * NN, FIN), jnp.float32),
                  jax.ShapeDtypeStruct((2 * NN,), jnp.float32)),
        mesh=mesh,
        scratch_types=[
            pltpu.VMEM((2, WIN, K), jnp.int32),
            pltpu.VMEM((2, WIN, K), jnp.int32),
            pltpu.VMEM((NBUF, K, FIN), jnp.float32),
            pltpu.VMEM((NBUF, K), jnp.float32),
            pltpu.VMEM((BR, FIN), jnp.float32),
            pltpu.VMEM((1000,), jnp.float32),
            pltpu.VMEM_SHARED((NN, FIN), jnp.float32),
            pltpu.VMEM_SHARED((NN,), jnp.float32),
            pltpu.VMEM_SHARED((NN,), jnp.float32),
            pltpu.SemaphoreType.DMA((NBUF,)),
            pltpu.SemaphoreType.DMA((NBUF,)),
            pltpu.SemaphoreType.DMA((NBUF,)),
            pltpu.SemaphoreType.DMA((NBUF,)),
            pltpu.SemaphoreType.DMA,
        ],
    )
    return _sc_calls


BR = 16
NBC = 39
TAIL = NN - NS * NBC * BR


def _agg_body(src3_hbm, dst3_hbm, hs_hbm, rin_hbm, z2_hbm, z1_hbm,
              agg_hbm, t_hbm, sidx_v, didx_v, rows_v, rv_v, zb_v, tb_v,
              acc_s, tacc_s, rin_s, gsem, grsem, ssem, stsem, isem):
    c = lax.axis_index("c")
    s = lax.axis_index("s")

    @pl.when(s < 10)
    def _():
        pltpu.sync_copy(z1_hbm, tb_v)
        pltpu.sync_copy(tb_v, tacc_s.at[pl.ds(s * 1000, 1000)])
        pltpu.sync_copy(rin_hbm.at[pl.ds(s * 1000, 1000)], tb_v)
        pltpu.sync_copy(tb_v, rin_s.at[pl.ds(s * 1000, 1000)])

    pltpu.sync_copy(z2_hbm, zb_v)
    base = s * NBC * BR
    for q in range(NBC):
        pltpu.sync_copy(zb_v, acc_s.at[pl.ds(base + q * BR, BR)])

    @pl.when(s == 0)
    def _():
        pltpu.sync_copy(zb_v.at[pl.ds(0, TAIL)], acc_s.at[pl.ds(NN - TAIL, TAIL)])

    tile_w = c * NS + s

    def sidx(j):
        return sidx_v.at[lax.rem(lax.div(j, WIN), 2)].at[lax.rem(j, WIN)]

    def didx(j):
        return didx_v.at[lax.rem(lax.div(j, WIN), 2)].at[lax.rem(j, WIN)]

    pltpu.sync_copy(src3_hbm.at[tile_w].at[0], sidx_v.at[0])
    pltpu.sync_copy(dst3_hbm.at[tile_w].at[0], didx_v.at[0])
    plsc.subcore_barrier()

    def fire_g(j, p):
        pltpu.async_copy(hs_hbm.at[sidx(j)], rows_v.at[p], gsem.at[p])
        pltpu.async_copy(rin_s.at[didx(j)], rv_v.at[p], grsem.at[p])

    def wait_g(j, p):
        pltpu.make_async_copy(hs_hbm.at[sidx(j)], rows_v.at[p],
                              gsem.at[p]).wait()
        pltpu.make_async_copy(rin_s.at[didx(j)], rv_v.at[p],
                              grsem.at[p]).wait()

    def fire_s(j, p):
        pltpu.async_copy(rows_v.at[p], acc_s.at[didx(j)], ssem.at[p], add=True)
        pltpu.async_copy(rv_v.at[p], tacc_s.at[sidx(j)], stsem.at[p], add=True)

    def wait_s(j, p):
        pltpu.make_async_copy(rows_v.at[p], acc_s.at[didx(j)],
                              ssem.at[p]).wait()
        pltpu.make_async_copy(rv_v.at[p], tacc_s.at[sidx(j)],
                              stsem.at[p]).wait()

    def fire_idx(w, wp):
        pltpu.async_copy(src3_hbm.at[tile_w].at[w], sidx_v.at[wp], isem)
        pltpu.async_copy(dst3_hbm.at[tile_w].at[w], didx_v.at[wp], isem)

    def wait_idx(w, wp):
        pltpu.make_async_copy(src3_hbm.at[tile_w].at[w], sidx_v.at[wp],
                              isem).wait()
        pltpu.make_async_copy(dst3_hbm.at[tile_w].at[w], didx_v.at[wp],
                              isem).wait()

    fire_g(0, 0)
    fire_g(1, 1)

    def chunk(j, carry):
        p = lax.rem(j, NBUF)
        jw = lax.rem(j, WIN)
        w = lax.div(j, WIN)

        wait_g(j, p)

        @pl.when(j > 0)
        def _():
            wait_s(j - 1, lax.rem(j - 1, NBUF))

        @pl.when((jw == 0) & (w < NWIN - 1))
        def _():
            fire_idx(w + 1, lax.rem(w + 1, 2))

        @pl.when((jw == WIN - 3) & (w < NWIN - 1))
        def _():
            wait_idx(w + 1, lax.rem(w + 1, 2))

        @pl.when(j < ROWS_TILE_C - 2)
        def _():
            fire_g(j + 2, lax.rem(j + 2, NBUF))

        fire_s(j, p)
        return carry

    lax.fori_loop(0, ROWS_TILE_C, chunk, None)
    wait_s(ROWS_TILE_C - 1, (ROWS_TILE_C - 1) % NBUF)
    plsc.subcore_barrier()

    for q in range(NBC):
        pltpu.sync_copy(acc_s.at[pl.ds(base + q * BR, BR)], zb_v)
        pltpu.sync_copy(zb_v, agg_hbm.at[pl.ds(c * NN + base + q * BR, BR)])

    @pl.when(s == 0)
    def _():
        pltpu.sync_copy(acc_s.at[pl.ds(NN - TAIL, TAIL)],
                        zb_v.at[pl.ds(0, TAIL)])
        pltpu.sync_copy(zb_v.at[pl.ds(0, TAIL)],
                        agg_hbm.at[pl.ds(c * NN + NN - TAIL, TAIL)])

    @pl.when(s < 10)
    def _():
        pltpu.sync_copy(tacc_s.at[pl.ds(s * 1000, 1000)], tb_v)
        pltpu.sync_copy(tb_v, t_hbm.at[pl.ds(c * NN + s * 1000, 1000)])


def _scale_body(h_ref, deg_ref, hs_ref, rio_ref, rib_ref):
    rr = lax.rsqrt(jnp.maximum(deg_ref[...], 1.0))
    rt = jnp.transpose(rr)
    hs_ref[...] = h_ref[...] * rt[:, 0:1]
    rio_ref[...] = rr
    rib_ref[...] = jnp.broadcast_to(rt[:, 1:2], (NN, FIN))


_scale_call = pl.pallas_call(
    _scale_body,
    out_shape=[
        jax.ShapeDtypeStruct((NN, FIN), jnp.float32),
        jax.ShapeDtypeStruct((2, NN), jnp.float32),
        jax.ShapeDtypeStruct((NN, FIN), jnp.float32),
    ],
)


def _out_body(p_ref, t_ref, rio_ref, rib_ref, w1_ref, b1_ref, w2_ref, b2_ref,
              o_ref):
    aggp = p_ref[pl.ds(0, NN), :] + p_ref[pl.ds(NN, NN), :]
    x1 = jnp.dot(aggp * rib_ref[...], w1_ref[...],
                 preferred_element_type=jnp.float32)
    x1 = jnp.maximum(x1 + b1_ref[...], 0.0)
    w = rio_ref[0:1, :] * (t_ref[0:1, :] + t_ref[1:2, :])
    v = lax.dot_general(w, x1, (((1,), (0,)), ((), ())),
                        preferred_element_type=jnp.float32)
    o_ref[...] = (jnp.dot(v, w2_ref[...],
                          preferred_element_type=jnp.float32) * (1.0 / NN)
                  + b2_ref[...])


_out_call = pl.pallas_call(
    _out_body,
    out_shape=jax.ShapeDtypeStruct((1, NCLS), jnp.float32),
)


def kernel(h, edge_index, W1, b1, W2, b2):
    ei = edge_index.astype(jnp.int32)
    src2 = ei[0].reshape(NC * NS, NWIN, WIN, K)
    dst2 = ei[1].reshape(NC * NS, NWIN, WIN, K)
    z1 = jnp.zeros((1000,), jnp.float32)
    z2 = jnp.zeros((BR, FIN), jnp.float32)

    sc = _get_sc_calls()
    deg = sc["deg"](src2, dst2, z1)

    hs, rio, rib = _scale_call(h, deg.reshape(2, NN))

    aggp, tp = sc["agg"](src2, dst2, hs, rio[1], z2, z1)

    return _out_call(aggp, tp.reshape(2, NN), rio, rib,
                     W1, b1.reshape(1, FOUT), W2, b2.reshape(1, NCLS))

# --- scband reference (transcript-rebuilt; emitter-appended) ---
"""Pipeline reference for scband-gcn-13357348290804 (READ-ONLY COPY).

The authoritative reference and input builder live on the scoring server;
editing this copy changes nothing except your own understanding.
"""

import jax, jax.numpy as jnp
import numpy as np

N = 10000
E = 320000
IN_FEAT = 128
OUT_FEAT = 256
NUM_CLASS = 64


def setup_inputs(seed: int = 0) -> dict:
    key = jax.random.key(seed)
    k1, k2, k3, k4, k5, k6 = jax.random.split(key, 6)
    h = jax.random.normal(k1, (N, IN_FEAT), dtype=jnp.float32)
    edge_index = jax.random.randint(k2, (2, E), 0, N)
    W1 = jax.random.normal(k3, (IN_FEAT, OUT_FEAT), dtype=jnp.float32) * (1.0 / np.sqrt(IN_FEAT))
    b1 = jnp.zeros((OUT_FEAT,), dtype=jnp.float32)
    W2 = jax.random.normal(k4, (OUT_FEAT, NUM_CLASS), dtype=jnp.float32) * (1.0 / np.sqrt(OUT_FEAT))
    b2 = jnp.zeros((NUM_CLASS,), dtype=jnp.float32)
    return {"h": h, "edge_index": edge_index, "W1": W1, "b1": b1, "W2": W2, "b2": b2}


def _gcn_conv(x, edge_index, W, b):
    # DGL GraphConv with norm='both': H' = D^{-1/2} A^T D^{-1/2} X W + b
    src = edge_index[0]
    dst = edge_index[1]
    deg_out = jnp.clip(jnp.bincount(src, length=N), 1).astype(x.dtype)
    deg_in = jnp.clip(jnp.bincount(dst, length=N), 1).astype(x.dtype)
    # mult W first (in_feat >= out_feat path in DGL reduces message width)
    h = x @ W
    h = h * jax.lax.rsqrt(deg_out)[:, None]
    agg = jax.ops.segment_sum(h[src], dst, num_segments=N)
    agg = agg * jax.lax.rsqrt(deg_in)[:, None]
    return agg + b


def reference(h, edge_index, W1, b1, W2, b2):
    x = _gcn_conv(h, edge_index, W1, b1)
    x = jax.nn.relu(x)
    x = _gcn_conv(x, edge_index, W2, b2)
    # dgl.mean_nodes over a single-graph batch -> [1, number_class]
    return jnp.mean(x, axis=0, keepdims=True)

if __name__ == "__main__":
    import jax
    _d = setup_inputs()
    print(jax.jit(kernel)(*tuple(_d.values())))

</pallas_src>

<mosaic_0001>
#map = affine_map<(d0, d1) -> (0, 0, 0, 0)>
#map1 = affine_map<(d0, d1) -> (0)>
module attributes {stable_mosaic.version = 14 : i64} {
  func.func @_deg_body(%arg0: i32, %arg1: i32, %arg2: memref<32x25x5x80xi32, #tpu.memory_space<hbm>>, %arg3: memref<32x25x5x80xi32, #tpu.memory_space<hbm>>, %arg4: memref<1000xf32, #tpu.memory_space<hbm>>, %arg5: memref<20000xf32, #tpu.memory_space<hbm>>, %arg6: memref<2x25x5x80xi32, #tpu.memory_space<vmem>>, %arg7: memref<80xf32, #tpu.memory_space<vmem>>, %arg8: memref<1000xf32, #tpu.memory_space<vmem>>, %arg9: memref<10000xf32, #tpu.memory_space<vmem_shared>>, %arg10: memref<!tpu.dma_semaphore, #tpu.memory_space<semaphore_mem>>) attributes {dimension_semantics = [#tpu.dimension_semantics<core_parallel>, #tpu.dimension_semantics<subcore_parallel>], iteration_bounds = array<i64: 2, 16>, scalar_prefetch = 0 : i64, scratch_operands = 5 : i64, tpu.core_type = #tpu.core_type<sc_vector_subcore>, window_params = [{transform_indices = #map}, {transform_indices = #map}, {transform_indices = #map1}, {transform_indices = #map1}]} {
    %lt3A = arith.constant 10 : i32
    %lt3A_0 = arith.cmpi slt, %arg1, %lt3A : i32
    %convert_element_type3A = arith.extui %lt3A_0 : i1 to i32
    %cond3A = arith.constant 0 : i32
    %cond3A_1 = arith.cmpi ne, %convert_element_type3A, %cond3A : i32
    scf.if %cond3A_1 {
      "tpu.region"() ({
        %run_scoped3A = tpu.sem_alloc : memref<!tpu.dma_semaphore, #tpu.memory_space<semaphore_mem>>
        tpu.enqueue_dma source(%arg4 : memref<1000xf32, #tpu.memory_space<hbm>>) target(%arg8 : memref<1000xf32, #tpu.memory_space<vmem>>) target_semaphore(%run_scoped3A : memref<!tpu.dma_semaphore, #tpu.memory_space<semaphore_mem>>)
        tpu.wait_dma2 semaphore(%run_scoped3A : memref<!tpu.dma_semaphore, #tpu.memory_space<semaphore_mem>>) src(%arg4 : memref<1000xf32, #tpu.memory_space<hbm>>) dst(%arg8 : memref<1000xf32, #tpu.memory_space<vmem>>)
        tpu.yield
      }) : () -> ()
      %mul3A = arith.constant 1000 : i32
      %mul3A_238 = arith.muli %arg1, %mul3A : i32
      "tpu.region"() ({
        %run_scoped3A = tpu.sem_alloc : memref<!tpu.dma_semaphore, #tpu.memory_space<semaphore_mem>>
        %dma_start3A = tpu.memref_slice %arg9[%mul3A_238] : memref<10000xf32, #tpu.memory_space<vmem_shared>> -> memref<1000xf32, #tpu.memory_space<vmem_shared>>
        %dma_start3A_239 = tpu.memref_slice %arg9[%mul3A_238] : memref<10000xf32, #tpu.memory_space<vmem_shared>> -> memref<1000xf32, #tpu.memory_space<vmem_shared>>
        tpu.enqueue_dma source(%arg8 : memref<1000xf32, #tpu.memory_space<vmem>>) target(%dma_start3A_239 : memref<1000xf32, #tpu.memory_space<vmem_shared>>) target_semaphore(%run_scoped3A : memref<!tpu.dma_semaphore, #tpu.memory_space<semaphore_mem>>)
        %dma_wait3A_240 = tpu.memref_slice %arg9[%mul3A_238] : memref<10000xf32, #tpu.memory_space<vmem_shared>> -> memref<1000xf32, #tpu.memory_space<vmem_shared>>
        %dma_wait3A_241 = tpu.memref_slice %arg9[%mul3A_238] : memref<10000xf32, #tpu.memory_space<vmem_shared>> -> memref<1000xf32, #tpu.memory_space<vmem_shared>>
        tpu.wait_dma2 semaphore(%run_scoped3A : memref<!tpu.dma_semaphore, #tpu.memory_space<semaphore_mem>>) src(%arg8 : memref<1000xf32, #tpu.memory_space<vmem>>) dst(%dma_wait3A_241 : memref<1000xf32, #tpu.memory_space<vmem_shared>>)
        tpu.yield
      }) : () -> ()
    } else {
    }
    %broadcast_in_dim3A = arith.constant 1.000000e+00 : f32
    %broadcast_in_dim3A_2 = vector.broadcast %broadcast_in_dim3A : f32 to vector<16xf32>
    %swap3A = arith.constant 0 : index
    %swap3A_3 = tpu.vector_load %arg7[%swap3A] {strides = array<i32>} : memref<80xf32, #tpu.memory_space<vmem>>, vector<16xf32>,
    %swap3A_4 = vector.shape_cast %swap3A_3 : vector<16xf32> to vector<16xf32>
    %swap3A_5 = vector.shape_cast %broadcast_in_dim3A_2 : vector<16xf32> to vector<16xf32>
    tpu.vector_store %arg7[%swap3A], %swap3A_5 {strides = array<i32>} : memref<80xf32, #tpu.memory_space<vmem>>, vector<16xf32>,
    %broadcast_in_dim3A_6 = arith.constant 1.000000e+00 : f32
    %broadcast_in_dim3A_7 = vector.broadcast %broadcast_in_dim3A_6 : f32 to vector<16xf32>
    %swap3A_8 = arith.constant 16 : index
    %swap3A_9 = tpu.vector_load %arg7[%swap3A_8] {strides = array<i32>} : memref<80xf32, #tpu.memory_space<vmem>>, vector<16xf32>,
    %swap3A_10 = vector.shape_cast %swap3A_9 : vector<16xf32> to vector<16xf32>
    %swap3A_11 = vector.shape_cast %broadcast_in_dim3A_7 : vector<16xf32> to vector<16xf32>
    tpu.vector_store %arg7[%swap3A_8], %swap3A_11 {strides = array<i32>} : memref<80xf32, #tpu.memory_space<vmem>>, vector<16xf32>,
    %broadcast_in_dim3A_12 = arith.constant 1.000000e+00 : f32
    %broadcast_in_dim3A_13 = vector.broadcast %broadcast_in_dim3A_12 : f32 to vector<16xf32>
    %swap3A_14 = arith.constant 32 : index
    %swap3A_15 = tpu.vector_load %arg7[%swap3A_14] {strides = array<i32>} : memref<80xf32, #tpu.memory_space<vmem>>, vector<16xf32>,
    %swap3A_16 = vector.shape_cast %swap3A_15 : vector<16xf32> to vector<16xf32>
    %swap3A_17 = vector.shape_cast %broadcast_in_dim3A_13 : vector<16xf32> to vector<16xf32>
    tpu.vector_store %arg7[%swap3A_14], %swap3A_17 {strides = array<i32>} : memref<80xf32, #tpu.memory_space<vmem>>, vector<16xf32>,
    %broadcast_in_dim3A_18 = arith.constant 1.000000e+00 : f32
    %broadcast_in_dim3A_19 = vector.broadcast %broadcast_in_dim3A_18 : f32 to vector<16xf32>
    %swap3A_20 = arith.constant 48 : index
    %swap3A_21 = tpu.vector_load %arg7[%swap3A_20] {strides = array<i32>} : memref<80xf32, #tpu.memory_space<vmem>>, vector<16xf32>,
    %swap3A_22 = vector.shape_cast %swap3A_21 : vector<16xf32> to vector<16xf32>
    %swap3A_23 = vector.shape_cast %broadcast_in_dim3A_19 : vector<16xf32> to vector<16xf32>
    tpu.vector_store %arg7[%swap3A_20], %swap3A_23 {strides = array<i32>} : memref<80xf32, #tpu.memory_space<vmem>>, vector<16xf32>,
    %broadcast_in_dim3A_24 = arith.constant 1.000000e+00 : f32
    %broadcast_in_dim3A_25 = vector.broadcast %broadcast_in_dim3A_24 : f32 to vector<16xf32>
    %swap3A_26 = arith.constant 64 : index
    %swap3A_27 = tpu.vector_load %arg7[%swap3A_26] {strides = array<i32>} : memref<80xf32, #tpu.memory_space<vmem>>, vector<16xf32>,
    %swap3A_28 = vector.shape_cast %swap3A_27 : vector<16xf32> to vector<16xf32>
    %swap3A_29 = vector.shape_cast %broadcast_in_dim3A_25 : vector<16xf32> to vector<16xf32>
    tpu.vector_store %arg7[%swap3A_26], %swap3A_29 {strides = array<i32>} : memref<80xf32, #tpu.memory_space<vmem>>, vector<16xf32>,
    %eq3A = arith.constant 0 : i32
    %eq3A_30 = arith.cmpi eq, %arg0, %eq3A : i32
    %convert_element_type3A_31 = arith.extui %eq3A_30 : i1 to i32
    %cond3A_32 = arith.constant 0 : i32
    %cond3A_33 = arith.cmpi ne, %convert_element_type3A_31, %cond3A_32 : i32
    scf.if %cond3A_33 {
      %mul3A = arith.constant 2 : i32
      %mul3A_238 = arith.muli %mul3A, %arg1 : i32
      %run_scoped3A = arith.constant 0 : i32
      "tpu.region"() ({
        %run_scoped3A_243 = tpu.sem_alloc : memref<!tpu.dma_semaphore, #tpu.memory_space<semaphore_mem>>
        %dma_start3A = arith.constant 0 : i32
        %dma_start3A_244 = arith.constant 0 : i32
        %dma_start3A_245 = arith.constant 0 : i32
        %dma_start3A_246 = tpu.memref_slice %arg6[%run_scoped3A, %dma_start3A, %dma_start3A_244, %dma_start3A_245] : memref<2x25x5x80xi32, #tpu.memory_space<vmem>> -> memref<1x25x5x80xi32, #tpu.memory_space<vmem>>
        %dma_start3A_247 = tpu.memref_squeeze %dma_start3A_246 : memref<1x25x5x80xi32, #tpu.memory_space<vmem>> -> memref<25x5x80xi32, #tpu.memory_space<vmem>>
        %dma_start3A_248 = arith.constant 0 : i32
        %dma_start3A_249 = arith.constant 0 : i32
        %dma_start3A_250 = arith.constant 0 : i32
        %dma_start3A_251 = tpu.memref_slice %arg2[%mul3A_238, %dma_start3A_248, %dma_start3A_249, %dma_start3A_250] : memref<32x25x5x80xi32, #tpu.memory_space<hbm>> -> memref<1x25x5x80xi32, #tpu.memory_space<hbm>>
        %dma_start3A_252 = tpu.memref_squeeze %dma_start3A_251 : memref<1x25x5x80xi32, #tpu.memory_space<hbm>> -> memref<25x5x80xi32, #tpu.memory_space<hbm>>
        %dma_start3A_253 = arith.constant 0 : i32
        %dma_start3A_254 = arith.constant 0 : i32
        %dma_start3A_255 = arith.constant 0 : i32
        %dma_start3A_256 = tpu.memref_slice %arg6[%run_scoped3A, %dma_start3A_253, %dma_start3A_254, %dma_start3A_255] : memref<2x25x5x80xi32, #tpu.memory_space<vmem>> -> memref<1x25x5x80xi32, #tpu.memory_space<vmem>>
        %dma_start3A_257 = tpu.memref_squeeze %dma_start3A_256 : memref<1x25x5x80xi32, #tpu.memory_space<vmem>> -> memref<25x5x80xi32, #tpu.memory_space<vmem>>
        %dma_start3A_258 = arith.constant 0 : i32
        %dma_start3A_259 = arith.constant 0 : i32
        %dma_start3A_260 = arith.constant 0 : i32
        %dma_start3A_261 = tpu.memref_slice %arg2[%mul3A_238, %dma_start3A_258, %dma_start3A_259, %dma_start3A_260] : memref<32x25x5x80xi32, #tpu.memory_space<hbm>> -> memref<1x25x5x80xi32, #tpu.memory_space<hbm>>
        %dma_start3A_262 = tpu.memref_squeeze %dma_start3A_261 : memref<1x25x5x80xi32, #tpu.memory_space<hbm>> -> memref<25x5x80xi32, #tpu.memory_space<hbm>>
        tpu.enqueue_dma source(%dma_start3A_262 : memref<25x5x80xi32, #tpu.memory_space<hbm>>) target(%dma_start3A_257 : memref<25x5x80xi32, #tpu.memory_space<vmem>>) target_semaphore(%run_scoped3A_243 : memref<!tpu.dma_semaphore, #tpu.memory_space<semaphore_mem>>)
        %dma_wait3A_263 = arith.constant 0 : i32
        %dma_wait3A_264 = arith.constant 0 : i32
        %dma_wait3A_265 = arith.constant 0 : i32
        %dma_wait3A_266 = tpu.memref_slice %arg6[%run_scoped3A, %dma_wait3A_263, %dma_wait3A_264, %dma_wait3A_265] : memref<2x25x5x80xi32, #tpu.memory_space<vmem>> -> memref<1x25x5x80xi32, #tpu.memory_space<vmem>>
        %dma_wait3A_267 = tpu.memref_squeeze %dma_wait3A_266 : memref<1x25x5x80xi32, #tpu.memory_space<vmem>> -> memref<25x5x80xi32, #tpu.memory_space<vmem>>
        %dma_wait3A_268 = arith.constant 0 : i32
        %dma_wait3A_269 = arith.constant 0 : i32
        %dma_wait3A_270 = arith.constant 0 : i32
        %dma_wait3A_271 = tpu.memref_slice %arg2[%mul3A_238, %dma_wait3A_268, %dma_wait3A_269, %dma_wait3A_270] : memref<32x25x5x80xi32, #tpu.memory_space<hbm>> -> memref<1x25x5x80xi32, #tpu.memory_space<hbm>>
        %dma_wait3A_272 = tpu.memref_squeeze %dma_wait3A_271 : memref<1x25x5x80xi32, #tpu.memory_space<hbm>> -> memref<25x5x80xi32, #tpu.memory_space<hbm>>
        %dma_wait3A_273 = arith.constant 0 : i32
        %dma_wait3A_274 = arith.constant 0 : i32
        %dma_wait3A_275 = arith.constant 0 : i32
        %dma_wait3A_276 = tpu.memref_slice %arg6[%run_scoped3A, %dma_wait3A_273, %dma_wait3A_274, %dma_wait3A_275] : memref<2x25x5x80xi32, #tpu.memory_space<vmem>> -> memref<1x25x5x80xi32, #tpu.memory_space<vmem>>
        %dma_wait3A_277 = tpu.memref_squeeze %dma_wait3A_276 : memref<1x25x5x80xi32, #tpu.memory_space<vmem>> -> memref<25x5x80xi32, #tpu.memory_space<vmem>>
        %dma_wait3A_278 = arith.constant 0 : i32
        %dma_wait3A_279 = arith.constant 0 : i32
        %dma_wait3A_280 = arith.constant 0 : i32
        %dma_wait3A_281 = tpu.memref_slice %arg2[%mul3A_238, %dma_wait3A_278, %dma_wait3A_279, %dma_wait3A_280] : memref<32x25x5x80xi32, #tpu.memory_space<hbm>> -> memref<1x25x5x80xi32, #tpu.memory_space<hbm>>
        %dma_wait3A_282 = tpu.memref_squeeze %dma_wait3A_281 : memref<1x25x5x80xi32, #tpu.memory_space<hbm>> -> memref<25x5x80xi32, #tpu.memory_space<hbm>>
        tpu.wait_dma2 semaphore(%run_scoped3A_243 : memref<!tpu.dma_semaphore, #tpu.memory_space<semaphore_mem>>) src(%dma_wait3A_282 : memref<25x5x80xi32, #tpu.memory_space<hbm>>) dst(%dma_wait3A_277 : memref<25x5x80xi32, #tpu.memory_space<vmem>>)
        tpu.yield
      }) : () -> ()
      %mul3A_239 = arith.constant 2 : i32
      %mul3A_240 = arith.muli %mul3A_239, %arg1 : i32
      %add3A = arith.constant 1 : i32
      %add3A_241 = arith.addi %mul3A_240, %add3A : i32
      %run_scoped3A_242 = arith.constant 1 : i32
      "tpu.region"() ({
        %run_scoped3A_243 = tpu.sem_alloc : memref<!tpu.dma_semaphore, #tpu.memory_space<semaphore_mem>>
        %dma_start3A = arith.constant 0 : i32
        %dma_start3A_244 = arith.constant 0 : i32
        %dma_start3A_245 = arith.constant 0 : i32
        %dma_start3A_246 = tpu.memref_slice %arg6[%run_scoped3A_242, %dma_start3A, %dma_start3A_244, %dma_start3A_245] : memref<2x25x5x80xi32, #tpu.memory_space<vmem>> -> memref<1x25x5x80xi32, #tpu.memory_space<vmem>>
        %dma_start3A_247 = tpu.memref_squeeze %dma_start3A_246 : memref<1x25x5x80xi32, #tpu.memory_space<vmem>> -> memref<25x5x80xi32, #tpu.memory_space<vmem>>
        %dma_start3A_248 = arith.constant 0 : i32
        %dma_start3A_249 = arith.constant 0 : i32
        %dma_start3A_250 = arith.constant 0 : i32
        %dma_start3A_251 = tpu.memref_slice %arg2[%add3A_241, %dma_start3A_248, %dma_start3A_249, %dma_start3A_250] : memref<32x25x5x80xi32, #tpu.memory_space<hbm>> -> memref<1x25x5x80xi32, #tpu.memory_space<hbm>>
        %dma_start3A_252 = tpu.memref_squeeze %dma_start3A_251 : memref<1x25x5x80xi32, #tpu.memory_space<hbm>> -> memref<25x5x80xi32, #tpu.memory_space<hbm>>
        %dma_start3A_253 = arith.constant 0 : i32
        %dma_start3A_254 = arith.constant 0 : i32
        %dma_start3A_255 = arith.constant 0 : i32
        %dma_start3A_256 = tpu.memref_slice %arg6[%run_scoped3A_242, %dma_start3A_253, %dma_start3A_254, %dma_start3A_255] : memref<2x25x5x80xi32, #tpu.memory_space<vmem>> -> memref<1x25x5x80xi32, #tpu.memory_space<vmem>>
        %dma_start3A_257 = tpu.memref_squeeze %dma_start3A_256 : memref<1x25x5x80xi32, #tpu.memory_space<vmem>> -> memref<25x5x80xi32, #tpu.memory_space<vmem>>
        %dma_start3A_258 = arith.constant 0 : i32
        %dma_start3A_259 = arith.constant 0 : i32
        %dma_start3A_260 = arith.constant 0 : i32
        %dma_start3A_261 = tpu.memref_slice %arg2[%add3A_241, %dma_start3A_258, %dma_start3A_259, %dma_start3A_260] : memref<32x25x5x80xi32, #tpu.memory_space<hbm>> -> memref<1x25x5x80xi32, #tpu.memory_space<hbm>>
        %dma_start3A_262 = tpu.memref_squeeze %dma_start3A_261 : memref<1x25x5x80xi32, #tpu.memory_space<hbm>> -> memref<25x5x80xi32, #tpu.memory_space<hbm>>
        tpu.enqueue_dma source(%dma_start3A_262 : memref<25x5x80xi32, #tpu.memory_space<hbm>>) target(%dma_start3A_257 : memref<25x5x80xi32, #tpu.memory_space<vmem>>) target_semaphore(%run_scoped3A_243 : memref<!tpu.dma_semaphore, #tpu.memory_space<semaphore_mem>>)
        %dma_wait3A_263 = arith.constant 0 : i32
        %dma_wait3A_264 = arith.constant 0 : i32
        %dma_wait3A_265 = arith.constant 0 : i32
        %dma_wait3A_266 = tpu.memref_slice %arg6[%run_scoped3A_242, %dma_wait3A_263, %dma_wait3A_264, %dma_wait3A_265] : memref<2x25x5x80xi32, #tpu.memory_space<vmem>> -> memref<1x25x5x80xi32, #tpu.memory_space<vmem>>
        %dma_wait3A_267 = tpu.memref_squeeze %dma_wait3A_266 : memref<1x25x5x80xi32, #tpu.memory_space<vmem>> -> memref<25x5x80xi32, #tpu.memory_space<vmem>>
        %dma_wait3A_268 = arith.constant 0 : i32
        %dma_wait3A_269 = arith.constant 0 : i32
        %dma_wait3A_270 = arith.constant 0 : i32
        %dma_wait3A_271 = tpu.memref_slice %arg2[%add3A_241, %dma_wait3A_268, %dma_wait3A_269, %dma_wait3A_270] : memref<32x25x5x80xi32, #tpu.memory_space<hbm>> -> memref<1x25x5x80xi32, #tpu.memory_space<hbm>>
        %dma_wait3A_272 = tpu.memref_squeeze %dma_wait3A_271 : memref<1x25x5x80xi32, #tpu.memory_space<hbm>> -> memref<25x5x80xi32, #tpu.memory_space<hbm>>
        %dma_wait3A_273 = arith.constant 0 : i32
        %dma_wait3A_274 = arith.constant 0 : i32
        %dma_wait3A_275 = arith.constant 0 : i32
        %dma_wait3A_276 = tpu.memref_slice %arg6[%run_scoped3A_242, %dma_wait3A_273, %dma_wait3A_274, %dma_wait3A_275] : memref<2x25x5x80xi32, #tpu.memory_space<vmem>> -> memref<1x25x5x80xi32, #tpu.memory_space<vmem>>
        %dma_wait3A_277 = tpu.memref_squeeze %dma_wait3A_276 : memref<1x25x5x80xi32, #tpu.memory_space<vmem>> -> memref<25x5x80xi32, #tpu.memory_space<vmem>>
        %dma_wait3A_278 = arith.constant 0 : i32
        %dma_wait3A_279 = arith.constant 0 : i32
        %dma_wait3A_280 = arith.constant 0 : i32
        %dma_wait3A_281 = tpu.memref_slice %arg2[%add3A_241, %dma_wait3A_278, %dma_wait3A_279, %dma_wait3A_280] : memref<32x25x5x80xi32, #tpu.memory_space<hbm>> -> memref<1x25x5x80xi32, #tpu.memory_space<hbm>>
        %dma_wait3A_282 = tpu.memref_squeeze %dma_wait3A_281 : memref<1x25x5x80xi32, #tpu.memory_space<hbm>> -> memref<25x5x80xi32, #tpu.memory_space<hbm>>
        tpu.wait_dma2 semaphore(%run_scoped3A_243 : memref<!tpu.dma_semaphore, #tpu.memory_space<semaphore_mem>>) src(%dma_wait3A_282 : memref<25x5x80xi32, #tpu.memory_space<hbm>>) dst(%dma_wait3A_277 : memref<25x5x80xi32, #tpu.memory_space<vmem>>)
        tpu.yield
      }) : () -> ()
    } else {
    }
    %eq3A_34 = arith.constant 1 : i32
    %eq3A_35 = arith.cmpi eq, %arg0, %eq3A_34 : i32
    %convert_element_type3A_36 = arith.extui %eq3A_35 : i1 to i32
    %cond3A_37 = arith.constant 0 : i32
    %cond3A_38 = arith.cmpi ne, %convert_element_type3A_36, %cond3A_37 : i32
    scf.if %cond3A_38 {
      %mul3A = arith.constant 2 : i32
      %mul3A_238 = arith.muli %mul3A, %arg1 : i32
      %run_scoped3A = arith.constant 0 : i32
      "tpu.region"() ({
        %run_scoped3A_243 = tpu.sem_alloc : memref<!tpu.dma_semaphore, #tpu.memory_space<semaphore_mem>>
        %dma_start3A = arith.constant 0 : i32
        %dma_start3A_244 = arith.constant 0 : i32
        %dma_start3A_245 = arith.constant 0 : i32
        %dma_start3A_246 = tpu.memref_slice %arg6[%run_scoped3A, %dma_start3A, %dma_start3A_244, %dma_start3A_245] : memref<2x25x5x80xi32, #tpu.memory_space<vmem>> -> memref<1x25x5x80xi32, #tpu.memory_space<vmem>>
        %dma_start3A_247 = tpu.memref_squeeze %dma_start3A_246 : memref<1x25x5x80xi32, #tpu.memory_space<vmem>> -> memref<25x5x80xi32, #tpu.memory_space<vmem>>
        %dma_start3A_248 = arith.constant 0 : i32
        %dma_start3A_249 = arith.constant 0 : i32
        %dma_start3A_250 = arith.constant 0 : i32
        %dma_start3A_251 = tpu.memref_slice %arg3[%mul3A_238, %dma_start3A_248, %dma_start3A_249, %dma_start3A_250] : memref<32x25x5x80xi32, #tpu.memory_space<hbm>> -> memref<1x25x5x80xi32, #tpu.memory_space<hbm>>
        %dma_start3A_252 = tpu.memref_squeeze %dma_start3A_251 : memref<1x25x5x80xi32, #tpu.memory_space<hbm>> -> memref<25x5x80xi32, #tpu.memory_space<hbm>>
        %dma_start3A_253 = arith.constant 0 : i32
        %dma_start3A_254 = arith.constant 0 : i32
        %dma_start3A_255 = arith.constant 0 : i32
        %dma_start3A_256 = tpu.memref_slice %arg6[%run_scoped3A, %dma_start3A_253, %dma_start3A_254, %dma_start3A_255] : memref<2x25x5x80xi32, #tpu.memory_space<vmem>> -> memref<1x25x5x80xi32, #tpu.memory_space<vmem>>
        %dma_start3A_257 = tpu.memref_squeeze %dma_start3A_256 : memref<1x25x5x80xi32, #tpu.memory_space<vmem>> -> memref<25x5x80xi32, #tpu.memory_space<vmem>>
        %dma_start3A_258 = arith.constant 0 : i32
        %dma_start3A_259 = arith.constant 0 : i32
        %dma_start3A_260 = arith.constant 0 : i32
        %dma_start3A_261 = tpu.memref_slice %arg3[%mul3A_238, %dma_start3A_258, %dma_start3A_259, %dma_start3A_260] : memref<32x25x5x80xi32, #tpu.memory_space<hbm>> -> memref<1x25x5x80xi32, #tpu.memory_space<hbm>>
        %dma_start3A_262 = tpu.memref_squeeze %dma_start3A_261 : memref<1x25x5x80xi32, #tpu.memory_space<hbm>> -> memref<25x5x80xi32, #tpu.memory_space<hbm>>
        tpu.enqueue_dma source(%dma_start3A_262 : memref<25x5x80xi32, #tpu.memory_space<hbm>>) target(%dma_start3A_257 : memref<25x5x80xi32, #tpu.memory_space<vmem>>) target_semaphore(%run_scoped3A_243 : memref<!tpu.dma_semaphore, #tpu.memory_space<semaphore_mem>>)
        %dma_wait3A_263 = arith.constant 0 : i32
        %dma_wait3A_264 = arith.constant 0 : i32
        %dma_wait3A_265 = arith.constant 0 : i32
        %dma_wait3A_266 = tpu.memref_slice %arg6[%run_scoped3A, %dma_wait3A_263, %dma_wait3A_264, %dma_wait3A_265] : memref<2x25x5x80xi32, #tpu.memory_space<vmem>> -> memref<1x25x5x80xi32, #tpu.memory_space<vmem>>
        %dma_wait3A_267 = tpu.memref_squeeze %dma_wait3A_266 : memref<1x25x5x80xi32, #tpu.memory_space<vmem>> -> memref<25x5x80xi32, #tpu.memory_space<vmem>>
        %dma_wait3A_268 = arith.constant 0 : i32
        %dma_wait3A_269 = arith.constant 0 : i32
        %dma_wait3A_270 = arith.constant 0 : i32
        %dma_wait3A_271 = tpu.memref_slice %arg3[%mul3A_238, %dma_wait3A_268, %dma_wait3A_269, %dma_wait3A_270] : memref<32x25x5x80xi32, #tpu.memory_space<hbm>> -> memref<1x25x5x80xi32, #tpu.memory_space<hbm>>
        %dma_wait3A_272 = tpu.memref_squeeze %dma_wait3A_271 : memref<1x25x5x80xi32, #tpu.memory_space<hbm>> -> memref<25x5x80xi32, #tpu.memory_space<hbm>>
        %dma_wait3A_273 = arith.constant 0 : i32
        %dma_wait3A_274 = arith.constant 0 : i32
        %dma_wait3A_275 = arith.constant 0 : i32
        %dma_wait3A_276 = tpu.memref_slice %arg6[%run_scoped3A, %dma_wait3A_273, %dma_wait3A_274, %dma_wait3A_275] : memref<2x25x5x80xi32, #tpu.memory_space<vmem>> -> memref<1x25x5x80xi32, #tpu.memory_space<vmem>>
        %dma_wait3A_277 = tpu.memref_squeeze %dma_wait3A_276 : memref<1x25x5x80xi32, #tpu.memory_space<vmem>> -> memref<25x5x80xi32, #tpu.memory_space<vmem>>
        %dma_wait3A_278 = arith.constant 0 : i32
        %dma_wait3A_279 = arith.constant 0 : i32
        %dma_wait3A_280 = arith.constant 0 : i32
        %dma_wait3A_281 = tpu.memref_slice %arg3[%mul3A_238, %dma_wait3A_278, %dma_wait3A_279, %dma_wait3A_280] : memref<32x25x5x80xi32, #tpu.memory_space<hbm>> -> memref<1x25x5x80xi32, #tpu.memory_space<hbm>>
        %dma_wait3A_282 = tpu.memref_squeeze %dma_wait3A_281 : memref<1x25x5x80xi32, #tpu.memory_space<hbm>> -> memref<25x5x80xi32, #tpu.memory_space<hbm>>
        tpu.wait_dma2 semaphore(%run_scoped3A_243 : memref<!tpu.dma_semaphore, #tpu.memory_space<semaphore_mem>>) src(%dma_wait3A_282 : memref<25x5x80xi32, #tpu.memory_space<hbm>>) dst(%dma_wait3A_277 : memref<25x5x80xi32, #tpu.memory_space<vmem>>)
        tpu.yield
      }) : () -> ()
      %mul3A_239 = arith.constant 2 : i32
      %mul3A_240 = arith.muli %mul3A_239, %arg1 : i32
      %add3A = arith.constant 1 : i32
      %add3A_241 = arith.addi %mul3A_240, %add3A : i32
      %run_scoped3A_242 = arith.constant 1 : i32
      "tpu.region"() ({
        %run_scoped3A_243 = tpu.sem_alloc : memref<!tpu.dma_semaphore, #tpu.memory_space<semaphore_mem>>
        %dma_start3A = arith.constant 0 : i32
        %dma_start3A_244 = arith.constant 0 : i32
        %dma_start3A_245 = arith.constant 0 : i32
        %dma_start3A_246 = tpu.memref_slice %arg6[%run_scoped3A_242, %dma_start3A, %dma_start3A_244, %dma_start3A_245] : memref<2x25x5x80xi32, #tpu.memory_space<vmem>> -> memref<1x25x5x80xi32, #tpu.memory_space<vmem>>
        %dma_start3A_247 = tpu.memref_squeeze %dma_start3A_246 : memref<1x25x5x80xi32, #tpu.memory_space<vmem>> -> memref<25x5x80xi32, #tpu.memory_space<vmem>>
        %dma_start3A_248 = arith.constant 0 : i32
        %dma_start3A_249 = arith.constant 0 : i32
        %dma_start3A_250 = arith.constant 0 : i32
        %dma_start3A_251 = tpu.memref_slice %arg3[%add3A_241, %dma_start3A_248, %dma_start3A_249, %dma_start3A_250] : memref<32x25x5x80xi32, #tpu.memory_space<hbm>> -> memref<1x25x5x80xi32, #tpu.memory_space<hbm>>
        %dma_start3A_252 = tpu.memref_squeeze %dma_start3A_251 : memref<1x25x5x80xi32, #tpu.memory_space<hbm>> -> memref<25x5x80xi32, #tpu.memory_space<hbm>>
        %dma_start3A_253 = arith.constant 0 : i32
        %dma_start3A_254 = arith.constant 0 : i32
        %dma_start3A_255 = arith.constant 0 : i32
        %dma_start3A_256 = tpu.memref_slice %arg6[%run_scoped3A_242, %dma_start3A_253, %dma_start3A_254, %dma_start3A_255] : memref<2x25x5x80xi32, #tpu.memory_space<vmem>> -> memref<1x25x5x80xi32, #tpu.memory_space<vmem>>
        %dma_start3A_257 = tpu.memref_squeeze %dma_start3A_256 : memref<1x25x5x80xi32, #tpu.memory_space<vmem>> -> memref<25x5x80xi32, #tpu.memory_space<vmem>>
        %dma_start3A_258 = arith.constant 0 : i32
        %dma_start3A_259 = arith.constant 0 : i32
        %dma_start3A_260 = arith.constant 0 : i32
        %dma_start3A_261 = tpu.memref_slice %arg3[%add3A_241, %dma_start3A_258, %dma_start3A_259, %dma_start3A_260] : memref<32x25x5x80xi32, #tpu.memory_space<hbm>> -> memref<1x25x5x80xi32, #tpu.memory_space<hbm>>
        %dma_start3A_262 = tpu.memref_squeeze %dma_start3A_261 : memref<1x25x5x80xi32, #tpu.memory_space<hbm>> -> memref<25x5x80xi32, #tpu.memory_space<hbm>>
        tpu.enqueue_dma source(%dma_start3A_262 : memref<25x5x80xi32, #tpu.memory_space<hbm>>) target(%dma_start3A_257 : memref<25x5x80xi32, #tpu.memory_space<vmem>>) target_semaphore(%run_scoped3A_243 : memref<!tpu.dma_semaphore, #tpu.memory_space<semaphore_mem>>)
        %dma_wait3A_263 = arith.constant 0 : i32
        %dma_wait3A_264 = arith.constant 0 : i32
        %dma_wait3A_265 = arith.constant 0 : i32
        %dma_wait3A_266 = tpu.memref_slice %arg6[%run_scoped3A_242, %dma_wait3A_263, %dma_wait3A_264, %dma_wait3A_265] : memref<2x25x5x80xi32, #tpu.memory_space<vmem>> -> memref<1x25x5x80xi32, #tpu.memory_space<vmem>>
        %dma_wait3A_267 = tpu.memref_squeeze %dma_wait3A_266 : memref<1x25x5x80xi32, #tpu.memory_space<vmem>> -> memref<25x5x80xi32, #tpu.memory_space<vmem>>
        %dma_wait3A_268 = arith.constant 0 : i32
        %dma_wait3A_269 = arith.constant 0 : i32
        %dma_wait3A_270 = arith.constant 0 : i32
        %dma_wait3A_271 = tpu.memref_slice %arg3[%add3A_241, %dma_wait3A_268, %dma_wait3A_269, %dma_wait3A_270] : memref<32x25x5x80xi32, #tpu.memory_space<hbm>> -> memref<1x25x5x80xi32, #tpu.memory_space<hbm>>
        %dma_wait3A_272 = tpu.memref_squeeze %dma_wait3A_271 : memref<1x25x5x80xi32, #tpu.memory_space<hbm>> -> memref<25x5x80xi32, #tpu.memory_space<hbm>>
        %dma_wait3A_273 = arith.constant 0 : i32
        %dma_wait3A_274 = arith.constant 0 : i32
        %dma_wait3A_275 = arith.constant 0 : i32
        %dma_wait3A_276 = tpu.memref_slice %arg6[%run_scoped3A_242, %dma_wait3A_273, %dma_wait3A_274, %dma_wait3A_275] : memref<2x25x5x80xi32, #tpu.memory_space<vmem>> -> memref<1x25x5x80xi32, #tpu.memory_space<vmem>>
        %dma_wait3A_277 = tpu.memref_squeeze %dma_wait3A_276 : memref<1x25x5x80xi32, #tpu.memory_space<vmem>> -> memref<25x5x80xi32, #tpu.memory_space<vmem>>
        %dma_wait3A_278 = arith.constant 0 : i32
        %dma_wait3A_279 = arith.constant 0 : i32
        %dma_wait3A_280 = arith.constant 0 : i32
        %dma_wait3A_281 = tpu.memref_slice %arg3[%add3A_241, %dma_wait3A_278, %dma_wait3A_279, %dma_wait3A_280] : memref<32x25x5x80xi32, #tpu.memory_space<hbm>> -> memref<1x25x5x80xi32, #tpu.memory_space<hbm>>
        %dma_wait3A_282 = tpu.memref_squeeze %dma_wait3A_281 : memref<1x25x5x80xi32, #tpu.memory_space<hbm>> -> memref<25x5x80xi32, #tpu.memory_space<hbm>>
        tpu.wait_dma2 semaphore(%run_scoped3A_243 : memref<!tpu.dma_semaphore, #tpu.memory_space<semaphore_mem>>) src(%dma_wait3A_282 : memref<25x5x80xi32, #tpu.memory_space<hbm>>) dst(%dma_wait3A_277 : memref<25x5x80xi32, #tpu.memory_space<vmem>>)
        tpu.yield
      }) : () -> ()
    } else {
    }
    %barrier3A = arith.constant 0 : index
    tpu.barrier barrier_id(%barrier3A)
    %scan3A = arith.constant 0 : i32
    %scan3A_39 = arith.constant 250 : i32
    %scan3A_40 = arith.addi %scan3A, %scan3A_39 : i32
    %scan3A_41 = arith.constant 1 : i32
    scf.for %scan3A_238 = %scan3A to %scan3A_40 step %scan3A_41  : i32 {
      %rem3A_239 = arith.constant 125 : i32
      %rem3A_240 = arith.remsi %scan3A_238, %rem3A_239 : i32
      %div3A_241 = arith.constant 125 : i32
      %div3A_242 = arith.divsi %scan3A_238, %div3A_241 : i32
      %div3A_243 = arith.constant 5 : i32
      %div3A_244 = arith.divsi %rem3A_240, %div3A_243 : i32
      %rem3A_245 = arith.constant 5 : i32
      %rem3A_246 = arith.remsi %rem3A_240, %rem3A_245 : i32
      %dma_start3A = arith.constant 0 : i32
      %dma_start3A_247 = arith.constant 0 : i32
      %dma_start3A_248 = arith.constant 0 : i32
      %dma_start3A_249 = tpu.memref_slice %arg6[%div3A_242, %dma_start3A, %dma_start3A_247, %dma_start3A_248] : memref<2x25x5x80xi32, #tpu.memory_space<vmem>> -> memref<1x25x5x80xi32, #tpu.memory_space<vmem>>
      %dma_start3A_250 = tpu.memref_squeeze %dma_start3A_249 : memref<1x25x5x80xi32, #tpu.memory_space<vmem>> -> memref<25x5x80xi32, #tpu.memory_space<vmem>>
      %dma_start3A_251 = arith.constant 0 : i32
      %dma_start3A_252 = arith.constant 0 : i32
      %dma_start3A_253 = tpu.memref_slice %dma_start3A_250[%div3A_244, %dma_start3A_251, %dma_start3A_252] : memref<25x5x80xi32, #tpu.memory_space<vmem>> -> memref<1x5x80xi32, #tpu.memory_space<vmem>>
      %dma_start3A_254 = tpu.memref_squeeze %dma_start3A_253 : memref<1x5x80xi32, #tpu.memory_space<vmem>> -> memref<5x80xi32, #tpu.memory_space<vmem>>
      %dma_start3A_255 = arith.constant 0 : i32
      %dma_start3A_256 = tpu.memref_slice %dma_start3A_254[%rem3A_246, %dma_start3A_255] : memref<5x80xi32, #tpu.memory_space<vmem>> -> memref<1x80xi32, #tpu.memory_space<vmem>>
      %dma_start3A_257 = tpu.memref_squeeze %dma_start3A_256 : memref<1x80xi32, #tpu.memory_space<vmem>> -> memref<80xi32, #tpu.memory_space<vmem>>
      %dma_start3A_258 = arith.constant 0 : i32
      %dma_start3A_259 = tpu.memref_slice %arg9[%dma_start3A_258] : memref<10000xf32, #tpu.memory_space<vmem_shared>> -> memref<10000xf32, #tpu.memory_space<vmem_shared>>
      tpu.enqueue_indirect_dma source(%arg7 : memref<80xf32, #tpu.memory_space<vmem>>) target(%dma_start3A_259 : memref<10000xf32, #tpu.memory_space<vmem_shared>>) offsets(%dma_start3A_257 : memref<80xi32, #tpu.memory_space<vmem>>) semaphore(%arg10 : memref<!tpu.dma_semaphore, #tpu.memory_space<semaphore_mem>>) {add = true}
      %ge3A = arith.constant 8 : i32
      %ge3A_260 = arith.cmpi sge, %scan3A_238, %ge3A : i32
      %convert_element_type3A_261 = arith.extui %ge3A_260 : i1 to i32
      %cond3A_262 = arith.constant 0 : i32
      %cond3A_263 = arith.cmpi ne, %convert_element_type3A_261, %cond3A_262 : i32
      scf.if %cond3A_263 {
        %rem3A_264 = arith.constant 125 : i32
        %rem3A_265 = arith.remsi %scan3A_238, %rem3A_264 : i32
        %div3A_266 = arith.constant 125 : i32
        %div3A_267 = arith.divsi %scan3A_238, %div3A_266 : i32
        %div3A_268 = arith.constant 5 : i32
        %div3A_269 = arith.divsi %rem3A_265, %div3A_268 : i32
        %rem3A_270 = arith.constant 5 : i32
        %rem3A_271 = arith.remsi %rem3A_265, %rem3A_270 : i32
        %dma_wait3A_272 = arith.constant 0 : i32
        %dma_wait3A_273 = arith.constant 0 : i32
        %dma_wait3A_274 = arith.constant 0 : i32
        %dma_wait3A_275 = tpu.memref_slice %arg6[%div3A_267, %dma_wait3A_272, %dma_wait3A_273, %dma_wait3A_274] : memref<2x25x5x80xi32, #tpu.memory_space<vmem>> -> memref<1x25x5x80xi32, #tpu.memory_space<vmem>>
        %dma_wait3A_276 = tpu.memref_squeeze %dma_wait3A_275 : memref<1x25x5x80xi32, #tpu.memory_space<vmem>> -> memref<25x5x80xi32, #tpu.memory_space<vmem>>
        %dma_wait3A_277 = arith.constant 0 : i32
        %dma_wait3A_278 = arith.constant 0 : i32
        %dma_wait3A_279 = tpu.memref_slice %dma_wait3A_276[%div3A_269, %dma_wait3A_277, %dma_wait3A_278] : memref<25x5x80xi32, #tpu.memory_space<vmem>> -> memref<1x5x80xi32, #tpu.memory_space<vmem>>
        %dma_wait3A_280 = tpu.memref_squeeze %dma_wait3A_279 : memref<1x5x80xi32, #tpu.memory_space<vmem>> -> memref<5x80xi32, #tpu.memory_space<vmem>>
        %dma_wait3A_281 = arith.constant 0 : i32
        %dma_wait3A_282 = tpu.memref_slice %dma_wait3A_280[%rem3A_271, %dma_wait3A_281] : memref<5x80xi32, #tpu.memory_space<vmem>> -> memref<1x80xi32, #tpu.memory_space<vmem>>
        %dma_wait3A_283 = tpu.memref_squeeze %dma_wait3A_282 : memref<1x80xi32, #tpu.memory_space<vmem>> -> memref<80xi32, #tpu.memory_space<vmem>>
        %dma_wait3A_284 = arith.constant 0 : i32
        %dma_wait3A_285 = tpu.memref_slice %arg9[%dma_wait3A_284] : memref<10000xf32, #tpu.memory_space<vmem_shared>> -> memref<10000xf32, #tpu.memory_space<vmem_shared>>
        tpu.wait_indirect_dma semaphore(%arg10 : memref<!tpu.dma_semaphore, #tpu.memory_space<semaphore_mem>>) src(%arg7 : memref<80xf32, #tpu.memory_space<vmem>>) dst(%dma_wait3A_285 : memref<10000xf32, #tpu.memory_space<vmem_shared>>)
      } else {
      }
    }
    %scan3A_42 = arith.constant 250 : i32
    %rem3A = arith.constant 0 : i32
    %rem3A_43 = arith.constant 125 : i32
    %rem3A_44 = arith.remsi %rem3A, %rem3A_43 : i32
    %div3A = arith.constant 0 : i32
    %div3A_45 = arith.constant 125 : i32
    %div3A_46 = arith.divsi %div3A, %div3A_45 : i32
    %div3A_47 = arith.constant 5 : i32
    %div3A_48 = arith.divsi %rem3A_44, %div3A_47 : i32
    %rem3A_49 = arith.constant 5 : i32
    %rem3A_50 = arith.remsi %rem3A_44, %rem3A_49 : i32
    %dma_wait3A = arith.constant 0 : i32
    %dma_wait3A_51 = arith.constant 0 : i32
    %dma_wait3A_52 = arith.constant 0 : i32
    %dma_wait3A_53 = tpu.memref_slice %arg6[%div3A_46, %dma_wait3A, %dma_wait3A_51, %dma_wait3A_52] : memref<2x25x5x80xi32, #tpu.memory_space<vmem>> -> memref<1x25x5x80xi32, #tpu.memory_space<vmem>>
    %dma_wait3A_54 = tpu.memref_squeeze %dma_wait3A_53 : memref<1x25x5x80xi32, #tpu.memory_space<vmem>> -> memref<25x5x80xi32, #tpu.memory_space<vmem>>
    %dma_wait3A_55 = arith.constant 0 : i32
    %dma_wait3A_56 = arith.constant 0 : i32
    %dma_wait3A_57 = tpu.memref_slice %dma_wait3A_54[%div3A_48, %dma_wait3A_55, %dma_wait3A_56] : memref<25x5x80xi32, #tpu.memory_space<vmem>> -> memref<1x5x80xi32, #tpu.memory_space<vmem>>
    %dma_wait3A_58 = tpu.memref_squeeze %dma_wait3A_57 : memref<1x5x80xi32, #tpu.memory_space<vmem>> -> memref<5x80xi32, #tpu.memory_space<vmem>>
    %dma_wait3A_59 = arith.constant 0 : i32
    %dma_wait3A_60 = tpu.memref_slice %dma_wait3A_58[%rem3A_50, %dma_wait3A_59] : memref<5x80xi32, #tpu.memory_space<vmem>> -> memref<1x80xi32, #tpu.memory_space<vmem>>
    %dma_wait3A_61 = tpu.memref_squeeze %dma_wait3A_60 : memref<1x80xi32, #tpu.memory_space<vmem>> -> memref<80xi32, #tpu.memory_space<vmem>>
    %dma_wait3A_62 = arith.constant 0 : i32
    %dma_wait3A_63 = tpu.memref_slice %arg9[%dma_wait3A_62] : memref<10000xf32, #tpu.memory_space<vmem_shared>> -> memref<10000xf32, #tpu.memory_space<vmem_shared>>
    tpu.wait_indirect_dma semaphore(%arg10 : memref<!tpu.dma_semaphore, #tpu.memory_space<semaphore_mem>>) src(%arg7 : memref<80xf32, #tpu.memory_space<vmem>>) dst(%dma_wait3A_63 : memref<10000xf32, #tpu.memory_space<vmem_shared>>)
    %rem3A_64 = arith.constant 1 : i32
    %rem3A_65 = arith.constant 125 : i32
    %rem3A_66 = arith.remsi %rem3A_64, %rem3A_65 : i32
    %div3A_67 = arith.constant 1 : i32
    %div3A_68 = arith.constant 125 : i32
    %div3A_69 = arith.divsi %div3A_67, %div3A_68 : i32
    %div3A_70 = arith.constant 5 : i32
    %div3A_71 = arith.divsi %rem3A_66, %div3A_70 : i32
    %rem3A_72 = arith.constant 5 : i32
    %rem3A_73 = arith.remsi %rem3A_66, %rem3A_72 : i32
    %dma_wait3A_74 = arith.constant 0 : i32
    %dma_wait3A_75 = arith.constant 0 : i32
    %dma_wait3A_76 = arith.constant 0 : i32
    %dma_wait3A_77 = tpu.memref_slice %arg6[%div3A_69, %dma_wait3A_74, %dma_wait3A_75, %dma_wait3A_76] : memref<2x25x5x80xi32, #tpu.memory_space<vmem>> -> memref<1x25x5x80xi32, #tpu.memory_space<vmem>>
    %dma_wait3A_78 = tpu.memref_squeeze %dma_wait3A_77 : memref<1x25x5x80xi32, #tpu.memory_space<vmem>> -> memref<25x5x80xi32, #tpu.memory_space<vmem>>
    %dma_wait3A_79 = arith.constant 0 : i32
    %dma_wait3A_80 = arith.constant 0 : i32
    %dma_wait3A_81 = tpu.memref_slice %dma_wait3A_78[%div3A_71, %dma_wait3A_79, %dma_wait3A_80] : memref<25x5x80xi32, #tpu.memory_space<vmem>> -> memref<1x5x80xi32, #tpu.memory_space<vmem>>
    %dma_wait3A_82 = tpu.memref_squeeze %dma_wait3A_81 : memref<1x5x80xi32, #tpu.memory_space<vmem>> -> memref<5x80xi32, #tpu.memory_space<vmem>>
    %dma_wait3A_83 = arith.constant 0 : i32
    %dma_wait3A_84 = tpu.memref_slice %dma_wait3A_82[%rem3A_73, %dma_wait3A_83] : memref<5x80xi32, #tpu.memory_space<vmem>> -> memref<1x80xi32, #tpu.memory_space<vmem>>
    %dma_wait3A_85 = tpu.memref_squeeze %dma_wait3A_84 : memref<1x80xi32, #tpu.memory_space<vmem>> -> memref<80xi32, #tpu.memory_space<vmem>>
    %dma_wait3A_86 = arith.constant 0 : i32
    %dma_wait3A_87 = tpu.memref_slice %arg9[%dma_wait3A_86] : memref<10000xf32, #tpu.memory_space<vmem_shared>> -> memref<10000xf32, #tpu.memory_space<vmem_shared>>
    tpu.wait_indirect_dma semaphore(%arg10 : memref<!tpu.dma_semaphore, #tpu.memory_space<semaphore_mem>>) src(%arg7 : memref<80xf32, #tpu.memory_space<vmem>>) dst(%dma_wait3A_87 : memref<10000xf32, #tpu.memory_space<vmem_shared>>)
    %rem3A_88 = arith.constant 2 : i32
    %rem3A_89 = arith.constant 125 : i32
    %rem3A_90 = arith.remsi %rem3A_88, %rem3A_89 : i32
    %div3A_91 = arith.constant 2 : i32
    %div3A_92 = arith.constant 125 : i32
    %div3A_93 = arith.divsi %div3A_91, %div3A_92 : i32
    %div3A_94 = arith.constant 5 : i32
    %div3A_95 = arith.divsi %rem3A_90, %div3A_94 : i32
    %rem3A_96 = arith.constant 5 : i32
    %rem3A_97 = arith.remsi %rem3A_90, %rem3A_96 : i32
    %dma_wait3A_98 = arith.constant 0 : i32
    %dma_wait3A_99 = arith.constant 0 : i32
    %dma_wait3A_100 = arith.constant 0 : i32
    %dma_wait3A_101 = tpu.memref_slice %arg6[%div3A_93, %dma_wait3A_98, %dma_wait3A_99, %dma_wait3A_100] : memref<2x25x5x80xi32, #tpu.memory_space<vmem>> -> memref<1x25x5x80xi32, #tpu.memory_space<vmem>>
    %dma_wait3A_102 = tpu.memref_squeeze %dma_wait3A_101 : memref<1x25x5x80xi32, #tpu.memory_space<vmem>> -> memref<25x5x80xi32, #tpu.memory_space<vmem>>
    %dma_wait3A_103 = arith.constant 0 : i32
    %dma_wait3A_104 = arith.constant 0 : i32
    %dma_wait3A_105 = tpu.memref_slice %dma_wait3A_102[%div3A_95, %dma_wait3A_103, %dma_wait3A_104] : memref<25x5x80xi32, #tpu.memory_space<vmem>> -> memref<1x5x80xi32, #tpu.memory_space<vmem>>
    %dma_wait3A_106 = tpu.memref_squeeze %dma_wait3A_105 : memref<1x5x80xi32, #tpu.memory_space<vmem>> -> memref<5x80xi32, #tpu.memory_space<vmem>>
    %dma_wait3A_107 = arith.constant 0 : i32
    %dma_wait3A_108 = tpu.memref_slice %dma_wait3A_106[%rem3A_97, %dma_wait3A_107] : memref<5x80xi32, #tpu.memory_space<vmem>> -> memref<1x80xi32, #tpu.memory_space<vmem>>
    %dma_wait3A_109 = tpu.memref_squeeze %dma_wait3A_108 : memref<1x80xi32, #tpu.memory_space<vmem>> -> memref<80xi32, #tpu.memory_space<vmem>>
    %dma_wait3A_110 = arith.constant 0 : i32
    %dma_wait3A_111 = tpu.memref_slice %arg9[%dma_wait3A_110] : memref<10000xf32, #tpu.memory_space<vmem_shared>> -> memref<10000xf32, #tpu.memory_space<vmem_shared>>
    tpu.wait_indirect_dma semaphore(%arg10 : memref<!tpu.dma_semaphore, #tpu.memory_space<semaphore_mem>>) src(%arg7 : memref<80xf32, #tpu.memory_space<vmem>>) dst(%dma_wait3A_111 : memref<10000xf32, #tpu.memory_space<vmem_shared>>)
    %rem3A_112 = arith.constant 3 : i32
    %rem3A_113 = arith.constant 125 : i32
    %rem3A_114 = arith.remsi %rem3A_112, %rem3A_113 : i32
    %div3A_115 = arith.constant 3 : i32
    %div3A_116 = arith.constant 125 : i32
    %div3A_117 = arith.divsi %div3A_115, %div3A_116 : i32
    %div3A_118 = arith.constant 5 : i32
    %div3A_119 = arith.divsi %rem3A_114, %div3A_118 : i32
    %rem3A_120 = arith.constant 5 : i32
    %rem3A_121 = arith.remsi %rem3A_114, %rem3A_120 : i32
    %dma_wait3A_122 = arith.constant 0 : i32
    %dma_wait3A_123 = arith.constant 0 : i32
    %dma_wait3A_124 = arith.constant 0 : i32
    %dma_wait3A_125 = tpu.memref_slice %arg6[%div3A_117, %dma_wait3A_122, %dma_wait3A_123, %dma_wait3A_124] : memref<2x25x5x80xi32, #tpu.memory_space<vmem>> -> memref<1x25x5x80xi32, #tpu.memory_space<vmem>>
    %dma_wait3A_126 = tpu.memref_squeeze %dma_wait3A_125 : memref<1x25x5x80xi32, #tpu.memory_space<vmem>> -> memref<25x5x80xi32, #tpu.memory_space<vmem>>
    %dma_wait3A_127 = arith.constant 0 : i32
    %dma_wait3A_128 = arith.constant 0 : i32
    %dma_wait3A_129 = tpu.memref_slice %dma_wait3A_126[%div3A_119, %dma_wait3A_127, %dma_wait3A_128] : memref<25x5x80xi32, #tpu.memory_space<vmem>> -> memref<1x5x80xi32, #tpu.memory_space<vmem>>
    %dma_wait3A_130 = tpu.memref_squeeze %dma_wait3A_129 : memref<1x5x80xi32, #tpu.memory_space<vmem>> -> memref<5x80xi32, #tpu.memory_space<vmem>>
    %dma_wait3A_131 = arith.constant 0 : i32
    %dma_wait3A_132 = tpu.memref_slice %dma_wait3A_130[%rem3A_121, %dma_wait3A_131] : memref<5x80xi32, #tpu.memory_space<vmem>> -> memref<1x80xi32, #tpu.memory_space<vmem>>
    %dma_wait3A_133 = tpu.memref_squeeze %dma_wait3A_132 : memref<1x80xi32, #tpu.memory_space<vmem>> -> memref<80xi32, #tpu.memory_space<vmem>>
    %dma_wait3A_134 = arith.constant 0 : i32
    %dma_wait3A_135 = tpu.memref_slice %arg9[%dma_wait3A_134] : memref<10000xf32, #tpu.memory_space<vmem_shared>> -> memref<10000xf32, #tpu.memory_space<vmem_shared>>
    tpu.wait_indirect_dma semaphore(%arg10 : memref<!tpu.dma_semaphore, #tpu.memory_space<semaphore_mem>>) src(%arg7 : memref<80xf32, #tpu.memory_space<vmem>>) dst(%dma_wait3A_135 : memref<10000xf32, #tpu.memory_space<vmem_shared>>)
    %rem3A_136 = arith.constant 4 : i32
    %rem3A_137 = arith.constant 125 : i32
    %rem3A_138 = arith.remsi %rem3A_136, %rem3A_137 : i32
    %div3A_139 = arith.constant 4 : i32
    %div3A_140 = arith.constant 125 : i32
    %div3A_141 = arith.divsi %div3A_139, %div3A_140 : i32
    %div3A_142 = arith.constant 5 : i32
    %div3A_143 = arith.divsi %rem3A_138, %div3A_142 : i32
    %rem3A_144 = arith.constant 5 : i32
    %rem3A_145 = arith.remsi %rem3A_138, %rem3A_144 : i32
    %dma_wait3A_146 = arith.constant 0 : i32
    %dma_wait3A_147 = arith.constant 0 : i32
    %dma_wait3A_148 = arith.constant 0 : i32
    %dma_wait3A_149 = tpu.memref_slice %arg6[%div3A_141, %dma_wait3A_146, %dma_wait3A_147, %dma_wait3A_148] : memref<2x25x5x80xi32, #tpu.memory_space<vmem>> -> memref<1x25x5x80xi32, #tpu.memory_space<vmem>>
    %dma_wait3A_150 = tpu.memref_squeeze %dma_wait3A_149 : memref<1x25x5x80xi32, #tpu.memory_space<vmem>> -> memref<25x5x80xi32, #tpu.memory_space<vmem>>
    %dma_wait3A_151 = arith.constant 0 : i32
    %dma_wait3A_152 = arith.constant 0 : i32
    %dma_wait3A_153 = tpu.memref_slice %dma_wait3A_150[%div3A_143, %dma_wait3A_151, %dma_wait3A_152] : memref<25x5x80xi32, #tpu.memory_space<vmem>> -> memref<1x5x80xi32, #tpu.memory_space<vmem>>
    %dma_wait3A_154 = tpu.memref_squeeze %dma_wait3A_153 : memref<1x5x80xi32, #tpu.memory_space<vmem>> -> memref<5x80xi32, #tpu.memory_space<vmem>>
    %dma_wait3A_155 = arith.constant 0 : i32
    %dma_wait3A_156 = tpu.memref_slice %dma_wait3A_154[%rem3A_145, %dma_wait3A_155] : memref<5x80xi32, #tpu.memory_space<vmem>> -> memref<1x80xi32, #tpu.memory_space<vmem>>
    %dma_wait3A_157 = tpu.memref_squeeze %dma_wait3A_156 : memref<1x80xi32, #tpu.memory_space<vmem>> -> memref<80xi32, #tpu.memory_space<vmem>>
    %dma_wait3A_158 = arith.constant 0 : i32
    %dma_wait3A_159 = tpu.memref_slice %arg9[%dma_wait3A_158] : memref<10000xf32, #tpu.memory_space<vmem_shared>> -> memref<10000xf32, #tpu.memory_space<vmem_shared>>
    tpu.wait_indirect_dma semaphore(%arg10 : memref<!tpu.dma_semaphore, #tpu.memory_space<semaphore_mem>>) src(%arg7 : memref<80xf32, #tpu.memory_space<vmem>>) dst(%dma_wait3A_159 : memref<10000xf32, #tpu.memory_space<vmem_shared>>)
    %rem3A_160 = arith.constant 5 : i32
    %rem3A_161 = arith.constant 125 : i32
    %rem3A_162 = arith.remsi %rem3A_160, %rem3A_161 : i32
    %div3A_163 = arith.constant 5 : i32
    %div3A_164 = arith.constant 125 : i32
    %div3A_165 = arith.divsi %div3A_163, %div3A_164 : i32
    %div3A_166 = arith.constant 5 : i32
    %div3A_167 = arith.divsi %rem3A_162, %div3A_166 : i32
    %rem3A_168 = arith.constant 5 : i32
    %rem3A_169 = arith.remsi %rem3A_162, %rem3A_168 : i32
    %dma_wait3A_170 = arith.constant 0 : i32
    %dma_wait3A_171 = arith.constant 0 : i32
    %dma_wait3A_172 = arith.constant 0 : i32
    %dma_wait3A_173 = tpu.memref_slice %arg6[%div3A_165, %dma_wait3A_170, %dma_wait3A_171, %dma_wait3A_172] : memref<2x25x5x80xi32, #tpu.memory_space<vmem>> -> memref<1x25x5x80xi32, #tpu.memory_space<vmem>>
    %dma_wait3A_174 = tpu.memref_squeeze %dma_wait3A_173 : memref<1x25x5x80xi32, #tpu.memory_space<vmem>> -> memref<25x5x80xi32, #tpu.memory_space<vmem>>
    %dma_wait3A_175 = arith.constant 0 : i32
    %dma_wait3A_176 = arith.constant 0 : i32
    %dma_wait3A_177 = tpu.memref_slice %dma_wait3A_174[%div3A_167, %dma_wait3A_175, %dma_wait3A_176] : memref<25x5x80xi32, #tpu.memory_space<vmem>> -> memref<1x5x80xi32, #tpu.memory_space<vmem>>
    %dma_wait3A_178 = tpu.memref_squeeze %dma_wait3A_177 : memref<1x5x80xi32, #tpu.memory_space<vmem>> -> memref<5x80xi32, #tpu.memory_space<vmem>>
    %dma_wait3A_179 = arith.constant 0 : i32
    %dma_wait3A_180 = tpu.memref_slice %dma_wait3A_178[%rem3A_169, %dma_wait3A_179] : memref<5x80xi32, #tpu.memory_space<vmem>> -> memref<1x80xi32, #tpu.memory_space<vmem>>
    %dma_wait3A_181 = tpu.memref_squeeze %dma_wait3A_180 : memref<1x80xi32, #tpu.memory_space<vmem>> -> memref<80xi32, #tpu.memory_space<vmem>>
    %dma_wait3A_182 = arith.constant 0 : i32
    %dma_wait3A_183 = tpu.memref_slice %arg9[%dma_wait3A_182] : memref<10000xf32, #tpu.memory_space<vmem_shared>> -> memref<10000xf32, #tpu.memory_space<vmem_shared>>
    tpu.wait_indirect_dma semaphore(%arg10 : memref<!tpu.dma_semaphore, #tpu.memory_space<semaphore_mem>>) src(%arg7 : memref<80xf32, #tpu.memory_space<vmem>>) dst(%dma_wait3A_183 : memref<10000xf32, #tpu.memory_space<vmem_shared>>)
    %rem3A_184 = arith.constant 6 : i32
    %rem3A_185 = arith.constant 125 : i32
    %rem3A_186 = arith.remsi %rem3A_184, %rem3A_185 : i32
    %div3A_187 = arith.constant 6 : i32
    %div3A_188 = arith.constant 125 : i32
    %div3A_189 = arith.divsi %div3A_187, %div3A_188 : i32
    %div3A_190 = arith.constant 5 : i32
    %div3A_191 = arith.divsi %rem3A_186, %div3A_190 : i32
    %rem3A_192 = arith.constant 5 : i32
    %rem3A_193 = arith.remsi %rem3A_186, %rem3A_192 : i32
    %dma_wait3A_194 = arith.constant 0 : i32
    %dma_wait3A_195 = arith.constant 0 : i32
    %dma_wait3A_196 = arith.constant 0 : i32
    %dma_wait3A_197 = tpu.memref_slice %arg6[%div3A_189, %dma_wait3A_194, %dma_wait3A_195, %dma_wait3A_196] : memref<2x25x5x80xi32, #tpu.memory_space<vmem>> -> memref<1x25x5x80xi32, #tpu.memory_space<vmem>>
    %dma_wait3A_198 = tpu.memref_squeeze %dma_wait3A_197 : memref<1x25x5x80xi32, #tpu.memory_space<vmem>> -> memref<25x5x80xi32, #tpu.memory_space<vmem>>
    %dma_wait3A_199 = arith.constant 0 : i32
    %dma_wait3A_200 = arith.constant 0 : i32
    %dma_wait3A_201 = tpu.memref_slice %dma_wait3A_198[%div3A_191, %dma_wait3A_199, %dma_wait3A_200] : memref<25x5x80xi32, #tpu.memory_space<vmem>> -> memref<1x5x80xi32, #tpu.memory_space<vmem>>
    %dma_wait3A_202 = tpu.memref_squeeze %dma_wait3A_201 : memref<1x5x80xi32, #tpu.memory_space<vmem>> -> memref<5x80xi32, #tpu.memory_space<vmem>>
    %dma_wait3A_203 = arith.constant 0 : i32
    %dma_wait3A_204 = tpu.memref_slice %dma_wait3A_202[%rem3A_193, %dma_wait3A_203] : memref<5x80xi32, #tpu.memory_space<vmem>> -> memref<1x80xi32, #tpu.memory_space<vmem>>
    %dma_wait3A_205 = tpu.memref_squeeze %dma_wait3A_204 : memref<1x80xi32, #tpu.memory_space<vmem>> -> memref<80xi32, #tpu.memory_space<vmem>>
    %dma_wait3A_206 = arith.constant 0 : i32
    %dma_wait3A_207 = tpu.memref_slice %arg9[%dma_wait3A_206] : memref<10000xf32, #tpu.memory_space<vmem_shared>> -> memref<10000xf32, #tpu.memory_space<vmem_shared>>
    tpu.wait_indirect_dma semaphore(%arg10 : memref<!tpu.dma_semaphore, #tpu.memory_space<semaphore_mem>>) src(%arg7 : memref<80xf32, #tpu.memory_space<vmem>>) dst(%dma_wait3A_207 : memref<10000xf32, #tpu.memory_space<vmem_shared>>)
    %rem3A_208 = arith.constant 7 : i32
    %rem3A_209 = arith.constant 125 : i32
    %rem3A_210 = arith.remsi %rem3A_208, %rem3A_209 : i32
    %div3A_211 = arith.constant 7 : i32
    %div3A_212 = arith.constant 125 : i32
    %div3A_213 = arith.divsi %div3A_211, %div3A_212 : i32
    %div3A_214 = arith.constant 5 : i32
    %div3A_215 = arith.divsi %rem3A_210, %div3A_214 : i32
    %rem3A_216 = arith.constant 5 : i32
    %rem3A_217 = arith.remsi %rem3A_210, %rem3A_216 : i32
    %dma_wait3A_218 = arith.constant 0 : i32
    %dma_wait3A_219 = arith.constant 0 : i32
    %dma_wait3A_220 = arith.constant 0 : i32
    %dma_wait3A_221 = tpu.memref_slice %arg6[%div3A_213, %dma_wait3A_218, %dma_wait3A_219, %dma_wait3A_220] : memref<2x25x5x80xi32, #tpu.memory_space<vmem>> -> memref<1x25x5x80xi32, #tpu.memory_space<vmem>>
    %dma_wait3A_222 = tpu.memref_squeeze %dma_wait3A_221 : memref<1x25x5x80xi32, #tpu.memory_space<vmem>> -> memref<25x5x80xi32, #tpu.memory_space<vmem>>
    %dma_wait3A_223 = arith.constant 0 : i32
    %dma_wait3A_224 = arith.constant 0 : i32
    %dma_wait3A_225 = tpu.memref_slice %dma_wait3A_222[%div3A_215, %dma_wait3A_223, %dma_wait3A_224] : memref<25x5x80xi32, #tpu.memory_space<vmem>> -> memref<1x5x80xi32, #tpu.memory_space<vmem>>
    %dma_wait3A_226 = tpu.memref_squeeze %dma_wait3A_225 : memref<1x5x80xi32, #tpu.memory_space<vmem>> -> memref<5x80xi32, #tpu.memory_space<vmem>>
    %dma_wait3A_227 = arith.constant 0 : i32
    %dma_wait3A_228 = tpu.memref_slice %dma_wait3A_226[%rem3A_217, %dma_wait3A_227] : memref<5x80xi32, #tpu.memory_space<vmem>> -> memref<1x80xi32, #tpu.memory_space<vmem>>
    %dma_wait3A_229 = tpu.memref_squeeze %dma_wait3A_228 : memref<1x80xi32, #tpu.memory_space<vmem>> -> memref<80xi32, #tpu.memory_space<vmem>>
    %dma_wait3A_230 = arith.constant 0 : i32
    %dma_wait3A_231 = tpu.memref_slice %arg9[%dma_wait3A_230] : memref<10000xf32, #tpu.memory_space<vmem_shared>> -> memref<10000xf32, #tpu.memory_space<vmem_shared>>
    tpu.wait_indirect_dma semaphore(%arg10 : memref<!tpu.dma_semaphore, #tpu.memory_space<semaphore_mem>>) src(%arg7 : memref<80xf32, #tpu.memory_space<vmem>>) dst(%dma_wait3A_231 : memref<10000xf32, #tpu.memory_space<vmem_shared>>)
    %barrier3A_232 = arith.constant 0 : index
    tpu.barrier barrier_id(%barrier3A_232)
    %lt3A_233 = arith.constant 10 : i32
    %lt3A_234 = arith.cmpi slt, %arg1, %lt3A_233 : i32
    %convert_element_type3A_235 = arith.extui %lt3A_234 : i1 to i32
    %cond3A_236 = arith.constant 0 : i32
    %cond3A_237 = arith.cmpi ne, %convert_element_type3A_235, %cond3A_236 : i32
    scf.if %cond3A_237 {
      %mul3A = arith.constant 1000 : i32
      %mul3A_238 = arith.muli %arg1, %mul3A : i32
      "tpu.region"() ({
        %run_scoped3A = tpu.sem_alloc : memref<!tpu.dma_semaphore, #tpu.memory_space<semaphore_mem>>
        %dma_start3A = tpu.memref_slice %arg9[%mul3A_238] : memref<10000xf32, #tpu.memory_space<vmem_shared>> -> memref<1000xf32, #tpu.memory_space<vmem_shared>>
        %dma_start3A_243 = tpu.memref_slice %arg9[%mul3A_238] : memref<10000xf32, #tpu.memory_space<vmem_shared>> -> memref<1000xf32, #tpu.memory_space<vmem_shared>>
        tpu.enqueue_dma source(%dma_start3A_243 : memref<1000xf32, #tpu.memory_space<vmem_shared>>) target(%arg8 : memref<1000xf32, #tpu.memory_space<vmem>>) target_semaphore(%run_scoped3A : memref<!tpu.dma_semaphore, #tpu.memory_space<semaphore_mem>>)
        %dma_wait3A_244 = tpu.memref_slice %arg9[%mul3A_238] : memref<10000xf32, #tpu.memory_space<vmem_shared>> -> memref<1000xf32, #tpu.memory_space<vmem_shared>>
        %dma_wait3A_245 = tpu.memref_slice %arg9[%mul3A_238] : memref<10000xf32, #tpu.memory_space<vmem_shared>> -> memref<1000xf32, #tpu.memory_space<vmem_shared>>
        tpu.wait_dma2 semaphore(%run_scoped3A : memref<!tpu.dma_semaphore, #tpu.memory_space<semaphore_mem>>) src(%dma_wait3A_245 : memref<1000xf32, #tpu.memory_space<vmem_shared>>) dst(%arg8 : memref<1000xf32, #tpu.memory_space<vmem>>)
        tpu.yield
      }) : () -> ()
      %mul3A_239 = arith.constant 10000 : i32
      %mul3A_240 = arith.muli %arg0, %mul3A_239 : i32
      %mul3A_241 = arith.constant 1000 : i32
      %mul3A_242 = arith.muli %arg1, %mul3A_241 : i32
      %add3A = arith.addi %mul3A_240, %mul3A_242 : i32
      "tpu.region"() ({
        %run_scoped3A = tpu.sem_alloc : memref<!tpu.dma_semaphore, #tpu.memory_space<semaphore_mem>>
        %dma_start3A = tpu.memref_slice %arg5[%add3A] : memref<20000xf32, #tpu.memory_space<hbm>> -> memref<1000xf32, #tpu.memory_space<hbm>>
        %dma_start3A_243 = tpu.memref_slice %arg5[%add3A] : memref<20000xf32, #tpu.memory_space<hbm>> -> memref<1000xf32, #tpu.memory_space<hbm>>
        tpu.enqueue_dma source(%arg8 : memref<1000xf32, #tpu.memory_space<vmem>>) target(%dma_start3A_243 : memref<1000xf32, #tpu.memory_space<hbm>>) target_semaphore(%run_scoped3A : memref<!tpu.dma_semaphore, #tpu.memory_space<semaphore_mem>>)
        %dma_wait3A_244 = tpu.memref_slice %arg5[%add3A] : memref<20000xf32, #tpu.memory_space<hbm>> -> memref<1000xf32, #tpu.memory_space<hbm>>
        %dma_wait3A_245 = tpu.memref_slice %arg5[%add3A] : memref<20000xf32, #tpu.memory_space<hbm>> -> memref<1000xf32, #tpu.memory_space<hbm>>
        tpu.wait_dma2 semaphore(%run_scoped3A : memref<!tpu.dma_semaphore, #tpu.memory_space<semaphore_mem>>) src(%arg8 : memref<1000xf32, #tpu.memory_space<vmem>>) dst(%dma_wait3A_245 : memref<1000xf32, #tpu.memory_space<hbm>>)
        tpu.yield
      }) : () -> ()
    } else {
    }
    return
  }
}

#map = affine_map<(d0, d1) -> (0, 0, 0, 0)>
#map1 = affine_map<(d0, d1) -> (0, 0)>
#map2 = affine_map<(d0, d1) -> (0)>
module attributes {stable_mosaic.version = 14 : i64} {
  func.func @_agg_body(%arg0: i32, %arg1: i32, %arg2: memref<32x25x5x80xi32, #tpu.memory_space<hbm>>, %arg3: memref<32x25x5x80xi32, #tpu.memory_space<hbm>>, %arg4: memref<10000x128xf32, #tpu.memory_space<hbm>>, %arg5: memref<10000xf32, #tpu.memory_space<hbm>>, %arg6: memref<16x128xf32, #tpu.memory_space<hbm>>, %arg7: memref<1000xf32, #tpu.memory_space<hbm>>, %arg8: memref<20000x128xf32, #tpu.memory_space<hbm>>, %arg9: memref<20000xf32, #tpu.memory_space<hbm>>, %arg10: memref<2x5x80xi32, #tpu.memory_space<vmem>>, %arg11: memref<2x5x80xi32, #tpu.memory_space<vmem>>, %arg12: memref<3x80x128xf32, #tpu.memory_space<vmem>>, %arg13: memref<3x80xf32, #tpu.memory_space<vmem>>, %arg14: memref<16x128xf32, #tpu.memory_space<vmem>>, %arg15: memref<1000xf32, #tpu.memory_space<vmem>>, %arg16: memref<10000x128xf32, #tpu.memory_space<vmem_shared>>, %arg17: memref<10000xf32, #tpu.memory_space<vmem_shared>>, %arg18: memref<10000xf32, #tpu.memory_space<vmem_shared>>, %arg19: memref<3x!tpu.dma_semaphore, #tpu.memory_space<semaphore_mem>>, %arg20: memref<3x!tpu.dma_semaphore, #tpu.memory_space<semaphore_mem>>, %arg21: memref<3x!tpu.dma_semaphore, #tpu.memory_space<semaphore_mem>>, %arg22: memref<3x!tpu.dma_semaphore, #tpu.memory_space<semaphore_mem>>, %arg23: memref<!tpu.dma_semaphore, #tpu.memory_space<semaphore_mem>>) attributes {dimension_semantics = [#tpu.dimension_semantics<core_parallel>, #tpu.dimension_semantics<subcore_parallel>], iteration_bounds = array<i64: 2, 16>, scalar_prefetch = 0 : i64, scratch_operands = 14 : i64, tpu.core_type = #tpu.core_type<sc_vector_subcore>, window_params = [{transform_indices = #map}, {transform_indices = #map}, {transform_indices = #map1}, {transform_indices = #map2}, {transform_indices = #map1}, {transform_indices = #map2}, {transform_indices = #map1}, {transform_indices = #map2}]} {
    %lt3A = arith.constant 10 : i32
    %lt3A_0 = arith.cmpi slt, %arg1, %lt3A : i32
    %convert_element_type3A = arith.extui %lt3A_0 : i1 to i32
    %cond3A = arith.constant 0 : i32
    %cond3A_1 = arith.cmpi ne, %convert_element_type3A, %cond3A : i32
    scf.if %cond3A_1 {
      "tpu.region"() ({
        %run_scoped3A_532 = tpu.sem_alloc : memref<!tpu.dma_semaphore, #tpu.memory_space<semaphore_mem>>
        tpu.enqueue_dma source(%arg7 : memref<1000xf32, #tpu.memory_space<hbm>>) target(%arg15 : memref<1000xf32, #tpu.memory_space<vmem>>) target_semaphore(%run_scoped3A_532 : memref<!tpu.dma_semaphore, #tpu.memory_space<semaphore_mem>>)
        tpu.wait_dma2 semaphore(%run_scoped3A_532 : memref<!tpu.dma_semaphore, #tpu.memory_space<semaphore_mem>>) src(%arg7 : memref<1000xf32, #tpu.memory_space<hbm>>) dst(%arg15 : memref<1000xf32, #tpu.memory_space<vmem>>)
        tpu.yield
      }) : () -> ()
      %mul3A_526 = arith.constant 1000 : i32
      %mul3A_527 = arith.muli %arg1, %mul3A_526 : i32
      "tpu.region"() ({
        %run_scoped3A_532 = tpu.sem_alloc : memref<!tpu.dma_semaphore, #tpu.memory_space<semaphore_mem>>
        %dma_start3A_533 = tpu.memref_slice %arg17[%mul3A_527] : memref<10000xf32, #tpu.memory_space<vmem_shared>> -> memref<1000xf32, #tpu.memory_space<vmem_shared>>
        %dma_start3A_534 = tpu.memref_slice %arg17[%mul3A_527] : memref<10000xf32, #tpu.memory_space<vmem_shared>> -> memref<1000xf32, #tpu.memory_space<vmem_shared>>
        tpu.enqueue_dma source(%arg15 : memref<1000xf32, #tpu.memory_space<vmem>>) target(%dma_start3A_534 : memref<1000xf32, #tpu.memory_space<vmem_shared>>) target_semaphore(%run_scoped3A_532 : memref<!tpu.dma_semaphore, #tpu.memory_space<semaphore_mem>>)
        %dma_wait3A_535 = tpu.memref_slice %arg17[%mul3A_527] : memref<10000xf32, #tpu.memory_space<vmem_shared>> -> memref<1000xf32, #tpu.memory_space<vmem_shared>>
        %dma_wait3A_536 = tpu.memref_slice %arg17[%mul3A_527] : memref<10000xf32, #tpu.memory_space<vmem_shared>> -> memref<1000xf32, #tpu.memory_space<vmem_shared>>
        tpu.wait_dma2 semaphore(%run_scoped3A_532 : memref<!tpu.dma_semaphore, #tpu.memory_space<semaphore_mem>>) src(%arg15 : memref<1000xf32, #tpu.memory_space<vmem>>) dst(%dma_wait3A_536 : memref<1000xf32, #tpu.memory_space<vmem_shared>>)
        tpu.yield
      }) : () -> ()
      %mul3A_528 = arith.constant 1000 : i32
      %mul3A_529 = arith.muli %arg1, %mul3A_528 : i32
      "tpu.region"() ({
        %run_scoped3A_532 = tpu.sem_alloc : memref<!tpu.dma_semaphore, #tpu.memory_space<semaphore_mem>>
        %dma_start3A_533 = tpu.memref_slice %arg5[%mul3A_529] : memref<10000xf32, #tpu.memory_space<hbm>> -> memref<1000xf32, #tpu.memory_space<hbm>>
        %dma_start3A_534 = tpu.memref_slice %arg5[%mul3A_529] : memref<10000xf32, #tpu.memory_space<hbm>> -> memref<1000xf32, #tpu.memory_space<hbm>>
        tpu.enqueue_dma source(%dma_start3A_534 : memref<1000xf32, #tpu.memory_space<hbm>>) target(%arg15 : memref<1000xf32, #tpu.memory_space<vmem>>) target_semaphore(%run_scoped3A_532 : memref<!tpu.dma_semaphore, #tpu.memory_space<semaphore_mem>>)
        %dma_wait3A_535 = tpu.memref_slice %arg5[%mul3A_529] : memref<10000xf32, #tpu.memory_space<hbm>> -> memref<1000xf32, #tpu.memory_space<hbm>>
        %dma_wait3A_536 = tpu.memref_slice %arg5[%mul3A_529] : memref<10000xf32, #tpu.memory_space<hbm>> -> memref<1000xf32, #tpu.memory_space<hbm>>
        tpu.wait_dma2 semaphore(%run_scoped3A_532 : memref<!tpu.dma_semaphore, #tpu.memory_space<semaphore_mem>>) src(%dma_wait3A_536 : memref<1000xf32, #tpu.memory_space<hbm>>) dst(%arg15 : memref<1000xf32, #tpu.memory_space<vmem>>)
        tpu.yield
      }) : () -> ()
      %mul3A_530 = arith.constant 1000 : i32
      %mul3A_531 = arith.muli %arg1, %mul3A_530 : i32
      "tpu.region"() ({
        %run_scoped3A_532 = tpu.sem_alloc : memref<!tpu.dma_semaphore, #tpu.memory_space<semaphore_mem>>
        %dma_start3A_533 = tpu.memref_slice %arg18[%mul3A_531] : memref<10000xf32, #tpu.memory_space<vmem_shared>> -> memref<1000xf32, #tpu.memory_space<vmem_shared>>
        %dma_start3A_534 = tpu.memref_slice %arg18[%mul3A_531] : memref<10000xf32, #tpu.memory_space<vmem_shared>> -> memref<1000xf32, #tpu.memory_space<vmem_shared>>
        tpu.enqueue_dma source(%arg15 : memref<1000xf32, #tpu.memory_space<vmem>>) target(%dma_start3A_534 : memref<1000xf32, #tpu.memory_space<vmem_shared>>) target_semaphore(%run_scoped3A_532 : memref<!tpu.dma_semaphore, #tpu.memory_space<semaphore_mem>>)
        %dma_wait3A_535 = tpu.memref_slice %arg18[%mul3A_531] : memref<10000xf32, #tpu.memory_space<vmem_shared>> -> memref<1000xf32, #tpu.memory_space<vmem_shared>>
        %dma_wait3A_536 = tpu.memref_slice %arg18[%mul3A_531] : memref<10000xf32, #tpu.memory_space<vmem_shared>> -> memref<1000xf32, #tpu.memory_space<vmem_shared>>
        tpu.wait_dma2 semaphore(%run_scoped3A_532 : memref<!tpu.dma_semaphore, #tpu.memory_space<semaphore_mem>>) src(%arg15 : memref<1000xf32, #tpu.memory_space<vmem>>) dst(%dma_wait3A_536 : memref<1000xf32, #tpu.memory_space<vmem_shared>>)
        tpu.yield
      }) : () -> ()
    } else {
    }
    "tpu.region"() ({
      %run_scoped3A_526 = tpu.sem_alloc : memref<!tpu.dma_semaphore, #tpu.memory_space<semaphore_mem>>
      tpu.enqueue_dma source(%arg6 : memref<16x128xf32, #tpu.memory_space<hbm>>) target(%arg14 : memref<16x128xf32, #tpu.memory_space<vmem>>) target_semaphore(%run_scoped3A_526 : memref<!tpu.dma_semaphore, #tpu.memory_space<semaphore_mem>>)
      tpu.wait_dma2 semaphore(%run_scoped3A_526 : memref<!tpu.dma_semaphore, #tpu.memory_space<semaphore_mem>>) src(%arg6 : memref<16x128xf32, #tpu.memory_space<hbm>>) dst(%arg14 : memref<16x128xf32, #tpu.memory_space<vmem>>)
      tpu.yield
    }) : () -> ()
    %mul3A = arith.constant 39 : i32
    %mul3A_2 = arith.muli %arg1, %mul3A : i32
    %mul3A_3 = arith.constant 16 : i32
    %mul3A_4 = arith.muli %mul3A_2, %mul3A_3 : i32
    %add3A = arith.constant 0 : i32
    %add3A_5 = arith.addi %mul3A_4, %add3A : i32
    "tpu.region"() ({
      %run_scoped3A_526 = tpu.sem_alloc : memref<!tpu.dma_semaphore, #tpu.memory_space<semaphore_mem>>
      %dma_start3A_527 = arith.constant 0 : i32
      %dma_start3A_528 = tpu.memref_slice %arg16[%add3A_5, %dma_start3A_527] : memref<10000x128xf32, #tpu.memory_space<vmem_shared>> -> memref<16x128xf32, #tpu.memory_space<vmem_shared>>
      %dma_start3A_529 = arith.constant 0 : i32
      %dma_start3A_530 = tpu.memref_slice %arg16[%add3A_5, %dma_start3A_529] : memref<10000x128xf32, #tpu.memory_space<vmem_shared>> -> memref<16x128xf32, #tpu.memory_space<vmem_shared>>
      tpu.enqueue_dma source(%arg14 : memref<16x128xf32, #tpu.memory_space<vmem>>) target(%dma_start3A_530 : memref<16x128xf32, #tpu.memory_space<vmem_shared>>) target_semaphore(%run_scoped3A_526 : memref<!tpu.dma_semaphore, #tpu.memory_space<semaphore_mem>>)
      %dma_wait3A_531 = arith.constant 0 : i32
      %dma_wait3A_532 = tpu.memref_slice %arg16[%add3A_5, %dma_wait3A_531] : memref<10000x128xf32, #tpu.memory_space<vmem_shared>> -> memref<16x128xf32, #tpu.memory_space<vmem_shared>>
      %dma_wait3A_533 = arith.constant 0 : i32
      %dma_wait3A_534 = tpu.memref_slice %arg16[%add3A_5, %dma_wait3A_533] : memref<10000x128xf32, #tpu.memory_space<vmem_shared>> -> memref<16x128xf32, #tpu.memory_space<vmem_shared>>
      tpu.wait_dma2 semaphore(%run_scoped3A_526 : memref<!tpu.dma_semaphore, #tpu.memory_space<semaphore_mem>>) src(%arg14 : memref<16x128xf32, #tpu.memory_space<vmem>>) dst(%dma_wait3A_534 : memref<16x128xf32, #tpu.memory_space<vmem_shared>>)
      tpu.yield
    }) : () -> ()
    %add3A_6 = arith.constant 16 : i32
    %add3A_7 = arith.addi %mul3A_4, %add3A_6 : i32
    "tpu.region"() ({
      %run_scoped3A_526 = tpu.sem_alloc : memref<!tpu.dma_semaphore, #tpu.memory_space<semaphore_mem>>
      %dma_start3A_527 = arith.constant 0 : i32
      %dma_start3A_528 = tpu.memref_slice %arg16[%add3A_7, %dma_start3A_527] : memref<10000x128xf32, #tpu.memory_space<vmem_shared>> -> memref<16x128xf32, #tpu.memory_space<vmem_shared>>
      %dma_start3A_529 = arith.constant 0 : i32
      %dma_start3A_530 = tpu.memref_slice %arg16[%add3A_7, %dma_start3A_529] : memref<10000x128xf32, #tpu.memory_space<vmem_shared>> -> memref<16x128xf32, #tpu.memory_space<vmem_shared>>
      tpu.enqueue_dma source(%arg14 : memref<16x128xf32, #tpu.memory_space<vmem>>) target(%dma_start3A_530 : memref<16x128xf32, #tpu.memory_space<vmem_shared>>) target_semaphore(%run_scoped3A_526 : memref<!tpu.dma_semaphore, #tpu.memory_space<semaphore_mem>>)
      %dma_wait3A_531 = arith.constant 0 : i32
      %dma_wait3A_532 = tpu.memref_slice %arg16[%add3A_7, %dma_wait3A_531] : memref<10000x128xf32, #tpu.memory_space<vmem_shared>> -> memref<16x128xf32, #tpu.memory_space<vmem_shared>>
      %dma_wait3A_533 = arith.constant 0 : i32
      %dma_wait3A_534 = tpu.memref_slice %arg16[%add3A_7, %dma_wait3A_533] : memref<10000x128xf32, #tpu.memory_space<vmem_shared>> -> memref<16x128xf32, #tpu.memory_space<vmem_shared>>
      tpu.wait_dma2 semaphore(%run_scoped3A_526 : memref<!tpu.dma_semaphore, #tpu.memory_space<semaphore_mem>>) src(%arg14 : memref<16x128xf32, #tpu.memory_space<vmem>>) dst(%dma_wait3A_534 : memref<16x128xf32, #tpu.memory_space<vmem_shared>>)
      tpu.yield
    }) : () -> ()
    %add3A_8 = arith.constant 32 : i32
    %add3A_9 = arith.addi %mul3A_4, %add3A_8 : i32
    "tpu.region"() ({
      %run_scoped3A_526 = tpu.sem_alloc : memref<!tpu.dma_semaphore, #tpu.memory_space<semaphore_mem>>
      %dma_start3A_527 = arith.constant 0 : i32
      %dma_start3A_528 = tpu.memref_slice %arg16[%add3A_9, %dma_start3A_527] : memref<10000x128xf32, #tpu.memory_space<vmem_shared>> -> memref<16x128xf32, #tpu.memory_space<vmem_shared>>
      %dma_start3A_529 = arith.constant 0 : i32
      %dma_start3A_530 = tpu.memref_slice %arg16[%add3A_9, %dma_start3A_529] : memref<10000x128xf32, #tpu.memory_space<vmem_shared>> -> memref<16x128xf32, #tpu.memory_space<vmem_shared>>
      tpu.enqueue_dma source(%arg14 : memref<16x128xf32, #tpu.memory_space<vmem>>) target(%dma_start3A_530 : memref<16x128xf32, #tpu.memory_space<vmem_shared>>) target_semaphore(%run_scoped3A_526 : memref<!tpu.dma_semaphore, #tpu.memory_space<semaphore_mem>>)
      %dma_wait3A_531 = arith.constant 0 : i32
      %dma_wait3A_532 = tpu.memref_slice %arg16[%add3A_9, %dma_wait3A_531] : memref<10000x128xf32, #tpu.memory_space<vmem_shared>> -> memref<16x128xf32, #tpu.memory_space<vmem_shared>>
      %dma_wait3A_533 = arith.constant 0 : i32
      %dma_wait3A_534 = tpu.memref_slice %arg16[%add3A_9, %dma_wait3A_533] : memref<10000x128xf32, #tpu.memory_space<vmem_shared>> -> memref<16x128xf32, #tpu.memory_space<vmem_shared>>
      tpu.wait_dma2 semaphore(%run_scoped3A_526 : memref<!tpu.dma_semaphore, #tpu.memory_space<semaphore_mem>>) src(%arg14 : memref<16x128xf32, #tpu.memory_space<vmem>>) dst(%dma_wait3A_534 : memref<16x128xf32, #tpu.memory_space<vmem_shared>>)
      tpu.yield
    }) : () -> ()
    %add3A_10 = arith.constant 48 : i32
    %add3A_11 = arith.addi %mul3A_4, %add3A_10 : i32
    "tpu.region"() ({
      %run_scoped3A_526 = tpu.sem_alloc : memref<!tpu.dma_semaphore, #tpu.memory_space<semaphore_mem>>
      %dma_start3A_527 = arith.constant 0 : i32
      %dma_start3A_528 = tpu.memref_slice %arg16[%add3A_11, %dma_start3A_527] : memref<10000x128xf32, #tpu.memory_space<vmem_shared>> -> memref<16x128xf32, #tpu.memory_space<vmem_shared>>
      %dma_start3A_529 = arith.constant 0 : i32
      %dma_start3A_530 = tpu.memref_slice %arg16[%add3A_11, %dma_start3A_529] : memref<10000x128xf32, #tpu.memory_space<vmem_shared>> -> memref<16x128xf32, #tpu.memory_space<vmem_shared>>
      tpu.enqueue_dma source(%arg14 : memref<16x128xf32, #tpu.memory_space<vmem>>) target(%dma_start3A_530 : memref<16x128xf32, #tpu.memory_space<vmem_shared>>) target_semaphore(%run_scoped3A_526 : memref<!tpu.dma_semaphore, #tpu.memory_space<semaphore_mem>>)
      %dma_wait3A_531 = arith.constant 0 : i32
      %dma_wait3A_532 = tpu.memref_slice %arg16[%add3A_11, %dma_wait3A_531] : memref<10000x128xf32, #tpu.memory_space<vmem_shared>> -> memref<16x128xf32, #tpu.memory_space<vmem_shared>>
      %dma_wait3A_533 = arith.constant 0 : i32
      %dma_wait3A_534 = tpu.memref_slice %arg16[%add3A_11, %dma_wait3A_533] : memref<10000x128xf32, #tpu.memory_space<vmem_shared>> -> memref<16x128xf32, #tpu.memory_space<vmem_shared>>
      tpu.wait_dma2 semaphore(%run_scoped3A_526 : memref<!tpu.dma_semaphore, #tpu.memory_space<semaphore_mem>>) src(%arg14 : memref<16x128xf32, #tpu.memory_space<vmem>>) dst(%dma_wait3A_534 : memref<16x128xf32, #tpu.memory_space<vmem_shared>>)
      tpu.yield
    }) : () -> ()
    %add3A_12 = arith.constant 64 : i32
    %add3A_13 = arith.addi %mul3A_4, %add3A_12 : i32
    "tpu.region"() ({
      %run_scoped3A_526 = tpu.sem_alloc : memref<!tpu.dma_semaphore, #tpu.memory_space<semaphore_mem>>
      %dma_start3A_527 = arith.constant 0 : i32
      %dma_start3A_528 = tpu.memref_slice %arg16[%add3A_13, %dma_start3A_527] : memref<10000x128xf32, #tpu.memory_space<vmem_shared>> -> memref<16x128xf32, #tpu.memory_space<vmem_shared>>
      %dma_start3A_529 = arith.constant 0 : i32
      %dma_start3A_530 = tpu.memref_slice %arg16[%add3A_13, %dma_start3A_529] : memref<10000x128xf32, #tpu.memory_space<vmem_shared>> -> memref<16x128xf32, #tpu.memory_space<vmem_shared>>
      tpu.enqueue_dma source(%arg14 : memref<16x128xf32, #tpu.memory_space<vmem>>) target(%dma_start3A_530 : memref<16x128xf32, #tpu.memory_space<vmem_shared>>) target_semaphore(%run_scoped3A_526 : memref<!tpu.dma_semaphore, #tpu.memory_space<semaphore_mem>>)
      %dma_wait3A_531 = arith.constant 0 : i32
      %dma_wait3A_532 = tpu.memref_slice %arg16[%add3A_13, %dma_wait3A_531] : memref<10000x128xf32, #tpu.memory_space<vmem_shared>> -> memref<16x128xf32, #tpu.memory_space<vmem_shared>>
      %dma_wait3A_533 = arith.constant 0 : i32
      %dma_wait3A_534 = tpu.memref_slice %arg16[%add3A_13, %dma_wait3A_533] : memref<10000x128xf32, #tpu.memory_space<vmem_shared>> -> memref<16x128xf32, #tpu.memory_space<vmem_shared>>
      tpu.wait_dma2 semaphore(%run_scoped3A_526 : memref<!tpu.dma_semaphore, #tpu.memory_space<semaphore_mem>>) src(%arg14 : memref<16x128xf32, #tpu.memory_space<vmem>>) dst(%dma_wait3A_534 : memref<16x128xf32, #tpu.memory_space<vmem_shared>>)
      tpu.yield
    }) : () -> ()
    %add3A_14 = arith.constant 80 : i32
    %add3A_15 = arith.addi %mul3A_4, %add3A_14 : i32
    "tpu.region"() ({
      %run_scoped3A_526 = tpu.sem_alloc : memref<!tpu.dma_semaphore, #tpu.memory_space<semaphore_mem>>
      %dma_start3A_527 = arith.constant 0 : i32
      %dma_start3A_528 = tpu.memref_slice %arg16[%add3A_15, %dma_start3A_527] : memref<10000x128xf32, #tpu.memory_space<vmem_shared>> -> memref<16x128xf32, #tpu.memory_space<vmem_shared>>
      %dma_start3A_529 = arith.constant 0 : i32
      %dma_start3A_530 = tpu.memref_slice %arg16[%add3A_15, %dma_start3A_529] : memref<10000x128xf32, #tpu.memory_space<vmem_shared>> -> memref<16x128xf32, #tpu.memory_space<vmem_shared>>
      tpu.enqueue_dma source(%arg14 : memref<16x128xf32, #tpu.memory_space<vmem>>) target(%dma_start3A_530 : memref<16x128xf32, #tpu.memory_space<vmem_shared>>) target_semaphore(%run_scoped3A_526 : memref<!tpu.dma_semaphore, #tpu.memory_space<semaphore_mem>>)
      %dma_wait3A_531 = arith.constant 0 : i32
      %dma_wait3A_532 = tpu.memref_slice %arg16[%add3A_15, %dma_wait3A_531] : memref<10000x128xf32, #tpu.memory_space<vmem_shared>> -> memref<16x128xf32, #tpu.memory_space<vmem_shared>>
      %dma_wait3A_533 = arith.constant 0 : i32
      %dma_wait3A_534 = tpu.memref_slice %arg16[%add3A_15, %dma_wait3A_533] : memref<10000x128xf32, #tpu.memory_space<vmem_shared>> -> memref<16x128xf32, #tpu.memory_space<vmem_shared>>
      tpu.wait_dma2 semaphore(%run_scoped3A_526 : memref<!tpu.dma_semaphore, #tpu.memory_space<semaphore_mem>>) src(%arg14 : memref<16x128xf32, #tpu.memory_space<vmem>>) dst(%dma_wait3A_534 : memref<16x128xf32, #tpu.memory_space<vmem_shared>>)
      tpu.yield
    }) : () -> ()
    %add3A_16 = arith.constant 96 : i32
    %add3A_17 = arith.addi %mul3A_4, %add3A_16 : i32
    "tpu.region"() ({
      %run_scoped3A_526 = tpu.sem_alloc : memref<!tpu.dma_semaphore, #tpu.memory_space<semaphore_mem>>
      %dma_start3A_527 = arith.constant 0 : i32
      %dma_start3A_528 = tpu.memref_slice %arg16[%add3A_17, %dma_start3A_527] : memref<10000x128xf32, #tpu.memory_space<vmem_shared>> -> memref<16x128xf32, #tpu.memory_space<vmem_shared>>
      %dma_start3A_529 = arith.constant 0 : i32
      %dma_start3A_530 = tpu.memref_slice %arg16[%add3A_17, %dma_start3A_529] : memref<10000x128xf32, #tpu.memory_space<vmem_shared>> -> memref<16x128xf32, #tpu.memory_space<vmem_shared>>
      tpu.enqueue_dma source(%arg14 : memref<16x128xf32, #tpu.memory_space<vmem>>) target(%dma_start3A_530 : memref<16x128xf32, #tpu.memory_space<vmem_shared>>) target_semaphore(%run_scoped3A_526 : memref<!tpu.dma_semaphore, #tpu.memory_space<semaphore_mem>>)
      %dma_wait3A_531 = arith.constant 0 : i32
      %dma_wait3A_532 = tpu.memref_slice %arg16[%add3A_17, %dma_wait3A_531] : memref<10000x128xf32, #tpu.memory_space<vmem_shared>> -> memref<16x128xf32, #tpu.memory_space<vmem_shared>>
      %dma_wait3A_533 = arith.constant 0 : i32
      %dma_wait3A_534 = tpu.memref_slice %arg16[%add3A_17, %dma_wait3A_533] : memref<10000x128xf32, #tpu.memory_space<vmem_shared>> -> memref<16x128xf32, #tpu.memory_space<vmem_shared>>
      tpu.wait_dma2 semaphore(%run_scoped3A_526 : memref<!tpu.dma_semaphore, #tpu.memory_space<semaphore_mem>>) src(%arg14 : memref<16x128xf32, #tpu.memory_space<vmem>>) dst(%dma_wait3A_534 : memref<16x128xf32, #tpu.memory_space<vmem_shared>>)
      tpu.yield
    }) : () -> ()
    %add3A_18 = arith.constant 112 : i32
    %add3A_19 = arith.addi %mul3A_4, %add3A_18 : i32
    "tpu.region"() ({
      %run_scoped3A_526 = tpu.sem_alloc : memref<!tpu.dma_semaphore, #tpu.memory_space<semaphore_mem>>
      %dma_start3A_527 = arith.constant 0 : i32
      %dma_start3A_528 = tpu.memref_slice %arg16[%add3A_19, %dma_start3A_527] : memref<10000x128xf32, #tpu.memory_space<vmem_shared>> -> memref<16x128xf32, #tpu.memory_space<vmem_shared>>
      %dma_start3A_529 = arith.constant 0 : i32
      %dma_start3A_530 = tpu.memref_slice %arg16[%add3A_19, %dma_start3A_529] : memref<10000x128xf32, #tpu.memory_space<vmem_shared>> -> memref<16x128xf32, #tpu.memory_space<vmem_shared>>
      tpu.enqueue_dma source(%arg14 : memref<16x128xf32, #tpu.memory_space<vmem>>) target(%dma_start3A_530 : memref<16x128xf32, #tpu.memory_space<vmem_shared>>) target_semaphore(%run_scoped3A_526 : memref<!tpu.dma_semaphore, #tpu.memory_space<semaphore_mem>>)
      %dma_wait3A_531 = arith.constant 0 : i32
      %dma_wait3A_532 = tpu.memref_slice %arg16[%add3A_19, %dma_wait3A_531] : memref<10000x128xf32, #tpu.memory_space<vmem_shared>> -> memref<16x128xf32, #tpu.memory_space<vmem_shared>>
      %dma_wait3A_533 = arith.constant 0 : i32
      %dma_wait3A_534 = tpu.memref_slice %arg16[%add3A_19, %dma_wait3A_533] : memref<10000x128xf32, #tpu.memory_space<vmem_shared>> -> memref<16x128xf32, #tpu.memory_space<vmem_shared>>
      tpu.wait_dma2 semaphore(%run_scoped3A_526 : memref<!tpu.dma_semaphore, #tpu.memory_space<semaphore_mem>>) src(%arg14 : memref<16x128xf32, #tpu.memory_space<vmem>>) dst(%dma_wait3A_534 : memref<16x128xf32, #tpu.memory_space<vmem_shared>>)
      tpu.yield
    }) : () -> ()
    %add3A_20 = arith.constant 128 : i32
    %add3A_21 = arith.addi %mul3A_4, %add3A_20 : i32
    "tpu.region"() ({
      %run_scoped3A_526 = tpu.sem_alloc : memref<!tpu.dma_semaphore, #tpu.memory_space<semaphore_mem>>
      %dma_start3A_527 = arith.constant 0 : i32
      %dma_start3A_528 = tpu.memref_slice %arg16[%add3A_21, %dma_start3A_527] : memref<10000x128xf32, #tpu.memory_space<vmem_shared>> -> memref<16x128xf32, #tpu.memory_space<vmem_shared>>
      %dma_start3A_529 = arith.constant 0 : i32
      %dma_start3A_530 = tpu.memref_slice %arg16[%add3A_21, %dma_start3A_529] : memref<10000x128xf32, #tpu.memory_space<vmem_shared>> -> memref<16x128xf32, #tpu.memory_space<vmem_shared>>
      tpu.enqueue_dma source(%arg14 : memref<16x128xf32, #tpu.memory_space<vmem>>) target(%dma_start3A_530 : memref<16x128xf32, #tpu.memory_space<vmem_shared>>) target_semaphore(%run_scoped3A_526 : memref<!tpu.dma_semaphore, #tpu.memory_space<semaphore_mem>>)
      %dma_wait3A_531 = arith.constant 0 : i32
      %dma_wait3A_532 = tpu.memref_slice %arg16[%add3A_21, %dma_wait3A_531] : memref<10000x128xf32, #tpu.memory_space<vmem_shared>> -> memref<16x128xf32, #tpu.memory_space<vmem_shared>>
      %dma_wait3A_533 = arith.constant 0 : i32
      %dma_wait3A_534 = tpu.memref_slice %arg16[%add3A_21, %dma_wait3A_533] : memref<10000x128xf32, #tpu.memory_space<vmem_shared>> -> memref<16x128xf32, #tpu.memory_space<vmem_shared>>
      tpu.wait_dma2 semaphore(%run_scoped3A_526 : memref<!tpu.dma_semaphore, #tpu.memory_space<semaphore_mem>>) src(%arg14 : memref<16x128xf32, #tpu.memory_space<vmem>>) dst(%dma_wait3A_534 : memref<16x128xf32, #tpu.memory_space<vmem_shared>>)
      tpu.yield
    }) : () -> ()
    %add3A_22 = arith.constant 144 : i32
    %add3A_23 = arith.addi %mul3A_4, %add3A_22 : i32
    "tpu.region"() ({
      %run_scoped3A_526 = tpu.sem_alloc : memref<!tpu.dma_semaphore, #tpu.memory_space<semaphore_mem>>
      %dma_start3A_527 = arith.constant 0 : i32
      %dma_start3A_528 = tpu.memref_slice %arg16[%add3A_23, %dma_start3A_527] : memref<10000x128xf32, #tpu.memory_space<vmem_shared>> -> memref<16x128xf32, #tpu.memory_space<vmem_shared>>
      %dma_start3A_529 = arith.constant 0 : i32
      %dma_start3A_530 = tpu.memref_slice %arg16[%add3A_23, %dma_start3A_529] : memref<10000x128xf32, #tpu.memory_space<vmem_shared>> -> memref<16x128xf32, #tpu.memory_space<vmem_shared>>
      tpu.enqueue_dma source(%arg14 : memref<16x128xf32, #tpu.memory_space<vmem>>) target(%dma_start3A_530 : memref<16x128xf32, #tpu.memory_space<vmem_shared>>) target_semaphore(%run_scoped3A_526 : memref<!tpu.dma_semaphore, #tpu.memory_space<semaphore_mem>>)
      %dma_wait3A_531 = arith.constant 0 : i32
      %dma_wait3A_532 = tpu.memref_slice %arg16[%add3A_23, %dma_wait3A_531] : memref<10000x128xf32, #tpu.memory_space<vmem_shared>> -> memref<16x128xf32, #tpu.memory_space<vmem_shared>>
      %dma_wait3A_533 = arith.constant 0 : i32
      %dma_wait3A_534 = tpu.memref_slice %arg16[%add3A_23, %dma_wait3A_533] : memref<10000x128xf32, #tpu.memory_space<vmem_shared>> -> memref<16x128xf32, #tpu.memory_space<vmem_shared>>
      tpu.wait_dma2 semaphore(%run_scoped3A_526 : memref<!tpu.dma_semaphore, #tpu.memory_space<semaphore_mem>>) src(%arg14 : memref<16x128xf32, #tpu.memory_space<vmem>>) dst(%dma_wait3A_534 : memref<16x128xf32, #tpu.memory_space<vmem_shared>>)
      tpu.yield
    }) : () -> ()
    %add3A_24 = arith.constant 160 : i32
    %add3A_25 = arith.addi %mul3A_4, %add3A_24 : i32
    "tpu.region"() ({
      %run_scoped3A_526 = tpu.sem_alloc : memref<!tpu.dma_semaphore, #tpu.memory_space<semaphore_mem>>
      %dma_start3A_527 = arith.constant 0 : i32
      %dma_start3A_528 = tpu.memref_slice %arg16[%add3A_25, %dma_start3A_527] : memref<10000x128xf32, #tpu.memory_space<vmem_shared>> -> memref<16x128xf32, #tpu.memory_space<vmem_shared>>
      %dma_start3A_529 = arith.constant 0 : i32
      %dma_start3A_530 = tpu.memref_slice %arg16[%add3A_25, %dma_start3A_529] : memref<10000x128xf32, #tpu.memory_space<vmem_shared>> -> memref<16x128xf32, #tpu.memory_space<vmem_shared>>
      tpu.enqueue_dma source(%arg14 : memref<16x128xf32, #tpu.memory_space<vmem>>) target(%dma_start3A_530 : memref<16x128xf32, #tpu.memory_space<vmem_shared>>) target_semaphore(%run_scoped3A_526 : memref<!tpu.dma_semaphore, #tpu.memory_space<semaphore_mem>>)
      %dma_wait3A_531 = arith.constant 0 : i32
      %dma_wait3A_532 = tpu.memref_slice %arg16[%add3A_25, %dma_wait3A_531] : memref<10000x128xf32, #tpu.memory_space<vmem_shared>> -> memref<16x128xf32, #tpu.memory_space<vmem_shared>>
      %dma_wait3A_533 = arith.constant 0 : i32
      %dma_wait3A_534 = tpu.memref_slice %arg16[%add3A_25, %dma_wait3A_533] : memref<10000x128xf32, #tpu.memory_space<vmem_shared>> -> memref<16x128xf32, #tpu.memory_space<vmem_shared>>
      tpu.wait_dma2 semaphore(%run_scoped3A_526 : memref<!tpu.dma_semaphore, #tpu.memory_space<semaphore_mem>>) src(%arg14 : memref<16x128xf32, #tpu.memory_space<vmem>>) dst(%dma_wait3A_534 : memref<16x128xf32, #tpu.memory_space<vmem_shared>>)
      tpu.yield
    }) : () -> ()
    %add3A_26 = arith.constant 176 : i32
    %add3A_27 = arith.addi %mul3A_4, %add3A_26 : i32
    "tpu.region"() ({
      %run_scoped3A_526 = tpu.sem_alloc : memref<!tpu.dma_semaphore, #tpu.memory_space<semaphore_mem>>
      %dma_start3A_527 = arith.constant 0 : i32
      %dma_start3A_528 = tpu.memref_slice %arg16[%add3A_27, %dma_start3A_527] : memref<10000x128xf32, #tpu.memory_space<vmem_shared>> -> memref<16x128xf32, #tpu.memory_space<vmem_shared>>
      %dma_start3A_529 = arith.constant 0 : i32
      %dma_start3A_530 = tpu.memref_slice %arg16[%add3A_27, %dma_start3A_529] : memref<10000x128xf32, #tpu.memory_space<vmem_shared>> -> memref<16x128xf32, #tpu.memory_space<vmem_shared>>
      tpu.enqueue_dma source(%arg14 : memref<16x128xf32, #tpu.memory_space<vmem>>) target(%dma_start3A_530 : memref<16x128xf32, #tpu.memory_space<vmem_shared>>) target_semaphore(%run_scoped3A_526 : memref<!tpu.dma_semaphore, #tpu.memory_space<semaphore_mem>>)
      %dma_wait3A_531 = arith.constant 0 : i32
      %dma_wait3A_532 = tpu.memref_slice %arg16[%add3A_27, %dma_wait3A_531] : memref<10000x128xf32, #tpu.memory_space<vmem_shared>> -> memref<16x128xf32, #tpu.memory_space<vmem_shared>>
      %dma_wait3A_533 = arith.constant 0 : i32
      %dma_wait3A_534 = tpu.memref_slice %arg16[%add3A_27, %dma_wait3A_533] : memref<10000x128xf32, #tpu.memory_space<vmem_shared>> -> memref<16x128xf32, #tpu.memory_space<vmem_shared>>
      tpu.wait_dma2 semaphore(%run_scoped3A_526 : memref<!tpu.dma_semaphore, #tpu.memory_space<semaphore_mem>>) src(%arg14 : memref<16x128xf32, #tpu.memory_space<vmem>>) dst(%dma_wait3A_534 : memref<16x128xf32, #tpu.memory_space<vmem_shared>>)
      tpu.yield
    }) : () -> ()
    %add3A_28 = arith.constant 192 : i32
    %add3A_29 = arith.addi %mul3A_4, %add3A_28 : i32
    "tpu.region"() ({
      %run_scoped3A_526 = tpu.sem_alloc : memref<!tpu.dma_semaphore, #tpu.memory_space<semaphore_mem>>
      %dma_start3A_527 = arith.constant 0 : i32
      %dma_start3A_528 = tpu.memref_slice %arg16[%add3A_29, %dma_start3A_527] : memref<10000x128xf32, #tpu.memory_space<vmem_shared>> -> memref<16x128xf32, #tpu.memory_space<vmem_shared>>
      %dma_start3A_529 = arith.constant 0 : i32
      %dma_start3A_530 = tpu.memref_slice %arg16[%add3A_29, %dma_start3A_529] : memref<10000x128xf32, #tpu.memory_space<vmem_shared>> -> memref<16x128xf32, #tpu.memory_space<vmem_shared>>
      tpu.enqueue_dma source(%arg14 : memref<16x128xf32, #tpu.memory_space<vmem>>) target(%dma_start3A_530 : memref<16x128xf32, #tpu.memory_space<vmem_shared>>) target_semaphore(%run_scoped3A_526 : memref<!tpu.dma_semaphore, #tpu.memory_space<semaphore_mem>>)
      %dma_wait3A_531 = arith.constant 0 : i32
      %dma_wait3A_532 = tpu.memref_slice %arg16[%add3A_29, %dma_wait3A_531] : memref<10000x128xf32, #tpu.memory_space<vmem_shared>> -> memref<16x128xf32, #tpu.memory_space<vmem_shared>>
      %dma_wait3A_533 = arith.constant 0 : i32
      %dma_wait3A_534 = tpu.memref_slice %arg16[%add3A_29, %dma_wait3A_533] : memref<10000x128xf32, #tpu.memory_space<vmem_shared>> -> memref<16x128xf32, #tpu.memory_space<vmem_shared>>
      tpu.wait_dma2 semaphore(%run_scoped3A_526 : memref<!tpu.dma_semaphore, #tpu.memory_space<semaphore_mem>>) src(%arg14 : memref<16x128xf32, #tpu.memory_space<vmem>>) dst(%dma_wait3A_534 : memref<16x128xf32, #tpu.memory_space<vmem_shared>>)
      tpu.yield
    }) : () -> ()
    %add3A_30 = arith.constant 208 : i32
    %add3A_31 = arith.addi %mul3A_4, %add3A_30 : i32
    "tpu.region"() ({
      %run_scoped3A_526 = tpu.sem_alloc : memref<!tpu.dma_semaphore, #tpu.memory_space<semaphore_mem>>
      %dma_start3A_527 = arith.constant 0 : i32
      %dma_start3A_528 = tpu.memref_slice %arg16[%add3A_31, %dma_start3A_527] : memref<10000x128xf32, #tpu.memory_space<vmem_shared>> -> memref<16x128xf32, #tpu.memory_space<vmem_shared>>
      %dma_start3A_529 = arith.constant 0 : i32
      %dma_start3A_530 = tpu.memref_slice %arg16[%add3A_31, %dma_start3A_529] : memref<10000x128xf32, #tpu.memory_space<vmem_shared>> -> memref<16x128xf32, #tpu.memory_space<vmem_shared>>
      tpu.enqueue_dma source(%arg14 : memref<16x128xf32, #tpu.memory_space<vmem>>) target(%dma_start3A_530 : memref<16x128xf32, #tpu.memory_space<vmem_shared>>) target_semaphore(%run_scoped3A_526 : memref<!tpu.dma_semaphore, #tpu.memory_space<semaphore_mem>>)
      %dma_wait3A_531 = arith.constant 0 : i32
      %dma_wait3A_532 = tpu.memref_slice %arg16[%add3A_31, %dma_wait3A_531] : memref<10000x128xf32, #tpu.memory_space<vmem_shared>> -> memref<16x128xf32, #tpu.memory_space<vmem_shared>>
      %dma_wait3A_533 = arith.constant 0 : i32
      %dma_wait3A_534 = tpu.memref_slice %arg16[%add3A_31, %dma_wait3A_533] : memref<10000x128xf32, #tpu.memory_space<vmem_shared>> -> memref<16x128xf32, #tpu.memory_space<vmem_shared>>
      tpu.wait_dma2 semaphore(%run_scoped3A_526 : memref<!tpu.dma_semaphore, #tpu.memory_space<semaphore_mem>>) src(%arg14 : memref<16x128xf32, #tpu.memory_space<vmem>>) dst(%dma_wait3A_534 : memref<16x128xf32, #tpu.memory_space<vmem_shared>>)
      tpu.yield
    }) : () -> ()
    %add3A_32 = arith.constant 224 : i32
    %add3A_33 = arith.addi %mul3A_4, %add3A_32 : i32
    "tpu.region"() ({
      %run_scoped3A_526 = tpu.sem_alloc : memref<!tpu.dma_semaphore, #tpu.memory_space<semaphore_mem>>
      %dma_start3A_527 = arith.constant 0 : i32
      %dma_start3A_528 = tpu.memref_slice %arg16[%add3A_33, %dma_start3A_527] : memref<10000x128xf32, #tpu.memory_space<vmem_shared>> -> memref<16x128xf32, #tpu.memory_space<vmem_shared>>
      %dma_start3A_529 = arith.constant 0 : i32
      %dma_start3A_530 = tpu.memref_slice %arg16[%add3A_33, %dma_start3A_529] : memref<10000x128xf32, #tpu.memory_space<vmem_shared>> -> memref<16x128xf32, #tpu.memory_space<vmem_shared>>
      tpu.enqueue_dma source(%arg14 : memref<16x128xf32, #tpu.memory_space<vmem>>) target(%dma_start3A_530 : memref<16x128xf32, #tpu.memory_space<vmem_shared>>) target_semaphore(%run_scoped3A_526 : memref<!tpu.dma_semaphore, #tpu.memory_space<semaphore_mem>>)
      %dma_wait3A_531 = arith.constant 0 : i32
      %dma_wait3A_532 = tpu.memref_slice %arg16[%add3A_33, %dma_wait3A_531] : memref<10000x128xf32, #tpu.memory_space<vmem_shared>> -> memref<16x128xf32, #tpu.memory_space<vmem_shared>>
      %dma_wait3A_533 = arith.constant 0 : i32
      %dma_wait3A_534 = tpu.memref_slice %arg16[%add3A_33, %dma_wait3A_533] : memref<10000x128xf32, #tpu.memory_space<vmem_shared>> -> memref<16x128xf32, #tpu.memory_space<vmem_shared>>
      tpu.wait_dma2 semaphore(%run_scoped3A_526 : memref<!tpu.dma_semaphore, #tpu.memory_space<semaphore_mem>>) src(%arg14 : memref<16x128xf32, #tpu.memory_space<vmem>>) dst(%dma_wait3A_534 : memref<16x128xf32, #tpu.memory_space<vmem_shared>>)
      tpu.yield
    }) : () -> ()
    %add3A_34 = arith.constant 240 : i32
    %add3A_35 = arith.addi %mul3A_4, %add3A_34 : i32
    "tpu.region"() ({
      %run_scoped3A_526 = tpu.sem_alloc : memref<!tpu.dma_semaphore, #tpu.memory_space<semaphore_mem>>
      %dma_start3A_527 = arith.constant 0 : i32
      %dma_start3A_528 = tpu.memref_slice %arg16[%add3A_35, %dma_start3A_527] : memref<10000x128xf32, #tpu.memory_space<vmem_shared>> -> memref<16x128xf32, #tpu.memory_space<vmem_shared>>
      %dma_start3A_529 = arith.constant 0 : i32
      %dma_start3A_530 = tpu.memref_slice %arg16[%add3A_35, %dma_start3A_529] : memref<10000x128xf32, #tpu.memory_space<vmem_shared>> -> memref<16x128xf32, #tpu.memory_space<vmem_shared>>
      tpu.enqueue_dma source(%arg14 : memref<16x128xf32, #tpu.memory_space<vmem>>) target(%dma_start3A_530 : memref<16x128xf32, #tpu.memory_space<vmem_shared>>) target_semaphore(%run_scoped3A_526 : memref<!tpu.dma_semaphore, #tpu.memory_space<semaphore_mem>>)
      %dma_wait3A_531 = arith.constant 0 : i32
      %dma_wait3A_532 = tpu.memref_slice %arg16[%add3A_35, %dma_wait3A_531] : memref<10000x128xf32, #tpu.memory_space<vmem_shared>> -> memref<16x128xf32, #tpu.memory_space<vmem_shared>>
      %dma_wait3A_533 = arith.constant 0 : i32
      %dma_wait3A_534 = tpu.memref_slice %arg16[%add3A_35, %dma_wait3A_533] : memref<10000x128xf32, #tpu.memory_space<vmem_shared>> -> memref<16x128xf32, #tpu.memory_space<vmem_shared>>
      tpu.wait_dma2 semaphore(%run_scoped3A_526 : memref<!tpu.dma_semaphore, #tpu.memory_space<semaphore_mem>>) src(%arg14 : memref<16x128xf32, #tpu.memory_space<vmem>>) dst(%dma_wait3A_534 : memref<16x128xf32, #tpu.memory_space<vmem_shared>>)
      tpu.yield
    }) : () -> ()
    %add3A_36 = arith.constant 256 : i32
    %add3A_37 = arith.addi %mul3A_4, %add3A_36 : i32
    "tpu.region"() ({
      %run_scoped3A_526 = tpu.sem_alloc : memref<!tpu.dma_semaphore, #tpu.memory_space<semaphore_mem>>
      %dma_start3A_527 = arith.constant 0 : i32
      %dma_start3A_528 = tpu.memref_slice %arg16[%add3A_37, %dma_start3A_527] : memref<10000x128xf32, #tpu.memory_space<vmem_shared>> -> memref<16x128xf32, #tpu.memory_space<vmem_shared>>
      %dma_start3A_529 = arith.constant 0 : i32
      %dma_start3A_530 = tpu.memref_slice %arg16[%add3A_37, %dma_start3A_529] : memref<10000x128xf32, #tpu.memory_space<vmem_shared>> -> memref<16x128xf32, #tpu.memory_space<vmem_shared>>
      tpu.enqueue_dma source(%arg14 : memref<16x128xf32, #tpu.memory_space<vmem>>) target(%dma_start3A_530 : memref<16x128xf32, #tpu.memory_space<vmem_shared>>) target_semaphore(%run_scoped3A_526 : memref<!tpu.dma_semaphore, #tpu.memory_space<semaphore_mem>>)
      %dma_wait3A_531 = arith.constant 0 : i32
      %dma_wait3A_532 = tpu.memref_slice %arg16[%add3A_37, %dma_wait3A_531] : memref<10000x128xf32, #tpu.memory_space<vmem_shared>> -> memref<16x128xf32, #tpu.memory_space<vmem_shared>>
      %dma_wait3A_533 = arith.constant 0 : i32
      %dma_wait3A_534 = tpu.memref_slice %arg16[%add3A_37, %dma_wait3A_533] : memref<10000x128xf32, #tpu.memory_space<vmem_shared>> -> memref<16x128xf32, #tpu.memory_space<vmem_shared>>
      tpu.wait_dma2 semaphore(%run_scoped3A_526 : memref<!tpu.dma_semaphore, #tpu.memory_space<semaphore_mem>>) src(%arg14 : memref<16x128xf32, #tpu.memory_space<vmem>>) dst(%dma_wait3A_534 : memref<16x128xf32, #tpu.memory_space<vmem_shared>>)
      tpu.yield
    }) : () -> ()
    %add3A_38 = arith.constant 272 : i32
    %add3A_39 = arith.addi %mul3A_4, %add3A_38 : i32
    "tpu.region"() ({
      %run_scoped3A_526 = tpu.sem_alloc : memref<!tpu.dma_semaphore, #tpu.memory_space<semaphore_mem>>
      %dma_start3A_527 = arith.constant 0 : i32
      %dma_start3A_528 = tpu.memref_slice %arg16[%add3A_39, %dma_start3A_527] : memref<10000x128xf32, #tpu.memory_space<vmem_shared>> -> memref<16x128xf32, #tpu.memory_space<vmem_shared>>
      %dma_start3A_529 = arith.constant 0 : i32
      %dma_start3A_530 = tpu.memref_slice %arg16[%add3A_39, %dma_start3A_529] : memref<10000x128xf32, #tpu.memory_space<vmem_shared>> -> memref<16x128xf32, #tpu.memory_space<vmem_shared>>
      tpu.enqueue_dma source(%arg14 : memref<16x128xf32, #tpu.memory_space<vmem>>) target(%dma_start3A_530 : memref<16x128xf32, #tpu.memory_space<vmem_shared>>) target_semaphore(%run_scoped3A_526 : memref<!tpu.dma_semaphore, #tpu.memory_space<semaphore_mem>>)
      %dma_wait3A_531 = arith.constant 0 : i32
      %dma_wait3A_532 = tpu.memref_slice %arg16[%add3A_39, %dma_wait3A_531] : memref<10000x128xf32, #tpu.memory_space<vmem_shared>> -> memref<16x128xf32, #tpu.memory_space<vmem_shared>>
      %dma_wait3A_533 = arith.constant 0 : i32
      %dma_wait3A_534 = tpu.memref_slice %arg16[%add3A_39, %dma_wait3A_533] : memref<10000x128xf32, #tpu.memory_space<vmem_shared>> -> memref<16x128xf32, #tpu.memory_space<vmem_shared>>
      tpu.wait_dma2 semaphore(%run_scoped3A_526 : memref<!tpu.dma_semaphore, #tpu.memory_space<semaphore_mem>>) src(%arg14 : memref<16x128xf32, #tpu.memory_space<vmem>>) dst(%dma_wait3A_534 : memref<16x128xf32, #tpu.memory_space<vmem_shared>>)
      tpu.yield
    }) : () -> ()
    %add3A_40 = arith.constant 288 : i32
    %add3A_41 = arith.addi %mul3A_4, %add3A_40 : i32
    "tpu.region"() ({
      %run_scoped3A_526 = tpu.sem_alloc : memref<!tpu.dma_semaphore, #tpu.memory_space<semaphore_mem>>
      %dma_start3A_527 = arith.constant 0 : i32
      %dma_start3A_528 = tpu.memref_slice %arg16[%add3A_41, %dma_start3A_527] : memref<10000x128xf32, #tpu.memory_space<vmem_shared>> -> memref<16x128xf32, #tpu.memory_space<vmem_shared>>
      %dma_start3A_529 = arith.constant 0 : i32
      %dma_start3A_530 = tpu.memref_slice %arg16[%add3A_41, %dma_start3A_529] : memref<10000x128xf32, #tpu.memory_space<vmem_shared>> -> memref<16x128xf32, #tpu.memory_space<vmem_shared>>
      tpu.enqueue_dma source(%arg14 : memref<16x128xf32, #tpu.memory_space<vmem>>) target(%dma_start3A_530 : memref<16x128xf32, #tpu.memory_space<vmem_shared>>) target_semaphore(%run_scoped3A_526 : memref<!tpu.dma_semaphore, #tpu.memory_space<semaphore_mem>>)
      %dma_wait3A_531 = arith.constant 0 : i32
      %dma_wait3A_532 = tpu.memref_slice %arg16[%add3A_41, %dma_wait3A_531] : memref<10000x128xf32, #tpu.memory_space<vmem_shared>> -> memref<16x128xf32, #tpu.memory_space<vmem_shared>>
      %dma_wait3A_533 = arith.constant 0 : i32
      %dma_wait3A_534 = tpu.memref_slice %arg16[%add3A_41, %dma_wait3A_533] : memref<10000x128xf32, #tpu.memory_space<vmem_shared>> -> memref<16x128xf32, #tpu.memory_space<vmem_shared>>
      tpu.wait_dma2 semaphore(%run_scoped3A_526 : memref<!tpu.dma_semaphore, #tpu.memory_space<semaphore_mem>>) src(%arg14 : memref<16x128xf32, #tpu.memory_space<vmem>>) dst(%dma_wait3A_534 : memref<16x128xf32, #tpu.memory_space<vmem_shared>>)
      tpu.yield
    }) : () -> ()
    %add3A_42 = arith.constant 304 : i32
    %add3A_43 = arith.addi %mul3A_4, %add3A_42 : i32
    "tpu.region"() ({
      %run_scoped3A_526 = tpu.sem_alloc : memref<!tpu.dma_semaphore, #tpu.memory_space<semaphore_mem>>
      %dma_start3A_527 = arith.constant 0 : i32
      %dma_start3A_528 = tpu.memref_slice %arg16[%add3A_43, %dma_start3A_527] : memref<10000x128xf32, #tpu.memory_space<vmem_shared>> -> memref<16x128xf32, #tpu.memory_space<vmem_shared>>
      %dma_start3A_529 = arith.constant 0 : i32
      %dma_start3A_530 = tpu.memref_slice %arg16[%add3A_43, %dma_start3A_529] : memref<10000x128xf32, #tpu.memory_space<vmem_shared>> -> memref<16x128xf32, #tpu.memory_space<vmem_shared>>
      tpu.enqueue_dma source(%arg14 : memref<16x128xf32, #tpu.memory_space<vmem>>) target(%dma_start3A_530 : memref<16x128xf32, #tpu.memory_space<vmem_shared>>) target_semaphore(%run_scoped3A_526 : memref<!tpu.dma_semaphore, #tpu.memory_space<semaphore_mem>>)
      %dma_wait3A_531 = arith.constant 0 : i32
      %dma_wait3A_532 = tpu.memref_slice %arg16[%add3A_43, %dma_wait3A_531] : memref<10000x128xf32, #tpu.memory_space<vmem_shared>> -> memref<16x128xf32, #tpu.memory_space<vmem_shared>>
      %dma_wait3A_533 = arith.constant 0 : i32
      %dma_wait3A_534 = tpu.memref_slice %arg16[%add3A_43, %dma_wait3A_533] : memref<10000x128xf32, #tpu.memory_space<vmem_shared>> -> memref<16x128xf32, #tpu.memory_space<vmem_shared>>
      tpu.wait_dma2 semaphore(%run_scoped3A_526 : memref<!tpu.dma_semaphore, #tpu.memory_space<semaphore_mem>>) src(%arg14 : memref<16x128xf32, #tpu.memory_space<vmem>>) dst(%dma_wait3A_534 : memref<16x128xf32, #tpu.memory_space<vmem_shared>>)
      tpu.yield
    }) : () -> ()
    %add3A_44 = arith.constant 320 : i32
    %add3A_45 = arith.addi %mul3A_4, %add3A_44 : i32
    "tpu.region"() ({
      %run_scoped3A_526 = tpu.sem_alloc : memref<!tpu.dma_semaphore, #tpu.memory_space<semaphore_mem>>
      %dma_start3A_527 = arith.constant 0 : i32
      %dma_start3A_528 = tpu.memref_slice %arg16[%add3A_45, %dma_start3A_527] : memref<10000x128xf32, #tpu.memory_space<vmem_shared>> -> memref<16x128xf32, #tpu.memory_space<vmem_shared>>
      %dma_start3A_529 = arith.constant 0 : i32
      %dma_start3A_530 = tpu.memref_slice %arg16[%add3A_45, %dma_start3A_529] : memref<10000x128xf32, #tpu.memory_space<vmem_shared>> -> memref<16x128xf32, #tpu.memory_space<vmem_shared>>
      tpu.enqueue_dma source(%arg14 : memref<16x128xf32, #tpu.memory_space<vmem>>) target(%dma_start3A_530 : memref<16x128xf32, #tpu.memory_space<vmem_shared>>) target_semaphore(%run_scoped3A_526 : memref<!tpu.dma_semaphore, #tpu.memory_space<semaphore_mem>>)
      %dma_wait3A_531 = arith.constant 0 : i32
      %dma_wait3A_532 = tpu.memref_slice %arg16[%add3A_45, %dma_wait3A_531] : memref<10000x128xf32, #tpu.memory_space<vmem_shared>> -> memref<16x128xf32, #tpu.memory_space<vmem_shared>>
      %dma_wait3A_533 = arith.constant 0 : i32
      %dma_wait3A_534 = tpu.memref_slice %arg16[%add3A_45, %dma_wait3A_533] : memref<10000x128xf32, #tpu.memory_space<vmem_shared>> -> memref<16x128xf32, #tpu.memory_space<vmem_shared>>
      tpu.wait_dma2 semaphore(%run_scoped3A_526 : memref<!tpu.dma_semaphore, #tpu.memory_space<semaphore_mem>>) src(%arg14 : memref<16x128xf32, #tpu.memory_space<vmem>>) dst(%dma_wait3A_534 : memref<16x128xf32, #tpu.memory_space<vmem_shared>>)
      tpu.yield
    }) : () -> ()
    %add3A_46 = arith.constant 336 : i32
    %add3A_47 = arith.addi %mul3A_4, %add3A_46 : i32
    "tpu.region"() ({
      %run_scoped3A_526 = tpu.sem_alloc : memref<!tpu.dma_semaphore, #tpu.memory_space<semaphore_mem>>
      %dma_start3A_527 = arith.constant 0 : i32
      %dma_start3A_528 = tpu.memref_slice %arg16[%add3A_47, %dma_start3A_527] : memref<10000x128xf32, #tpu.memory_space<vmem_shared>> -> memref<16x128xf32, #tpu.memory_space<vmem_shared>>
      %dma_start3A_529 = arith.constant 0 : i32
      %dma_start3A_530 = tpu.memref_slice %arg16[%add3A_47, %dma_start3A_529] : memref<10000x128xf32, #tpu.memory_space<vmem_shared>> -> memref<16x128xf32, #tpu.memory_space<vmem_shared>>
      tpu.enqueue_dma source(%arg14 : memref<16x128xf32, #tpu.memory_space<vmem>>) target(%dma_start3A_530 : memref<16x128xf32, #tpu.memory_space<vmem_shared>>) target_semaphore(%run_scoped3A_526 : memref<!tpu.dma_semaphore, #tpu.memory_space<semaphore_mem>>)
      %dma_wait3A_531 = arith.constant 0 : i32
      %dma_wait3A_532 = tpu.memref_slice %arg16[%add3A_47, %dma_wait3A_531] : memref<10000x128xf32, #tpu.memory_space<vmem_shared>> -> memref<16x128xf32, #tpu.memory_space<vmem_shared>>
      %dma_wait3A_533 = arith.constant 0 : i32
      %dma_wait3A_534 = tpu.memref_slice %arg16[%add3A_47, %dma_wait3A_533] : memref<10000x128xf32, #tpu.memory_space<vmem_shared>> -> memref<16x128xf32, #tpu.memory_space<vmem_shared>>
      tpu.wait_dma2 semaphore(%run_scoped3A_526 : memref<!tpu.dma_semaphore, #tpu.memory_space<semaphore_mem>>) src(%arg14 : memref<16x128xf32, #tpu.memory_space<vmem>>) dst(%dma_wait3A_534 : memref<16x128xf32, #tpu.memory_space<vmem_shared>>)
      tpu.yield
    }) : () -> ()
    %add3A_48 = arith.constant 352 : i32
    %add3A_49 = arith.addi %mul3A_4, %add3A_48 : i32
    "tpu.region"() ({
      %run_scoped3A_526 = tpu.sem_alloc : memref<!tpu.dma_semaphore, #tpu.memory_space<semaphore_mem>>
      %dma_start3A_527 = arith.constant 0 : i32
      %dma_start3A_528 = tpu.memref_slice %arg16[%add3A_49, %dma_start3A_527] : memref<10000x128xf32, #tpu.memory_space<vmem_shared>> -> memref<16x128xf32, #tpu.memory_space<vmem_shared>>
      %dma_start3A_529 = arith.constant 0 : i32
      %dma_start3A_530 = tpu.memref_slice %arg16[%add3A_49, %dma_start3A_529] : memref<10000x128xf32, #tpu.memory_space<vmem_shared>> -> memref<16x128xf32, #tpu.memory_space<vmem_shared>>
      tpu.enqueue_dma source(%arg14 : memref<16x128xf32, #tpu.memory_space<vmem>>) target(%dma_start3A_530 : memref<16x128xf32, #tpu.memory_space<vmem_shared>>) target_semaphore(%run_scoped3A_526 : memref<!tpu.dma_semaphore, #tpu.memory_space<semaphore_mem>>)
      %dma_wait3A_531 = arith.constant 0 : i32
      %dma_wait3A_532 = tpu.memref_slice %arg16[%add3A_49, %dma_wait3A_531] : memref<10000x128xf32, #tpu.memory_space<vmem_shared>> -> memref<16x128xf32, #tpu.memory_space<vmem_shared>>
      %dma_wait3A_533 = arith.constant 0 : i32
      %dma_wait3A_534 = tpu.memref_slice %arg16[%add3A_49, %dma_wait3A_533] : memref<10000x128xf32, #tpu.memory_space<vmem_shared>> -> memref<16x128xf32, #tpu.memory_space<vmem_shared>>
      tpu.wait_dma2 semaphore(%run_scoped3A_526 : memref<!tpu.dma_semaphore, #tpu.memory_space<semaphore_mem>>) src(%arg14 : memref<16x128xf32, #tpu.memory_space<vmem>>) dst(%dma_wait3A_534 : memref<16x128xf32, #tpu.memory_space<vmem_shared>>)
      tpu.yield
    }) : () -> ()
    %add3A_50 = arith.constant 368 : i32
    %add3A_51 = arith.addi %mul3A_4, %add3A_50 : i32
    "tpu.region"() ({
      %run_scoped3A_526 = tpu.sem_alloc : memref<!tpu.dma_semaphore, #tpu.memory_space<semaphore_mem>>
      %dma_start3A_527 = arith.constant 0 : i32
      %dma_start3A_528 = tpu.memref_slice %arg16[%add3A_51, %dma_start3A_527] : memref<10000x128xf32, #tpu.memory_space<vmem_shared>> -> memref<16x128xf32, #tpu.memory_space<vmem_shared>>
      %dma_start3A_529 = arith.constant 0 : i32
      %dma_start3A_530 = tpu.memref_slice %arg16[%add3A_51, %dma_start3A_529] : memref<10000x128xf32, #tpu.memory_space<vmem_shared>> -> memref<16x128xf32, #tpu.memory_space<vmem_shared>>
      tpu.enqueue_dma source(%arg14 : memref<16x128xf32, #tpu.memory_space<vmem>>) target(%dma_start3A_530 : memref<16x128xf32, #tpu.memory_space<vmem_shared>>) target_semaphore(%run_scoped3A_526 : memref<!tpu.dma_semaphore, #tpu.memory_space<semaphore_mem>>)
      %dma_wait3A_531 = arith.constant 0 : i32
      %dma_wait3A_532 = tpu.memref_slice %arg16[%add3A_51, %dma_wait3A_531] : memref<10000x128xf32, #tpu.memory_space<vmem_shared>> -> memref<16x128xf32, #tpu.memory_space<vmem_shared>>
      %dma_wait3A_533 = arith.constant 0 : i32
      %dma_wait3A_534 = tpu.memref_slice %arg16[%add3A_51, %dma_wait3A_533] : memref<10000x128xf32, #tpu.memory_space<vmem_shared>> -> memref<16x128xf32, #tpu.memory_space<vmem_shared>>
      tpu.wait_dma2 semaphore(%run_scoped3A_526 : memref<!tpu.dma_semaphore, #tpu.memory_space<semaphore_mem>>) src(%arg14 : memref<16x128xf32, #tpu.memory_space<vmem>>) dst(%dma_wait3A_534 : memref<16x128xf32, #tpu.memory_space<vmem_shared>>)
      tpu.yield
    }) : () -> ()
    %add3A_52 = arith.constant 384 : i32
    %add3A_53 = arith.addi %mul3A_4, %add3A_52 : i32
    "tpu.region"() ({
      %run_scoped3A_526 = tpu.sem_alloc : memref<!tpu.dma_semaphore, #tpu.memory_space<semaphore_mem>>
      %dma_start3A_527 = arith.constant 0 : i32
      %dma_start3A_528 = tpu.memref_slice %arg16[%add3A_53, %dma_start3A_527] : memref<10000x128xf32, #tpu.memory_space<vmem_shared>> -> memref<16x128xf32, #tpu.memory_space<vmem_shared>>
      %dma_start3A_529 = arith.constant 0 : i32
      %dma_start3A_530 = tpu.memref_slice %arg16[%add3A_53, %dma_start3A_529] : memref<10000x128xf32, #tpu.memory_space<vmem_shared>> -> memref<16x128xf32, #tpu.memory_space<vmem_shared>>
      tpu.enqueue_dma source(%arg14 : memref<16x128xf32, #tpu.memory_space<vmem>>) target(%dma_start3A_530 : memref<16x128xf32, #tpu.memory_space<vmem_shared>>) target_semaphore(%run_scoped3A_526 : memref<!tpu.dma_semaphore, #tpu.memory_space<semaphore_mem>>)
      %dma_wait3A_531 = arith.constant 0 : i32
      %dma_wait3A_532 = tpu.memref_slice %arg16[%add3A_53, %dma_wait3A_531] : memref<10000x128xf32, #tpu.memory_space<vmem_shared>> -> memref<16x128xf32, #tpu.memory_space<vmem_shared>>
      %dma_wait3A_533 = arith.constant 0 : i32
      %dma_wait3A_534 = tpu.memref_slice %arg16[%add3A_53, %dma_wait3A_533] : memref<10000x128xf32, #tpu.memory_space<vmem_shared>> -> memref<16x128xf32, #tpu.memory_space<vmem_shared>>
      tpu.wait_dma2 semaphore(%run_scoped3A_526 : memref<!tpu.dma_semaphore, #tpu.memory_space<semaphore_mem>>) src(%arg14 : memref<16x128xf32, #tpu.memory_space<vmem>>) dst(%dma_wait3A_534 : memref<16x128xf32, #tpu.memory_space<vmem_shared>>)
      tpu.yield
    }) : () -> ()
    %add3A_54 = arith.constant 400 : i32
    %add3A_55 = arith.addi %mul3A_4, %add3A_54 : i32
    "tpu.region"() ({
      %run_scoped3A_526 = tpu.sem_alloc : memref<!tpu.dma_semaphore, #tpu.memory_space<semaphore_mem>>
      %dma_start3A_527 = arith.constant 0 : i32
      %dma_start3A_528 = tpu.memref_slice %arg16[%add3A_55, %dma_start3A_527] : memref<10000x128xf32, #tpu.memory_space<vmem_shared>> -> memref<16x128xf32, #tpu.memory_space<vmem_shared>>
      %dma_start3A_529 = arith.constant 0 : i32
      %dma_start3A_530 = tpu.memref_slice %arg16[%add3A_55, %dma_start3A_529] : memref<10000x128xf32, #tpu.memory_space<vmem_shared>> -> memref<16x128xf32, #tpu.memory_space<vmem_shared>>
      tpu.enqueue_dma source(%arg14 : memref<16x128xf32, #tpu.memory_space<vmem>>) target(%dma_start3A_530 : memref<16x128xf32, #tpu.memory_space<vmem_shared>>) target_semaphore(%run_scoped3A_526 : memref<!tpu.dma_semaphore, #tpu.memory_space<semaphore_mem>>)
      %dma_wait3A_531 = arith.constant 0 : i32
      %dma_wait3A_532 = tpu.memref_slice %arg16[%add3A_55, %dma_wait3A_531] : memref<10000x128xf32, #tpu.memory_space<vmem_shared>> -> memref<16x128xf32, #tpu.memory_space<vmem_shared>>
      %dma_wait3A_533 = arith.constant 0 : i32
      %dma_wait3A_534 = tpu.memref_slice %arg16[%add3A_55, %dma_wait3A_533] : memref<10000x128xf32, #tpu.memory_space<vmem_shared>> -> memref<16x128xf32, #tpu.memory_space<vmem_shared>>
      tpu.wait_dma2 semaphore(%run_scoped3A_526 : memref<!tpu.dma_semaphore, #tpu.memory_space<semaphore_mem>>) src(%arg14 : memref<16x128xf32, #tpu.memory_space<vmem>>) dst(%dma_wait3A_534 : memref<16x128xf32, #tpu.memory_space<vmem_shared>>)
      tpu.yield
    }) : () -> ()
    %add3A_56 = arith.constant 416 : i32
    %add3A_57 = arith.addi %mul3A_4, %add3A_56 : i32
    "tpu.region"() ({
      %run_scoped3A_526 = tpu.sem_alloc : memref<!tpu.dma_semaphore, #tpu.memory_space<semaphore_mem>>
      %dma_start3A_527 = arith.constant 0 : i32
      %dma_start3A_528 = tpu.memref_slice %arg16[%add3A_57, %dma_start3A_527] : memref<10000x128xf32, #tpu.memory_space<vmem_shared>> -> memref<16x128xf32, #tpu.memory_space<vmem_shared>>
      %dma_start3A_529 = arith.constant 0 : i32
      %dma_start3A_530 = tpu.memref_slice %arg16[%add3A_57, %dma_start3A_529] : memref<10000x128xf32, #tpu.memory_space<vmem_shared>> -> memref<16x128xf32, #tpu.memory_space<vmem_shared>>
      tpu.enqueue_dma source(%arg14 : memref<16x128xf32, #tpu.memory_space<vmem>>) target(%dma_start3A_530 : memref<16x128xf32, #tpu.memory_space<vmem_shared>>) target_semaphore(%run_scoped3A_526 : memref<!tpu.dma_semaphore, #tpu.memory_space<semaphore_mem>>)
      %dma_wait3A_531 = arith.constant 0 : i32
      %dma_wait3A_532 = tpu.memref_slice %arg16[%add3A_57, %dma_wait3A_531] : memref<10000x128xf32, #tpu.memory_space<vmem_shared>> -> memref<16x128xf32, #tpu.memory_space<vmem_shared>>
      %dma_wait3A_533 = arith.constant 0 : i32
      %dma_wait3A_534 = tpu.memref_slice %arg16[%add3A_57, %dma_wait3A_533] : memref<10000x128xf32, #tpu.memory_space<vmem_shared>> -> memref<16x128xf32, #tpu.memory_space<vmem_shared>>
      tpu.wait_dma2 semaphore(%run_scoped3A_526 : memref<!tpu.dma_semaphore, #tpu.memory_space<semaphore_mem>>) src(%arg14 : memref<16x128xf32, #tpu.memory_space<vmem>>) dst(%dma_wait3A_534 : memref<16x128xf32, #tpu.memory_space<vmem_shared>>)
      tpu.yield
    }) : () -> ()
    %add3A_58 = arith.constant 432 : i32
    %add3A_59 = arith.addi %mul3A_4, %add3A_58 : i32
    "tpu.region"() ({
      %run_scoped3A_526 = tpu.sem_alloc : memref<!tpu.dma_semaphore, #tpu.memory_space<semaphore_mem>>
      %dma_start3A_527 = arith.constant 0 : i32
      %dma_start3A_528 = tpu.memref_slice %arg16[%add3A_59, %dma_start3A_527] : memref<10000x128xf32, #tpu.memory_space<vmem_shared>> -> memref<16x128xf32, #tpu.memory_space<vmem_shared>>
      %dma_start3A_529 = arith.constant 0 : i32
      %dma_start3A_530 = tpu.memref_slice %arg16[%add3A_59, %dma_start3A_529] : memref<10000x128xf32, #tpu.memory_space<vmem_shared>> -> memref<16x128xf32, #tpu.memory_space<vmem_shared>>
      tpu.enqueue_dma source(%arg14 : memref<16x128xf32, #tpu.memory_space<vmem>>) target(%dma_start3A_530 : memref<16x128xf32, #tpu.memory_space<vmem_shared>>) target_semaphore(%run_scoped3A_526 : memref<!tpu.dma_semaphore, #tpu.memory_space<semaphore_mem>>)
      %dma_wait3A_531 = arith.constant 0 : i32
      %dma_wait3A_532 = tpu.memref_slice %arg16[%add3A_59, %dma_wait3A_531] : memref<10000x128xf32, #tpu.memory_space<vmem_shared>> -> memref<16x128xf32, #tpu.memory_space<vmem_shared>>
      %dma_wait3A_533 = arith.constant 0 : i32
      %dma_wait3A_534 = tpu.memref_slice %arg16[%add3A_59, %dma_wait3A_533] : memref<10000x128xf32, #tpu.memory_space<vmem_shared>> -> memref<16x128xf32, #tpu.memory_space<vmem_shared>>
      tpu.wait_dma2 semaphore(%run_scoped3A_526 : memref<!tpu.dma_semaphore, #tpu.memory_space<semaphore_mem>>) src(%arg14 : memref<16x128xf32, #tpu.memory_space<vmem>>) dst(%dma_wait3A_534 : memref<16x128xf32, #tpu.memory_space<vmem_shared>>)
      tpu.yield
    }) : () -> ()
    %add3A_60 = arith.constant 448 : i32
    %add3A_61 = arith.addi %mul3A_4, %add3A_60 : i32
    "tpu.region"() ({
      %run_scoped3A_526 = tpu.sem_alloc : memref<!tpu.dma_semaphore, #tpu.memory_space<semaphore_mem>>
      %dma_start3A_527 = arith.constant 0 : i32
      %dma_start3A_528 = tpu.memref_slice %arg16[%add3A_61, %dma_start3A_527] : memref<10000x128xf32, #tpu.memory_space<vmem_shared>> -> memref<16x128xf32, #tpu.memory_space<vmem_shared>>
      %dma_start3A_529 = arith.constant 0 : i32
      %dma_start3A_530 = tpu.memref_slice %arg16[%add3A_61, %dma_start3A_529] : memref<10000x128xf32, #tpu.memory_space<vmem_shared>> -> memref<16x128xf32, #tpu.memory_space<vmem_shared>>
      tpu.enqueue_dma source(%arg14 : memref<16x128xf32, #tpu.memory_space<vmem>>) target(%dma_start3A_530 : memref<16x128xf32, #tpu.memory_space<vmem_shared>>) target_semaphore(%run_scoped3A_526 : memref<!tpu.dma_semaphore, #tpu.memory_space<semaphore_mem>>)
      %dma_wait3A_531 = arith.constant 0 : i32
      %dma_wait3A_532 = tpu.memref_slice %arg16[%add3A_61, %dma_wait3A_531] : memref<10000x128xf32, #tpu.memory_space<vmem_shared>> -> memref<16x128xf32, #tpu.memory_space<vmem_shared>>
      %dma_wait3A_533 = arith.constant 0 : i32
      %dma_wait3A_534 = tpu.memref_slice %arg16[%add3A_61, %dma_wait3A_533] : memref<10000x128xf32, #tpu.memory_space<vmem_shared>> -> memref<16x128xf32, #tpu.memory_space<vmem_shared>>
      tpu.wait_dma2 semaphore(%run_scoped3A_526 : memref<!tpu.dma_semaphore, #tpu.memory_space<semaphore_mem>>) src(%arg14 : memref<16x128xf32, #tpu.memory_space<vmem>>) dst(%dma_wait3A_534 : memref<16x128xf32, #tpu.memory_space<vmem_shared>>)
      tpu.yield
    }) : () -> ()
    %add3A_62 = arith.constant 464 : i32
    %add3A_63 = arith.addi %mul3A_4, %add3A_62 : i32
    "tpu.region"() ({
      %run_scoped3A_526 = tpu.sem_alloc : memref<!tpu.dma_semaphore, #tpu.memory_space<semaphore_mem>>
      %dma_start3A_527 = arith.constant 0 : i32
      %dma_start3A_528 = tpu.memref_slice %arg16[%add3A_63, %dma_start3A_527] : memref<10000x128xf32, #tpu.memory_space<vmem_shared>> -> memref<16x128xf32, #tpu.memory_space<vmem_shared>>
      %dma_start3A_529 = arith.constant 0 : i32
      %dma_start3A_530 = tpu.memref_slice %arg16[%add3A_63, %dma_start3A_529] : memref<10000x128xf32, #tpu.memory_space<vmem_shared>> -> memref<16x128xf32, #tpu.memory_space<vmem_shared>>
      tpu.enqueue_dma source(%arg14 : memref<16x128xf32, #tpu.memory_space<vmem>>) target(%dma_start3A_530 : memref<16x128xf32, #tpu.memory_space<vmem_shared>>) target_semaphore(%run_scoped3A_526 : memref<!tpu.dma_semaphore, #tpu.memory_space<semaphore_mem>>)
      %dma_wait3A_531 = arith.constant 0 : i32
      %dma_wait3A_532 = tpu.memref_slice %arg16[%add3A_63, %dma_wait3A_531] : memref<10000x128xf32, #tpu.memory_space<vmem_shared>> -> memref<16x128xf32, #tpu.memory_space<vmem_shared>>
      %dma_wait3A_533 = arith.constant 0 : i32
      %dma_wait3A_534 = tpu.memref_slice %arg16[%add3A_63, %dma_wait3A_533] : memref<10000x128xf32, #tpu.memory_space<vmem_shared>> -> memref<16x128xf32, #tpu.memory_space<vmem_shared>>
      tpu.wait_dma2 semaphore(%run_scoped3A_526 : memref<!tpu.dma_semaphore, #tpu.memory_space<semaphore_mem>>) src(%arg14 : memref<16x128xf32, #tpu.memory_space<vmem>>) dst(%dma_wait3A_534 : memref<16x128xf32, #tpu.memory_space<vmem_shared>>)
      tpu.yield
    }) : () -> ()
    %add3A_64 = arith.constant 480 : i32
    %add3A_65 = arith.addi %mul3A_4, %add3A_64 : i32
    "tpu.region"() ({
      %run_scoped3A_526 = tpu.sem_alloc : memref<!tpu.dma_semaphore, #tpu.memory_space<semaphore_mem>>
      %dma_start3A_527 = arith.constant 0 : i32
      %dma_start3A_528 = tpu.memref_slice %arg16[%add3A_65, %dma_start3A_527] : memref<10000x128xf32, #tpu.memory_space<vmem_shared>> -> memref<16x128xf32, #tpu.memory_space<vmem_shared>>
      %dma_start3A_529 = arith.constant 0 : i32
      %dma_start3A_530 = tpu.memref_slice %arg16[%add3A_65, %dma_start3A_529] : memref<10000x128xf32, #tpu.memory_space<vmem_shared>> -> memref<16x128xf32, #tpu.memory_space<vmem_shared>>
      tpu.enqueue_dma source(%arg14 : memref<16x128xf32, #tpu.memory_space<vmem>>) target(%dma_start3A_530 : memref<16x128xf32, #tpu.memory_space<vmem_shared>>) target_semaphore(%run_scoped3A_526 : memref<!tpu.dma_semaphore, #tpu.memory_space<semaphore_mem>>)
      %dma_wait3A_531 = arith.constant 0 : i32
      %dma_wait3A_532 = tpu.memref_slice %arg16[%add3A_65, %dma_wait3A_531] : memref<10000x128xf32, #tpu.memory_space<vmem_shared>> -> memref<16x128xf32, #tpu.memory_space<vmem_shared>>
      %dma_wait3A_533 = arith.constant 0 : i32
      %dma_wait3A_534 = tpu.memref_slice %arg16[%add3A_65, %dma_wait3A_533] : memref<10000x128xf32, #tpu.memory_space<vmem_shared>> -> memref<16x128xf32, #tpu.memory_space<vmem_shared>>
      tpu.wait_dma2 semaphore(%run_scoped3A_526 : memref<!tpu.dma_semaphore, #tpu.memory_space<semaphore_mem>>) src(%arg14 : memref<16x128xf32, #tpu.memory_space<vmem>>) dst(%dma_wait3A_534 : memref<16x128xf32, #tpu.memory_space<vmem_shared>>)
      tpu.yield
    }) : () -> ()
    %add3A_66 = arith.constant 496 : i32
    %add3A_67 = arith.addi %mul3A_4, %add3A_66 : i32
    "tpu.region"() ({
      %run_scoped3A_526 = tpu.sem_alloc : memref<!tpu.dma_semaphore, #tpu.memory_space<semaphore_mem>>
      %dma_start3A_527 = arith.constant 0 : i32
      %dma_start3A_528 = tpu.memref_slice %arg16[%add3A_67, %dma_start3A_527] : memref<10000x128xf32, #tpu.memory_space<vmem_shared>> -> memref<16x128xf32, #tpu.memory_space<vmem_shared>>
      %dma_start3A_529 = arith.constant 0 : i32
      %dma_start3A_530 = tpu.memref_slice %arg16[%add3A_67, %dma_start3A_529] : memref<10000x128xf32, #tpu.memory_space<vmem_shared>> -> memref<16x128xf32, #tpu.memory_space<vmem_shared>>
      tpu.enqueue_dma source(%arg14 : memref<16x128xf32, #tpu.memory_space<vmem>>) target(%dma_start3A_530 : memref<16x128xf32, #tpu.memory_space<vmem_shared>>) target_semaphore(%run_scoped3A_526 : memref<!tpu.dma_semaphore, #tpu.memory_space<semaphore_mem>>)
      %dma_wait3A_531 = arith.constant 0 : i32
      %dma_wait3A_532 = tpu.memref_slice %arg16[%add3A_67, %dma_wait3A_531] : memref<10000x128xf32, #tpu.memory_space<vmem_shared>> -> memref<16x128xf32, #tpu.memory_space<vmem_shared>>
      %dma_wait3A_533 = arith.constant 0 : i32
      %dma_wait3A_534 = tpu.memref_slice %arg16[%add3A_67, %dma_wait3A_533] : memref<10000x128xf32, #tpu.memory_space<vmem_shared>> -> memref<16x128xf32, #tpu.memory_space<vmem_shared>>
      tpu.wait_dma2 semaphore(%run_scoped3A_526 : memref<!tpu.dma_semaphore, #tpu.memory_space<semaphore_mem>>) src(%arg14 : memref<16x128xf32, #tpu.memory_space<vmem>>) dst(%dma_wait3A_534 : memref<16x128xf32, #tpu.memory_space<vmem_shared>>)
      tpu.yield
    }) : () -> ()
    %add3A_68 = arith.constant 512 : i32
    %add3A_69 = arith.addi %mul3A_4, %add3A_68 : i32
    "tpu.region"() ({
      %run_scoped3A_526 = tpu.sem_alloc : memref<!tpu.dma_semaphore, #tpu.memory_space<semaphore_mem>>
      %dma_start3A_527 = arith.constant 0 : i32
      %dma_start3A_528 = tpu.memref_slice %arg16[%add3A_69, %dma_start3A_527] : memref<10000x128xf32, #tpu.memory_space<vmem_shared>> -> memref<16x128xf32, #tpu.memory_space<vmem_shared>>
      %dma_start3A_529 = arith.constant 0 : i32
      %dma_start3A_530 = tpu.memref_slice %arg16[%add3A_69, %dma_start3A_529] : memref<10000x128xf32, #tpu.memory_space<vmem_shared>> -> memref<16x128xf32, #tpu.memory_space<vmem_shared>>
      tpu.enqueue_dma source(%arg14 : memref<16x128xf32, #tpu.memory_space<vmem>>) target(%dma_start3A_530 : memref<16x128xf32, #tpu.memory_space<vmem_shared>>) target_semaphore(%run_scoped3A_526 : memref<!tpu.dma_semaphore, #tpu.memory_space<semaphore_mem>>)
      %dma_wait3A_531 = arith.constant 0 : i32
      %dma_wait3A_532 = tpu.memref_slice %arg16[%add3A_69, %dma_wait3A_531] : memref<10000x128xf32, #tpu.memory_space<vmem_shared>> -> memref<16x128xf32, #tpu.memory_space<vmem_shared>>
      %dma_wait3A_533 = arith.constant 0 : i32
      %dma_wait3A_534 = tpu.memref_slice %arg16[%add3A_69, %dma_wait3A_533] : memref<10000x128xf32, #tpu.memory_space<vmem_shared>> -> memref<16x128xf32, #tpu.memory_space<vmem_shared>>
      tpu.wait_dma2 semaphore(%run_scoped3A_526 : memref<!tpu.dma_semaphore, #tpu.memory_space<semaphore_mem>>) src(%arg14 : memref<16x128xf32, #tpu.memory_space<vmem>>) dst(%dma_wait3A_534 : memref<16x128xf32, #tpu.memory_space<vmem_shared>>)
      tpu.yield
    }) : () -> ()
    %add3A_70 = arith.constant 528 : i32
    %add3A_71 = arith.addi %mul3A_4, %add3A_70 : i32
    "tpu.region"() ({
      %run_scoped3A_526 = tpu.sem_alloc : memref<!tpu.dma_semaphore, #tpu.memory_space<semaphore_mem>>
      %dma_start3A_527 = arith.constant 0 : i32
      %dma_start3A_528 = tpu.memref_slice %arg16[%add3A_71, %dma_start3A_527] : memref<10000x128xf32, #tpu.memory_space<vmem_shared>> -> memref<16x128xf32, #tpu.memory_space<vmem_shared>>
      %dma_start3A_529 = arith.constant 0 : i32
      %dma_start3A_530 = tpu.memref_slice %arg16[%add3A_71, %dma_start3A_529] : memref<10000x128xf32, #tpu.memory_space<vmem_shared>> -> memref<16x128xf32, #tpu.memory_space<vmem_shared>>
      tpu.enqueue_dma source(%arg14 : memref<16x128xf32, #tpu.memory_space<vmem>>) target(%dma_start3A_530 : memref<16x128xf32, #tpu.memory_space<vmem_shared>>) target_semaphore(%run_scoped3A_526 : memref<!tpu.dma_semaphore, #tpu.memory_space<semaphore_mem>>)
      %dma_wait3A_531 = arith.constant 0 : i32
      %dma_wait3A_532 = tpu.memref_slice %arg16[%add3A_71, %dma_wait3A_531] : memref<10000x128xf32, #tpu.memory_space<vmem_shared>> -> memref<16x128xf32, #tpu.memory_space<vmem_shared>>
      %dma_wait3A_533 = arith.constant 0 : i32
      %dma_wait3A_534 = tpu.memref_slice %arg16[%add3A_71, %dma_wait3A_533] : memref<10000x128xf32, #tpu.memory_space<vmem_shared>> -> memref<16x128xf32, #tpu.memory_space<vmem_shared>>
      tpu.wait_dma2 semaphore(%run_scoped3A_526 : memref<!tpu.dma_semaphore, #tpu.memory_space<semaphore_mem>>) src(%arg14 : memref<16x128xf32, #tpu.memory_space<vmem>>) dst(%dma_wait3A_534 : memref<16x128xf32, #tpu.memory_space<vmem_shared>>)
      tpu.yield
    }) : () -> ()
    %add3A_72 = arith.constant 544 : i32
    %add3A_73 = arith.addi %mul3A_4, %add3A_72 : i32
    "tpu.region"() ({
      %run_scoped3A_526 = tpu.sem_alloc : memref<!tpu.dma_semaphore, #tpu.memory_space<semaphore_mem>>
      %dma_start3A_527 = arith.constant 0 : i32
      %dma_start3A_528 = tpu.memref_slice %arg16[%add3A_73, %dma_start3A_527] : memref<10000x128xf32, #tpu.memory_space<vmem_shared>> -> memref<16x128xf32, #tpu.memory_space<vmem_shared>>
      %dma_start3A_529 = arith.constant 0 : i32
      %dma_start3A_530 = tpu.memref_slice %arg16[%add3A_73, %dma_start3A_529] : memref<10000x128xf32, #tpu.memory_space<vmem_shared>> -> memref<16x128xf32, #tpu.memory_space<vmem_shared>>
      tpu.enqueue_dma source(%arg14 : memref<16x128xf32, #tpu.memory_space<vmem>>) target(%dma_start3A_530 : memref<16x128xf32, #tpu.memory_space<vmem_shared>>) target_semaphore(%run_scoped3A_526 : memref<!tpu.dma_semaphore, #tpu.memory_space<semaphore_mem>>)
      %dma_wait3A_531 = arith.constant 0 : i32
      %dma_wait3A_532 = tpu.memref_slice %arg16[%add3A_73, %dma_wait3A_531] : memref<10000x128xf32, #tpu.memory_space<vmem_shared>> -> memref<16x128xf32, #tpu.memory_space<vmem_shared>>
      %dma_wait3A_533 = arith.constant 0 : i32
      %dma_wait3A_534 = tpu.memref_slice %arg16[%add3A_73, %dma_wait3A_533] : memref<10000x128xf32, #tpu.memory_space<vmem_shared>> -> memref<16x128xf32, #tpu.memory_space<vmem_shared>>
      tpu.wait_dma2 semaphore(%run_scoped3A_526 : memref<!tpu.dma_semaphore, #tpu.memory_space<semaphore_mem>>) src(%arg14 : memref<16x128xf32, #tpu.memory_space<vmem>>) dst(%dma_wait3A_534 : memref<16x128xf32, #tpu.memory_space<vmem_shared>>)
      tpu.yield
    }) : () -> ()
    %add3A_74 = arith.constant 560 : i32
    %add3A_75 = arith.addi %mul3A_4, %add3A_74 : i32
    "tpu.region"() ({
      %run_scoped3A_526 = tpu.sem_alloc : memref<!tpu.dma_semaphore, #tpu.memory_space<semaphore_mem>>
      %dma_start3A_527 = arith.constant 0 : i32
      %dma_start3A_528 = tpu.memref_slice %arg16[%add3A_75, %dma_start3A_527] : memref<10000x128xf32, #tpu.memory_space<vmem_shared>> -> memref<16x128xf32, #tpu.memory_space<vmem_shared>>
      %dma_start3A_529 = arith.constant 0 : i32
      %dma_start3A_530 = tpu.memref_slice %arg16[%add3A_75, %dma_start3A_529] : memref<10000x128xf32, #tpu.memory_space<vmem_shared>> -> memref<16x128xf32, #tpu.memory_space<vmem_shared>>
      tpu.enqueue_dma source(%arg14 : memref<16x128xf32, #tpu.memory_space<vmem>>) target(%dma_start3A_530 : memref<16x128xf32, #tpu.memory_space<vmem_shared>>) target_semaphore(%run_scoped3A_526 : memref<!tpu.dma_semaphore, #tpu.memory_space<semaphore_mem>>)
      %dma_wait3A_531 = arith.constant 0 : i32
      %dma_wait3A_532 = tpu.memref_slice %arg16[%add3A_75, %dma_wait3A_531] : memref<10000x128xf32, #tpu.memory_space<vmem_shared>> -> memref<16x128xf32, #tpu.memory_space<vmem_shared>>
      %dma_wait3A_533 = arith.constant 0 : i32
      %dma_wait3A_534 = tpu.memref_slice %arg16[%add3A_75, %dma_wait3A_533] : memref<10000x128xf32, #tpu.memory_space<vmem_shared>> -> memref<16x128xf32, #tpu.memory_space<vmem_shared>>
      tpu.wait_dma2 semaphore(%run_scoped3A_526 : memref<!tpu.dma_semaphore, #tpu.memory_space<semaphore_mem>>) src(%arg14 : memref<16x128xf32, #tpu.memory_space<vmem>>) dst(%dma_wait3A_534 : memref<16x128xf32, #tpu.memory_space<vmem_shared>>)
      tpu.yield
    }) : () -> ()
    %add3A_76 = arith.constant 576 : i32
    %add3A_77 = arith.addi %mul3A_4, %add3A_76 : i32
    "tpu.region"() ({
      %run_scoped3A_526 = tpu.sem_alloc : memref<!tpu.dma_semaphore, #tpu.memory_space<semaphore_mem>>
      %dma_start3A_527 = arith.constant 0 : i32
      %dma_start3A_528 = tpu.memref_slice %arg16[%add3A_77, %dma_start3A_527] : memref<10000x128xf32, #tpu.memory_space<vmem_shared>> -> memref<16x128xf32, #tpu.memory_space<vmem_shared>>
      %dma_start3A_529 = arith.constant 0 : i32
      %dma_start3A_530 = tpu.memref_slice %arg16[%add3A_77, %dma_start3A_529] : memref<10000x128xf32, #tpu.memory_space<vmem_shared>> -> memref<16x128xf32, #tpu.memory_space<vmem_shared>>
      tpu.enqueue_dma source(%arg14 : memref<16x128xf32, #tpu.memory_space<vmem>>) target(%dma_start3A_530 : memref<16x128xf32, #tpu.memory_space<vmem_shared>>) target_semaphore(%run_scoped3A_526 : memref<!tpu.dma_semaphore, #tpu.memory_space<semaphore_mem>>)
      %dma_wait3A_531 = arith.constant 0 : i32
      %dma_wait3A_532 = tpu.memref_slice %arg16[%add3A_77, %dma_wait3A_531] : memref<10000x128xf32, #tpu.memory_space<vmem_shared>> -> memref<16x128xf32, #tpu.memory_space<vmem_shared>>
      %dma_wait3A_533 = arith.constant 0 : i32
      %dma_wait3A_534 = tpu.memref_slice %arg16[%add3A_77, %dma_wait3A_533] : memref<10000x128xf32, #tpu.memory_space<vmem_shared>> -> memref<16x128xf32, #tpu.memory_space<vmem_shared>>
      tpu.wait_dma2 semaphore(%run_scoped3A_526 : memref<!tpu.dma_semaphore, #tpu.memory_space<semaphore_mem>>) src(%arg14 : memref<16x128xf32, #tpu.memory_space<vmem>>) dst(%dma_wait3A_534 : memref<16x128xf32, #tpu.memory_space<vmem_shared>>)
      tpu.yield
    }) : () -> ()
    %add3A_78 = arith.constant 592 : i32
    %add3A_79 = arith.addi %mul3A_4, %add3A_78 : i32
    "tpu.region"() ({
      %run_scoped3A_526 = tpu.sem_alloc : memref<!tpu.dma_semaphore, #tpu.memory_space<semaphore_mem>>
      %dma_start3A_527 = arith.constant 0 : i32
      %dma_start3A_528 = tpu.memref_slice %arg16[%add3A_79, %dma_start3A_527] : memref<10000x128xf32, #tpu.memory_space<vmem_shared>> -> memref<16x128xf32, #tpu.memory_space<vmem_shared>>
      %dma_start3A_529 = arith.constant 0 : i32
      %dma_start3A_530 = tpu.memref_slice %arg16[%add3A_79, %dma_start3A_529] : memref<10000x128xf32, #tpu.memory_space<vmem_shared>> -> memref<16x128xf32, #tpu.memory_space<vmem_shared>>
      tpu.enqueue_dma source(%arg14 : memref<16x128xf32, #tpu.memory_space<vmem>>) target(%dma_start3A_530 : memref<16x128xf32, #tpu.memory_space<vmem_shared>>) target_semaphore(%run_scoped3A_526 : memref<!tpu.dma_semaphore, #tpu.memory_space<semaphore_mem>>)
      %dma_wait3A_531 = arith.constant 0 : i32
      %dma_wait3A_532 = tpu.memref_slice %arg16[%add3A_79, %dma_wait3A_531] : memref<10000x128xf32, #tpu.memory_space<vmem_shared>> -> memref<16x128xf32, #tpu.memory_space<vmem_shared>>
      %dma_wait3A_533 = arith.constant 0 : i32
      %dma_wait3A_534 = tpu.memref_slice %arg16[%add3A_79, %dma_wait3A_533] : memref<10000x128xf32, #tpu.memory_space<vmem_shared>> -> memref<16x128xf32, #tpu.memory_space<vmem_shared>>
      tpu.wait_dma2 semaphore(%run_scoped3A_526 : memref<!tpu.dma_semaphore, #tpu.memory_space<semaphore_mem>>) src(%arg14 : memref<16x128xf32, #tpu.memory_space<vmem>>) dst(%dma_wait3A_534 : memref<16x128xf32, #tpu.memory_space<vmem_shared>>)
      tpu.yield
    }) : () -> ()
    %add3A_80 = arith.constant 608 : i32
    %add3A_81 = arith.addi %mul3A_4, %add3A_80 : i32
    "tpu.region"() ({
      %run_scoped3A_526 = tpu.sem_alloc : memref<!tpu.dma_semaphore, #tpu.memory_space<semaphore_mem>>
      %dma_start3A_527 = arith.constant 0 : i32
      %dma_start3A_528 = tpu.memref_slice %arg16[%add3A_81, %dma_start3A_527] : memref<10000x128xf32, #tpu.memory_space<vmem_shared>> -> memref<16x128xf32, #tpu.memory_space<vmem_shared>>
      %dma_start3A_529 = arith.constant 0 : i32
      %dma_start3A_530 = tpu.memref_slice %arg16[%add3A_81, %dma_start3A_529] : memref<10000x128xf32, #tpu.memory_space<vmem_shared>> -> memref<16x128xf32, #tpu.memory_space<vmem_shared>>
      tpu.enqueue_dma source(%arg14 : memref<16x128xf32, #tpu.memory_space<vmem>>) target(%dma_start3A_530 : memref<16x128xf32, #tpu.memory_space<vmem_shared>>) target_semaphore(%run_scoped3A_526 : memref<!tpu.dma_semaphore, #tpu.memory_space<semaphore_mem>>)
      %dma_wait3A_531 = arith.constant 0 : i32
      %dma_wait3A_532 = tpu.memref_slice %arg16[%add3A_81, %dma_wait3A_531] : memref<10000x128xf32, #tpu.memory_space<vmem_shared>> -> memref<16x128xf32, #tpu.memory_space<vmem_shared>>
      %dma_wait3A_533 = arith.constant 0 : i32
      %dma_wait3A_534 = tpu.memref_slice %arg16[%add3A_81, %dma_wait3A_533] : memref<10000x128xf32, #tpu.memory_space<vmem_shared>> -> memref<16x128xf32, #tpu.memory_space<vmem_shared>>
      tpu.wait_dma2 semaphore(%run_scoped3A_526 : memref<!tpu.dma_semaphore, #tpu.memory_space<semaphore_mem>>) src(%arg14 : memref<16x128xf32, #tpu.memory_space<vmem>>) dst(%dma_wait3A_534 : memref<16x128xf32, #tpu.memory_space<vmem_shared>>)
      tpu.yield
    }) : () -> ()
    %eq3A = arith.constant 0 : i32
    %eq3A_82 = arith.cmpi eq, %arg1, %eq3A : i32
    %convert_element_type3A_83 = arith.extui %eq3A_82 : i1 to i32
    %cond3A_84 = arith.constant 0 : i32
    %cond3A_85 = arith.cmpi ne, %convert_element_type3A_83, %cond3A_84 : i32
    scf.if %cond3A_85 {
      "tpu.region"() ({
        %run_scoped3A_526 = tpu.sem_alloc : memref<!tpu.dma_semaphore, #tpu.memory_space<semaphore_mem>>
        %dma_start3A_527 = arith.constant 0 : i32
        %dma_start3A_528 = arith.constant 0 : i32
        %dma_start3A_529 = tpu.memref_slice %arg14[%dma_start3A_527, %dma_start3A_528] : memref<16x128xf32, #tpu.memory_space<vmem>> -> memref<16x128xf32, #tpu.memory_space<vmem>>
        %dma_start3A_530 = arith.constant 9984 : i32
        %dma_start3A_531 = arith.constant 0 : i32
        %dma_start3A_532 = tpu.memref_slice %arg16[%dma_start3A_530, %dma_start3A_531] : memref<10000x128xf32, #tpu.memory_space<vmem_shared>> -> memref<16x128xf32, #tpu.memory_space<vmem_shared>>
        %dma_start3A_533 = arith.constant 9984 : i32
        %dma_start3A_534 = arith.constant 0 : i32
        %dma_start3A_535 = tpu.memref_slice %arg16[%dma_start3A_533, %dma_start3A_534] : memref<10000x128xf32, #tpu.memory_space<vmem_shared>> -> memref<16x128xf32, #tpu.memory_space<vmem_shared>>
        %dma_start3A_536 = arith.constant 0 : i32
        %dma_start3A_537 = arith.constant 0 : i32
        %dma_start3A_538 = tpu.memref_slice %arg14[%dma_start3A_536, %dma_start3A_537] : memref<16x128xf32, #tpu.memory_space<vmem>> -> memref<16x128xf32, #tpu.memory_space<vmem>>
        tpu.enqueue_dma source(%dma_start3A_538 : memref<16x128xf32, #tpu.memory_space<vmem>>) target(%dma_start3A_535 : memref<16x128xf32, #tpu.memory_space<vmem_shared>>) target_semaphore(%run_scoped3A_526 : memref<!tpu.dma_semaphore, #tpu.memory_space<semaphore_mem>>)
        %dma_wait3A_539 = arith.constant 0 : i32
        %dma_wait3A_540 = arith.constant 0 : i32
        %dma_wait3A_541 = tpu.memref_slice %arg14[%dma_wait3A_539, %dma_wait3A_540] : memref<16x128xf32, #tpu.memory_space<vmem>> -> memref<16x128xf32, #tpu.memory_space<vmem>>
        %dma_wait3A_542 = arith.constant 9984 : i32
        %dma_wait3A_543 = arith.constant 0 : i32
        %dma_wait3A_544 = tpu.memref_slice %arg16[%dma_wait3A_542, %dma_wait3A_543] : memref<10000x128xf32, #tpu.memory_space<vmem_shared>> -> memref<16x128xf32, #tpu.memory_space<vmem_shared>>
        %dma_wait3A_545 = arith.constant 9984 : i32
        %dma_wait3A_546 = arith.constant 0 : i32
        %dma_wait3A_547 = tpu.memref_slice %arg16[%dma_wait3A_545, %dma_wait3A_546] : memref<10000x128xf32, #tpu.memory_space<vmem_shared>> -> memref<16x128xf32, #tpu.memory_space<vmem_shared>>
        %dma_wait3A_548 = arith.constant 0 : i32
        %dma_wait3A_549 = arith.constant 0 : i32
        %dma_wait3A_550 = tpu.memref_slice %arg14[%dma_wait3A_548, %dma_wait3A_549] : memref<16x128xf32, #tpu.memory_space<vmem>> -> memref<16x128xf32, #tpu.memory_space<vmem>>
        tpu.wait_dma2 semaphore(%run_scoped3A_526 : memref<!tpu.dma_semaphore, #tpu.memory_space<semaphore_mem>>) src(%dma_wait3A_550 : memref<16x128xf32, #tpu.memory_space<vmem>>) dst(%dma_wait3A_547 : memref<16x128xf32, #tpu.memory_space<vmem_shared>>)
        tpu.yield
      }) : () -> ()
    } else {
    }
    %mul3A_86 = arith.constant 16 : i32
    %mul3A_87 = arith.muli %arg0, %mul3A_86 : i32
    %add3A_88 = arith.addi %mul3A_87, %arg1 : i32
    %run_scoped3A = arith.constant 0 : i32
    %run_scoped3A_89 = arith.constant 0 : i32
    "tpu.region"() ({
      %run_scoped3A_526 = tpu.sem_alloc : memref<!tpu.dma_semaphore, #tpu.memory_space<semaphore_mem>>
      %dma_start3A_527 = arith.constant 0 : i32
      %dma_start3A_528 = arith.constant 0 : i32
      %dma_start3A_529 = tpu.memref_slice %arg10[%run_scoped3A_89, %dma_start3A_527, %dma_start3A_528] : memref<2x5x80xi32, #tpu.memory_space<vmem>> -> memref<1x5x80xi32, #tpu.memory_space<vmem>>
      %dma_start3A_530 = tpu.memref_squeeze %dma_start3A_529 : memref<1x5x80xi32, #tpu.memory_space<vmem>> -> memref<5x80xi32, #tpu.memory_space<vmem>>
      %dma_start3A_531 = arith.constant 0 : i32
      %dma_start3A_532 = arith.constant 0 : i32
      %dma_start3A_533 = arith.constant 0 : i32
      %dma_start3A_534 = tpu.memref_slice %arg2[%add3A_88, %dma_start3A_531, %dma_start3A_532, %dma_start3A_533] : memref<32x25x5x80xi32, #tpu.memory_space<hbm>> -> memref<1x25x5x80xi32, #tpu.memory_space<hbm>>
      %dma_start3A_535 = tpu.memref_squeeze %dma_start3A_534 : memref<1x25x5x80xi32, #tpu.memory_space<hbm>> -> memref<25x5x80xi32, #tpu.memory_space<hbm>>
      %dma_start3A_536 = arith.constant 0 : i32
      %dma_start3A_537 = arith.constant 0 : i32
      %dma_start3A_538 = tpu.memref_slice %dma_start3A_535[%run_scoped3A, %dma_start3A_536, %dma_start3A_537] : memref<25x5x80xi32, #tpu.memory_space<hbm>> -> memref<1x5x80xi32, #tpu.memory_space<hbm>>
      %dma_start3A_539 = tpu.memref_squeeze %dma_start3A_538 : memref<1x5x80xi32, #tpu.memory_space<hbm>> -> memref<5x80xi32, #tpu.memory_space<hbm>>
      %dma_start3A_540 = arith.constant 0 : i32
      %dma_start3A_541 = arith.constant 0 : i32
      %dma_start3A_542 = tpu.memref_slice %arg10[%run_scoped3A_89, %dma_start3A_540, %dma_start3A_541] : memref<2x5x80xi32, #tpu.memory_space<vmem>> -> memref<1x5x80xi32, #tpu.memory_space<vmem>>
      %dma_start3A_543 = tpu.memref_squeeze %dma_start3A_542 : memref<1x5x80xi32, #tpu.memory_space<vmem>> -> memref<5x80xi32, #tpu.memory_space<vmem>>
      %dma_start3A_544 = arith.constant 0 : i32
      %dma_start3A_545 = arith.constant 0 : i32
      %dma_start3A_546 = arith.constant 0 : i32
      %dma_start3A_547 = tpu.memref_slice %arg2[%add3A_88, %dma_start3A_544, %dma_start3A_545, %dma_start3A_546] : memref<32x25x5x80xi32, #tpu.memory_space<hbm>> -> memref<1x25x5x80xi32, #tpu.memory_space<hbm>>
      %dma_start3A_548 = tpu.memref_squeeze %dma_start3A_547 : memref<1x25x5x80xi32, #tpu.memory_space<hbm>> -> memref<25x5x80xi32, #tpu.memory_space<hbm>>
      %dma_start3A_549 = arith.constant 0 : i32
      %dma_start3A_550 = arith.constant 0 : i32
      %dma_start3A_551 = tpu.memref_slice %dma_start3A_548[%run_scoped3A, %dma_start3A_549, %dma_start3A_550] : memref<25x5x80xi32, #tpu.memory_space<hbm>> -> memref<1x5x80xi32, #tpu.memory_space<hbm>>
      %dma_start3A_552 = tpu.memref_squeeze %dma_start3A_551 : memref<1x5x80xi32, #tpu.memory_space<hbm>> -> memref<5x80xi32, #tpu.memory_space<hbm>>
      tpu.enqueue_dma source(%dma_start3A_552 : memref<5x80xi32, #tpu.memory_space<hbm>>) target(%dma_start3A_543 : memref<5x80xi32, #tpu.memory_space<vmem>>) target_semaphore(%run_scoped3A_526 : memref<!tpu.dma_semaphore, #tpu.memory_space<semaphore_mem>>)
      %dma_wait3A_553 = arith.constant 0 : i32
      %dma_wait3A_554 = arith.constant 0 : i32
      %dma_wait3A_555 = tpu.memref_slice %arg10[%run_scoped3A_89, %dma_wait3A_553, %dma_wait3A_554] : memref<2x5x80xi32, #tpu.memory_space<vmem>> -> memref<1x5x80xi32, #tpu.memory_space<vmem>>
      %dma_wait3A_556 = tpu.memref_squeeze %dma_wait3A_555 : memref<1x5x80xi32, #tpu.memory_space<vmem>> -> memref<5x80xi32, #tpu.memory_space<vmem>>
      %dma_wait3A_557 = arith.constant 0 : i32
      %dma_wait3A_558 = arith.constant 0 : i32
      %dma_wait3A_559 = arith.constant 0 : i32
      %dma_wait3A_560 = tpu.memref_slice %arg2[%add3A_88, %dma_wait3A_557, %dma_wait3A_558, %dma_wait3A_559] : memref<32x25x5x80xi32, #tpu.memory_space<hbm>> -> memref<1x25x5x80xi32, #tpu.memory_space<hbm>>
      %dma_wait3A_561 = tpu.memref_squeeze %dma_wait3A_560 : memref<1x25x5x80xi32, #tpu.memory_space<hbm>> -> memref<25x5x80xi32, #tpu.memory_space<hbm>>
      %dma_wait3A_562 = arith.constant 0 : i32
      %dma_wait3A_563 = arith.constant 0 : i32
      %dma_wait3A_564 = tpu.memref_slice %dma_wait3A_561[%run_scoped3A, %dma_wait3A_562, %dma_wait3A_563] : memref<25x5x80xi32, #tpu.memory_space<hbm>> -> memref<1x5x80xi32, #tpu.memory_space<hbm>>
      %dma_wait3A_565 = tpu.memref_squeeze %dma_wait3A_564 : memref<1x5x80xi32, #tpu.memory_space<hbm>> -> memref<5x80xi32, #tpu.memory_space<hbm>>
      %dma_wait3A_566 = arith.constant 0 : i32
      %dma_wait3A_567 = arith.constant 0 : i32
      %dma_wait3A_568 = tpu.memref_slice %arg10[%run_scoped3A_89, %dma_wait3A_566, %dma_wait3A_567] : memref<2x5x80xi32, #tpu.memory_space<vmem>> -> memref<1x5x80xi32, #tpu.memory_space<vmem>>
      %dma_wait3A_569 = tpu.memref_squeeze %dma_wait3A_568 : memref<1x5x80xi32, #tpu.memory_space<vmem>> -> memref<5x80xi32, #tpu.memory_space<vmem>>
      %dma_wait3A_570 = arith.constant 0 : i32
      %dma_wait3A_571 = arith.constant 0 : i32
      %dma_wait3A_572 = arith.constant 0 : i32
      %dma_wait3A_573 = tpu.memref_slice %arg2[%add3A_88, %dma_wait3A_570, %dma_wait3A_571, %dma_wait3A_572] : memref<32x25x5x80xi32, #tpu.memory_space<hbm>> -> memref<1x25x5x80xi32, #tpu.memory_space<hbm>>
      %dma_wait3A_574 = tpu.memref_squeeze %dma_wait3A_573 : memref<1x25x5x80xi32, #tpu.memory_space<hbm>> -> memref<25x5x80xi32, #tpu.memory_space<hbm>>
      %dma_wait3A_575 = arith.constant 0 : i32
      %dma_wait3A_576 = arith.constant 0 : i32
      %dma_wait3A_577 = tpu.memref_slice %dma_wait3A_574[%run_scoped3A, %dma_wait3A_575, %dma_wait3A_576] : memref<25x5x80xi32, #tpu.memory_space<hbm>> -> memref<1x5x80xi32, #tpu.memory_space<hbm>>
      %dma_wait3A_578 = tpu.memref_squeeze %dma_wait3A_577 : memref<1x5x80xi32, #tpu.memory_space<hbm>> -> memref<5x80xi32, #tpu.memory_space<hbm>>
      tpu.wait_dma2 semaphore(%run_scoped3A_526 : memref<!tpu.dma_semaphore, #tpu.memory_space<semaphore_mem>>) src(%dma_wait3A_578 : memref<5x80xi32, #tpu.memory_space<hbm>>) dst(%dma_wait3A_569 : memref<5x80xi32, #tpu.memory_space<vmem>>)
      tpu.yield
    }) : () -> ()
    %run_scoped3A_90 = arith.constant 0 : i32
    %run_scoped3A_91 = arith.constant 0 : i32
    "tpu.region"() ({
      %run_scoped3A_526 = tpu.sem_alloc : memref<!tpu.dma_semaphore, #tpu.memory_space<semaphore_mem>>
      %dma_start3A_527 = arith.constant 0 : i32
      %dma_start3A_528 = arith.constant 0 : i32
      %dma_start3A_529 = tpu.memref_slice %arg11[%run_scoped3A_91, %dma_start3A_527, %dma_start3A_528] : memref<2x5x80xi32, #tpu.memory_space<vmem>> -> memref<1x5x80xi32, #tpu.memory_space<vmem>>
      %dma_start3A_530 = tpu.memref_squeeze %dma_start3A_529 : memref<1x5x80xi32, #tpu.memory_space<vmem>> -> memref<5x80xi32, #tpu.memory_space<vmem>>
      %dma_start3A_531 = arith.constant 0 : i32
      %dma_start3A_532 = arith.constant 0 : i32
      %dma_start3A_533 = arith.constant 0 : i32
      %dma_start3A_534 = tpu.memref_slice %arg3[%add3A_88, %dma_start3A_531, %dma_start3A_532, %dma_start3A_533] : memref<32x25x5x80xi32, #tpu.memory_space<hbm>> -> memref<1x25x5x80xi32, #tpu.memory_space<hbm>>
      %dma_start3A_535 = tpu.memref_squeeze %dma_start3A_534 : memref<1x25x5x80xi32, #tpu.memory_space<hbm>> -> memref<25x5x80xi32, #tpu.memory_space<hbm>>
      %dma_start3A_536 = arith.constant 0 : i32
      %dma_start3A_537 = arith.constant 0 : i32
      %dma_start3A_538 = tpu.memref_slice %dma_start3A_535[%run_scoped3A_90, %dma_start3A_536, %dma_start3A_537] : memref<25x5x80xi32, #tpu.memory_space<hbm>> -> memref<1x5x80xi32, #tpu.memory_space<hbm>>
      %dma_start3A_539 = tpu.memref_squeeze %dma_start3A_538 : memref<1x5x80xi32, #tpu.memory_space<hbm>> -> memref<5x80xi32, #tpu.memory_space<hbm>>
      %dma_start3A_540 = arith.constant 0 : i32
      %dma_start3A_541 = arith.constant 0 : i32
      %dma_start3A_542 = tpu.memref_slice %arg11[%run_scoped3A_91, %dma_start3A_540, %dma_start3A_541] : memref<2x5x80xi32, #tpu.memory_space<vmem>> -> memref<1x5x80xi32, #tpu.memory_space<vmem>>
      %dma_start3A_543 = tpu.memref_squeeze %dma_start3A_542 : memref<1x5x80xi32, #tpu.memory_space<vmem>> -> memref<5x80xi32, #tpu.memory_space<vmem>>
      %dma_start3A_544 = arith.constant 0 : i32
      %dma_start3A_545 = arith.constant 0 : i32
      %dma_start3A_546 = arith.constant 0 : i32
      %dma_start3A_547 = tpu.memref_slice %arg3[%add3A_88, %dma_start3A_544, %dma_start3A_545, %dma_start3A_546] : memref<32x25x5x80xi32, #tpu.memory_space<hbm>> -> memref<1x25x5x80xi32, #tpu.memory_space<hbm>>
      %dma_start3A_548 = tpu.memref_squeeze %dma_start3A_547 : memref<1x25x5x80xi32, #tpu.memory_space<hbm>> -> memref<25x5x80xi32, #tpu.memory_space<hbm>>
      %dma_start3A_549 = arith.constant 0 : i32
      %dma_start3A_550 = arith.constant 0 : i32
      %dma_start3A_551 = tpu.memref_slice %dma_start3A_548[%run_scoped3A_90, %dma_start3A_549, %dma_start3A_550] : memref<25x5x80xi32, #tpu.memory_space<hbm>> -> memref<1x5x80xi32, #tpu.memory_space<hbm>>
      %dma_start3A_552 = tpu.memref_squeeze %dma_start3A_551 : memref<1x5x80xi32, #tpu.memory_space<hbm>> -> memref<5x80xi32, #tpu.memory_space<hbm>>
      tpu.enqueue_dma source(%dma_start3A_552 : memref<5x80xi32, #tpu.memory_space<hbm>>) target(%dma_start3A_543 : memref<5x80xi32, #tpu.memory_space<vmem>>) target_semaphore(%run_scoped3A_526 : memref<!tpu.dma_semaphore, #tpu.memory_space<semaphore_mem>>)
      %dma_wait3A_553 = arith.constant 0 : i32
      %dma_wait3A_554 = arith.constant 0 : i32
      %dma_wait3A_555 = tpu.memref_slice %arg11[%run_scoped3A_91, %dma_wait3A_553, %dma_wait3A_554] : memref<2x5x80xi32, #tpu.memory_space<vmem>> -> memref<1x5x80xi32, #tpu.memory_space<vmem>>
      %dma_wait3A_556 = tpu.memref_squeeze %dma_wait3A_555 : memref<1x5x80xi32, #tpu.memory_space<vmem>> -> memref<5x80xi32, #tpu.memory_space<vmem>>
      %dma_wait3A_557 = arith.constant 0 : i32
      %dma_wait3A_558 = arith.constant 0 : i32
      %dma_wait3A_559 = arith.constant 0 : i32
      %dma_wait3A_560 = tpu.memref_slice %arg3[%add3A_88, %dma_wait3A_557, %dma_wait3A_558, %dma_wait3A_559] : memref<32x25x5x80xi32, #tpu.memory_space<hbm>> -> memref<1x25x5x80xi32, #tpu.memory_space<hbm>>
      %dma_wait3A_561 = tpu.memref_squeeze %dma_wait3A_560 : memref<1x25x5x80xi32, #tpu.memory_space<hbm>> -> memref<25x5x80xi32, #tpu.memory_space<hbm>>
      %dma_wait3A_562 = arith.constant 0 : i32
      %dma_wait3A_563 = arith.constant 0 : i32
      %dma_wait3A_564 = tpu.memref_slice %dma_wait3A_561[%run_scoped3A_90, %dma_wait3A_562, %dma_wait3A_563] : memref<25x5x80xi32, #tpu.memory_space<hbm>> -> memref<1x5x80xi32, #tpu.memory_space<hbm>>
      %dma_wait3A_565 = tpu.memref_squeeze %dma_wait3A_564 : memref<1x5x80xi32, #tpu.memory_space<hbm>> -> memref<5x80xi32, #tpu.memory_space<hbm>>
      %dma_wait3A_566 = arith.constant 0 : i32
      %dma_wait3A_567 = arith.constant 0 : i32
      %dma_wait3A_568 = tpu.memref_slice %arg11[%run_scoped3A_91, %dma_wait3A_566, %dma_wait3A_567] : memref<2x5x80xi32, #tpu.memory_space<vmem>> -> memref<1x5x80xi32, #tpu.memory_space<vmem>>
      %dma_wait3A_569 = tpu.memref_squeeze %dma_wait3A_568 : memref<1x5x80xi32, #tpu.memory_space<vmem>> -> memref<5x80xi32, #tpu.memory_space<vmem>>
      %dma_wait3A_570 = arith.constant 0 : i32
      %dma_wait3A_571 = arith.constant 0 : i32
      %dma_wait3A_572 = arith.constant 0 : i32
      %dma_wait3A_573 = tpu.memref_slice %arg3[%add3A_88, %dma_wait3A_570, %dma_wait3A_571, %dma_wait3A_572] : memref<32x25x5x80xi32, #tpu.memory_space<hbm>> -> memref<1x25x5x80xi32, #tpu.memory_space<hbm>>
      %dma_wait3A_574 = tpu.memref_squeeze %dma_wait3A_573 : memref<1x25x5x80xi32, #tpu.memory_space<hbm>> -> memref<25x5x80xi32, #tpu.memory_space<hbm>>
      %dma_wait3A_575 = arith.constant 0 : i32
      %dma_wait3A_576 = arith.constant 0 : i32
      %dma_wait3A_577 = tpu.memref_slice %dma_wait3A_574[%run_scoped3A_90, %dma_wait3A_575, %dma_wait3A_576] : memref<25x5x80xi32, #tpu.memory_space<hbm>> -> memref<1x5x80xi32, #tpu.memory_space<hbm>>
      %dma_wait3A_578 = tpu.memref_squeeze %dma_wait3A_577 : memref<1x5x80xi32, #tpu.memory_space<hbm>> -> memref<5x80xi32, #tpu.memory_space<hbm>>
      tpu.wait_dma2 semaphore(%run_scoped3A_526 : memref<!tpu.dma_semaphore, #tpu.memory_space<semaphore_mem>>) src(%dma_wait3A_578 : memref<5x80xi32, #tpu.memory_space<hbm>>) dst(%dma_wait3A_569 : memref<5x80xi32, #tpu.memory_space<vmem>>)
      tpu.yield
    }) : () -> ()
    %barrier3A = arith.constant 0 : index
    tpu.barrier barrier_id(%barrier3A)
    %div3A = arith.constant 0 : i32
    %div3A_92 = arith.constant 5 : i32
    %div3A_93 = arith.divsi %div3A, %div3A_92 : i32
    %rem3A = arith.constant 2 : i32
    %rem3A_94 = arith.remsi %div3A_93, %rem3A : i32
    %rem3A_95 = arith.constant 0 : i32
    %rem3A_96 = arith.constant 5 : i32
    %rem3A_97 = arith.remsi %rem3A_95, %rem3A_96 : i32
    %dma_start3A = arith.constant 0 : i32
    %dma_start3A_98 = arith.constant 0 : i32
    %dma_start3A_99 = arith.constant 0 : i32
    %dma_start3A_100 = arith.constant 0 : i32
    %dma_start3A_101 = tpu.memref_slice %arg12[%dma_start3A, %dma_start3A_99, %dma_start3A_100] : memref<3x80x128xf32, #tpu.memory_space<vmem>> -> memref<1x80x128xf32, #tpu.memory_space<vmem>>
    %dma_start3A_102 = tpu.memref_squeeze %dma_start3A_101 : memref<1x80x128xf32, #tpu.memory_space<vmem>> -> memref<80x128xf32, #tpu.memory_space<vmem>>
    %dma_start3A_103 = arith.constant 0 : i32
    %dma_start3A_104 = arith.constant 0 : i32
    %dma_start3A_105 = tpu.memref_slice %arg10[%rem3A_94, %dma_start3A_103, %dma_start3A_104] : memref<2x5x80xi32, #tpu.memory_space<vmem>> -> memref<1x5x80xi32, #tpu.memory_space<vmem>>
    %dma_start3A_106 = tpu.memref_squeeze %dma_start3A_105 : memref<1x5x80xi32, #tpu.memory_space<vmem>> -> memref<5x80xi32, #tpu.memory_space<vmem>>
    %dma_start3A_107 = arith.constant 0 : i32
    %dma_start3A_108 = tpu.memref_slice %dma_start3A_106[%rem3A_97, %dma_start3A_107] : memref<5x80xi32, #tpu.memory_space<vmem>> -> memref<1x80xi32, #tpu.memory_space<vmem>>
    %dma_start3A_109 = tpu.memref_squeeze %dma_start3A_108 : memref<1x80xi32, #tpu.memory_space<vmem>> -> memref<80xi32, #tpu.memory_space<vmem>>
    %dma_start3A_110 = arith.constant 0 : i32
    %dma_start3A_111 = arith.constant 0 : i32
    %dma_start3A_112 = tpu.memref_slice %arg4[%dma_start3A_110, %dma_start3A_111] : memref<10000x128xf32, #tpu.memory_space<hbm>> -> memref<10000x128xf32, #tpu.memory_space<hbm>>
    %dma_start3A_113 = tpu.memref_slice %arg19[%dma_start3A_98] : memref<3x!tpu.dma_semaphore, #tpu.memory_space<semaphore_mem>> -> memref<1x!tpu.dma_semaphore, #tpu.memory_space<semaphore_mem>>
    %dma_start3A_114 = tpu.memref_squeeze %dma_start3A_113 : memref<1x!tpu.dma_semaphore, #tpu.memory_space<semaphore_mem>> -> memref<!tpu.dma_semaphore, #tpu.memory_space<semaphore_mem>>
    tpu.enqueue_indirect_dma source(%dma_start3A_112 : memref<10000x128xf32, #tpu.memory_space<hbm>>) target(%dma_start3A_102 : memref<80x128xf32, #tpu.memory_space<vmem>>) offsets(%dma_start3A_109 : memref<80xi32, #tpu.memory_space<vmem>>) semaphore(%dma_start3A_114 : memref<!tpu.dma_semaphore, #tpu.memory_space<semaphore_mem>>)
    %div3A_115 = arith.constant 0 : i32
    %div3A_116 = arith.constant 5 : i32
    %div3A_117 = arith.divsi %div3A_115, %div3A_116 : i32
    %rem3A_118 = arith.constant 2 : i32
    %rem3A_119 = arith.remsi %div3A_117, %rem3A_118 : i32
    %rem3A_120 = arith.constant 0 : i32
    %rem3A_121 = arith.constant 5 : i32
    %rem3A_122 = arith.remsi %rem3A_120, %rem3A_121 : i32
    %dma_start3A_123 = arith.constant 0 : i32
    %dma_start3A_124 = arith.constant 0 : i32
    %dma_start3A_125 = arith.constant 0 : i32
    %dma_start3A_126 = tpu.memref_slice %arg13[%dma_start3A_123, %dma_start3A_125] : memref<3x80xf32, #tpu.memory_space<vmem>> -> memref<1x80xf32, #tpu.memory_space<vmem>>
    %dma_start3A_127 = tpu.memref_squeeze %dma_start3A_126 : memref<1x80xf32, #tpu.memory_space<vmem>> -> memref<80xf32, #tpu.memory_space<vmem>>
    %dma_start3A_128 = arith.constant 0 : i32
    %dma_start3A_129 = arith.constant 0 : i32
    %dma_start3A_130 = tpu.memref_slice %arg11[%rem3A_119, %dma_start3A_128, %dma_start3A_129] : memref<2x5x80xi32, #tpu.memory_space<vmem>> -> memref<1x5x80xi32, #tpu.memory_space<vmem>>
    %dma_start3A_131 = tpu.memref_squeeze %dma_start3A_130 : memref<1x5x80xi32, #tpu.memory_space<vmem>> -> memref<5x80xi32, #tpu.memory_space<vmem>>
    %dma_start3A_132 = arith.constant 0 : i32
    %dma_start3A_133 = tpu.memref_slice %dma_start3A_131[%rem3A_122, %dma_start3A_132] : memref<5x80xi32, #tpu.memory_space<vmem>> -> memref<1x80xi32, #tpu.memory_space<vmem>>
    %dma_start3A_134 = tpu.memref_squeeze %dma_start3A_133 : memref<1x80xi32, #tpu.memory_space<vmem>> -> memref<80xi32, #tpu.memory_space<vmem>>
    %dma_start3A_135 = arith.constant 0 : i32
    %dma_start3A_136 = tpu.memref_slice %arg18[%dma_start3A_135] : memref<10000xf32, #tpu.memory_space<vmem_shared>> -> memref<10000xf32, #tpu.memory_space<vmem_shared>>
    %dma_start3A_137 = tpu.memref_slice %arg20[%dma_start3A_124] : memref<3x!tpu.dma_semaphore, #tpu.memory_space<semaphore_mem>> -> memref<1x!tpu.dma_semaphore, #tpu.memory_space<semaphore_mem>>
    %dma_start3A_138 = tpu.memref_squeeze %dma_start3A_137 : memref<1x!tpu.dma_semaphore, #tpu.memory_space<semaphore_mem>> -> memref<!tpu.dma_semaphore, #tpu.memory_space<semaphore_mem>>
    tpu.enqueue_indirect_dma source(%dma_start3A_136 : memref<10000xf32, #tpu.memory_space<vmem_shared>>) target(%dma_start3A_127 : memref<80xf32, #tpu.memory_space<vmem>>) offsets(%dma_start3A_134 : memref<80xi32, #tpu.memory_space<vmem>>) semaphore(%dma_start3A_138 : memref<!tpu.dma_semaphore, #tpu.memory_space<semaphore_mem>>)
    %div3A_139 = arith.constant 1 : i32
    %div3A_140 = arith.constant 5 : i32
    %div3A_141 = arith.divsi %div3A_139, %div3A_140 : i32
    %rem3A_142 = arith.constant 2 : i32
    %rem3A_143 = arith.remsi %div3A_141, %rem3A_142 : i32
    %rem3A_144 = arith.constant 1 : i32
    %rem3A_145 = arith.constant 5 : i32
    %rem3A_146 = arith.remsi %rem3A_144, %rem3A_145 : i32
    %dma_start3A_147 = arith.constant 1 : i32
    %dma_start3A_148 = arith.constant 1 : i32
    %dma_start3A_149 = arith.constant 0 : i32
    %dma_start3A_150 = arith.constant 0 : i32
    %dma_start3A_151 = tpu.memref_slice %arg12[%dma_start3A_147, %dma_start3A_149, %dma_start3A_150] : memref<3x80x128xf32, #tpu.memory_space<vmem>> -> memref<1x80x128xf32, #tpu.memory_space<vmem>>
    %dma_start3A_152 = tpu.memref_squeeze %dma_start3A_151 : memref<1x80x128xf32, #tpu.memory_space<vmem>> -> memref<80x128xf32, #tpu.memory_space<vmem>>
    %dma_start3A_153 = arith.constant 0 : i32
    %dma_start3A_154 = arith.constant 0 : i32
    %dma_start3A_155 = tpu.memref_slice %arg10[%rem3A_143, %dma_start3A_153, %dma_start3A_154] : memref<2x5x80xi32, #tpu.memory_space<vmem>> -> memref<1x5x80xi32, #tpu.memory_space<vmem>>
    %dma_start3A_156 = tpu.memref_squeeze %dma_start3A_155 : memref<1x5x80xi32, #tpu.memory_space<vmem>> -> memref<5x80xi32, #tpu.memory_space<vmem>>
    %dma_start3A_157 = arith.constant 0 : i32
    %dma_start3A_158 = tpu.memref_slice %dma_start3A_156[%rem3A_146, %dma_start3A_157] : memref<5x80xi32, #tpu.memory_space<vmem>> -> memref<1x80xi32, #tpu.memory_space<vmem>>
    %dma_start3A_159 = tpu.memref_squeeze %dma_start3A_158 : memref<1x80xi32, #tpu.memory_space<vmem>> -> memref<80xi32, #tpu.memory_space<vmem>>
    %dma_start3A_160 = arith.constant 0 : i32
    %dma_start3A_161 = arith.constant 0 : i32
    %dma_start3A_162 = tpu.memref_slice %arg4[%dma_start3A_160, %dma_start3A_161] : memref<10000x128xf32, #tpu.memory_space<hbm>> -> memref<10000x128xf32, #tpu.memory_space<hbm>>
    %dma_start3A_163 = tpu.memref_slice %arg19[%dma_start3A_148] : memref<3x!tpu.dma_semaphore, #tpu.memory_space<semaphore_mem>> -> memref<1x!tpu.dma_semaphore, #tpu.memory_space<semaphore_mem>>
    %dma_start3A_164 = tpu.memref_squeeze %dma_start3A_163 : memref<1x!tpu.dma_semaphore, #tpu.memory_space<semaphore_mem>> -> memref<!tpu.dma_semaphore, #tpu.memory_space<semaphore_mem>>
    tpu.enqueue_indirect_dma source(%dma_start3A_162 : memref<10000x128xf32, #tpu.memory_space<hbm>>) target(%dma_start3A_152 : memref<80x128xf32, #tpu.memory_space<vmem>>) offsets(%dma_start3A_159 : memref<80xi32, #tpu.memory_space<vmem>>) semaphore(%dma_start3A_164 : memref<!tpu.dma_semaphore, #tpu.memory_space<semaphore_mem>>)
    %div3A_165 = arith.constant 1 : i32
    %div3A_166 = arith.constant 5 : i32
    %div3A_167 = arith.divsi %div3A_165, %div3A_166 : i32
    %rem3A_168 = arith.constant 2 : i32
    %rem3A_169 = arith.remsi %div3A_167, %rem3A_168 : i32
    %rem3A_170 = arith.constant 1 : i32
    %rem3A_171 = arith.constant 5 : i32
    %rem3A_172 = arith.remsi %rem3A_170, %rem3A_171 : i32
    %dma_start3A_173 = arith.constant 1 : i32
    %dma_start3A_174 = arith.constant 1 : i32
    %dma_start3A_175 = arith.constant 0 : i32
    %dma_start3A_176 = tpu.memref_slice %arg13[%dma_start3A_173, %dma_start3A_175] : memref<3x80xf32, #tpu.memory_space<vmem>> -> memref<1x80xf32, #tpu.memory_space<vmem>>
    %dma_start3A_177 = tpu.memref_squeeze %dma_start3A_176 : memref<1x80xf32, #tpu.memory_space<vmem>> -> memref<80xf32, #tpu.memory_space<vmem>>
    %dma_start3A_178 = arith.constant 0 : i32
    %dma_start3A_179 = arith.constant 0 : i32
    %dma_start3A_180 = tpu.memref_slice %arg11[%rem3A_169, %dma_start3A_178, %dma_start3A_179] : memref<2x5x80xi32, #tpu.memory_space<vmem>> -> memref<1x5x80xi32, #tpu.memory_space<vmem>>
    %dma_start3A_181 = tpu.memref_squeeze %dma_start3A_180 : memref<1x5x80xi32, #tpu.memory_space<vmem>> -> memref<5x80xi32, #tpu.memory_space<vmem>>
    %dma_start3A_182 = arith.constant 0 : i32
    %dma_start3A_183 = tpu.memref_slice %dma_start3A_181[%rem3A_172, %dma_start3A_182] : memref<5x80xi32, #tpu.memory_space<vmem>> -> memref<1x80xi32, #tpu.memory_space<vmem>>
    %dma_start3A_184 = tpu.memref_squeeze %dma_start3A_183 : memref<1x80xi32, #tpu.memory_space<vmem>> -> memref<80xi32, #tpu.memory_space<vmem>>
    %dma_start3A_185 = arith.constant 0 : i32
    %dma_start3A_186 = tpu.memref_slice %arg18[%dma_start3A_185] : memref<10000xf32, #tpu.memory_space<vmem_shared>> -> memref<10000xf32, #tpu.memory_space<vmem_shared>>
    %dma_start3A_187 = tpu.memref_slice %arg20[%dma_start3A_174] : memref<3x!tpu.dma_semaphore, #tpu.memory_space<semaphore_mem>> -> memref<1x!tpu.dma_semaphore, #tpu.memory_space<semaphore_mem>>
    %dma_start3A_188 = tpu.memref_squeeze %dma_start3A_187 : memref<1x!tpu.dma_semaphore, #tpu.memory_space<semaphore_mem>> -> memref<!tpu.dma_semaphore, #tpu.memory_space<semaphore_mem>>
    tpu.enqueue_indirect_dma source(%dma_start3A_186 : memref<10000xf32, #tpu.memory_space<vmem_shared>>) target(%dma_start3A_177 : memref<80xf32, #tpu.memory_space<vmem>>) offsets(%dma_start3A_184 : memref<80xi32, #tpu.memory_space<vmem>>) semaphore(%dma_start3A_188 : memref<!tpu.dma_semaphore, #tpu.memory_space<semaphore_mem>>)
    %scan3A = arith.constant 0 : i32
    %scan3A_189 = arith.constant 125 : i32
    %scan3A_190 = arith.addi %scan3A, %scan3A_189 : i32
    %scan3A_191 = arith.constant 1 : i32
    scf.for %scan3A_526 = %scan3A to %scan3A_190 step %scan3A_191  : i32 {
      %rem3A_527 = arith.constant 3 : i32
      %rem3A_528 = arith.remsi %scan3A_526, %rem3A_527 : i32
      %rem3A_529 = arith.constant 5 : i32
      %rem3A_530 = arith.remsi %scan3A_526, %rem3A_529 : i32
      %div3A_531 = arith.constant 5 : i32
      %div3A_532 = arith.divsi %scan3A_526, %div3A_531 : i32
      %div3A_533 = arith.constant 5 : i32
      %div3A_534 = arith.divsi %scan3A_526, %div3A_533 : i32
      %rem3A_535 = arith.constant 2 : i32
      %rem3A_536 = arith.remsi %div3A_534, %rem3A_535 : i32
      %rem3A_537 = arith.constant 5 : i32
      %rem3A_538 = arith.remsi %scan3A_526, %rem3A_537 : i32
      %dma_wait3A_539 = arith.constant 0 : i32
      %dma_wait3A_540 = arith.constant 0 : i32
      %dma_wait3A_541 = tpu.memref_slice %arg12[%rem3A_528, %dma_wait3A_539, %dma_wait3A_540] : memref<3x80x128xf32, #tpu.memory_space<vmem>> -> memref<1x80x128xf32, #tpu.memory_space<vmem>>
      %dma_wait3A_542 = tpu.memref_squeeze %dma_wait3A_541 : memref<1x80x128xf32, #tpu.memory_space<vmem>> -> memref<80x128xf32, #tpu.memory_space<vmem>>
      %dma_wait3A_543 = arith.constant 0 : i32
      %dma_wait3A_544 = arith.constant 0 : i32
      %dma_wait3A_545 = tpu.memref_slice %arg10[%rem3A_536, %dma_wait3A_543, %dma_wait3A_544] : memref<2x5x80xi32, #tpu.memory_space<vmem>> -> memref<1x5x80xi32, #tpu.memory_space<vmem>>
      %dma_wait3A_546 = tpu.memref_squeeze %dma_wait3A_545 : memref<1x5x80xi32, #tpu.memory_space<vmem>> -> memref<5x80xi32, #tpu.memory_space<vmem>>
      %dma_wait3A_547 = arith.constant 0 : i32
      %dma_wait3A_548 = tpu.memref_slice %dma_wait3A_546[%rem3A_538, %dma_wait3A_547] : memref<5x80xi32, #tpu.memory_space<vmem>> -> memref<1x80xi32, #tpu.memory_space<vmem>>
      %dma_wait3A_549 = tpu.memref_squeeze %dma_wait3A_548 : memref<1x80xi32, #tpu.memory_space<vmem>> -> memref<80xi32, #tpu.memory_space<vmem>>
      %dma_wait3A_550 = arith.constant 0 : i32
      %dma_wait3A_551 = arith.constant 0 : i32
      %dma_wait3A_552 = tpu.memref_slice %arg4[%dma_wait3A_550, %dma_wait3A_551] : memref<10000x128xf32, #tpu.memory_space<hbm>> -> memref<10000x128xf32, #tpu.memory_space<hbm>>
      %dma_wait3A_553 = tpu.memref_slice %arg19[%rem3A_528] : memref<3x!tpu.dma_semaphore, #tpu.memory_space<semaphore_mem>> -> memref<1x!tpu.dma_semaphore, #tpu.memory_space<semaphore_mem>>
      %dma_wait3A_554 = tpu.memref_squeeze %dma_wait3A_553 : memref<1x!tpu.dma_semaphore, #tpu.memory_space<semaphore_mem>> -> memref<!tpu.dma_semaphore, #tpu.memory_space<semaphore_mem>>
      tpu.wait_indirect_dma semaphore(%dma_wait3A_554 : memref<!tpu.dma_semaphore, #tpu.memory_space<semaphore_mem>>) src(%dma_wait3A_552 : memref<10000x128xf32, #tpu.memory_space<hbm>>) dst(%dma_wait3A_542 : memref<80x128xf32, #tpu.memory_space<vmem>>)
      %div3A_555 = arith.constant 5 : i32
      %div3A_556 = arith.divsi %scan3A_526, %div3A_555 : i32
      %rem3A_557 = arith.constant 2 : i32
      %rem3A_558 = arith.remsi %div3A_556, %rem3A_557 : i32
      %rem3A_559 = arith.constant 5 : i32
      %rem3A_560 = arith.remsi %scan3A_526, %rem3A_559 : i32
      %dma_wait3A_561 = arith.constant 0 : i32
      %dma_wait3A_562 = tpu.memref_slice %arg13[%rem3A_528, %dma_wait3A_561] : memref<3x80xf32, #tpu.memory_space<vmem>> -> memref<1x80xf32, #tpu.memory_space<vmem>>
      %dma_wait3A_563 = tpu.memref_squeeze %dma_wait3A_562 : memref<1x80xf32, #tpu.memory_space<vmem>> -> memref<80xf32, #tpu.memory_space<vmem>>
      %dma_wait3A_564 = arith.constant 0 : i32
      %dma_wait3A_565 = arith.constant 0 : i32
      %dma_wait3A_566 = tpu.memref_slice %arg11[%rem3A_558, %dma_wait3A_564, %dma_wait3A_565] : memref<2x5x80xi32, #tpu.memory_space<vmem>> -> memref<1x5x80xi32, #tpu.memory_space<vmem>>
      %dma_wait3A_567 = tpu.memref_squeeze %dma_wait3A_566 : memref<1x5x80xi32, #tpu.memory_space<vmem>> -> memref<5x80xi32, #tpu.memory_space<vmem>>
      %dma_wait3A_568 = arith.constant 0 : i32
      %dma_wait3A_569 = tpu.memref_slice %dma_wait3A_567[%rem3A_560, %dma_wait3A_568] : memref<5x80xi32, #tpu.memory_space<vmem>> -> memref<1x80xi32, #tpu.memory_space<vmem>>
      %dma_wait3A_570 = tpu.memref_squeeze %dma_wait3A_569 : memref<1x80xi32, #tpu.memory_space<vmem>> -> memref<80xi32, #tpu.memory_space<vmem>>
      %dma_wait3A_571 = arith.constant 0 : i32
      %dma_wait3A_572 = tpu.memref_slice %arg18[%dma_wait3A_571] : memref<10000xf32, #tpu.memory_space<vmem_shared>> -> memref<10000xf32, #tpu.memory_space<vmem_shared>>
      %dma_wait3A_573 = tpu.memref_slice %arg20[%rem3A_528] : memref<3x!tpu.dma_semaphore, #tpu.memory_space<semaphore_mem>> -> memref<1x!tpu.dma_semaphore, #tpu.memory_space<semaphore_mem>>
      %dma_wait3A_574 = tpu.memref_squeeze %dma_wait3A_573 : memref<1x!tpu.dma_semaphore, #tpu.memory_space<semaphore_mem>> -> memref<!tpu.dma_semaphore, #tpu.memory_space<semaphore_mem>>
      tpu.wait_indirect_dma semaphore(%dma_wait3A_574 : memref<!tpu.dma_semaphore, #tpu.memory_space<semaphore_mem>>) src(%dma_wait3A_572 : memref<10000xf32, #tpu.memory_space<vmem_shared>>) dst(%dma_wait3A_563 : memref<80xf32, #tpu.memory_space<vmem>>)
      %gt3A = arith.constant 0 : i32
      %gt3A_575 = arith.cmpi sgt, %scan3A_526, %gt3A : i32
      %convert_element_type3A_576 = arith.extui %gt3A_575 : i1 to i32
      %cond3A_577 = arith.constant 0 : i32
      %cond3A_578 = arith.cmpi ne, %convert_element_type3A_576, %cond3A_577 : i32
      scf.if %cond3A_578 {
        %sub3A = arith.constant 1 : i32
        %sub3A_641 = arith.subi %scan3A_526, %sub3A : i32
        %sub3A_642 = arith.constant 1 : i32
        %sub3A_643 = arith.subi %scan3A_526, %sub3A_642 : i32
        %rem3A_644 = arith.constant 3 : i32
        %rem3A_645 = arith.remsi %sub3A_643, %rem3A_644 : i32
        %div3A_646 = arith.constant 5 : i32
        %div3A_647 = arith.divsi %sub3A_641, %div3A_646 : i32
        %rem3A_648 = arith.constant 2 : i32
        %rem3A_649 = arith.remsi %div3A_647, %rem3A_648 : i32
        %rem3A_650 = arith.constant 5 : i32
        %rem3A_651 = arith.remsi %sub3A_641, %rem3A_650 : i32
        %dma_wait3A_652 = arith.constant 0 : i32
        %dma_wait3A_653 = arith.constant 0 : i32
        %dma_wait3A_654 = tpu.memref_slice %arg12[%rem3A_645, %dma_wait3A_652, %dma_wait3A_653] : memref<3x80x128xf32, #tpu.memory_space<vmem>> -> memref<1x80x128xf32, #tpu.memory_space<vmem>>
        %dma_wait3A_655 = tpu.memref_squeeze %dma_wait3A_654 : memref<1x80x128xf32, #tpu.memory_space<vmem>> -> memref<80x128xf32, #tpu.memory_space<vmem>>
        %dma_wait3A_656 = arith.constant 0 : i32
        %dma_wait3A_657 = arith.constant 0 : i32
        %dma_wait3A_658 = tpu.memref_slice %arg11[%rem3A_649, %dma_wait3A_656, %dma_wait3A_657] : memref<2x5x80xi32, #tpu.memory_space<vmem>> -> memref<1x5x80xi32, #tpu.memory_space<vmem>>
        %dma_wait3A_659 = tpu.memref_squeeze %dma_wait3A_658 : memref<1x5x80xi32, #tpu.memory_space<vmem>> -> memref<5x80xi32, #tpu.memory_space<vmem>>
        %dma_wait3A_660 = arith.constant 0 : i32
        %dma_wait3A_661 = tpu.memref_slice %dma_wait3A_659[%rem3A_651, %dma_wait3A_660] : memref<5x80xi32, #tpu.memory_space<vmem>> -> memref<1x80xi32, #tpu.memory_space<vmem>>
        %dma_wait3A_662 = tpu.memref_squeeze %dma_wait3A_661 : memref<1x80xi32, #tpu.memory_space<vmem>> -> memref<80xi32, #tpu.memory_space<vmem>>
        %dma_wait3A_663 = arith.constant 0 : i32
        %dma_wait3A_664 = arith.constant 0 : i32
        %dma_wait3A_665 = tpu.memref_slice %arg16[%dma_wait3A_663, %dma_wait3A_664] : memref<10000x128xf32, #tpu.memory_space<vmem_shared>> -> memref<10000x128xf32, #tpu.memory_space<vmem_shared>>
        %dma_wait3A_666 = tpu.memref_slice %arg21[%rem3A_645] : memref<3x!tpu.dma_semaphore, #tpu.memory_space<semaphore_mem>> -> memref<1x!tpu.dma_semaphore, #tpu.memory_space<semaphore_mem>>
        %dma_wait3A_667 = tpu.memref_squeeze %dma_wait3A_666 : memref<1x!tpu.dma_semaphore, #tpu.memory_space<semaphore_mem>> -> memref<!tpu.dma_semaphore, #tpu.memory_space<semaphore_mem>>
        tpu.wait_indirect_dma semaphore(%dma_wait3A_667 : memref<!tpu.dma_semaphore, #tpu.memory_space<semaphore_mem>>) src(%dma_wait3A_655 : memref<80x128xf32, #tpu.memory_space<vmem>>) dst(%dma_wait3A_665 : memref<10000x128xf32, #tpu.memory_space<vmem_shared>>)
        %div3A_668 = arith.constant 5 : i32
        %div3A_669 = arith.divsi %sub3A_641, %div3A_668 : i32
        %rem3A_670 = arith.constant 2 : i32
        %rem3A_671 = arith.remsi %div3A_669, %rem3A_670 : i32
        %rem3A_672 = arith.constant 5 : i32
        %rem3A_673 = arith.remsi %sub3A_641, %rem3A_672 : i32
        %dma_wait3A_674 = arith.constant 0 : i32
        %dma_wait3A_675 = tpu.memref_slice %arg13[%rem3A_645, %dma_wait3A_674] : memref<3x80xf32, #tpu.memory_space<vmem>> -> memref<1x80xf32, #tpu.memory_space<vmem>>
        %dma_wait3A_676 = tpu.memref_squeeze %dma_wait3A_675 : memref<1x80xf32, #tpu.memory_space<vmem>> -> memref<80xf32, #tpu.memory_space<vmem>>
        %dma_wait3A_677 = arith.constant 0 : i32
        %dma_wait3A_678 = arith.constant 0 : i32
        %dma_wait3A_679 = tpu.memref_slice %arg10[%rem3A_671, %dma_wait3A_677, %dma_wait3A_678] : memref<2x5x80xi32, #tpu.memory_space<vmem>> -> memref<1x5x80xi32, #tpu.memory_space<vmem>>
        %dma_wait3A_680 = tpu.memref_squeeze %dma_wait3A_679 : memref<1x5x80xi32, #tpu.memory_space<vmem>> -> memref<5x80xi32, #tpu.memory_space<vmem>>
        %dma_wait3A_681 = arith.constant 0 : i32
        %dma_wait3A_682 = tpu.memref_slice %dma_wait3A_680[%rem3A_673, %dma_wait3A_681] : memref<5x80xi32, #tpu.memory_space<vmem>> -> memref<1x80xi32, #tpu.memory_space<vmem>>
        %dma_wait3A_683 = tpu.memref_squeeze %dma_wait3A_682 : memref<1x80xi32, #tpu.memory_space<vmem>> -> memref<80xi32, #tpu.memory_space<vmem>>
        %dma_wait3A_684 = arith.constant 0 : i32
        %dma_wait3A_685 = tpu.memref_slice %arg17[%dma_wait3A_684] : memref<10000xf32, #tpu.memory_space<vmem_shared>> -> memref<10000xf32, #tpu.memory_space<vmem_shared>>
        %dma_wait3A_686 = tpu.memref_slice %arg22[%rem3A_645] : memref<3x!tpu.dma_semaphore, #tpu.memory_space<semaphore_mem>> -> memref<1x!tpu.dma_semaphore, #tpu.memory_space<semaphore_mem>>
        %dma_wait3A_687 = tpu.memref_squeeze %dma_wait3A_686 : memref<1x!tpu.dma_semaphore, #tpu.memory_space<semaphore_mem>> -> memref<!tpu.dma_semaphore, #tpu.memory_space<semaphore_mem>>
        tpu.wait_indirect_dma semaphore(%dma_wait3A_687 : memref<!tpu.dma_semaphore, #tpu.memory_space<semaphore_mem>>) src(%dma_wait3A_676 : memref<80xf32, #tpu.memory_space<vmem>>) dst(%dma_wait3A_685 : memref<10000xf32, #tpu.memory_space<vmem_shared>>)
      } else {
      }
      %eq3A_579 = arith.constant 0 : i32
      %eq3A_580 = arith.cmpi eq, %rem3A_530, %eq3A_579 : i32
      %lt3A_581 = arith.constant 24 : i32
      %lt3A_582 = arith.cmpi slt, %div3A_532, %lt3A_581 : i32
      %and3A = arith.andi %eq3A_580, %lt3A_582 : i1
      %convert_element_type3A_583 = arith.extui %and3A : i1 to i32
      %cond3A_584 = arith.constant 0 : i32
      %cond3A_585 = arith.cmpi ne, %convert_element_type3A_583, %cond3A_584 : i32
      scf.if %cond3A_585 {
        %add3A_641 = arith.constant 1 : i32
        %add3A_642 = arith.addi %div3A_532, %add3A_641 : i32
        %add3A_643 = arith.constant 1 : i32
        %add3A_644 = arith.addi %div3A_532, %add3A_643 : i32
        %rem3A_645 = arith.constant 2 : i32
        %rem3A_646 = arith.remsi %add3A_644, %rem3A_645 : i32
        %dma_start3A_647 = arith.constant 0 : i32
        %dma_start3A_648 = arith.constant 0 : i32
        %dma_start3A_649 = tpu.memref_slice %arg10[%rem3A_646, %dma_start3A_647, %dma_start3A_648] : memref<2x5x80xi32, #tpu.memory_space<vmem>> -> memref<1x5x80xi32, #tpu.memory_space<vmem>>
        %dma_start3A_650 = tpu.memref_squeeze %dma_start3A_649 : memref<1x5x80xi32, #tpu.memory_space<vmem>> -> memref<5x80xi32, #tpu.memory_space<vmem>>
        %dma_start3A_651 = arith.constant 0 : i32
        %dma_start3A_652 = arith.constant 0 : i32
        %dma_start3A_653 = arith.constant 0 : i32
        %dma_start3A_654 = tpu.memref_slice %arg2[%add3A_88, %dma_start3A_651, %dma_start3A_652, %dma_start3A_653] : memref<32x25x5x80xi32, #tpu.memory_space<hbm>> -> memref<1x25x5x80xi32, #tpu.memory_space<hbm>>
        %dma_start3A_655 = tpu.memref_squeeze %dma_start3A_654 : memref<1x25x5x80xi32, #tpu.memory_space<hbm>> -> memref<25x5x80xi32, #tpu.memory_space<hbm>>
        %dma_start3A_656 = arith.constant 0 : i32
        %dma_start3A_657 = arith.constant 0 : i32
        %dma_start3A_658 = tpu.memref_slice %dma_start3A_655[%add3A_642, %dma_start3A_656, %dma_start3A_657] : memref<25x5x80xi32, #tpu.memory_space<hbm>> -> memref<1x5x80xi32, #tpu.memory_space<hbm>>
        %dma_start3A_659 = tpu.memref_squeeze %dma_start3A_658 : memref<1x5x80xi32, #tpu.memory_space<hbm>> -> memref<5x80xi32, #tpu.memory_space<hbm>>
        %dma_start3A_660 = arith.constant 0 : i32
        %dma_start3A_661 = arith.constant 0 : i32
        %dma_start3A_662 = tpu.memref_slice %arg10[%rem3A_646, %dma_start3A_660, %dma_start3A_661] : memref<2x5x80xi32, #tpu.memory_space<vmem>> -> memref<1x5x80xi32, #tpu.memory_space<vmem>>
        %dma_start3A_663 = tpu.memref_squeeze %dma_start3A_662 : memref<1x5x80xi32, #tpu.memory_space<vmem>> -> memref<5x80xi32, #tpu.memory_space<vmem>>
        %dma_start3A_664 = arith.constant 0 : i32
        %dma_start3A_665 = arith.constant 0 : i32
        %dma_start3A_666 = arith.constant 0 : i32
        %dma_start3A_667 = tpu.memref_slice %arg2[%add3A_88, %dma_start3A_664, %dma_start3A_665, %dma_start3A_666] : memref<32x25x5x80xi32, #tpu.memory_space<hbm>> -> memref<1x25x5x80xi32, #tpu.memory_space<hbm>>
        %dma_start3A_668 = tpu.memref_squeeze %dma_start3A_667 : memref<1x25x5x80xi32, #tpu.memory_space<hbm>> -> memref<25x5x80xi32, #tpu.memory_space<hbm>>
        %dma_start3A_669 = arith.constant 0 : i32
        %dma_start3A_670 = arith.constant 0 : i32
        %dma_start3A_671 = tpu.memref_slice %dma_start3A_668[%add3A_642, %dma_start3A_669, %dma_start3A_670] : memref<25x5x80xi32, #tpu.memory_space<hbm>> -> memref<1x5x80xi32, #tpu.memory_space<hbm>>
        %dma_start3A_672 = tpu.memref_squeeze %dma_start3A_671 : memref<1x5x80xi32, #tpu.memory_space<hbm>> -> memref<5x80xi32, #tpu.memory_space<hbm>>
        tpu.enqueue_dma source(%dma_start3A_672 : memref<5x80xi32, #tpu.memory_space<hbm>>) target(%dma_start3A_663 : memref<5x80xi32, #tpu.memory_space<vmem>>) target_semaphore(%arg23 : memref<!tpu.dma_semaphore, #tpu.memory_space<semaphore_mem>>)
        %dma_start3A_673 = arith.constant 0 : i32
        %dma_start3A_674 = arith.constant 0 : i32
        %dma_start3A_675 = tpu.memref_slice %arg11[%rem3A_646, %dma_start3A_673, %dma_start3A_674] : memref<2x5x80xi32, #tpu.memory_space<vmem>> -> memref<1x5x80xi32, #tpu.memory_space<vmem>>
        %dma_start3A_676 = tpu.memref_squeeze %dma_start3A_675 : memref<1x5x80xi32, #tpu.memory_space<vmem>> -> memref<5x80xi32, #tpu.memory_space<vmem>>
        %dma_start3A_677 = arith.constant 0 : i32
        %dma_start3A_678 = arith.constant 0 : i32
        %dma_start3A_679 = arith.constant 0 : i32
        %dma_start3A_680 = tpu.memref_slice %arg3[%add3A_88, %dma_start3A_677, %dma_start3A_678, %dma_start3A_679] : memref<32x25x5x80xi32, #tpu.memory_space<hbm>> -> memref<1x25x5x80xi32, #tpu.memory_space<hbm>>
        %dma_start3A_681 = tpu.memref_squeeze %dma_start3A_680 : memref<1x25x5x80xi32, #tpu.memory_space<hbm>> -> memref<25x5x80xi32, #tpu.memory_space<hbm>>
        %dma_start3A_682 = arith.constant 0 : i32
        %dma_start3A_683 = arith.constant 0 : i32
        %dma_start3A_684 = tpu.memref_slice %dma_start3A_681[%add3A_642, %dma_start3A_682, %dma_start3A_683] : memref<25x5x80xi32, #tpu.memory_space<hbm>> -> memref<1x5x80xi32, #tpu.memory_space<hbm>>
        %dma_start3A_685 = tpu.memref_squeeze %dma_start3A_684 : memref<1x5x80xi32, #tpu.memory_space<hbm>> -> memref<5x80xi32, #tpu.memory_space<hbm>>
        %dma_start3A_686 = arith.constant 0 : i32
        %dma_start3A_687 = arith.constant 0 : i32
        %dma_start3A_688 = tpu.memref_slice %arg11[%rem3A_646, %dma_start3A_686, %dma_start3A_687] : memref<2x5x80xi32, #tpu.memory_space<vmem>> -> memref<1x5x80xi32, #tpu.memory_space<vmem>>
        %dma_start3A_689 = tpu.memref_squeeze %dma_start3A_688 : memref<1x5x80xi32, #tpu.memory_space<vmem>> -> memref<5x80xi32, #tpu.memory_space<vmem>>
        %dma_start3A_690 = arith.constant 0 : i32
        %dma_start3A_691 = arith.constant 0 : i32
        %dma_start3A_692 = arith.constant 0 : i32
        %dma_start3A_693 = tpu.memref_slice %arg3[%add3A_88, %dma_start3A_690, %dma_start3A_691, %dma_start3A_692] : memref<32x25x5x80xi32, #tpu.memory_space<hbm>> -> memref<1x25x5x80xi32, #tpu.memory_space<hbm>>
        %dma_start3A_694 = tpu.memref_squeeze %dma_start3A_693 : memref<1x25x5x80xi32, #tpu.memory_space<hbm>> -> memref<25x5x80xi32, #tpu.memory_space<hbm>>
        %dma_start3A_695 = arith.constant 0 : i32
        %dma_start3A_696 = arith.constant 0 : i32
        %dma_start3A_697 = tpu.memref_slice %dma_start3A_694[%add3A_642, %dma_start3A_695, %dma_start3A_696] : memref<25x5x80xi32, #tpu.memory_space<hbm>> -> memref<1x5x80xi32, #tpu.memory_space<hbm>>
        %dma_start3A_698 = tpu.memref_squeeze %dma_start3A_697 : memref<1x5x80xi32, #tpu.memory_space<hbm>> -> memref<5x80xi32, #tpu.memory_space<hbm>>
        tpu.enqueue_dma source(%dma_start3A_698 : memref<5x80xi32, #tpu.memory_space<hbm>>) target(%dma_start3A_689 : memref<5x80xi32, #tpu.memory_space<vmem>>) target_semaphore(%arg23 : memref<!tpu.dma_semaphore, #tpu.memory_space<semaphore_mem>>)
      } else {
      }
      %eq3A_586 = arith.constant 2 : i32
      %eq3A_587 = arith.cmpi eq, %rem3A_530, %eq3A_586 : i32
      %lt3A_588 = arith.constant 24 : i32
      %lt3A_589 = arith.cmpi slt, %div3A_532, %lt3A_588 : i32
      %and3A_590 = arith.andi %eq3A_587, %lt3A_589 : i1
      %convert_element_type3A_591 = arith.extui %and3A_590 : i1 to i32
      %cond3A_592 = arith.constant 0 : i32
      %cond3A_593 = arith.cmpi ne, %convert_element_type3A_591, %cond3A_592 : i32
      scf.if %cond3A_593 {
        %add3A_641 = arith.constant 1 : i32
        %add3A_642 = arith.addi %div3A_532, %add3A_641 : i32
        %add3A_643 = arith.constant 1 : i32
        %add3A_644 = arith.addi %div3A_532, %add3A_643 : i32
        %rem3A_645 = arith.constant 2 : i32
        %rem3A_646 = arith.remsi %add3A_644, %rem3A_645 : i32
        %dma_wait3A_647 = arith.constant 0 : i32
        %dma_wait3A_648 = arith.constant 0 : i32
        %dma_wait3A_649 = tpu.memref_slice %arg10[%rem3A_646, %dma_wait3A_647, %dma_wait3A_648] : memref<2x5x80xi32, #tpu.memory_space<vmem>> -> memref<1x5x80xi32, #tpu.memory_space<vmem>>
        %dma_wait3A_650 = tpu.memref_squeeze %dma_wait3A_649 : memref<1x5x80xi32, #tpu.memory_space<vmem>> -> memref<5x80xi32, #tpu.memory_space<vmem>>
        %dma_wait3A_651 = arith.constant 0 : i32
        %dma_wait3A_652 = arith.constant 0 : i32
        %dma_wait3A_653 = arith.constant 0 : i32
        %dma_wait3A_654 = tpu.memref_slice %arg2[%add3A_88, %dma_wait3A_651, %dma_wait3A_652, %dma_wait3A_653] : memref<32x25x5x80xi32, #tpu.memory_space<hbm>> -> memref<1x25x5x80xi32, #tpu.memory_space<hbm>>
        %dma_wait3A_655 = tpu.memref_squeeze %dma_wait3A_654 : memref<1x25x5x80xi32, #tpu.memory_space<hbm>> -> memref<25x5x80xi32, #tpu.memory_space<hbm>>
        %dma_wait3A_656 = arith.constant 0 : i32
        %dma_wait3A_657 = arith.constant 0 : i32
        %dma_wait3A_658 = tpu.memref_slice %dma_wait3A_655[%add3A_642, %dma_wait3A_656, %dma_wait3A_657] : memref<25x5x80xi32, #tpu.memory_space<hbm>> -> memref<1x5x80xi32, #tpu.memory_space<hbm>>
        %dma_wait3A_659 = tpu.memref_squeeze %dma_wait3A_658 : memref<1x5x80xi32, #tpu.memory_space<hbm>> -> memref<5x80xi32, #tpu.memory_space<hbm>>
        %dma_wait3A_660 = arith.constant 0 : i32
        %dma_wait3A_661 = arith.constant 0 : i32
        %dma_wait3A_662 = tpu.memref_slice %arg10[%rem3A_646, %dma_wait3A_660, %dma_wait3A_661] : memref<2x5x80xi32, #tpu.memory_space<vmem>> -> memref<1x5x80xi32, #tpu.memory_space<vmem>>
        %dma_wait3A_663 = tpu.memref_squeeze %dma_wait3A_662 : memref<1x5x80xi32, #tpu.memory_space<vmem>> -> memref<5x80xi32, #tpu.memory_space<vmem>>
        %dma_wait3A_664 = arith.constant 0 : i32
        %dma_wait3A_665 = arith.constant 0 : i32
        %dma_wait3A_666 = arith.constant 0 : i32
        %dma_wait3A_667 = tpu.memref_slice %arg2[%add3A_88, %dma_wait3A_664, %dma_wait3A_665, %dma_wait3A_666] : memref<32x25x5x80xi32, #tpu.memory_space<hbm>> -> memref<1x25x5x80xi32, #tpu.memory_space<hbm>>
        %dma_wait3A_668 = tpu.memref_squeeze %dma_wait3A_667 : memref<1x25x5x80xi32, #tpu.memory_space<hbm>> -> memref<25x5x80xi32, #tpu.memory_space<hbm>>
        %dma_wait3A_669 = arith.constant 0 : i32
        %dma_wait3A_670 = arith.constant 0 : i32
        %dma_wait3A_671 = tpu.memref_slice %dma_wait3A_668[%add3A_642, %dma_wait3A_669, %dma_wait3A_670] : memref<25x5x80xi32, #tpu.memory_space<hbm>> -> memref<1x5x80xi32, #tpu.memory_space<hbm>>
        %dma_wait3A_672 = tpu.memref_squeeze %dma_wait3A_671 : memref<1x5x80xi32, #tpu.memory_space<hbm>> -> memref<5x80xi32, #tpu.memory_space<hbm>>
        tpu.wait_dma2 semaphore(%arg23 : memref<!tpu.dma_semaphore, #tpu.memory_space<semaphore_mem>>) src(%dma_wait3A_672 : memref<5x80xi32, #tpu.memory_space<hbm>>) dst(%dma_wait3A_663 : memref<5x80xi32, #tpu.memory_space<vmem>>)
        %dma_wait3A_673 = arith.constant 0 : i32
        %dma_wait3A_674 = arith.constant 0 : i32
        %dma_wait3A_675 = tpu.memref_slice %arg11[%rem3A_646, %dma_wait3A_673, %dma_wait3A_674] : memref<2x5x80xi32, #tpu.memory_space<vmem>> -> memref<1x5x80xi32, #tpu.memory_space<vmem>>
        %dma_wait3A_676 = tpu.memref_squeeze %dma_wait3A_675 : memref<1x5x80xi32, #tpu.memory_space<vmem>> -> memref<5x80xi32, #tpu.memory_space<vmem>>
        %dma_wait3A_677 = arith.constant 0 : i32
        %dma_wait3A_678 = arith.constant 0 : i32
        %dma_wait3A_679 = arith.constant 0 : i32
        %dma_wait3A_680 = tpu.memref_slice %arg3[%add3A_88, %dma_wait3A_677, %dma_wait3A_678, %dma_wait3A_679] : memref<32x25x5x80xi32, #tpu.memory_space<hbm>> -> memref<1x25x5x80xi32, #tpu.memory_space<hbm>>
        %dma_wait3A_681 = tpu.memref_squeeze %dma_wait3A_680 : memref<1x25x5x80xi32, #tpu.memory_space<hbm>> -> memref<25x5x80xi32, #tpu.memory_space<hbm>>
        %dma_wait3A_682 = arith.constant 0 : i32
        %dma_wait3A_683 = arith.constant 0 : i32
        %dma_wait3A_684 = tpu.memref_slice %dma_wait3A_681[%add3A_642, %dma_wait3A_682, %dma_wait3A_683] : memref<25x5x80xi32, #tpu.memory_space<hbm>> -> memref<1x5x80xi32, #tpu.memory_space<hbm>>
        %dma_wait3A_685 = tpu.memref_squeeze %dma_wait3A_684 : memref<1x5x80xi32, #tpu.memory_space<hbm>> -> memref<5x80xi32, #tpu.memory_space<hbm>>
        %dma_wait3A_686 = arith.constant 0 : i32
        %dma_wait3A_687 = arith.constant 0 : i32
        %dma_wait3A_688 = tpu.memref_slice %arg11[%rem3A_646, %dma_wait3A_686, %dma_wait3A_687] : memref<2x5x80xi32, #tpu.memory_space<vmem>> -> memref<1x5x80xi32, #tpu.memory_space<vmem>>
        %dma_wait3A_689 = tpu.memref_squeeze %dma_wait3A_688 : memref<1x5x80xi32, #tpu.memory_space<vmem>> -> memref<5x80xi32, #tpu.memory_space<vmem>>
        %dma_wait3A_690 = arith.constant 0 : i32
        %dma_wait3A_691 = arith.constant 0 : i32
        %dma_wait3A_692 = arith.constant 0 : i32
        %dma_wait3A_693 = tpu.memref_slice %arg3[%add3A_88, %dma_wait3A_690, %dma_wait3A_691, %dma_wait3A_692] : memref<32x25x5x80xi32, #tpu.memory_space<hbm>> -> memref<1x25x5x80xi32, #tpu.memory_space<hbm>>
        %dma_wait3A_694 = tpu.memref_squeeze %dma_wait3A_693 : memref<1x25x5x80xi32, #tpu.memory_space<hbm>> -> memref<25x5x80xi32, #tpu.memory_space<hbm>>
        %dma_wait3A_695 = arith.constant 0 : i32
        %dma_wait3A_696 = arith.constant 0 : i32
        %dma_wait3A_697 = tpu.memref_slice %dma_wait3A_694[%add3A_642, %dma_wait3A_695, %dma_wait3A_696] : memref<25x5x80xi32, #tpu.memory_space<hbm>> -> memref<1x5x80xi32, #tpu.memory_space<hbm>>
        %dma_wait3A_698 = tpu.memref_squeeze %dma_wait3A_697 : memref<1x5x80xi32, #tpu.memory_space<hbm>> -> memref<5x80xi32, #tpu.memory_space<hbm>>
        tpu.wait_dma2 semaphore(%arg23 : memref<!tpu.dma_semaphore, #tpu.memory_space<semaphore_mem>>) src(%dma_wait3A_698 : memref<5x80xi32, #tpu.memory_space<hbm>>) dst(%dma_wait3A_689 : memref<5x80xi32, #tpu.memory_space<vmem>>)
      } else {
      }
      %lt3A_594 = arith.constant 123 : i32
      %lt3A_595 = arith.cmpi slt, %scan3A_526, %lt3A_594 : i32
      %convert_element_type3A_596 = arith.extui %lt3A_595 : i1 to i32
      %cond3A_597 = arith.constant 0 : i32
      %cond3A_598 = arith.cmpi ne, %convert_element_type3A_596, %cond3A_597 : i32
      scf.if %cond3A_598 {
        %add3A_641 = arith.constant 2 : i32
        %add3A_642 = arith.addi %scan3A_526, %add3A_641 : i32
        %add3A_643 = arith.constant 2 : i32
        %add3A_644 = arith.addi %scan3A_526, %add3A_643 : i32
        %rem3A_645 = arith.constant 3 : i32
        %rem3A_646 = arith.remsi %add3A_644, %rem3A_645 : i32
        %div3A_647 = arith.constant 5 : i32
        %div3A_648 = arith.divsi %add3A_642, %div3A_647 : i32
        %rem3A_649 = arith.constant 2 : i32
        %rem3A_650 = arith.remsi %div3A_648, %rem3A_649 : i32
        %rem3A_651 = arith.constant 5 : i32
        %rem3A_652 = arith.remsi %add3A_642, %rem3A_651 : i32
        %dma_start3A_653 = arith.constant 0 : i32
        %dma_start3A_654 = arith.constant 0 : i32
        %dma_start3A_655 = tpu.memref_slice %arg12[%rem3A_646, %dma_start3A_653, %dma_start3A_654] : memref<3x80x128xf32, #tpu.memory_space<vmem>> -> memref<1x80x128xf32, #tpu.memory_space<vmem>>
        %dma_start3A_656 = tpu.memref_squeeze %dma_start3A_655 : memref<1x80x128xf32, #tpu.memory_space<vmem>> -> memref<80x128xf32, #tpu.memory_space<vmem>>
        %dma_start3A_657 = arith.constant 0 : i32
        %dma_start3A_658 = arith.constant 0 : i32
        %dma_start3A_659 = tpu.memref_slice %arg10[%rem3A_650, %dma_start3A_657, %dma_start3A_658] : memref<2x5x80xi32, #tpu.memory_space<vmem>> -> memref<1x5x80xi32, #tpu.memory_space<vmem>>
        %dma_start3A_660 = tpu.memref_squeeze %dma_start3A_659 : memref<1x5x80xi32, #tpu.memory_space<vmem>> -> memref<5x80xi32, #tpu.memory_space<vmem>>
        %dma_start3A_661 = arith.constant 0 : i32
        %dma_start3A_662 = tpu.memref_slice %dma_start3A_660[%rem3A_652, %dma_start3A_661] : memref<5x80xi32, #tpu.memory_space<vmem>> -> memref<1x80xi32, #tpu.memory_space<vmem>>
        %dma_start3A_663 = tpu.memref_squeeze %dma_start3A_662 : memref<1x80xi32, #tpu.memory_space<vmem>> -> memref<80xi32, #tpu.memory_space<vmem>>
        %dma_start3A_664 = arith.constant 0 : i32
        %dma_start3A_665 = arith.constant 0 : i32
        %dma_start3A_666 = tpu.memref_slice %arg4[%dma_start3A_664, %dma_start3A_665] : memref<10000x128xf32, #tpu.memory_space<hbm>> -> memref<10000x128xf32, #tpu.memory_space<hbm>>
        %dma_start3A_667 = tpu.memref_slice %arg19[%rem3A_646] : memref<3x!tpu.dma_semaphore, #tpu.memory_space<semaphore_mem>> -> memref<1x!tpu.dma_semaphore, #tpu.memory_space<semaphore_mem>>
        %dma_start3A_668 = tpu.memref_squeeze %dma_start3A_667 : memref<1x!tpu.dma_semaphore, #tpu.memory_space<semaphore_mem>> -> memref<!tpu.dma_semaphore, #tpu.memory_space<semaphore_mem>>
        tpu.enqueue_indirect_dma source(%dma_start3A_666 : memref<10000x128xf32, #tpu.memory_space<hbm>>) target(%dma_start3A_656 : memref<80x128xf32, #tpu.memory_space<vmem>>) offsets(%dma_start3A_663 : memref<80xi32, #tpu.memory_space<vmem>>) semaphore(%dma_start3A_668 : memref<!tpu.dma_semaphore, #tpu.memory_space<semaphore_mem>>)
        %div3A_669 = arith.constant 5 : i32
        %div3A_670 = arith.divsi %add3A_642, %div3A_669 : i32
        %rem3A_671 = arith.constant 2 : i32
        %rem3A_672 = arith.remsi %div3A_670, %rem3A_671 : i32
        %rem3A_673 = arith.constant 5 : i32
        %rem3A_674 = arith.remsi %add3A_642, %rem3A_673 : i32
        %dma_start3A_675 = arith.constant 0 : i32
        %dma_start3A_676 = tpu.memref_slice %arg13[%rem3A_646, %dma_start3A_675] : memref<3x80xf32, #tpu.memory_space<vmem>> -> memref<1x80xf32, #tpu.memory_space<vmem>>
        %dma_start3A_677 = tpu.memref_squeeze %dma_start3A_676 : memref<1x80xf32, #tpu.memory_space<vmem>> -> memref<80xf32, #tpu.memory_space<vmem>>
        %dma_start3A_678 = arith.constant 0 : i32
        %dma_start3A_679 = arith.constant 0 : i32
        %dma_start3A_680 = tpu.memref_slice %arg11[%rem3A_672, %dma_start3A_678, %dma_start3A_679] : memref<2x5x80xi32, #tpu.memory_space<vmem>> -> memref<1x5x80xi32, #tpu.memory_space<vmem>>
        %dma_start3A_681 = tpu.memref_squeeze %dma_start3A_680 : memref<1x5x80xi32, #tpu.memory_space<vmem>> -> memref<5x80xi32, #tpu.memory_space<vmem>>
        %dma_start3A_682 = arith.constant 0 : i32
        %dma_start3A_683 = tpu.memref_slice %dma_start3A_681[%rem3A_674, %dma_start3A_682] : memref<5x80xi32, #tpu.memory_space<vmem>> -> memref<1x80xi32, #tpu.memory_space<vmem>>
        %dma_start3A_684 = tpu.memref_squeeze %dma_start3A_683 : memref<1x80xi32, #tpu.memory_space<vmem>> -> memref<80xi32, #tpu.memory_space<vmem>>
        %dma_start3A_685 = arith.constant 0 : i32
        %dma_start3A_686 = tpu.memref_slice %arg18[%dma_start3A_685] : memref<10000xf32, #tpu.memory_space<vmem_shared>> -> memref<10000xf32, #tpu.memory_space<vmem_shared>>
        %dma_start3A_687 = tpu.memref_slice %arg20[%rem3A_646] : memref<3x!tpu.dma_semaphore, #tpu.memory_space<semaphore_mem>> -> memref<1x!tpu.dma_semaphore, #tpu.memory_space<semaphore_mem>>
        %dma_start3A_688 = tpu.memref_squeeze %dma_start3A_687 : memref<1x!tpu.dma_semaphore, #tpu.memory_space<semaphore_mem>> -> memref<!tpu.dma_semaphore, #tpu.memory_space<semaphore_mem>>
        tpu.enqueue_indirect_dma source(%dma_start3A_686 : memref<10000xf32, #tpu.memory_space<vmem_shared>>) target(%dma_start3A_677 : memref<80xf32, #tpu.memory_space<vmem>>) offsets(%dma_start3A_684 : memref<80xi32, #tpu.memory_space<vmem>>) semaphore(%dma_start3A_688 : memref<!tpu.dma_semaphore, #tpu.memory_space<semaphore_mem>>)
      } else {
      }
      %div3A_599 = arith.constant 5 : i32
      %div3A_600 = arith.divsi %scan3A_526, %div3A_599 : i32
      %rem3A_601 = arith.constant 2 : i32
      %rem3A_602 = arith.remsi %div3A_600, %rem3A_601 : i32
      %rem3A_603 = arith.constant 5 : i32
      %rem3A_604 = arith.remsi %scan3A_526, %rem3A_603 : i32
      %dma_start3A_605 = arith.constant 0 : i32
      %dma_start3A_606 = arith.constant 0 : i32
      %dma_start3A_607 = tpu.memref_slice %arg12[%rem3A_528, %dma_start3A_605, %dma_start3A_606] : memref<3x80x128xf32, #tpu.memory_space<vmem>> -> memref<1x80x128xf32, #tpu.memory_space<vmem>>
      %dma_start3A_608 = tpu.memref_squeeze %dma_start3A_607 : memref<1x80x128xf32, #tpu.memory_space<vmem>> -> memref<80x128xf32, #tpu.memory_space<vmem>>
      %dma_start3A_609 = arith.constant 0 : i32
      %dma_start3A_610 = arith.constant 0 : i32
      %dma_start3A_611 = tpu.memref_slice %arg11[%rem3A_602, %dma_start3A_609, %dma_start3A_610] : memref<2x5x80xi32, #tpu.memory_space<vmem>> -> memref<1x5x80xi32, #tpu.memory_space<vmem>>
      %dma_start3A_612 = tpu.memref_squeeze %dma_start3A_611 : memref<1x5x80xi32, #tpu.memory_space<vmem>> -> memref<5x80xi32, #tpu.memory_space<vmem>>
      %dma_start3A_613 = arith.constant 0 : i32
      %dma_start3A_614 = tpu.memref_slice %dma_start3A_612[%rem3A_604, %dma_start3A_613] : memref<5x80xi32, #tpu.memory_space<vmem>> -> memref<1x80xi32, #tpu.memory_space<vmem>>
      %dma_start3A_615 = tpu.memref_squeeze %dma_start3A_614 : memref<1x80xi32, #tpu.memory_space<vmem>> -> memref<80xi32, #tpu.memory_space<vmem>>
      %dma_start3A_616 = arith.constant 0 : i32
      %dma_start3A_617 = arith.constant 0 : i32
      %dma_start3A_618 = tpu.memref_slice %arg16[%dma_start3A_616, %dma_start3A_617] : memref<10000x128xf32, #tpu.memory_space<vmem_shared>> -> memref<10000x128xf32, #tpu.memory_space<vmem_shared>>
      %dma_start3A_619 = tpu.memref_slice %arg21[%rem3A_528] : memref<3x!tpu.dma_semaphore, #tpu.memory_space<semaphore_mem>> -> memref<1x!tpu.dma_semaphore, #tpu.memory_space<semaphore_mem>>
      %dma_start3A_620 = tpu.memref_squeeze %dma_start3A_619 : memref<1x!tpu.dma_semaphore, #tpu.memory_space<semaphore_mem>> -> memref<!tpu.dma_semaphore, #tpu.memory_space<semaphore_mem>>
      tpu.enqueue_indirect_dma source(%dma_start3A_608 : memref<80x128xf32, #tpu.memory_space<vmem>>) target(%dma_start3A_618 : memref<10000x128xf32, #tpu.memory_space<vmem_shared>>) offsets(%dma_start3A_615 : memref<80xi32, #tpu.memory_space<vmem>>) semaphore(%dma_start3A_620 : memref<!tpu.dma_semaphore, #tpu.memory_space<semaphore_mem>>) {add = true}
      %div3A_621 = arith.constant 5 : i32
      %div3A_622 = arith.divsi %scan3A_526, %div3A_621 : i32
      %rem3A_623 = arith.constant 2 : i32
      %rem3A_624 = arith.remsi %div3A_622, %rem3A_623 : i32
      %rem3A_625 = arith.constant 5 : i32
      %rem3A_626 = arith.remsi %scan3A_526, %rem3A_625 : i32
      %dma_start3A_627 = arith.constant 0 : i32
      %dma_start3A_628 = tpu.memref_slice %arg13[%rem3A_528, %dma_start3A_627] : memref<3x80xf32, #tpu.memory_space<vmem>> -> memref<1x80xf32, #tpu.memory_space<vmem>>
      %dma_start3A_629 = tpu.memref_squeeze %dma_start3A_628 : memref<1x80xf32, #tpu.memory_space<vmem>> -> memref<80xf32, #tpu.memory_space<vmem>>
      %dma_start3A_630 = arith.constant 0 : i32
      %dma_start3A_631 = arith.constant 0 : i32
      %dma_start3A_632 = tpu.memref_slice %arg10[%rem3A_624, %dma_start3A_630, %dma_start3A_631] : memref<2x5x80xi32, #tpu.memory_space<vmem>> -> memref<1x5x80xi32, #tpu.memory_space<vmem>>
      %dma_start3A_633 = tpu.memref_squeeze %dma_start3A_632 : memref<1x5x80xi32, #tpu.memory_space<vmem>> -> memref<5x80xi32, #tpu.memory_space<vmem>>
      %dma_start3A_634 = arith.constant 0 : i32
      %dma_start3A_635 = tpu.memref_slice %dma_start3A_633[%rem3A_626, %dma_start3A_634] : memref<5x80xi32, #tpu.memory_space<vmem>> -> memref<1x80xi32, #tpu.memory_space<vmem>>
      %dma_start3A_636 = tpu.memref_squeeze %dma_start3A_635 : memref<1x80xi32, #tpu.memory_space<vmem>> -> memref<80xi32, #tpu.memory_space<vmem>>
      %dma_start3A_637 = arith.constant 0 : i32
      %dma_start3A_638 = tpu.memref_slice %arg17[%dma_start3A_637] : memref<10000xf32, #tpu.memory_space<vmem_shared>> -> memref<10000xf32, #tpu.memory_space<vmem_shared>>
      %dma_start3A_639 = tpu.memref_slice %arg22[%rem3A_528] : memref<3x!tpu.dma_semaphore, #tpu.memory_space<semaphore_mem>> -> memref<1x!tpu.dma_semaphore, #tpu.memory_space<semaphore_mem>>
      %dma_start3A_640 = tpu.memref_squeeze %dma_start3A_639 : memref<1x!tpu.dma_semaphore, #tpu.memory_space<semaphore_mem>> -> memref<!tpu.dma_semaphore, #tpu.memory_space<semaphore_mem>>
      tpu.enqueue_indirect_dma source(%dma_start3A_629 : memref<80xf32, #tpu.memory_space<vmem>>) target(%dma_start3A_638 : memref<10000xf32, #tpu.memory_space<vmem_shared>>) offsets(%dma_start3A_636 : memref<80xi32, #tpu.memory_space<vmem>>) semaphore(%dma_start3A_640 : memref<!tpu.dma_semaphore, #tpu.memory_space<semaphore_mem>>) {add = true}
    }
    %scan3A_192 = arith.constant 125 : i32
    %div3A_193 = arith.constant 124 : i32
    %div3A_194 = arith.constant 5 : i32
    %div3A_195 = arith.divsi %div3A_193, %div3A_194 : i32
    %rem3A_196 = arith.constant 2 : i32
    %rem3A_197 = arith.remsi %div3A_195, %rem3A_196 : i32
    %rem3A_198 = arith.constant 124 : i32
    %rem3A_199 = arith.constant 5 : i32
    %rem3A_200 = arith.remsi %rem3A_198, %rem3A_199 : i32
    %dma_wait3A = arith.constant 1 : i32
    %dma_wait3A_201 = arith.constant 1 : i32
    %dma_wait3A_202 = arith.constant 0 : i32
    %dma_wait3A_203 = arith.constant 0 : i32
    %dma_wait3A_204 = tpu.memref_slice %arg12[%dma_wait3A, %dma_wait3A_202, %dma_wait3A_203] : memref<3x80x128xf32, #tpu.memory_space<vmem>> -> memref<1x80x128xf32, #tpu.memory_space<vmem>>
    %dma_wait3A_205 = tpu.memref_squeeze %dma_wait3A_204 : memref<1x80x128xf32, #tpu.memory_space<vmem>> -> memref<80x128xf32, #tpu.memory_space<vmem>>
    %dma_wait3A_206 = arith.constant 0 : i32
    %dma_wait3A_207 = arith.constant 0 : i32
    %dma_wait3A_208 = tpu.memref_slice %arg11[%rem3A_197, %dma_wait3A_206, %dma_wait3A_207] : memref<2x5x80xi32, #tpu.memory_space<vmem>> -> memref<1x5x80xi32, #tpu.memory_space<vmem>>
    %dma_wait3A_209 = tpu.memref_squeeze %dma_wait3A_208 : memref<1x5x80xi32, #tpu.memory_space<vmem>> -> memref<5x80xi32, #tpu.memory_space<vmem>>
    %dma_wait3A_210 = arith.constant 0 : i32
    %dma_wait3A_211 = tpu.memref_slice %dma_wait3A_209[%rem3A_200, %dma_wait3A_210] : memref<5x80xi32, #tpu.memory_space<vmem>> -> memref<1x80xi32, #tpu.memory_space<vmem>>
    %dma_wait3A_212 = tpu.memref_squeeze %dma_wait3A_211 : memref<1x80xi32, #tpu.memory_space<vmem>> -> memref<80xi32, #tpu.memory_space<vmem>>
    %dma_wait3A_213 = arith.constant 0 : i32
    %dma_wait3A_214 = arith.constant 0 : i32
    %dma_wait3A_215 = tpu.memref_slice %arg16[%dma_wait3A_213, %dma_wait3A_214] : memref<10000x128xf32, #tpu.memory_space<vmem_shared>> -> memref<10000x128xf32, #tpu.memory_space<vmem_shared>>
    %dma_wait3A_216 = tpu.memref_slice %arg21[%dma_wait3A_201] : memref<3x!tpu.dma_semaphore, #tpu.memory_space<semaphore_mem>> -> memref<1x!tpu.dma_semaphore, #tpu.memory_space<semaphore_mem>>
    %dma_wait3A_217 = tpu.memref_squeeze %dma_wait3A_216 : memref<1x!tpu.dma_semaphore, #tpu.memory_space<semaphore_mem>> -> memref<!tpu.dma_semaphore, #tpu.memory_space<semaphore_mem>>
    tpu.wait_indirect_dma semaphore(%dma_wait3A_217 : memref<!tpu.dma_semaphore, #tpu.memory_space<semaphore_mem>>) src(%dma_wait3A_205 : memref<80x128xf32, #tpu.memory_space<vmem>>) dst(%dma_wait3A_215 : memref<10000x128xf32, #tpu.memory_space<vmem_shared>>)
    %div3A_218 = arith.constant 124 : i32
    %div3A_219 = arith.constant 5 : i32
    %div3A_220 = arith.divsi %div3A_218, %div3A_219 : i32
    %rem3A_221 = arith.constant 2 : i32
    %rem3A_222 = arith.remsi %div3A_220, %rem3A_221 : i32
    %rem3A_223 = arith.constant 124 : i32
    %rem3A_224 = arith.constant 5 : i32
    %rem3A_225 = arith.remsi %rem3A_223, %rem3A_224 : i32
    %dma_wait3A_226 = arith.constant 1 : i32
    %dma_wait3A_227 = arith.constant 1 : i32
    %dma_wait3A_228 = arith.constant 0 : i32
    %dma_wait3A_229 = tpu.memref_slice %arg13[%dma_wait3A_226, %dma_wait3A_228] : memref<3x80xf32, #tpu.memory_space<vmem>> -> memref<1x80xf32, #tpu.memory_space<vmem>>
    %dma_wait3A_230 = tpu.memref_squeeze %dma_wait3A_229 : memref<1x80xf32, #tpu.memory_space<vmem>> -> memref<80xf32, #tpu.memory_space<vmem>>
    %dma_wait3A_231 = arith.constant 0 : i32
    %dma_wait3A_232 = arith.constant 0 : i32
    %dma_wait3A_233 = tpu.memref_slice %arg10[%rem3A_222, %dma_wait3A_231, %dma_wait3A_232] : memref<2x5x80xi32, #tpu.memory_space<vmem>> -> memref<1x5x80xi32, #tpu.memory_space<vmem>>
    %dma_wait3A_234 = tpu.memref_squeeze %dma_wait3A_233 : memref<1x5x80xi32, #tpu.memory_space<vmem>> -> memref<5x80xi32, #tpu.memory_space<vmem>>
    %dma_wait3A_235 = arith.constant 0 : i32
    %dma_wait3A_236 = tpu.memref_slice %dma_wait3A_234[%rem3A_225, %dma_wait3A_235] : memref<5x80xi32, #tpu.memory_space<vmem>> -> memref<1x80xi32, #tpu.memory_space<vmem>>
    %dma_wait3A_237 = tpu.memref_squeeze %dma_wait3A_236 : memref<1x80xi32, #tpu.memory_space<vmem>> -> memref<80xi32, #tpu.memory_space<vmem>>
    %dma_wait3A_238 = arith.constant 0 : i32
    %dma_wait3A_239 = tpu.memref_slice %arg17[%dma_wait3A_238] : memref<10000xf32, #tpu.memory_space<vmem_shared>> -> memref<10000xf32, #tpu.memory_space<vmem_shared>>
    %dma_wait3A_240 = tpu.memref_slice %arg22[%dma_wait3A_227] : memref<3x!tpu.dma_semaphore, #tpu.memory_space<semaphore_mem>> -> memref<1x!tpu.dma_semaphore, #tpu.memory_space<semaphore_mem>>
    %dma_wait3A_241 = tpu.memref_squeeze %dma_wait3A_240 : memref<1x!tpu.dma_semaphore, #tpu.memory_space<semaphore_mem>> -> memref<!tpu.dma_semaphore, #tpu.memory_space<semaphore_mem>>
    tpu.wait_indirect_dma semaphore(%dma_wait3A_241 : memref<!tpu.dma_semaphore, #tpu.memory_space<semaphore_mem>>) src(%dma_wait3A_230 : memref<80xf32, #tpu.memory_space<vmem>>) dst(%dma_wait3A_239 : memref<10000xf32, #tpu.memory_space<vmem_shared>>)
    %barrier3A_242 = arith.constant 0 : index
    tpu.barrier barrier_id(%barrier3A_242)
    %add3A_243 = arith.constant 0 : i32
    %add3A_244 = arith.addi %mul3A_4, %add3A_243 : i32
    "tpu.region"() ({
      %run_scoped3A_526 = tpu.sem_alloc : memref<!tpu.dma_semaphore, #tpu.memory_space<semaphore_mem>>
      %dma_start3A_527 = arith.constant 0 : i32
      %dma_start3A_528 = tpu.memref_slice %arg16[%add3A_244, %dma_start3A_527] : memref<10000x128xf32, #tpu.memory_space<vmem_shared>> -> memref<16x128xf32, #tpu.memory_space<vmem_shared>>
      %dma_start3A_529 = arith.constant 0 : i32
      %dma_start3A_530 = tpu.memref_slice %arg16[%add3A_244, %dma_start3A_529] : memref<10000x128xf32, #tpu.memory_space<vmem_shared>> -> memref<16x128xf32, #tpu.memory_space<vmem_shared>>
      tpu.enqueue_dma source(%dma_start3A_530 : memref<16x128xf32, #tpu.memory_space<vmem_shared>>) target(%arg14 : memref<16x128xf32, #tpu.memory_space<vmem>>) target_semaphore(%run_scoped3A_526 : memref<!tpu.dma_semaphore, #tpu.memory_space<semaphore_mem>>)
      %dma_wait3A_531 = arith.constant 0 : i32
      %dma_wait3A_532 = tpu.memref_slice %arg16[%add3A_244, %dma_wait3A_531] : memref<10000x128xf32, #tpu.memory_space<vmem_shared>> -> memref<16x128xf32, #tpu.memory_space<vmem_shared>>
      %dma_wait3A_533 = arith.constant 0 : i32
      %dma_wait3A_534 = tpu.memref_slice %arg16[%add3A_244, %dma_wait3A_533] : memref<10000x128xf32, #tpu.memory_space<vmem_shared>> -> memref<16x128xf32, #tpu.memory_space<vmem_shared>>
      tpu.wait_dma2 semaphore(%run_scoped3A_526 : memref<!tpu.dma_semaphore, #tpu.memory_space<semaphore_mem>>) src(%dma_wait3A_534 : memref<16x128xf32, #tpu.memory_space<vmem_shared>>) dst(%arg14 : memref<16x128xf32, #tpu.memory_space<vmem>>)
      tpu.yield
    }) : () -> ()
    %mul3A_245 = arith.constant 10000 : i32
    %mul3A_246 = arith.muli %arg0, %mul3A_245 : i32
    %add3A_247 = arith.addi %mul3A_246, %mul3A_4 : i32
    %add3A_248 = arith.constant 0 : i32
    %add3A_249 = arith.addi %add3A_247, %add3A_248 : i32
    "tpu.region"() ({
      %run_scoped3A_526 = tpu.sem_alloc : memref<!tpu.dma_semaphore, #tpu.memory_space<semaphore_mem>>
      %dma_start3A_527 = arith.constant 0 : i32
      %dma_start3A_528 = tpu.memref_slice %arg8[%add3A_249, %dma_start3A_527] : memref<20000x128xf32, #tpu.memory_space<hbm>> -> memref<16x128xf32, #tpu.memory_space<hbm>>
      %dma_start3A_529 = arith.constant 0 : i32
      %dma_start3A_530 = tpu.memref_slice %arg8[%add3A_249, %dma_start3A_529] : memref<20000x128xf32, #tpu.memory_space<hbm>> -> memref<16x128xf32, #tpu.memory_space<hbm>>
      tpu.enqueue_dma source(%arg14 : memref<16x128xf32, #tpu.memory_space<vmem>>) target(%dma_start3A_530 : memref<16x128xf32, #tpu.memory_space<hbm>>) target_semaphore(%run_scoped3A_526 : memref<!tpu.dma_semaphore, #tpu.memory_space<semaphore_mem>>)
      %dma_wait3A_531 = arith.constant 0 : i32
      %dma_wait3A_532 = tpu.memref_slice %arg8[%add3A_249, %dma_wait3A_531] : memref<20000x128xf32, #tpu.memory_space<hbm>> -> memref<16x128xf32, #tpu.memory_space<hbm>>
      %dma_wait3A_533 = arith.constant 0 : i32
      %dma_wait3A_534 = tpu.memref_slice %arg8[%add3A_249, %dma_wait3A_533] : memref<20000x128xf32, #tpu.memory_space<hbm>> -> memref<16x128xf32, #tpu.memory_space<hbm>>
      tpu.wait_dma2 semaphore(%run_scoped3A_526 : memref<!tpu.dma_semaphore, #tpu.memory_space<semaphore_mem>>) src(%arg14 : memref<16x128xf32, #tpu.memory_space<vmem>>) dst(%dma_wait3A_534 : memref<16x128xf32, #tpu.memory_space<hbm>>)
      tpu.yield
    }) : () -> ()
    %add3A_250 = arith.constant 16 : i32
    %add3A_251 = arith.addi %mul3A_4, %add3A_250 : i32
    "tpu.region"() ({
      %run_scoped3A_526 = tpu.sem_alloc : memref<!tpu.dma_semaphore, #tpu.memory_space<semaphore_mem>>
      %dma_start3A_527 = arith.constant 0 : i32
      %dma_start3A_528 = tpu.memref_slice %arg16[%add3A_251, %dma_start3A_527] : memref<10000x128xf32, #tpu.memory_space<vmem_shared>> -> memref<16x128xf32, #tpu.memory_space<vmem_shared>>
      %dma_start3A_529 = arith.constant 0 : i32
      %dma_start3A_530 = tpu.memref_slice %arg16[%add3A_251, %dma_start3A_529] : memref<10000x128xf32, #tpu.memory_space<vmem_shared>> -> memref<16x128xf32, #tpu.memory_space<vmem_shared>>
      tpu.enqueue_dma source(%dma_start3A_530 : memref<16x128xf32, #tpu.memory_space<vmem_shared>>) target(%arg14 : memref<16x128xf32, #tpu.memory_space<vmem>>) target_semaphore(%run_scoped3A_526 : memref<!tpu.dma_semaphore, #tpu.memory_space<semaphore_mem>>)
      %dma_wait3A_531 = arith.constant 0 : i32
      %dma_wait3A_532 = tpu.memref_slice %arg16[%add3A_251, %dma_wait3A_531] : memref<10000x128xf32, #tpu.memory_space<vmem_shared>> -> memref<16x128xf32, #tpu.memory_space<vmem_shared>>
      %dma_wait3A_533 = arith.constant 0 : i32
      %dma_wait3A_534 = tpu.memref_slice %arg16[%add3A_251, %dma_wait3A_533] : memref<10000x128xf32, #tpu.memory_space<vmem_shared>> -> memref<16x128xf32, #tpu.memory_space<vmem_shared>>
      tpu.wait_dma2 semaphore(%run_scoped3A_526 : memref<!tpu.dma_semaphore, #tpu.memory_space<semaphore_mem>>) src(%dma_wait3A_534 : memref<16x128xf32, #tpu.memory_space<vmem_shared>>) dst(%arg14 : memref<16x128xf32, #tpu.memory_space<vmem>>)
      tpu.yield
    }) : () -> ()
    %mul3A_252 = arith.constant 10000 : i32
    %mul3A_253 = arith.muli %arg0, %mul3A_252 : i32
    %add3A_254 = arith.addi %mul3A_253, %mul3A_4 : i32
    %add3A_255 = arith.constant 16 : i32
    %add3A_256 = arith.addi %add3A_254, %add3A_255 : i32
    "tpu.region"() ({
      %run_scoped3A_526 = tpu.sem_alloc : memref<!tpu.dma_semaphore, #tpu.memory_space<semaphore_mem>>
      %dma_start3A_527 = arith.constant 0 : i32
      %dma_start3A_528 = tpu.memref_slice %arg8[%add3A_256, %dma_start3A_527] : memref<20000x128xf32, #tpu.memory_space<hbm>> -> memref<16x128xf32, #tpu.memory_space<hbm>>
      %dma_start3A_529 = arith.constant 0 : i32
      %dma_start3A_530 = tpu.memref_slice %arg8[%add3A_256, %dma_start3A_529] : memref<20000x128xf32, #tpu.memory_space<hbm>> -> memref<16x128xf32, #tpu.memory_space<hbm>>
      tpu.enqueue_dma source(%arg14 : memref<16x128xf32, #tpu.memory_space<vmem>>) target(%dma_start3A_530 : memref<16x128xf32, #tpu.memory_space<hbm>>) target_semaphore(%run_scoped3A_526 : memref<!tpu.dma_semaphore, #tpu.memory_space<semaphore_mem>>)
      %dma_wait3A_531 = arith.constant 0 : i32
      %dma_wait3A_532 = tpu.memref_slice %arg8[%add3A_256, %dma_wait3A_531] : memref<20000x128xf32, #tpu.memory_space<hbm>> -> memref<16x128xf32, #tpu.memory_space<hbm>>
      %dma_wait3A_533 = arith.constant 0 : i32
      %dma_wait3A_534 = tpu.memref_slice %arg8[%add3A_256, %dma_wait3A_533] : memref<20000x128xf32, #tpu.memory_space<hbm>> -> memref<16x128xf32, #tpu.memory_space<hbm>>
      tpu.wait_dma2 semaphore(%run_scoped3A_526 : memref<!tpu.dma_semaphore, #tpu.memory_space<semaphore_mem>>) src(%arg14 : memref<16x128xf32, #tpu.memory_space<vmem>>) dst(%dma_wait3A_534 : memref<16x128xf32, #tpu.memory_space<hbm>>)
      tpu.yield
    }) : () -> ()
    %add3A_257 = arith.constant 32 : i32
    %add3A_258 = arith.addi %mul3A_4, %add3A_257 : i32
    "tpu.region"() ({
      %run_scoped3A_526 = tpu.sem_alloc : memref<!tpu.dma_semaphore, #tpu.memory_space<semaphore_mem>>
      %dma_start3A_527 = arith.constant 0 : i32
      %dma_start3A_528 = tpu.memref_slice %arg16[%add3A_258, %dma_start3A_527] : memref<10000x128xf32, #tpu.memory_space<vmem_shared>> -> memref<16x128xf32, #tpu.memory_space<vmem_shared>>
      %dma_start3A_529 = arith.constant 0 : i32
      %dma_start3A_530 = tpu.memref_slice %arg16[%add3A_258, %dma_start3A_529] : memref<10000x128xf32, #tpu.memory_space<vmem_shared>> -> memref<16x128xf32, #tpu.memory_space<vmem_shared>>
      tpu.enqueue_dma source(%dma_start3A_530 : memref<16x128xf32, #tpu.memory_space<vmem_shared>>) target(%arg14 : memref<16x128xf32, #tpu.memory_space<vmem>>) target_semaphore(%run_scoped3A_526 : memref<!tpu.dma_semaphore, #tpu.memory_space<semaphore_mem>>)
      %dma_wait3A_531 = arith.constant 0 : i32
      %dma_wait3A_532 = tpu.memref_slice %arg16[%add3A_258, %dma_wait3A_531] : memref<10000x128xf32, #tpu.memory_space<vmem_shared>> -> memref<16x128xf32, #tpu.memory_space<vmem_shared>>
      %dma_wait3A_533 = arith.constant 0 : i32
      %dma_wait3A_534 = tpu.memref_slice %arg16[%add3A_258, %dma_wait3A_533] : memref<10000x128xf32, #tpu.memory_space<vmem_shared>> -> memref<16x128xf32, #tpu.memory_space<vmem_shared>>
      tpu.wait_dma2 semaphore(%run_scoped3A_526 : memref<!tpu.dma_semaphore, #tpu.memory_space<semaphore_mem>>) src(%dma_wait3A_534 : memref<16x128xf32, #tpu.memory_space<vmem_shared>>) dst(%arg14 : memref<16x128xf32, #tpu.memory_space<vmem>>)
      tpu.yield
    }) : () -> ()
    %mul3A_259 = arith.constant 10000 : i32
    %mul3A_260 = arith.muli %arg0, %mul3A_259 : i32
    %add3A_261 = arith.addi %mul3A_260, %mul3A_4 : i32
    %add3A_262 = arith.constant 32 : i32
    %add3A_263 = arith.addi %add3A_261, %add3A_262 : i32
    "tpu.region"() ({
      %run_scoped3A_526 = tpu.sem_alloc : memref<!tpu.dma_semaphore, #tpu.memory_space<semaphore_mem>>
      %dma_start3A_527 = arith.constant 0 : i32
      %dma_start3A_528 = tpu.memref_slice %arg8[%add3A_263, %dma_start3A_527] : memref<20000x128xf32, #tpu.memory_space<hbm>> -> memref<16x128xf32, #tpu.memory_space<hbm>>
      %dma_start3A_529 = arith.constant 0 : i32
      %dma_start3A_530 = tpu.memref_slice %arg8[%add3A_263, %dma_start3A_529] : memref<20000x128xf32, #tpu.memory_space<hbm>> -> memref<16x128xf32, #tpu.memory_space<hbm>>
      tpu.enqueue_dma source(%arg14 : memref<16x128xf32, #tpu.memory_space<vmem>>) target(%dma_start3A_530 : memref<16x128xf32, #tpu.memory_space<hbm>>) target_semaphore(%run_scoped3A_526 : memref<!tpu.dma_semaphore, #tpu.memory_space<semaphore_mem>>)
      %dma_wait3A_531 = arith.constant 0 : i32
      %dma_wait3A_532 = tpu.memref_slice %arg8[%add3A_263, %dma_wait3A_531] : memref<20000x128xf32, #tpu.memory_space<hbm>> -> memref<16x128xf32, #tpu.memory_space<hbm>>
      %dma_wait3A_533 = arith.constant 0 : i32
      %dma_wait3A_534 = tpu.memref_slice %arg8[%add3A_263, %dma_wait3A_533] : memref<20000x128xf32, #tpu.memory_space<hbm>> -> memref<16x128xf32, #tpu.memory_space<hbm>>
      tpu.wait_dma2 semaphore(%run_scoped3A_526 : memref<!tpu.dma_semaphore, #tpu.memory_space<semaphore_mem>>) src(%arg14 : memref<16x128xf32, #tpu.memory_space<vmem>>) dst(%dma_wait3A_534 : memref<16x128xf32, #tpu.memory_space<hbm>>)
      tpu.yield
    }) : () -> ()
    %add3A_264 = arith.constant 48 : i32
    %add3A_265 = arith.addi %mul3A_4, %add3A_264 : i32
    "tpu.region"() ({
      %run_scoped3A_526 = tpu.sem_alloc : memref<!tpu.dma_semaphore, #tpu.memory_space<semaphore_mem>>
      %dma_start3A_527 = arith.constant 0 : i32
      %dma_start3A_528 = tpu.memref_slice %arg16[%add3A_265, %dma_start3A_527] : memref<10000x128xf32, #tpu.memory_space<vmem_shared>> -> memref<16x128xf32, #tpu.memory_space<vmem_shared>>
      %dma_start3A_529 = arith.constant 0 : i32
      %dma_start3A_530 = tpu.memref_slice %arg16[%add3A_265, %dma_start3A_529] : memref<10000x128xf32, #tpu.memory_space<vmem_shared>> -> memref<16x128xf32, #tpu.memory_space<vmem_shared>>
      tpu.enqueue_dma source(%dma_start3A_530 : memref<16x128xf32, #tpu.memory_space<vmem_shared>>) target(%arg14 : memref<16x128xf32, #tpu.memory_space<vmem>>) target_semaphore(%run_scoped3A_526 : memref<!tpu.dma_semaphore, #tpu.memory_space<semaphore_mem>>)
      %dma_wait3A_531 = arith.constant 0 : i32
      %dma_wait3A_532 = tpu.memref_slice %arg16[%add3A_265, %dma_wait3A_531] : memref<10000x128xf32, #tpu.memory_space<vmem_shared>> -> memref<16x128xf32, #tpu.memory_space<vmem_shared>>
      %dma_wait3A_533 = arith.constant 0 : i32
      %dma_wait3A_534 = tpu.memref_slice %arg16[%add3A_265, %dma_wait3A_533] : memref<10000x128xf32, #tpu.memory_space<vmem_shared>> -> memref<16x128xf32, #tpu.memory_space<vmem_shared>>
      tpu.wait_dma2 semaphore(%run_scoped3A_526 : memref<!tpu.dma_semaphore, #tpu.memory_space<semaphore_mem>>) src(%dma_wait3A_534 : memref<16x128xf32, #tpu.memory_space<vmem_shared>>) dst(%arg14 : memref<16x128xf32, #tpu.memory_space<vmem>>)
      tpu.yield
    }) : () -> ()
    %mul3A_266 = arith.constant 10000 : i32
    %mul3A_267 = arith.muli %arg0, %mul3A_266 : i32
    %add3A_268 = arith.addi %mul3A_267, %mul3A_4 : i32
    %add3A_269 = arith.constant 48 : i32
    %add3A_270 = arith.addi %add3A_268, %add3A_269 : i32
    "tpu.region"() ({
      %run_scoped3A_526 = tpu.sem_alloc : memref<!tpu.dma_semaphore, #tpu.memory_space<semaphore_mem>>
      %dma_start3A_527 = arith.constant 0 : i32
      %dma_start3A_528 = tpu.memref_slice %arg8[%add3A_270, %dma_start3A_527] : memref<20000x128xf32, #tpu.memory_space<hbm>> -> memref<16x128xf32, #tpu.memory_space<hbm>>
      %dma_start3A_529 = arith.constant 0 : i32
      %dma_start3A_530 = tpu.memref_slice %arg8[%add3A_270, %dma_start3A_529] : memref<20000x128xf32, #tpu.memory_space<hbm>> -> memref<16x128xf32, #tpu.memory_space<hbm>>
      tpu.enqueue_dma source(%arg14 : memref<16x128xf32, #tpu.memory_space<vmem>>) target(%dma_start3A_530 : memref<16x128xf32, #tpu.memory_space<hbm>>) target_semaphore(%run_scoped3A_526 : memref<!tpu.dma_semaphore, #tpu.memory_space<semaphore_mem>>)
      %dma_wait3A_531 = arith.constant 0 : i32
      %dma_wait3A_532 = tpu.memref_slice %arg8[%add3A_270, %dma_wait3A_531] : memref<20000x128xf32, #tpu.memory_space<hbm>> -> memref<16x128xf32, #tpu.memory_space<hbm>>
      %dma_wait3A_533 = arith.constant 0 : i32
      %dma_wait3A_534 = tpu.memref_slice %arg8[%add3A_270, %dma_wait3A_533] : memref<20000x128xf32, #tpu.memory_space<hbm>> -> memref<16x128xf32, #tpu.memory_space<hbm>>
      tpu.wait_dma2 semaphore(%run_scoped3A_526 : memref<!tpu.dma_semaphore, #tpu.memory_space<semaphore_mem>>) src(%arg14 : memref<16x128xf32, #tpu.memory_space<vmem>>) dst(%dma_wait3A_534 : memref<16x128xf32, #tpu.memory_space<hbm>>)
      tpu.yield
    }) : () -> ()
    %add3A_271 = arith.constant 64 : i32
    %add3A_272 = arith.addi %mul3A_4, %add3A_271 : i32
    "tpu.region"() ({
      %run_scoped3A_526 = tpu.sem_alloc : memref<!tpu.dma_semaphore, #tpu.memory_space<semaphore_mem>>
      %dma_start3A_527 = arith.constant 0 : i32
      %dma_start3A_528 = tpu.memref_slice %arg16[%add3A_272, %dma_start3A_527] : memref<10000x128xf32, #tpu.memory_space<vmem_shared>> -> memref<16x128xf32, #tpu.memory_space<vmem_shared>>
      %dma_start3A_529 = arith.constant 0 : i32
      %dma_start3A_530 = tpu.memref_slice %arg16[%add3A_272, %dma_start3A_529] : memref<10000x128xf32, #tpu.memory_space<vmem_shared>> -> memref<16x128xf32, #tpu.memory_space<vmem_shared>>
      tpu.enqueue_dma source(%dma_start3A_530 : memref<16x128xf32, #tpu.memory_space<vmem_shared>>) target(%arg14 : memref<16x128xf32, #tpu.memory_space<vmem>>) target_semaphore(%run_scoped3A_526 : memref<!tpu.dma_semaphore, #tpu.memory_space<semaphore_mem>>)
      %dma_wait3A_531 = arith.constant 0 : i32
      %dma_wait3A_532 = tpu.memref_slice %arg16[%add3A_272, %dma_wait3A_531] : memref<10000x128xf32, #tpu.memory_space<vmem_shared>> -> memref<16x128xf32, #tpu.memory_space<vmem_shared>>
      %dma_wait3A_533 = arith.constant 0 : i32
      %dma_wait3A_534 = tpu.memref_slice %arg16[%add3A_272, %dma_wait3A_533] : memref<10000x128xf32, #tpu.memory_space<vmem_shared>> -> memref<16x128xf32, #tpu.memory_space<vmem_shared>>
      tpu.wait_dma2 semaphore(%run_scoped3A_526 : memref<!tpu.dma_semaphore, #tpu.memory_space<semaphore_mem>>) src(%dma_wait3A_534 : memref<16x128xf32, #tpu.memory_space<vmem_shared>>) dst(%arg14 : memref<16x128xf32, #tpu.memory_space<vmem>>)
      tpu.yield
    }) : () -> ()
    %mul3A_273 = arith.constant 10000 : i32
    %mul3A_274 = arith.muli %arg0, %mul3A_273 : i32
    %add3A_275 = arith.addi %mul3A_274, %mul3A_4 : i32
    %add3A_276 = arith.constant 64 : i32
    %add3A_277 = arith.addi %add3A_275, %add3A_276 : i32
    "tpu.region"() ({
      %run_scoped3A_526 = tpu.sem_alloc : memref<!tpu.dma_semaphore, #tpu.memory_space<semaphore_mem>>
      %dma_start3A_527 = arith.constant 0 : i32
      %dma_start3A_528 = tpu.memref_slice %arg8[%add3A_277, %dma_start3A_527] : memref<20000x128xf32, #tpu.memory_space<hbm>> -> memref<16x128xf32, #tpu.memory_space<hbm>>
      %dma_start3A_529 = arith.constant 0 : i32
      %dma_start3A_530 = tpu.memref_slice %arg8[%add3A_277, %dma_start3A_529] : memref<20000x128xf32, #tpu.memory_space<hbm>> -> memref<16x128xf32, #tpu.memory_space<hbm>>
      tpu.enqueue_dma source(%arg14 : memref<16x128xf32, #tpu.memory_space<vmem>>) target(%dma_start3A_530 : memref<16x128xf32, #tpu.memory_space<hbm>>) target_semaphore(%run_scoped3A_526 : memref<!tpu.dma_semaphore, #tpu.memory_space<semaphore_mem>>)
      %dma_wait3A_531 = arith.constant 0 : i32
      %dma_wait3A_532 = tpu.memref_slice %arg8[%add3A_277, %dma_wait3A_531] : memref<20000x128xf32, #tpu.memory_space<hbm>> -> memref<16x128xf32, #tpu.memory_space<hbm>>
      %dma_wait3A_533 = arith.constant 0 : i32
      %dma_wait3A_534 = tpu.memref_slice %arg8[%add3A_277, %dma_wait3A_533] : memref<20000x128xf32, #tpu.memory_space<hbm>> -> memref<16x128xf32, #tpu.memory_space<hbm>>
      tpu.wait_dma2 semaphore(%run_scoped3A_526 : memref<!tpu.dma_semaphore, #tpu.memory_space<semaphore_mem>>) src(%arg14 : memref<16x128xf32, #tpu.memory_space<vmem>>) dst(%dma_wait3A_534 : memref<16x128xf32, #tpu.memory_space<hbm>>)
      tpu.yield
    }) : () -> ()
    %add3A_278 = arith.constant 80 : i32
    %add3A_279 = arith.addi %mul3A_4, %add3A_278 : i32
    "tpu.region"() ({
      %run_scoped3A_526 = tpu.sem_alloc : memref<!tpu.dma_semaphore, #tpu.memory_space<semaphore_mem>>
      %dma_start3A_527 = arith.constant 0 : i32
      %dma_start3A_528 = tpu.memref_slice %arg16[%add3A_279, %dma_start3A_527] : memref<10000x128xf32, #tpu.memory_space<vmem_shared>> -> memref<16x128xf32, #tpu.memory_space<vmem_shared>>
      %dma_start3A_529 = arith.constant 0 : i32
      %dma_start3A_530 = tpu.memref_slice %arg16[%add3A_279, %dma_start3A_529] : memref<10000x128xf32, #tpu.memory_space<vmem_shared>> -> memref<16x128xf32, #tpu.memory_space<vmem_shared>>
      tpu.enqueue_dma source(%dma_start3A_530 : memref<16x128xf32, #tpu.memory_space<vmem_shared>>) target(%arg14 : memref<16x128xf32, #tpu.memory_space<vmem>>) target_semaphore(%run_scoped3A_526 : memref<!tpu.dma_semaphore, #tpu.memory_space<semaphore_mem>>)
      %dma_wait3A_531 = arith.constant 0 : i32
      %dma_wait3A_532 = tpu.memref_slice %arg16[%add3A_279, %dma_wait3A_531] : memref<10000x128xf32, #tpu.memory_space<vmem_shared>> -> memref<16x128xf32, #tpu.memory_space<vmem_shared>>
      %dma_wait3A_533 = arith.constant 0 : i32
      %dma_wait3A_534 = tpu.memref_slice %arg16[%add3A_279, %dma_wait3A_533] : memref<10000x128xf32, #tpu.memory_space<vmem_shared>> -> memref<16x128xf32, #tpu.memory_space<vmem_shared>>
      tpu.wait_dma2 semaphore(%run_scoped3A_526 : memref<!tpu.dma_semaphore, #tpu.memory_space<semaphore_mem>>) src(%dma_wait3A_534 : memref<16x128xf32, #tpu.memory_space<vmem_shared>>) dst(%arg14 : memref<16x128xf32, #tpu.memory_space<vmem>>)
      tpu.yield
    }) : () -> ()
    %mul3A_280 = arith.constant 10000 : i32
    %mul3A_281 = arith.muli %arg0, %mul3A_280 : i32
    %add3A_282 = arith.addi %mul3A_281, %mul3A_4 : i32
    %add3A_283 = arith.constant 80 : i32
    %add3A_284 = arith.addi %add3A_282, %add3A_283 : i32
    "tpu.region"() ({
      %run_scoped3A_526 = tpu.sem_alloc : memref<!tpu.dma_semaphore, #tpu.memory_space<semaphore_mem>>
      %dma_start3A_527 = arith.constant 0 : i32
      %dma_start3A_528 = tpu.memref_slice %arg8[%add3A_284, %dma_start3A_527] : memref<20000x128xf32, #tpu.memory_space<hbm>> -> memref<16x128xf32, #tpu.memory_space<hbm>>
      %dma_start3A_529 = arith.constant 0 : i32
      %dma_start3A_530 = tpu.memref_slice %arg8[%add3A_284, %dma_start3A_529] : memref<20000x128xf32, #tpu.memory_space<hbm>> -> memref<16x128xf32, #tpu.memory_space<hbm>>
      tpu.enqueue_dma source(%arg14 : memref<16x128xf32, #tpu.memory_space<vmem>>) target(%dma_start3A_530 : memref<16x128xf32, #tpu.memory_space<hbm>>) target_semaphore(%run_scoped3A_526 : memref<!tpu.dma_semaphore, #tpu.memory_space<semaphore_mem>>)
      %dma_wait3A_531 = arith.constant 0 : i32
      %dma_wait3A_532 = tpu.memref_slice %arg8[%add3A_284, %dma_wait3A_531] : memref<20000x128xf32, #tpu.memory_space<hbm>> -> memref<16x128xf32, #tpu.memory_space<hbm>>
      %dma_wait3A_533 = arith.constant 0 : i32
      %dma_wait3A_534 = tpu.memref_slice %arg8[%add3A_284, %dma_wait3A_533] : memref<20000x128xf32, #tpu.memory_space<hbm>> -> memref<16x128xf32, #tpu.memory_space<hbm>>
      tpu.wait_dma2 semaphore(%run_scoped3A_526 : memref<!tpu.dma_semaphore, #tpu.memory_space<semaphore_mem>>) src(%arg14 : memref<16x128xf32, #tpu.memory_space<vmem>>) dst(%dma_wait3A_534 : memref<16x128xf32, #tpu.memory_space<hbm>>)
      tpu.yield
    }) : () -> ()
    %add3A_285 = arith.constant 96 : i32
    %add3A_286 = arith.addi %mul3A_4, %add3A_285 : i32
    "tpu.region"() ({
      %run_scoped3A_526 = tpu.sem_alloc : memref<!tpu.dma_semaphore, #tpu.memory_space<semaphore_mem>>
      %dma_start3A_527 = arith.constant 0 : i32
      %dma_start3A_528 = tpu.memref_slice %arg16[%add3A_286, %dma_start3A_527] : memref<10000x128xf32, #tpu.memory_space<vmem_shared>> -> memref<16x128xf32, #tpu.memory_space<vmem_shared>>
      %dma_start3A_529 = arith.constant 0 : i32
      %dma_start3A_530 = tpu.memref_slice %arg16[%add3A_286, %dma_start3A_529] : memref<10000x128xf32, #tpu.memory_space<vmem_shared>> -> memref<16x128xf32, #tpu.memory_space<vmem_shared>>
      tpu.enqueue_dma source(%dma_start3A_530 : memref<16x128xf32, #tpu.memory_space<vmem_shared>>) target(%arg14 : memref<16x128xf32, #tpu.memory_space<vmem>>) target_semaphore(%run_scoped3A_526 : memref<!tpu.dma_semaphore, #tpu.memory_space<semaphore_mem>>)
      %dma_wait3A_531 = arith.constant 0 : i32
      %dma_wait3A_532 = tpu.memref_slice %arg16[%add3A_286, %dma_wait3A_531] : memref<10000x128xf32, #tpu.memory_space<vmem_shared>> -> memref<16x128xf32, #tpu.memory_space<vmem_shared>>
      %dma_wait3A_533 = arith.constant 0 : i32
      %dma_wait3A_534 = tpu.memref_slice %arg16[%add3A_286, %dma_wait3A_533] : memref<10000x128xf32, #tpu.memory_space<vmem_shared>> -> memref<16x128xf32, #tpu.memory_space<vmem_shared>>
      tpu.wait_dma2 semaphore(%run_scoped3A_526 : memref<!tpu.dma_semaphore, #tpu.memory_space<semaphore_mem>>) src(%dma_wait3A_534 : memref<16x128xf32, #tpu.memory_space<vmem_shared>>) dst(%arg14 : memref<16x128xf32, #tpu.memory_space<vmem>>)
      tpu.yield
    }) : () -> ()
    %mul3A_287 = arith.constant 10000 : i32
    %mul3A_288 = arith.muli %arg0, %mul3A_287 : i32
    %add3A_289 = arith.addi %mul3A_288, %mul3A_4 : i32
    %add3A_290 = arith.constant 96 : i32
    %add3A_291 = arith.addi %add3A_289, %add3A_290 : i32
    "tpu.region"() ({
      %run_scoped3A_526 = tpu.sem_alloc : memref<!tpu.dma_semaphore, #tpu.memory_space<semaphore_mem>>
      %dma_start3A_527 = arith.constant 0 : i32
      %dma_start3A_528 = tpu.memref_slice %arg8[%add3A_291, %dma_start3A_527] : memref<20000x128xf32, #tpu.memory_space<hbm>> -> memref<16x128xf32, #tpu.memory_space<hbm>>
      %dma_start3A_529 = arith.constant 0 : i32
      %dma_start3A_530 = tpu.memref_slice %arg8[%add3A_291, %dma_start3A_529] : memref<20000x128xf32, #tpu.memory_space<hbm>> -> memref<16x128xf32, #tpu.memory_space<hbm>>
      tpu.enqueue_dma source(%arg14 : memref<16x128xf32, #tpu.memory_space<vmem>>) target(%dma_start3A_530 : memref<16x128xf32, #tpu.memory_space<hbm>>) target_semaphore(%run_scoped3A_526 : memref<!tpu.dma_semaphore, #tpu.memory_space<semaphore_mem>>)
      %dma_wait3A_531 = arith.constant 0 : i32
      %dma_wait3A_532 = tpu.memref_slice %arg8[%add3A_291, %dma_wait3A_531] : memref<20000x128xf32, #tpu.memory_space<hbm>> -> memref<16x128xf32, #tpu.memory_space<hbm>>
      %dma_wait3A_533 = arith.constant 0 : i32
      %dma_wait3A_534 = tpu.memref_slice %arg8[%add3A_291, %dma_wait3A_533] : memref<20000x128xf32, #tpu.memory_space<hbm>> -> memref<16x128xf32, #tpu.memory_space<hbm>>
      tpu.wait_dma2 semaphore(%run_scoped3A_526 : memref<!tpu.dma_semaphore, #tpu.memory_space<semaphore_mem>>) src(%arg14 : memref<16x128xf32, #tpu.memory_space<vmem>>) dst(%dma_wait3A_534 : memref<16x128xf32, #tpu.memory_space<hbm>>)
      tpu.yield
    }) : () -> ()
    %add3A_292 = arith.constant 112 : i32
    %add3A_293 = arith.addi %mul3A_4, %add3A_292 : i32
    "tpu.region"() ({
      %run_scoped3A_526 = tpu.sem_alloc : memref<!tpu.dma_semaphore, #tpu.memory_space<semaphore_mem>>
      %dma_start3A_527 = arith.constant 0 : i32
      %dma_start3A_528 = tpu.memref_slice %arg16[%add3A_293, %dma_start3A_527] : memref<10000x128xf32, #tpu.memory_space<vmem_shared>> -> memref<16x128xf32, #tpu.memory_space<vmem_shared>>
      %dma_start3A_529 = arith.constant 0 : i32
      %dma_start3A_530 = tpu.memref_slice %arg16[%add3A_293, %dma_start3A_529] : memref<10000x128xf32, #tpu.memory_space<vmem_shared>> -> memref<16x128xf32, #tpu.memory_space<vmem_shared>>
      tpu.enqueue_dma source(%dma_start3A_530 : memref<16x128xf32, #tpu.memory_space<vmem_shared>>) target(%arg14 : memref<16x128xf32, #tpu.memory_space<vmem>>) target_semaphore(%run_scoped3A_526 : memref<!tpu.dma_semaphore, #tpu.memory_space<semaphore_mem>>)
      %dma_wait3A_531 = arith.constant 0 : i32
      %dma_wait3A_532 = tpu.memref_slice %arg16[%add3A_293, %dma_wait3A_531] : memref<10000x128xf32, #tpu.memory_space<vmem_shared>> -> memref<16x128xf32, #tpu.memory_space<vmem_shared>>
      %dma_wait3A_533 = arith.constant 0 : i32
      %dma_wait3A_534 = tpu.memref_slice %arg16[%add3A_293, %dma_wait3A_533] : memref<10000x128xf32, #tpu.memory_space<vmem_shared>> -> memref<16x128xf32, #tpu.memory_space<vmem_shared>>
      tpu.wait_dma2 semaphore(%run_scoped3A_526 : memref<!tpu.dma_semaphore, #tpu.memory_space<semaphore_mem>>) src(%dma_wait3A_534 : memref<16x128xf32, #tpu.memory_space<vmem_shared>>) dst(%arg14 : memref<16x128xf32, #tpu.memory_space<vmem>>)
      tpu.yield
    }) : () -> ()
    %mul3A_294 = arith.constant 10000 : i32
    %mul3A_295 = arith.muli %arg0, %mul3A_294 : i32
    %add3A_296 = arith.addi %mul3A_295, %mul3A_4 : i32
    %add3A_297 = arith.constant 112 : i32
    %add3A_298 = arith.addi %add3A_296, %add3A_297 : i32
    "tpu.region"() ({
      %run_scoped3A_526 = tpu.sem_alloc : memref<!tpu.dma_semaphore, #tpu.memory_space<semaphore_mem>>
      %dma_start3A_527 = arith.constant 0 : i32
      %dma_start3A_528 = tpu.memref_slice %arg8[%add3A_298, %dma_start3A_527] : memref<20000x128xf32, #tpu.memory_space<hbm>> -> memref<16x128xf32, #tpu.memory_space<hbm>>
      %dma_start3A_529 = arith.constant 0 : i32
      %dma_start3A_530 = tpu.memref_slice %arg8[%add3A_298, %dma_start3A_529] : memref<20000x128xf32, #tpu.memory_space<hbm>> -> memref<16x128xf32, #tpu.memory_space<hbm>>
      tpu.enqueue_dma source(%arg14 : memref<16x128xf32, #tpu.memory_space<vmem>>) target(%dma_start3A_530 : memref<16x128xf32, #tpu.memory_space<hbm>>) target_semaphore(%run_scoped3A_526 : memref<!tpu.dma_semaphore, #tpu.memory_space<semaphore_mem>>)
      %dma_wait3A_531 = arith.constant 0 : i32
      %dma_wait3A_532 = tpu.memref_slice %arg8[%add3A_298, %dma_wait3A_531] : memref<20000x128xf32, #tpu.memory_space<hbm>> -> memref<16x128xf32, #tpu.memory_space<hbm>>
      %dma_wait3A_533 = arith.constant 0 : i32
      %dma_wait3A_534 = tpu.memref_slice %arg8[%add3A_298, %dma_wait3A_533] : memref<20000x128xf32, #tpu.memory_space<hbm>> -> memref<16x128xf32, #tpu.memory_space<hbm>>
      tpu.wait_dma2 semaphore(%run_scoped3A_526 : memref<!tpu.dma_semaphore, #tpu.memory_space<semaphore_mem>>) src(%arg14 : memref<16x128xf32, #tpu.memory_space<vmem>>) dst(%dma_wait3A_534 : memref<16x128xf32, #tpu.memory_space<hbm>>)
      tpu.yield
    }) : () -> ()
    %add3A_299 = arith.constant 128 : i32
    %add3A_300 = arith.addi %mul3A_4, %add3A_299 : i32
    "tpu.region"() ({
      %run_scoped3A_526 = tpu.sem_alloc : memref<!tpu.dma_semaphore, #tpu.memory_space<semaphore_mem>>
      %dma_start3A_527 = arith.constant 0 : i32
      %dma_start3A_528 = tpu.memref_slice %arg16[%add3A_300, %dma_start3A_527] : memref<10000x128xf32, #tpu.memory_space<vmem_shared>> -> memref<16x128xf32, #tpu.memory_space<vmem_shared>>
      %dma_start3A_529 = arith.constant 0 : i32
      %dma_start3A_530 = tpu.memref_slice %arg16[%add3A_300, %dma_start3A_529] : memref<10000x128xf32, #tpu.memory_space<vmem_shared>> -> memref<16x128xf32, #tpu.memory_space<vmem_shared>>
      tpu.enqueue_dma source(%dma_start3A_530 : memref<16x128xf32, #tpu.memory_space<vmem_shared>>) target(%arg14 : memref<16x128xf32, #tpu.memory_space<vmem>>) target_semaphore(%run_scoped3A_526 : memref<!tpu.dma_semaphore, #tpu.memory_space<semaphore_mem>>)
      %dma_wait3A_531 = arith.constant 0 : i32
      %dma_wait3A_532 = tpu.memref_slice %arg16[%add3A_300, %dma_wait3A_531] : memref<10000x128xf32, #tpu.memory_space<vmem_shared>> -> memref<16x128xf32, #tpu.memory_space<vmem_shared>>
      %dma_wait3A_533 = arith.constant 0 : i32
      %dma_wait3A_534 = tpu.memref_slice %arg16[%add3A_300, %dma_wait3A_533] : memref<10000x128xf32, #tpu.memory_space<vmem_shared>> -> memref<16x128xf32, #tpu.memory_space<vmem_shared>>
      tpu.wait_dma2 semaphore(%run_scoped3A_526 : memref<!tpu.dma_semaphore, #tpu.memory_space<semaphore_mem>>) src(%dma_wait3A_534 : memref<16x128xf32, #tpu.memory_space<vmem_shared>>) dst(%arg14 : memref<16x128xf32, #tpu.memory_space<vmem>>)
      tpu.yield
    }) : () -> ()
    %mul3A_301 = arith.constant 10000 : i32
    %mul3A_302 = arith.muli %arg0, %mul3A_301 : i32
    %add3A_303 = arith.addi %mul3A_302, %mul3A_4 : i32
    %add3A_304 = arith.constant 128 : i32
    %add3A_305 = arith.addi %add3A_303, %add3A_304 : i32
    "tpu.region"() ({
      %run_scoped3A_526 = tpu.sem_alloc : memref<!tpu.dma_semaphore, #tpu.memory_space<semaphore_mem>>
      %dma_start3A_527 = arith.constant 0 : i32
      %dma_start3A_528 = tpu.memref_slice %arg8[%add3A_305, %dma_start3A_527] : memref<20000x128xf32, #tpu.memory_space<hbm>> -> memref<16x128xf32, #tpu.memory_space<hbm>>
      %dma_start3A_529 = arith.constant 0 : i32
      %dma_start3A_530 = tpu.memref_slice %arg8[%add3A_305, %dma_start3A_529] : memref<20000x128xf32, #tpu.memory_space<hbm>> -> memref<16x128xf32, #tpu.memory_space<hbm>>
      tpu.enqueue_dma source(%arg14 : memref<16x128xf32, #tpu.memory_space<vmem>>) target(%dma_start3A_530 : memref<16x128xf32, #tpu.memory_space<hbm>>) target_semaphore(%run_scoped3A_526 : memref<!tpu.dma_semaphore, #tpu.memory_space<semaphore_mem>>)
      %dma_wait3A_531 = arith.constant 0 : i32
      %dma_wait3A_532 = tpu.memref_slice %arg8[%add3A_305, %dma_wait3A_531] : memref<20000x128xf32, #tpu.memory_space<hbm>> -> memref<16x128xf32, #tpu.memory_space<hbm>>
      %dma_wait3A_533 = arith.constant 0 : i32
      %dma_wait3A_534 = tpu.memref_slice %arg8[%add3A_305, %dma_wait3A_533] : memref<20000x128xf32, #tpu.memory_space<hbm>> -> memref<16x128xf32, #tpu.memory_space<hbm>>
      tpu.wait_dma2 semaphore(%run_scoped3A_526 : memref<!tpu.dma_semaphore, #tpu.memory_space<semaphore_mem>>) src(%arg14 : memref<16x128xf32, #tpu.memory_space<vmem>>) dst(%dma_wait3A_534 : memref<16x128xf32, #tpu.memory_space<hbm>>)
      tpu.yield
    }) : () -> ()
    %add3A_306 = arith.constant 144 : i32
    %add3A_307 = arith.addi %mul3A_4, %add3A_306 : i32
    "tpu.region"() ({
      %run_scoped3A_526 = tpu.sem_alloc : memref<!tpu.dma_semaphore, #tpu.memory_space<semaphore_mem>>
      %dma_start3A_527 = arith.constant 0 : i32
      %dma_start3A_528 = tpu.memref_slice %arg16[%add3A_307, %dma_start3A_527] : memref<10000x128xf32, #tpu.memory_space<vmem_shared>> -> memref<16x128xf32, #tpu.memory_space<vmem_shared>>
      %dma_start3A_529 = arith.constant 0 : i32
      %dma_start3A_530 = tpu.memref_slice %arg16[%add3A_307, %dma_start3A_529] : memref<10000x128xf32, #tpu.memory_space<vmem_shared>> -> memref<16x128xf32, #tpu.memory_space<vmem_shared>>
      tpu.enqueue_dma source(%dma_start3A_530 : memref<16x128xf32, #tpu.memory_space<vmem_shared>>) target(%arg14 : memref<16x128xf32, #tpu.memory_space<vmem>>) target_semaphore(%run_scoped3A_526 : memref<!tpu.dma_semaphore, #tpu.memory_space<semaphore_mem>>)
      %dma_wait3A_531 = arith.constant 0 : i32
      %dma_wait3A_532 = tpu.memref_slice %arg16[%add3A_307, %dma_wait3A_531] : memref<10000x128xf32, #tpu.memory_space<vmem_shared>> -> memref<16x128xf32, #tpu.memory_space<vmem_shared>>
      %dma_wait3A_533 = arith.constant 0 : i32
      %dma_wait3A_534 = tpu.memref_slice %arg16[%add3A_307, %dma_wait3A_533] : memref<10000x128xf32, #tpu.memory_space<vmem_shared>> -> memref<16x128xf32, #tpu.memory_space<vmem_shared>>
      tpu.wait_dma2 semaphore(%run_scoped3A_526 : memref<!tpu.dma_semaphore, #tpu.memory_space<semaphore_mem>>) src(%dma_wait3A_534 : memref<16x128xf32, #tpu.memory_space<vmem_shared>>) dst(%arg14 : memref<16x128xf32, #tpu.memory_space<vmem>>)
      tpu.yield
    }) : () -> ()
    %mul3A_308 = arith.constant 10000 : i32
    %mul3A_309 = arith.muli %arg0, %mul3A_308 : i32
    %add3A_310 = arith.addi %mul3A_309, %mul3A_4 : i32
    %add3A_311 = arith.constant 144 : i32
    %add3A_312 = arith.addi %add3A_310, %add3A_311 : i32
    "tpu.region"() ({
      %run_scoped3A_526 = tpu.sem_alloc : memref<!tpu.dma_semaphore, #tpu.memory_space<semaphore_mem>>
      %dma_start3A_527 = arith.constant 0 : i32
      %dma_start3A_528 = tpu.memref_slice %arg8[%add3A_312, %dma_start3A_527] : memref<20000x128xf32, #tpu.memory_space<hbm>> -> memref<16x128xf32, #tpu.memory_space<hbm>>
      %dma_start3A_529 = arith.constant 0 : i32
      %dma_start3A_530 = tpu.memref_slice %arg8[%add3A_312, %dma_start3A_529] : memref<20000x128xf32, #tpu.memory_space<hbm>> -> memref<16x128xf32, #tpu.memory_space<hbm>>
      tpu.enqueue_dma source(%arg14 : memref<16x128xf32, #tpu.memory_space<vmem>>) target(%dma_start3A_530 : memref<16x128xf32, #tpu.memory_space<hbm>>) target_semaphore(%run_scoped3A_526 : memref<!tpu.dma_semaphore, #tpu.memory_space<semaphore_mem>>)
      %dma_wait3A_531 = arith.constant 0 : i32
      %dma_wait3A_532 = tpu.memref_slice %arg8[%add3A_312, %dma_wait3A_531] : memref<20000x128xf32, #tpu.memory_space<hbm>> -> memref<16x128xf32, #tpu.memory_space<hbm>>
      %dma_wait3A_533 = arith.constant 0 : i32
      %dma_wait3A_534 = tpu.memref_slice %arg8[%add3A_312, %dma_wait3A_533] : memref<20000x128xf32, #tpu.memory_space<hbm>> -> memref<16x128xf32, #tpu.memory_space<hbm>>
      tpu.wait_dma2 semaphore(%run_scoped3A_526 : memref<!tpu.dma_semaphore, #tpu.memory_space<semaphore_mem>>) src(%arg14 : memref<16x128xf32, #tpu.memory_space<vmem>>) dst(%dma_wait3A_534 : memref<16x128xf32, #tpu.memory_space<hbm>>)
      tpu.yield
    }) : () -> ()
    %add3A_313 = arith.constant 160 : i32
    %add3A_314 = arith.addi %mul3A_4, %add3A_313 : i32
    "tpu.region"() ({
      %run_scoped3A_526 = tpu.sem_alloc : memref<!tpu.dma_semaphore, #tpu.memory_space<semaphore_mem>>
      %dma_start3A_527 = arith.constant 0 : i32
      %dma_start3A_528 = tpu.memref_slice %arg16[%add3A_314, %dma_start3A_527] : memref<10000x128xf32, #tpu.memory_space<vmem_shared>> -> memref<16x128xf32, #tpu.memory_space<vmem_shared>>
      %dma_start3A_529 = arith.constant 0 : i32
      %dma_start3A_530 = tpu.memref_slice %arg16[%add3A_314, %dma_start3A_529] : memref<10000x128xf32, #tpu.memory_space<vmem_shared>> -> memref<16x128xf32, #tpu.memory_space<vmem_shared>>
      tpu.enqueue_dma source(%dma_start3A_530 : memref<16x128xf32, #tpu.memory_space<vmem_shared>>) target(%arg14 : memref<16x128xf32, #tpu.memory_space<vmem>>) target_semaphore(%run_scoped3A_526 : memref<!tpu.dma_semaphore, #tpu.memory_space<semaphore_mem>>)
      %dma_wait3A_531 = arith.constant 0 : i32
      %dma_wait3A_532 = tpu.memref_slice %arg16[%add3A_314, %dma_wait3A_531] : memref<10000x128xf32, #tpu.memory_space<vmem_shared>> -> memref<16x128xf32, #tpu.memory_space<vmem_shared>>
      %dma_wait3A_533 = arith.constant 0 : i32
      %dma_wait3A_534 = tpu.memref_slice %arg16[%add3A_314, %dma_wait3A_533] : memref<10000x128xf32, #tpu.memory_space<vmem_shared>> -> memref<16x128xf32, #tpu.memory_space<vmem_shared>>
      tpu.wait_dma2 semaphore(%run_scoped3A_526 : memref<!tpu.dma_semaphore, #tpu.memory_space<semaphore_mem>>) src(%dma_wait3A_534 : memref<16x128xf32, #tpu.memory_space<vmem_shared>>) dst(%arg14 : memref<16x128xf32, #tpu.memory_space<vmem>>)
      tpu.yield
    }) : () -> ()
    %mul3A_315 = arith.constant 10000 : i32
    %mul3A_316 = arith.muli %arg0, %mul3A_315 : i32
    %add3A_317 = arith.addi %mul3A_316, %mul3A_4 : i32
    %add3A_318 = arith.constant 160 : i32
    %add3A_319 = arith.addi %add3A_317, %add3A_318 : i32
    "tpu.region"() ({
      %run_scoped3A_526 = tpu.sem_alloc : memref<!tpu.dma_semaphore, #tpu.memory_space<semaphore_mem>>
      %dma_start3A_527 = arith.constant 0 : i32
      %dma_start3A_528 = tpu.memref_slice %arg8[%add3A_319, %dma_start3A_527] : memref<20000x128xf32, #tpu.memory_space<hbm>> -> memref<16x128xf32, #tpu.memory_space<hbm>>
      %dma_start3A_529 = arith.constant 0 : i32
      %dma_start3A_530 = tpu.memref_slice %arg8[%add3A_319, %dma_start3A_529] : memref<20000x128xf32, #tpu.memory_space<hbm>> -> memref<16x128xf32, #tpu.memory_space<hbm>>
      tpu.enqueue_dma source(%arg14 : memref<16x128xf32, #tpu.memory_space<vmem>>) target(%dma_start3A_530 : memref<16x128xf32, #tpu.memory_space<hbm>>) target_semaphore(%run_scoped3A_526 : memref<!tpu.dma_semaphore, #tpu.memory_space<semaphore_mem>>)
      %dma_wait3A_531 = arith.constant 0 : i32
      %dma_wait3A_532 = tpu.memref_slice %arg8[%add3A_319, %dma_wait3A_531] : memref<20000x128xf32, #tpu.memory_space<hbm>> -> memref<16x128xf32, #tpu.memory_space<hbm>>
      %dma_wait3A_533 = arith.constant 0 : i32
      %dma_wait3A_534 = tpu.memref_slice %arg8[%add3A_319, %dma_wait3A_533] : memref<20000x128xf32, #tpu.memory_space<hbm>> -> memref<16x128xf32, #tpu.memory_space<hbm>>
      tpu.wait_dma2 semaphore(%run_scoped3A_526 : memref<!tpu.dma_semaphore, #tpu.memory_space<semaphore_mem>>) src(%arg14 : memref<16x128xf32, #tpu.memory_space<vmem>>) dst(%dma_wait3A_534 : memref<16x128xf32, #tpu.memory_space<hbm>>)
      tpu.yield
    }) : () -> ()
    %add3A_320 = arith.constant 176 : i32
    %add3A_321 = arith.addi %mul3A_4, %add3A_320 : i32
    "tpu.region"() ({
      %run_scoped3A_526 = tpu.sem_alloc : memref<!tpu.dma_semaphore, #tpu.memory_space<semaphore_mem>>
      %dma_start3A_527 = arith.constant 0 : i32
      %dma_start3A_528 = tpu.memref_slice %arg16[%add3A_321, %dma_start3A_527] : memref<10000x128xf32, #tpu.memory_space<vmem_shared>> -> memref<16x128xf32, #tpu.memory_space<vmem_shared>>
      %dma_start3A_529 = arith.constant 0 : i32
      %dma_start3A_530 = tpu.memref_slice %arg16[%add3A_321, %dma_start3A_529] : memref<10000x128xf32, #tpu.memory_space<vmem_shared>> -> memref<16x128xf32, #tpu.memory_space<vmem_shared>>
      tpu.enqueue_dma source(%dma_start3A_530 : memref<16x128xf32, #tpu.memory_space<vmem_shared>>) target(%arg14 : memref<16x128xf32, #tpu.memory_space<vmem>>) target_semaphore(%run_scoped3A_526 : memref<!tpu.dma_semaphore, #tpu.memory_space<semaphore_mem>>)
      %dma_wait3A_531 = arith.constant 0 : i32
      %dma_wait3A_532 = tpu.memref_slice %arg16[%add3A_321, %dma_wait3A_531] : memref<10000x128xf32, #tpu.memory_space<vmem_shared>> -> memref<16x128xf32, #tpu.memory_space<vmem_shared>>
      %dma_wait3A_533 = arith.constant 0 : i32
      %dma_wait3A_534 = tpu.memref_slice %arg16[%add3A_321, %dma_wait3A_533] : memref<10000x128xf32, #tpu.memory_space<vmem_shared>> -> memref<16x128xf32, #tpu.memory_space<vmem_shared>>
      tpu.wait_dma2 semaphore(%run_scoped3A_526 : memref<!tpu.dma_semaphore, #tpu.memory_space<semaphore_mem>>) src(%dma_wait3A_534 : memref<16x128xf32, #tpu.memory_space<vmem_shared>>) dst(%arg14 : memref<16x128xf32, #tpu.memory_space<vmem>>)
      tpu.yield
    }) : () -> ()
    %mul3A_322 = arith.constant 10000 : i32
    %mul3A_323 = arith.muli %arg0, %mul3A_322 : i32
    %add3A_324 = arith.addi %mul3A_323, %mul3A_4 : i32
    %add3A_325 = arith.constant 176 : i32
    %add3A_326 = arith.addi %add3A_324, %add3A_325 : i32
    "tpu.region"() ({
      %run_scoped3A_526 = tpu.sem_alloc : memref<!tpu.dma_semaphore, #tpu.memory_space<semaphore_mem>>
      %dma_start3A_527 = arith.constant 0 : i32
      %dma_start3A_528 = tpu.memref_slice %arg8[%add3A_326, %dma_start3A_527] : memref<20000x128xf32, #tpu.memory_space<hbm>> -> memref<16x128xf32, #tpu.memory_space<hbm>>
      %dma_start3A_529 = arith.constant 0 : i32
      %dma_start3A_530 = tpu.memref_slice %arg8[%add3A_326, %dma_start3A_529] : memref<20000x128xf32, #tpu.memory_space<hbm>> -> memref<16x128xf32, #tpu.memory_space<hbm>>
      tpu.enqueue_dma source(%arg14 : memref<16x128xf32, #tpu.memory_space<vmem>>) target(%dma_start3A_530 : memref<16x128xf32, #tpu.memory_space<hbm>>) target_semaphore(%run_scoped3A_526 : memref<!tpu.dma_semaphore, #tpu.memory_space<semaphore_mem>>)
      %dma_wait3A_531 = arith.constant 0 : i32
      %dma_wait3A_532 = tpu.memref_slice %arg8[%add3A_326, %dma_wait3A_531] : memref<20000x128xf32, #tpu.memory_space<hbm>> -> memref<16x128xf32, #tpu.memory_space<hbm>>
      %dma_wait3A_533 = arith.constant 0 : i32
      %dma_wait3A_534 = tpu.memref_slice %arg8[%add3A_326, %dma_wait3A_533] : memref<20000x128xf32, #tpu.memory_space<hbm>> -> memref<16x128xf32, #tpu.memory_space<hbm>>
      tpu.wait_dma2 semaphore(%run_scoped3A_526 : memref<!tpu.dma_semaphore, #tpu.memory_space<semaphore_mem>>) src(%arg14 : memref<16x128xf32, #tpu.memory_space<vmem>>) dst(%dma_wait3A_534 : memref<16x128xf32, #tpu.memory_space<hbm>>)
      tpu.yield
    }) : () -> ()
    %add3A_327 = arith.constant 192 : i32
    %add3A_328 = arith.addi %mul3A_4, %add3A_327 : i32
    "tpu.region"() ({
      %run_scoped3A_526 = tpu.sem_alloc : memref<!tpu.dma_semaphore, #tpu.memory_space<semaphore_mem>>
      %dma_start3A_527 = arith.constant 0 : i32
      %dma_start3A_528 = tpu.memref_slice %arg16[%add3A_328, %dma_start3A_527] : memref<10000x128xf32, #tpu.memory_space<vmem_shared>> -> memref<16x128xf32, #tpu.memory_space<vmem_shared>>
      %dma_start3A_529 = arith.constant 0 : i32
      %dma_start3A_530 = tpu.memref_slice %arg16[%add3A_328, %dma_start3A_529] : memref<10000x128xf32, #tpu.memory_space<vmem_shared>> -> memref<16x128xf32, #tpu.memory_space<vmem_shared>>
      tpu.enqueue_dma source(%dma_start3A_530 : memref<16x128xf32, #tpu.memory_space<vmem_shared>>) target(%arg14 : memref<16x128xf32, #tpu.memory_space<vmem>>) target_semaphore(%run_scoped3A_526 : memref<!tpu.dma_semaphore, #tpu.memory_space<semaphore_mem>>)
      %dma_wait3A_531 = arith.constant 0 : i32
      %dma_wait3A_532 = tpu.memref_slice %arg16[%add3A_328, %dma_wait3A_531] : memref<10000x128xf32, #tpu.memory_space<vmem_shared>> -> memref<16x128xf32, #tpu.memory_space<vmem_shared>>
      %dma_wait3A_533 = arith.constant 0 : i32
      %dma_wait3A_534 = tpu.memref_slice %arg16[%add3A_328, %dma_wait3A_533] : memref<10000x128xf32, #tpu.memory_space<vmem_shared>> -> memref<16x128xf32, #tpu.memory_space<vmem_shared>>
      tpu.wait_dma2 semaphore(%run_scoped3A_526 : memref<!tpu.dma_semaphore, #tpu.memory_space<semaphore_mem>>) src(%dma_wait3A_534 : memref<16x128xf32, #tpu.memory_space<vmem_shared>>) dst(%arg14 : memref<16x128xf32, #tpu.memory_space<vmem>>)
      tpu.yield
    }) : () -> ()
    %mul3A_329 = arith.constant 10000 : i32
    %mul3A_330 = arith.muli %arg0, %mul3A_329 : i32
    %add3A_331 = arith.addi %mul3A_330, %mul3A_4 : i32
    %add3A_332 = arith.constant 192 : i32
    %add3A_333 = arith.addi %add3A_331, %add3A_332 : i32
    "tpu.region"() ({
      %run_scoped3A_526 = tpu.sem_alloc : memref<!tpu.dma_semaphore, #tpu.memory_space<semaphore_mem>>
      %dma_start3A_527 = arith.constant 0 : i32
      %dma_start3A_528 = tpu.memref_slice %arg8[%add3A_333, %dma_start3A_527] : memref<20000x128xf32, #tpu.memory_space<hbm>> -> memref<16x128xf32, #tpu.memory_space<hbm>>
      %dma_start3A_529 = arith.constant 0 : i32
      %dma_start3A_530 = tpu.memref_slice %arg8[%add3A_333, %dma_start3A_529] : memref<20000x128xf32, #tpu.memory_space<hbm>> -> memref<16x128xf32, #tpu.memory_space<hbm>>
      tpu.enqueue_dma source(%arg14 : memref<16x128xf32, #tpu.memory_space<vmem>>) target(%dma_start3A_530 : memref<16x128xf32, #tpu.memory_space<hbm>>) target_semaphore(%run_scoped3A_526 : memref<!tpu.dma_semaphore, #tpu.memory_space<semaphore_mem>>)
      %dma_wait3A_531 = arith.constant 0 : i32
      %dma_wait3A_532 = tpu.memref_slice %arg8[%add3A_333, %dma_wait3A_531] : memref<20000x128xf32, #tpu.memory_space<hbm>> -> memref<16x128xf32, #tpu.memory_space<hbm>>
      %dma_wait3A_533 = arith.constant 0 : i32
      %dma_wait3A_534 = tpu.memref_slice %arg8[%add3A_333, %dma_wait3A_533] : memref<20000x128xf32, #tpu.memory_space<hbm>> -> memref<16x128xf32, #tpu.memory_space<hbm>>
      tpu.wait_dma2 semaphore(%run_scoped3A_526 : memref<!tpu.dma_semaphore, #tpu.memory_space<semaphore_mem>>) src(%arg14 : memref<16x128xf32, #tpu.memory_space<vmem>>) dst(%dma_wait3A_534 : memref<16x128xf32, #tpu.memory_space<hbm>>)
      tpu.yield
    }) : () -> ()
    %add3A_334 = arith.constant 208 : i32
    %add3A_335 = arith.addi %mul3A_4, %add3A_334 : i32
    "tpu.region"() ({
      %run_scoped3A_526 = tpu.sem_alloc : memref<!tpu.dma_semaphore, #tpu.memory_space<semaphore_mem>>
      %dma_start3A_527 = arith.constant 0 : i32
      %dma_start3A_528 = tpu.memref_slice %arg16[%add3A_335, %dma_start3A_527] : memref<10000x128xf32, #tpu.memory_space<vmem_shared>> -> memref<16x128xf32, #tpu.memory_space<vmem_shared>>
      %dma_start3A_529 = arith.constant 0 : i32
      %dma_start3A_530 = tpu.memref_slice %arg16[%add3A_335, %dma_start3A_529] : memref<10000x128xf32, #tpu.memory_space<vmem_shared>> -> memref<16x128xf32, #tpu.memory_space<vmem_shared>>
      tpu.enqueue_dma source(%dma_start3A_530 : memref<16x128xf32, #tpu.memory_space<vmem_shared>>) target(%arg14 : memref<16x128xf32, #tpu.memory_space<vmem>>) target_semaphore(%run_scoped3A_526 : memref<!tpu.dma_semaphore, #tpu.memory_space<semaphore_mem>>)
      %dma_wait3A_531 = arith.constant 0 : i32
      %dma_wait3A_532 = tpu.memref_slice %arg16[%add3A_335, %dma_wait3A_531] : memref<10000x128xf32, #tpu.memory_space<vmem_shared>> -> memref<16x128xf32, #tpu.memory_space<vmem_shared>>
      %dma_wait3A_533 = arith.constant 0 : i32
      %dma_wait3A_534 = tpu.memref_slice %arg16[%add3A_335, %dma_wait3A_533] : memref<10000x128xf32, #tpu.memory_space<vmem_shared>> -> memref<16x128xf32, #tpu.memory_space<vmem_shared>>
      tpu.wait_dma2 semaphore(%run_scoped3A_526 : memref<!tpu.dma_semaphore, #tpu.memory_space<semaphore_mem>>) src(%dma_wait3A_534 : memref<16x128xf32, #tpu.memory_space<vmem_shared>>) dst(%arg14 : memref<16x128xf32, #tpu.memory_space<vmem>>)
      tpu.yield
    }) : () -> ()
    %mul3A_336 = arith.constant 10000 : i32
    %mul3A_337 = arith.muli %arg0, %mul3A_336 : i32
    %add3A_338 = arith.addi %mul3A_337, %mul3A_4 : i32
    %add3A_339 = arith.constant 208 : i32
    %add3A_340 = arith.addi %add3A_338, %add3A_339 : i32
    "tpu.region"() ({
      %run_scoped3A_526 = tpu.sem_alloc : memref<!tpu.dma_semaphore, #tpu.memory_space<semaphore_mem>>
      %dma_start3A_527 = arith.constant 0 : i32
      %dma_start3A_528 = tpu.memref_slice %arg8[%add3A_340, %dma_start3A_527] : memref<20000x128xf32, #tpu.memory_space<hbm>> -> memref<16x128xf32, #tpu.memory_space<hbm>>
      %dma_start3A_529 = arith.constant 0 : i32
      %dma_start3A_530 = tpu.memref_slice %arg8[%add3A_340, %dma_start3A_529] : memref<20000x128xf32, #tpu.memory_space<hbm>> -> memref<16x128xf32, #tpu.memory_space<hbm>>
      tpu.enqueue_dma source(%arg14 : memref<16x128xf32, #tpu.memory_space<vmem>>) target(%dma_start3A_530 : memref<16x128xf32, #tpu.memory_space<hbm>>) target_semaphore(%run_scoped3A_526 : memref<!tpu.dma_semaphore, #tpu.memory_space<semaphore_mem>>)
      %dma_wait3A_531 = arith.constant 0 : i32
      %dma_wait3A_532 = tpu.memref_slice %arg8[%add3A_340, %dma_wait3A_531] : memref<20000x128xf32, #tpu.memory_space<hbm>> -> memref<16x128xf32, #tpu.memory_space<hbm>>
      %dma_wait3A_533 = arith.constant 0 : i32
      %dma_wait3A_534 = tpu.memref_slice %arg8[%add3A_340, %dma_wait3A_533] : memref<20000x128xf32, #tpu.memory_space<hbm>> -> memref<16x128xf32, #tpu.memory_space<hbm>>
      tpu.wait_dma2 semaphore(%run_scoped3A_526 : memref<!tpu.dma_semaphore, #tpu.memory_space<semaphore_mem>>) src(%arg14 : memref<16x128xf32, #tpu.memory_space<vmem>>) dst(%dma_wait3A_534 : memref<16x128xf32, #tpu.memory_space<hbm>>)
      tpu.yield
    }) : () -> ()
    %add3A_341 = arith.constant 224 : i32
    %add3A_342 = arith.addi %mul3A_4, %add3A_341 : i32
    "tpu.region"() ({
      %run_scoped3A_526 = tpu.sem_alloc : memref<!tpu.dma_semaphore, #tpu.memory_space<semaphore_mem>>
      %dma_start3A_527 = arith.constant 0 : i32
      %dma_start3A_528 = tpu.memref_slice %arg16[%add3A_342, %dma_start3A_527] : memref<10000x128xf32, #tpu.memory_space<vmem_shared>> -> memref<16x128xf32, #tpu.memory_space<vmem_shared>>
      %dma_start3A_529 = arith.constant 0 : i32
      %dma_start3A_530 = tpu.memref_slice %arg16[%add3A_342, %dma_start3A_529] : memref<10000x128xf32, #tpu.memory_space<vmem_shared>> -> memref<16x128xf32, #tpu.memory_space<vmem_shared>>
      tpu.enqueue_dma source(%dma_start3A_530 : memref<16x128xf32, #tpu.memory_space<vmem_shared>>) target(%arg14 : memref<16x128xf32, #tpu.memory_space<vmem>>) target_semaphore(%run_scoped3A_526 : memref<!tpu.dma_semaphore, #tpu.memory_space<semaphore_mem>>)
      %dma_wait3A_531 = arith.constant 0 : i32
      %dma_wait3A_532 = tpu.memref_slice %arg16[%add3A_342, %dma_wait3A_531] : memref<10000x128xf32, #tpu.memory_space<vmem_shared>> -> memref<16x128xf32, #tpu.memory_space<vmem_shared>>
      %dma_wait3A_533 = arith.constant 0 : i32
      %dma_wait3A_534 = tpu.memref_slice %arg16[%add3A_342, %dma_wait3A_533] : memref<10000x128xf32, #tpu.memory_space<vmem_shared>> -> memref<16x128xf32, #tpu.memory_space<vmem_shared>>
      tpu.wait_dma2 semaphore(%run_scoped3A_526 : memref<!tpu.dma_semaphore, #tpu.memory_space<semaphore_mem>>) src(%dma_wait3A_534 : memref<16x128xf32, #tpu.memory_space<vmem_shared>>) dst(%arg14 : memref<16x128xf32, #tpu.memory_space<vmem>>)
      tpu.yield
    }) : () -> ()
    %mul3A_343 = arith.constant 10000 : i32
    %mul3A_344 = arith.muli %arg0, %mul3A_343 : i32
    %add3A_345 = arith.addi %mul3A_344, %mul3A_4 : i32
    %add3A_346 = arith.constant 224 : i32
    %add3A_347 = arith.addi %add3A_345, %add3A_346 : i32
    "tpu.region"() ({
      %run_scoped3A_526 = tpu.sem_alloc : memref<!tpu.dma_semaphore, #tpu.memory_space<semaphore_mem>>
      %dma_start3A_527 = arith.constant 0 : i32
      %dma_start3A_528 = tpu.memref_slice %arg8[%add3A_347, %dma_start3A_527] : memref<20000x128xf32, #tpu.memory_space<hbm>> -> memref<16x128xf32, #tpu.memory_space<hbm>>
      %dma_start3A_529 = arith.constant 0 : i32
      %dma_start3A_530 = tpu.memref_slice %arg8[%add3A_347, %dma_start3A_529] : memref<20000x128xf32, #tpu.memory_space<hbm>> -> memref<16x128xf32, #tpu.memory_space<hbm>>
      tpu.enqueue_dma source(%arg14 : memref<16x128xf32, #tpu.memory_space<vmem>>) target(%dma_start3A_530 : memref<16x128xf32, #tpu.memory_space<hbm>>) target_semaphore(%run_scoped3A_526 : memref<!tpu.dma_semaphore, #tpu.memory_space<semaphore_mem>>)
      %dma_wait3A_531 = arith.constant 0 : i32
      %dma_wait3A_532 = tpu.memref_slice %arg8[%add3A_347, %dma_wait3A_531] : memref<20000x128xf32, #tpu.memory_space<hbm>> -> memref<16x128xf32, #tpu.memory_space<hbm>>
      %dma_wait3A_533 = arith.constant 0 : i32
      %dma_wait3A_534 = tpu.memref_slice %arg8[%add3A_347, %dma_wait3A_533] : memref<20000x128xf32, #tpu.memory_space<hbm>> -> memref<16x128xf32, #tpu.memory_space<hbm>>
      tpu.wait_dma2 semaphore(%run_scoped3A_526 : memref<!tpu.dma_semaphore, #tpu.memory_space<semaphore_mem>>) src(%arg14 : memref<16x128xf32, #tpu.memory_space<vmem>>) dst(%dma_wait3A_534 : memref<16x128xf32, #tpu.memory_space<hbm>>)
      tpu.yield
    }) : () -> ()
    %add3A_348 = arith.constant 240 : i32
    %add3A_349 = arith.addi %mul3A_4, %add3A_348 : i32
    "tpu.region"() ({
      %run_scoped3A_526 = tpu.sem_alloc : memref<!tpu.dma_semaphore, #tpu.memory_space<semaphore_mem>>
      %dma_start3A_527 = arith.constant 0 : i32
      %dma_start3A_528 = tpu.memref_slice %arg16[%add3A_349, %dma_start3A_527] : memref<10000x128xf32, #tpu.memory_space<vmem_shared>> -> memref<16x128xf32, #tpu.memory_space<vmem_shared>>
      %dma_start3A_529 = arith.constant 0 : i32
      %dma_start3A_530 = tpu.memref_slice %arg16[%add3A_349, %dma_start3A_529] : memref<10000x128xf32, #tpu.memory_space<vmem_shared>> -> memref<16x128xf32, #tpu.memory_space<vmem_shared>>
      tpu.enqueue_dma source(%dma_start3A_530 : memref<16x128xf32, #tpu.memory_space<vmem_shared>>) target(%arg14 : memref<16x128xf32, #tpu.memory_space<vmem>>) target_semaphore(%run_scoped3A_526 : memref<!tpu.dma_semaphore, #tpu.memory_space<semaphore_mem>>)
      %dma_wait3A_531 = arith.constant 0 : i32
      %dma_wait3A_532 = tpu.memref_slice %arg16[%add3A_349, %dma_wait3A_531] : memref<10000x128xf32, #tpu.memory_space<vmem_shared>> -> memref<16x128xf32, #tpu.memory_space<vmem_shared>>
      %dma_wait3A_533 = arith.constant 0 : i32
      %dma_wait3A_534 = tpu.memref_slice %arg16[%add3A_349, %dma_wait3A_533] : memref<10000x128xf32, #tpu.memory_space<vmem_shared>> -> memref<16x128xf32, #tpu.memory_space<vmem_shared>>
      tpu.wait_dma2 semaphore(%run_scoped3A_526 : memref<!tpu.dma_semaphore, #tpu.memory_space<semaphore_mem>>) src(%dma_wait3A_534 : memref<16x128xf32, #tpu.memory_space<vmem_shared>>) dst(%arg14 : memref<16x128xf32, #tpu.memory_space<vmem>>)
      tpu.yield
    }) : () -> ()
    %mul3A_350 = arith.constant 10000 : i32
    %mul3A_351 = arith.muli %arg0, %mul3A_350 : i32
    %add3A_352 = arith.addi %mul3A_351, %mul3A_4 : i32
    %add3A_353 = arith.constant 240 : i32
    %add3A_354 = arith.addi %add3A_352, %add3A_353 : i32
    "tpu.region"() ({
      %run_scoped3A_526 = tpu.sem_alloc : memref<!tpu.dma_semaphore, #tpu.memory_space<semaphore_mem>>
      %dma_start3A_527 = arith.constant 0 : i32
      %dma_start3A_528 = tpu.memref_slice %arg8[%add3A_354, %dma_start3A_527] : memref<20000x128xf32, #tpu.memory_space<hbm>> -> memref<16x128xf32, #tpu.memory_space<hbm>>
      %dma_start3A_529 = arith.constant 0 : i32
      %dma_start3A_530 = tpu.memref_slice %arg8[%add3A_354, %dma_start3A_529] : memref<20000x128xf32, #tpu.memory_space<hbm>> -> memref<16x128xf32, #tpu.memory_space<hbm>>
      tpu.enqueue_dma source(%arg14 : memref<16x128xf32, #tpu.memory_space<vmem>>) target(%dma_start3A_530 : memref<16x128xf32, #tpu.memory_space<hbm>>) target_semaphore(%run_scoped3A_526 : memref<!tpu.dma_semaphore, #tpu.memory_space<semaphore_mem>>)
      %dma_wait3A_531 = arith.constant 0 : i32
      %dma_wait3A_532 = tpu.memref_slice %arg8[%add3A_354, %dma_wait3A_531] : memref<20000x128xf32, #tpu.memory_space<hbm>> -> memref<16x128xf32, #tpu.memory_space<hbm>>
      %dma_wait3A_533 = arith.constant 0 : i32
      %dma_wait3A_534 = tpu.memref_slice %arg8[%add3A_354, %dma_wait3A_533] : memref<20000x128xf32, #tpu.memory_space<hbm>> -> memref<16x128xf32, #tpu.memory_space<hbm>>
      tpu.wait_dma2 semaphore(%run_scoped3A_526 : memref<!tpu.dma_semaphore, #tpu.memory_space<semaphore_mem>>) src(%arg14 : memref<16x128xf32, #tpu.memory_space<vmem>>) dst(%dma_wait3A_534 : memref<16x128xf32, #tpu.memory_space<hbm>>)
      tpu.yield
    }) : () -> ()
    %add3A_355 = arith.constant 256 : i32
    %add3A_356 = arith.addi %mul3A_4, %add3A_355 : i32
    "tpu.region"() ({
      %run_scoped3A_526 = tpu.sem_alloc : memref<!tpu.dma_semaphore, #tpu.memory_space<semaphore_mem>>
      %dma_start3A_527 = arith.constant 0 : i32
      %dma_start3A_528 = tpu.memref_slice %arg16[%add3A_356, %dma_start3A_527] : memref<10000x128xf32, #tpu.memory_space<vmem_shared>> -> memref<16x128xf32, #tpu.memory_space<vmem_shared>>
      %dma_start3A_529 = arith.constant 0 : i32
      %dma_start3A_530 = tpu.memref_slice %arg16[%add3A_356, %dma_start3A_529] : memref<10000x128xf32, #tpu.memory_space<vmem_shared>> -> memref<16x128xf32, #tpu.memory_space<vmem_shared>>
      tpu.enqueue_dma source(%dma_start3A_530 : memref<16x128xf32, #tpu.memory_space<vmem_shared>>) target(%arg14 : memref<16x128xf32, #tpu.memory_space<vmem>>) target_semaphore(%run_scoped3A_526 : memref<!tpu.dma_semaphore, #tpu.memory_space<semaphore_mem>>)
      %dma_wait3A_531 = arith.constant 0 : i32
      %dma_wait3A_532 = tpu.memref_slice %arg16[%add3A_356, %dma_wait3A_531] : memref<10000x128xf32, #tpu.memory_space<vmem_shared>> -> memref<16x128xf32, #tpu.memory_space<vmem_shared>>
      %dma_wait3A_533 = arith.constant 0 : i32
      %dma_wait3A_534 = tpu.memref_slice %arg16[%add3A_356, %dma_wait3A_533] : memref<10000x128xf32, #tpu.memory_space<vmem_shared>> -> memref<16x128xf32, #tpu.memory_space<vmem_shared>>
      tpu.wait_dma2 semaphore(%run_scoped3A_526 : memref<!tpu.dma_semaphore, #tpu.memory_space<semaphore_mem>>) src(%dma_wait3A_534 : memref<16x128xf32, #tpu.memory_space<vmem_shared>>) dst(%arg14 : memref<16x128xf32, #tpu.memory_space<vmem>>)
      tpu.yield
    }) : () -> ()
    %mul3A_357 = arith.constant 10000 : i32
    %mul3A_358 = arith.muli %arg0, %mul3A_357 : i32
    %add3A_359 = arith.addi %mul3A_358, %mul3A_4 : i32
    %add3A_360 = arith.constant 256 : i32
    %add3A_361 = arith.addi %add3A_359, %add3A_360 : i32
    "tpu.region"() ({
      %run_scoped3A_526 = tpu.sem_alloc : memref<!tpu.dma_semaphore, #tpu.memory_space<semaphore_mem>>
      %dma_start3A_527 = arith.constant 0 : i32
      %dma_start3A_528 = tpu.memref_slice %arg8[%add3A_361, %dma_start3A_527] : memref<20000x128xf32, #tpu.memory_space<hbm>> -> memref<16x128xf32, #tpu.memory_space<hbm>>
      %dma_start3A_529 = arith.constant 0 : i32
      %dma_start3A_530 = tpu.memref_slice %arg8[%add3A_361, %dma_start3A_529] : memref<20000x128xf32, #tpu.memory_space<hbm>> -> memref<16x128xf32, #tpu.memory_space<hbm>>
      tpu.enqueue_dma source(%arg14 : memref<16x128xf32, #tpu.memory_space<vmem>>) target(%dma_start3A_530 : memref<16x128xf32, #tpu.memory_space<hbm>>) target_semaphore(%run_scoped3A_526 : memref<!tpu.dma_semaphore, #tpu.memory_space<semaphore_mem>>)
      %dma_wait3A_531 = arith.constant 0 : i32
      %dma_wait3A_532 = tpu.memref_slice %arg8[%add3A_361, %dma_wait3A_531] : memref<20000x128xf32, #tpu.memory_space<hbm>> -> memref<16x128xf32, #tpu.memory_space<hbm>>
      %dma_wait3A_533 = arith.constant 0 : i32
      %dma_wait3A_534 = tpu.memref_slice %arg8[%add3A_361, %dma_wait3A_533] : memref<20000x128xf32, #tpu.memory_space<hbm>> -> memref<16x128xf32, #tpu.memory_space<hbm>>
      tpu.wait_dma2 semaphore(%run_scoped3A_526 : memref<!tpu.dma_semaphore, #tpu.memory_space<semaphore_mem>>) src(%arg14 : memref<16x128xf32, #tpu.memory_space<vmem>>) dst(%dma_wait3A_534 : memref<16x128xf32, #tpu.memory_space<hbm>>)
      tpu.yield
    }) : () -> ()
    %add3A_362 = arith.constant 272 : i32
    %add3A_363 = arith.addi %mul3A_4, %add3A_362 : i32
    "tpu.region"() ({
      %run_scoped3A_526 = tpu.sem_alloc : memref<!tpu.dma_semaphore, #tpu.memory_space<semaphore_mem>>
      %dma_start3A_527 = arith.constant 0 : i32
      %dma_start3A_528 = tpu.memref_slice %arg16[%add3A_363, %dma_start3A_527] : memref<10000x128xf32, #tpu.memory_space<vmem_shared>> -> memref<16x128xf32, #tpu.memory_space<vmem_shared>>
      %dma_start3A_529 = arith.constant 0 : i32
      %dma_start3A_530 = tpu.memref_slice %arg16[%add3A_363, %dma_start3A_529] : memref<10000x128xf32, #tpu.memory_space<vmem_shared>> -> memref<16x128xf32, #tpu.memory_space<vmem_shared>>
      tpu.enqueue_dma source(%dma_start3A_530 : memref<16x128xf32, #tpu.memory_space<vmem_shared>>) target(%arg14 : memref<16x128xf32, #tpu.memory_space<vmem>>) target_semaphore(%run_scoped3A_526 : memref<!tpu.dma_semaphore, #tpu.memory_space<semaphore_mem>>)
      %dma_wait3A_531 = arith.constant 0 : i32
      %dma_wait3A_532 = tpu.memref_slice %arg16[%add3A_363, %dma_wait3A_531] : memref<10000x128xf32, #tpu.memory_space<vmem_shared>> -> memref<16x128xf32, #tpu.memory_space<vmem_shared>>
      %dma_wait3A_533 = arith.constant 0 : i32
      %dma_wait3A_534 = tpu.memref_slice %arg16[%add3A_363, %dma_wait3A_533] : memref<10000x128xf32, #tpu.memory_space<vmem_shared>> -> memref<16x128xf32, #tpu.memory_space<vmem_shared>>
      tpu.wait_dma2 semaphore(%run_scoped3A_526 : memref<!tpu.dma_semaphore, #tpu.memory_space<semaphore_mem>>) src(%dma_wait3A_534 : memref<16x128xf32, #tpu.memory_space<vmem_shared>>) dst(%arg14 : memref<16x128xf32, #tpu.memory_space<vmem>>)
      tpu.yield
    }) : () -> ()
    %mul3A_364 = arith.constant 10000 : i32
    %mul3A_365 = arith.muli %arg0, %mul3A_364 : i32
    %add3A_366 = arith.addi %mul3A_365, %mul3A_4 : i32
    %add3A_367 = arith.constant 272 : i32
    %add3A_368 = arith.addi %add3A_366, %add3A_367 : i32
    "tpu.region"() ({
      %run_scoped3A_526 = tpu.sem_alloc : memref<!tpu.dma_semaphore, #tpu.memory_space<semaphore_mem>>
      %dma_start3A_527 = arith.constant 0 : i32
      %dma_start3A_528 = tpu.memref_slice %arg8[%add3A_368, %dma_start3A_527] : memref<20000x128xf32, #tpu.memory_space<hbm>> -> memref<16x128xf32, #tpu.memory_space<hbm>>
      %dma_start3A_529 = arith.constant 0 : i32
      %dma_start3A_530 = tpu.memref_slice %arg8[%add3A_368, %dma_start3A_529] : memref<20000x128xf32, #tpu.memory_space<hbm>> -> memref<16x128xf32, #tpu.memory_space<hbm>>
      tpu.enqueue_dma source(%arg14 : memref<16x128xf32, #tpu.memory_space<vmem>>) target(%dma_start3A_530 : memref<16x128xf32, #tpu.memory_space<hbm>>) target_semaphore(%run_scoped3A_526 : memref<!tpu.dma_semaphore, #tpu.memory_space<semaphore_mem>>)
      %dma_wait3A_531 = arith.constant 0 : i32
      %dma_wait3A_532 = tpu.memref_slice %arg8[%add3A_368, %dma_wait3A_531] : memref<20000x128xf32, #tpu.memory_space<hbm>> -> memref<16x128xf32, #tpu.memory_space<hbm>>
      %dma_wait3A_533 = arith.constant 0 : i32
      %dma_wait3A_534 = tpu.memref_slice %arg8[%add3A_368, %dma_wait3A_533] : memref<20000x128xf32, #tpu.memory_space<hbm>> -> memref<16x128xf32, #tpu.memory_space<hbm>>
      tpu.wait_dma2 semaphore(%run_scoped3A_526 : memref<!tpu.dma_semaphore, #tpu.memory_space<semaphore_mem>>) src(%arg14 : memref<16x128xf32, #tpu.memory_space<vmem>>) dst(%dma_wait3A_534 : memref<16x128xf32, #tpu.memory_space<hbm>>)
      tpu.yield
    }) : () -> ()
    %add3A_369 = arith.constant 288 : i32
    %add3A_370 = arith.addi %mul3A_4, %add3A_369 : i32
    "tpu.region"() ({
      %run_scoped3A_526 = tpu.sem_alloc : memref<!tpu.dma_semaphore, #tpu.memory_space<semaphore_mem>>
      %dma_start3A_527 = arith.constant 0 : i32
      %dma_start3A_528 = tpu.memref_slice %arg16[%add3A_370, %dma_start3A_527] : memref<10000x128xf32, #tpu.memory_space<vmem_shared>> -> memref<16x128xf32, #tpu.memory_space<vmem_shared>>
      %dma_start3A_529 = arith.constant 0 : i32
      %dma_start3A_530 = tpu.memref_slice %arg16[%add3A_370, %dma_start3A_529] : memref<10000x128xf32, #tpu.memory_space<vmem_shared>> -> memref<16x128xf32, #tpu.memory_space<vmem_shared>>
      tpu.enqueue_dma source(%dma_start3A_530 : memref<16x128xf32, #tpu.memory_space<vmem_shared>>) target(%arg14 : memref<16x128xf32, #tpu.memory_space<vmem>>) target_semaphore(%run_scoped3A_526 : memref<!tpu.dma_semaphore, #tpu.memory_space<semaphore_mem>>)
      %dma_wait3A_531 = arith.constant 0 : i32
      %dma_wait3A_532 = tpu.memref_slice %arg16[%add3A_370, %dma_wait3A_531] : memref<10000x128xf32, #tpu.memory_space<vmem_shared>> -> memref<16x128xf32, #tpu.memory_space<vmem_shared>>
      %dma_wait3A_533 = arith.constant 0 : i32
      %dma_wait3A_534 = tpu.memref_slice %arg16[%add3A_370, %dma_wait3A_533] : memref<10000x128xf32, #tpu.memory_space<vmem_shared>> -> memref<16x128xf32, #tpu.memory_space<vmem_shared>>
      tpu.wait_dma2 semaphore(%run_scoped3A_526 : memref<!tpu.dma_semaphore, #tpu.memory_space<semaphore_mem>>) src(%dma_wait3A_534 : memref<16x128xf32, #tpu.memory_space<vmem_shared>>) dst(%arg14 : memref<16x128xf32, #tpu.memory_space<vmem>>)
      tpu.yield
    }) : () -> ()
    %mul3A_371 = arith.constant 10000 : i32
    %mul3A_372 = arith.muli %arg0, %mul3A_371 : i32
    %add3A_373 = arith.addi %mul3A_372, %mul3A_4 : i32
    %add3A_374 = arith.constant 288 : i32
    %add3A_375 = arith.addi %add3A_373, %add3A_374 : i32
    "tpu.region"() ({
      %run_scoped3A_526 = tpu.sem_alloc : memref<!tpu.dma_semaphore, #tpu.memory_space<semaphore_mem>>
      %dma_start3A_527 = arith.constant 0 : i32
      %dma_start3A_528 = tpu.memref_slice %arg8[%add3A_375, %dma_start3A_527] : memref<20000x128xf32, #tpu.memory_space<hbm>> -> memref<16x128xf32, #tpu.memory_space<hbm>>
      %dma_start3A_529 = arith.constant 0 : i32
      %dma_start3A_530 = tpu.memref_slice %arg8[%add3A_375, %dma_start3A_529] : memref<20000x128xf32, #tpu.memory_space<hbm>> -> memref<16x128xf32, #tpu.memory_space<hbm>>
      tpu.enqueue_dma source(%arg14 : memref<16x128xf32, #tpu.memory_space<vmem>>) target(%dma_start3A_530 : memref<16x128xf32, #tpu.memory_space<hbm>>) target_semaphore(%run_scoped3A_526 : memref<!tpu.dma_semaphore, #tpu.memory_space<semaphore_mem>>)
      %dma_wait3A_531 = arith.constant 0 : i32
      %dma_wait3A_532 = tpu.memref_slice %arg8[%add3A_375, %dma_wait3A_531] : memref<20000x128xf32, #tpu.memory_space<hbm>> -> memref<16x128xf32, #tpu.memory_space<hbm>>
      %dma_wait3A_533 = arith.constant 0 : i32
      %dma_wait3A_534 = tpu.memref_slice %arg8[%add3A_375, %dma_wait3A_533] : memref<20000x128xf32, #tpu.memory_space<hbm>> -> memref<16x128xf32, #tpu.memory_space<hbm>>
      tpu.wait_dma2 semaphore(%run_scoped3A_526 : memref<!tpu.dma_semaphore, #tpu.memory_space<semaphore_mem>>) src(%arg14 : memref<16x128xf32, #tpu.memory_space<vmem>>) dst(%dma_wait3A_534 : memref<16x128xf32, #tpu.memory_space<hbm>>)
      tpu.yield
    }) : () -> ()
    %add3A_376 = arith.constant 304 : i32
    %add3A_377 = arith.addi %mul3A_4, %add3A_376 : i32
    "tpu.region"() ({
      %run_scoped3A_526 = tpu.sem_alloc : memref<!tpu.dma_semaphore, #tpu.memory_space<semaphore_mem>>
      %dma_start3A_527 = arith.constant 0 : i32
      %dma_start3A_528 = tpu.memref_slice %arg16[%add3A_377, %dma_start3A_527] : memref<10000x128xf32, #tpu.memory_space<vmem_shared>> -> memref<16x128xf32, #tpu.memory_space<vmem_shared>>
      %dma_start3A_529 = arith.constant 0 : i32
      %dma_start3A_530 = tpu.memref_slice %arg16[%add3A_377, %dma_start3A_529] : memref<10000x128xf32, #tpu.memory_space<vmem_shared>> -> memref<16x128xf32, #tpu.memory_space<vmem_shared>>
      tpu.enqueue_dma source(%dma_start3A_530 : memref<16x128xf32, #tpu.memory_space<vmem_shared>>) target(%arg14 : memref<16x128xf32, #tpu.memory_space<vmem>>) target_semaphore(%run_scoped3A_526 : memref<!tpu.dma_semaphore, #tpu.memory_space<semaphore_mem>>)
      %dma_wait3A_531 = arith.constant 0 : i32
      %dma_wait3A_532 = tpu.memref_slice %arg16[%add3A_377, %dma_wait3A_531] : memref<10000x128xf32, #tpu.memory_space<vmem_shared>> -> memref<16x128xf32, #tpu.memory_space<vmem_shared>>
      %dma_wait3A_533 = arith.constant 0 : i32
      %dma_wait3A_534 = tpu.memref_slice %arg16[%add3A_377, %dma_wait3A_533] : memref<10000x128xf32, #tpu.memory_space<vmem_shared>> -> memref<16x128xf32, #tpu.memory_space<vmem_shared>>
      tpu.wait_dma2 semaphore(%run_scoped3A_526 : memref<!tpu.dma_semaphore, #tpu.memory_space<semaphore_mem>>) src(%dma_wait3A_534 : memref<16x128xf32, #tpu.memory_space<vmem_shared>>) dst(%arg14 : memref<16x128xf32, #tpu.memory_space<vmem>>)
      tpu.yield
    }) : () -> ()
    %mul3A_378 = arith.constant 10000 : i32
    %mul3A_379 = arith.muli %arg0, %mul3A_378 : i32
    %add3A_380 = arith.addi %mul3A_379, %mul3A_4 : i32
    %add3A_381 = arith.constant 304 : i32
    %add3A_382 = arith.addi %add3A_380, %add3A_381 : i32
    "tpu.region"() ({
      %run_scoped3A_526 = tpu.sem_alloc : memref<!tpu.dma_semaphore, #tpu.memory_space<semaphore_mem>>
      %dma_start3A_527 = arith.constant 0 : i32
      %dma_start3A_528 = tpu.memref_slice %arg8[%add3A_382, %dma_start3A_527] : memref<20000x128xf32, #tpu.memory_space<hbm>> -> memref<16x128xf32, #tpu.memory_space<hbm>>
      %dma_start3A_529 = arith.constant 0 : i32
      %dma_start3A_530 = tpu.memref_slice %arg8[%add3A_382, %dma_start3A_529] : memref<20000x128xf32, #tpu.memory_space<hbm>> -> memref<16x128xf32, #tpu.memory_space<hbm>>
      tpu.enqueue_dma source(%arg14 : memref<16x128xf32, #tpu.memory_space<vmem>>) target(%dma_start3A_530 : memref<16x128xf32, #tpu.memory_space<hbm>>) target_semaphore(%run_scoped3A_526 : memref<!tpu.dma_semaphore, #tpu.memory_space<semaphore_mem>>)
      %dma_wait3A_531 = arith.constant 0 : i32
      %dma_wait3A_532 = tpu.memref_slice %arg8[%add3A_382, %dma_wait3A_531] : memref<20000x128xf32, #tpu.memory_space<hbm>> -> memref<16x128xf32, #tpu.memory_space<hbm>>
      %dma_wait3A_533 = arith.constant 0 : i32
      %dma_wait3A_534 = tpu.memref_slice %arg8[%add3A_382, %dma_wait3A_533] : memref<20000x128xf32, #tpu.memory_space<hbm>> -> memref<16x128xf32, #tpu.memory_space<hbm>>
      tpu.wait_dma2 semaphore(%run_scoped3A_526 : memref<!tpu.dma_semaphore, #tpu.memory_space<semaphore_mem>>) src(%arg14 : memref<16x128xf32, #tpu.memory_space<vmem>>) dst(%dma_wait3A_534 : memref<16x128xf32, #tpu.memory_space<hbm>>)
      tpu.yield
    }) : () -> ()
    %add3A_383 = arith.constant 320 : i32
    %add3A_384 = arith.addi %mul3A_4, %add3A_383 : i32
    "tpu.region"() ({
      %run_scoped3A_526 = tpu.sem_alloc : memref<!tpu.dma_semaphore, #tpu.memory_space<semaphore_mem>>
      %dma_start3A_527 = arith.constant 0 : i32
      %dma_start3A_528 = tpu.memref_slice %arg16[%add3A_384, %dma_start3A_527] : memref<10000x128xf32, #tpu.memory_space<vmem_shared>> -> memref<16x128xf32, #tpu.memory_space<vmem_shared>>
      %dma_start3A_529 = arith.constant 0 : i32
      %dma_start3A_530 = tpu.memref_slice %arg16[%add3A_384, %dma_start3A_529] : memref<10000x128xf32, #tpu.memory_space<vmem_shared>> -> memref<16x128xf32, #tpu.memory_space<vmem_shared>>
      tpu.enqueue_dma source(%dma_start3A_530 : memref<16x128xf32, #tpu.memory_space<vmem_shared>>) target(%arg14 : memref<16x128xf32, #tpu.memory_space<vmem>>) target_semaphore(%run_scoped3A_526 : memref<!tpu.dma_semaphore, #tpu.memory_space<semaphore_mem>>)
      %dma_wait3A_531 = arith.constant 0 : i32
      %dma_wait3A_532 = tpu.memref_slice %arg16[%add3A_384, %dma_wait3A_531] : memref<10000x128xf32, #tpu.memory_space<vmem_shared>> -> memref<16x128xf32, #tpu.memory_space<vmem_shared>>
      %dma_wait3A_533 = arith.constant 0 : i32
      %dma_wait3A_534 = tpu.memref_slice %arg16[%add3A_384, %dma_wait3A_533] : memref<10000x128xf32, #tpu.memory_space<vmem_shared>> -> memref<16x128xf32, #tpu.memory_space<vmem_shared>>
      tpu.wait_dma2 semaphore(%run_scoped3A_526 : memref<!tpu.dma_semaphore, #tpu.memory_space<semaphore_mem>>) src(%dma_wait3A_534 : memref<16x128xf32, #tpu.memory_space<vmem_shared>>) dst(%arg14 : memref<16x128xf32, #tpu.memory_space<vmem>>)
      tpu.yield
    }) : () -> ()
    %mul3A_385 = arith.constant 10000 : i32
    %mul3A_386 = arith.muli %arg0, %mul3A_385 : i32
    %add3A_387 = arith.addi %mul3A_386, %mul3A_4 : i32
    %add3A_388 = arith.constant 320 : i32
    %add3A_389 = arith.addi %add3A_387, %add3A_388 : i32
    "tpu.region"() ({
      %run_scoped3A_526 = tpu.sem_alloc : memref<!tpu.dma_semaphore, #tpu.memory_space<semaphore_mem>>
      %dma_start3A_527 = arith.constant 0 : i32
      %dma_start3A_528 = tpu.memref_slice %arg8[%add3A_389, %dma_start3A_527] : memref<20000x128xf32, #tpu.memory_space<hbm>> -> memref<16x128xf32, #tpu.memory_space<hbm>>
      %dma_start3A_529 = arith.constant 0 : i32
      %dma_start3A_530 = tpu.memref_slice %arg8[%add3A_389, %dma_start3A_529] : memref<20000x128xf32, #tpu.memory_space<hbm>> -> memref<16x128xf32, #tpu.memory_space<hbm>>
      tpu.enqueue_dma source(%arg14 : memref<16x128xf32, #tpu.memory_space<vmem>>) target(%dma_start3A_530 : memref<16x128xf32, #tpu.memory_space<hbm>>) target_semaphore(%run_scoped3A_526 : memref<!tpu.dma_semaphore, #tpu.memory_space<semaphore_mem>>)
      %dma_wait3A_531 = arith.constant 0 : i32
      %dma_wait3A_532 = tpu.memref_slice %arg8[%add3A_389, %dma_wait3A_531] : memref<20000x128xf32, #tpu.memory_space<hbm>> -> memref<16x128xf32, #tpu.memory_space<hbm>>
      %dma_wait3A_533 = arith.constant 0 : i32
      %dma_wait3A_534 = tpu.memref_slice %arg8[%add3A_389, %dma_wait3A_533] : memref<20000x128xf32, #tpu.memory_space<hbm>> -> memref<16x128xf32, #tpu.memory_space<hbm>>
      tpu.wait_dma2 semaphore(%run_scoped3A_526 : memref<!tpu.dma_semaphore, #tpu.memory_space<semaphore_mem>>) src(%arg14 : memref<16x128xf32, #tpu.memory_space<vmem>>) dst(%dma_wait3A_534 : memref<16x128xf32, #tpu.memory_space<hbm>>)
      tpu.yield
    }) : () -> ()
    %add3A_390 = arith.constant 336 : i32
    %add3A_391 = arith.addi %mul3A_4, %add3A_390 : i32
    "tpu.region"() ({
      %run_scoped3A_526 = tpu.sem_alloc : memref<!tpu.dma_semaphore, #tpu.memory_space<semaphore_mem>>
      %dma_start3A_527 = arith.constant 0 : i32
      %dma_start3A_528 = tpu.memref_slice %arg16[%add3A_391, %dma_start3A_527] : memref<10000x128xf32, #tpu.memory_space<vmem_shared>> -> memref<16x128xf32, #tpu.memory_space<vmem_shared>>
      %dma_start3A_529 = arith.constant 0 : i32
      %dma_start3A_530 = tpu.memref_slice %arg16[%add3A_391, %dma_start3A_529] : memref<10000x128xf32, #tpu.memory_space<vmem_shared>> -> memref<16x128xf32, #tpu.memory_space<vmem_shared>>
      tpu.enqueue_dma source(%dma_start3A_530 : memref<16x128xf32, #tpu.memory_space<vmem_shared>>) target(%arg14 : memref<16x128xf32, #tpu.memory_space<vmem>>) target_semaphore(%run_scoped3A_526 : memref<!tpu.dma_semaphore, #tpu.memory_space<semaphore_mem>>)
      %dma_wait3A_531 = arith.constant 0 : i32
      %dma_wait3A_532 = tpu.memref_slice %arg16[%add3A_391, %dma_wait3A_531] : memref<10000x128xf32, #tpu.memory_space<vmem_shared>> -> memref<16x128xf32, #tpu.memory_space<vmem_shared>>
      %dma_wait3A_533 = arith.constant 0 : i32
      %dma_wait3A_534 = tpu.memref_slice %arg16[%add3A_391, %dma_wait3A_533] : memref<10000x128xf32, #tpu.memory_space<vmem_shared>> -> memref<16x128xf32, #tpu.memory_space<vmem_shared>>
      tpu.wait_dma2 semaphore(%run_scoped3A_526 : memref<!tpu.dma_semaphore, #tpu.memory_space<semaphore_mem>>) src(%dma_wait3A_534 : memref<16x128xf32, #tpu.memory_space<vmem_shared>>) dst(%arg14 : memref<16x128xf32, #tpu.memory_space<vmem>>)
      tpu.yield
    }) : () -> ()
    %mul3A_392 = arith.constant 10000 : i32
    %mul3A_393 = arith.muli %arg0, %mul3A_392 : i32
    %add3A_394 = arith.addi %mul3A_393, %mul3A_4 : i32
    %add3A_395 = arith.constant 336 : i32
    %add3A_396 = arith.addi %add3A_394, %add3A_395 : i32
    "tpu.region"() ({
      %run_scoped3A_526 = tpu.sem_alloc : memref<!tpu.dma_semaphore, #tpu.memory_space<semaphore_mem>>
      %dma_start3A_527 = arith.constant 0 : i32
      %dma_start3A_528 = tpu.memref_slice %arg8[%add3A_396, %dma_start3A_527] : memref<20000x128xf32, #tpu.memory_space<hbm>> -> memref<16x128xf32, #tpu.memory_space<hbm>>
      %dma_start3A_529 = arith.constant 0 : i32
      %dma_start3A_530 = tpu.memref_slice %arg8[%add3A_396, %dma_start3A_529] : memref<20000x128xf32, #tpu.memory_space<hbm>> -> memref<16x128xf32, #tpu.memory_space<hbm>>
      tpu.enqueue_dma source(%arg14 : memref<16x128xf32, #tpu.memory_space<vmem>>) target(%dma_start3A_530 : memref<16x128xf32, #tpu.memory_space<hbm>>) target_semaphore(%run_scoped3A_526 : memref<!tpu.dma_semaphore, #tpu.memory_space<semaphore_mem>>)
      %dma_wait3A_531 = arith.constant 0 : i32
      %dma_wait3A_532 = tpu.memref_slice %arg8[%add3A_396, %dma_wait3A_531] : memref<20000x128xf32, #tpu.memory_space<hbm>> -> memref<16x128xf32, #tpu.memory_space<hbm>>
      %dma_wait3A_533 = arith.constant 0 : i32
      %dma_wait3A_534 = tpu.memref_slice %arg8[%add3A_396, %dma_wait3A_533] : memref<20000x128xf32, #tpu.memory_space<hbm>> -> memref<16x128xf32, #tpu.memory_space<hbm>>
      tpu.wait_dma2 semaphore(%run_scoped3A_526 : memref<!tpu.dma_semaphore, #tpu.memory_space<semaphore_mem>>) src(%arg14 : memref<16x128xf32, #tpu.memory_space<vmem>>) dst(%dma_wait3A_534 : memref<16x128xf32, #tpu.memory_space<hbm>>)
      tpu.yield
    }) : () -> ()
    %add3A_397 = arith.constant 352 : i32
    %add3A_398 = arith.addi %mul3A_4, %add3A_397 : i32
    "tpu.region"() ({
      %run_scoped3A_526 = tpu.sem_alloc : memref<!tpu.dma_semaphore, #tpu.memory_space<semaphore_mem>>
      %dma_start3A_527 = arith.constant 0 : i32
      %dma_start3A_528 = tpu.memref_slice %arg16[%add3A_398, %dma_start3A_527] : memref<10000x128xf32, #tpu.memory_space<vmem_shared>> -> memref<16x128xf32, #tpu.memory_space<vmem_shared>>
      %dma_start3A_529 = arith.constant 0 : i32
      %dma_start3A_530 = tpu.memref_slice %arg16[%add3A_398, %dma_start3A_529] : memref<10000x128xf32, #tpu.memory_space<vmem_shared>> -> memref<16x128xf32, #tpu.memory_space<vmem_shared>>
      tpu.enqueue_dma source(%dma_start3A_530 : memref<16x128xf32, #tpu.memory_space<vmem_shared>>) target(%arg14 : memref<16x128xf32, #tpu.memory_space<vmem>>) target_semaphore(%run_scoped3A_526 : memref<!tpu.dma_semaphore, #tpu.memory_space<semaphore_mem>>)
      %dma_wait3A_531 = arith.constant 0 : i32
      %dma_wait3A_532 = tpu.memref_slice %arg16[%add3A_398, %dma_wait3A_531] : memref<10000x128xf32, #tpu.memory_space<vmem_shared>> -> memref<16x128xf32, #tpu.memory_space<vmem_shared>>
      %dma_wait3A_533 = arith.constant 0 : i32
      %dma_wait3A_534 = tpu.memref_slice %arg16[%add3A_398, %dma_wait3A_533] : memref<10000x128xf32, #tpu.memory_space<vmem_shared>> -> memref<16x128xf32, #tpu.memory_space<vmem_shared>>
      tpu.wait_dma2 semaphore(%run_scoped3A_526 : memref<!tpu.dma_semaphore, #tpu.memory_space<semaphore_mem>>) src(%dma_wait3A_534 : memref<16x128xf32, #tpu.memory_space<vmem_shared>>) dst(%arg14 : memref<16x128xf32, #tpu.memory_space<vmem>>)
      tpu.yield
    }) : () -> ()
    %mul3A_399 = arith.constant 10000 : i32
    %mul3A_400 = arith.muli %arg0, %mul3A_399 : i32
    %add3A_401 = arith.addi %mul3A_400, %mul3A_4 : i32
    %add3A_402 = arith.constant 352 : i32
    %add3A_403 = arith.addi %add3A_401, %add3A_402 : i32
    "tpu.region"() ({
      %run_scoped3A_526 = tpu.sem_alloc : memref<!tpu.dma_semaphore, #tpu.memory_space<semaphore_mem>>
      %dma_start3A_527 = arith.constant 0 : i32
      %dma_start3A_528 = tpu.memref_slice %arg8[%add3A_403, %dma_start3A_527] : memref<20000x128xf32, #tpu.memory_space<hbm>> -> memref<16x128xf32, #tpu.memory_space<hbm>>
      %dma_start3A_529 = arith.constant 0 : i32
      %dma_start3A_530 = tpu.memref_slice %arg8[%add3A_403, %dma_start3A_529] : memref<20000x128xf32, #tpu.memory_space<hbm>> -> memref<16x128xf32, #tpu.memory_space<hbm>>
      tpu.enqueue_dma source(%arg14 : memref<16x128xf32, #tpu.memory_space<vmem>>) target(%dma_start3A_530 : memref<16x128xf32, #tpu.memory_space<hbm>>) target_semaphore(%run_scoped3A_526 : memref<!tpu.dma_semaphore, #tpu.memory_space<semaphore_mem>>)
      %dma_wait3A_531 = arith.constant 0 : i32
      %dma_wait3A_532 = tpu.memref_slice %arg8[%add3A_403, %dma_wait3A_531] : memref<20000x128xf32, #tpu.memory_space<hbm>> -> memref<16x128xf32, #tpu.memory_space<hbm>>
      %dma_wait3A_533 = arith.constant 0 : i32
      %dma_wait3A_534 = tpu.memref_slice %arg8[%add3A_403, %dma_wait3A_533] : memref<20000x128xf32, #tpu.memory_space<hbm>> -> memref<16x128xf32, #tpu.memory_space<hbm>>
      tpu.wait_dma2 semaphore(%run_scoped3A_526 : memref<!tpu.dma_semaphore, #tpu.memory_space<semaphore_mem>>) src(%arg14 : memref<16x128xf32, #tpu.memory_space<vmem>>) dst(%dma_wait3A_534 : memref<16x128xf32, #tpu.memory_space<hbm>>)
      tpu.yield
    }) : () -> ()
    %add3A_404 = arith.constant 368 : i32
    %add3A_405 = arith.addi %mul3A_4, %add3A_404 : i32
    "tpu.region"() ({
      %run_scoped3A_526 = tpu.sem_alloc : memref<!tpu.dma_semaphore, #tpu.memory_space<semaphore_mem>>
      %dma_start3A_527 = arith.constant 0 : i32
      %dma_start3A_528 = tpu.memref_slice %arg16[%add3A_405, %dma_start3A_527] : memref<10000x128xf32, #tpu.memory_space<vmem_shared>> -> memref<16x128xf32, #tpu.memory_space<vmem_shared>>
      %dma_start3A_529 = arith.constant 0 : i32
      %dma_start3A_530 = tpu.memref_slice %arg16[%add3A_405, %dma_start3A_529] : memref<10000x128xf32, #tpu.memory_space<vmem_shared>> -> memref<16x128xf32, #tpu.memory_space<vmem_shared>>
      tpu.enqueue_dma source(%dma_start3A_530 : memref<16x128xf32, #tpu.memory_space<vmem_shared>>) target(%arg14 : memref<16x128xf32, #tpu.memory_space<vmem>>) target_semaphore(%run_scoped3A_526 : memref<!tpu.dma_semaphore, #tpu.memory_space<semaphore_mem>>)
      %dma_wait3A_531 = arith.constant 0 : i32
      %dma_wait3A_532 = tpu.memref_slice %arg16[%add3A_405, %dma_wait3A_531] : memref<10000x128xf32, #tpu.memory_space<vmem_shared>> -> memref<16x128xf32, #tpu.memory_space<vmem_shared>>
      %dma_wait3A_533 = arith.constant 0 : i32
      %dma_wait3A_534 = tpu.memref_slice %arg16[%add3A_405, %dma_wait3A_533] : memref<10000x128xf32, #tpu.memory_space<vmem_shared>> -> memref<16x128xf32, #tpu.memory_space<vmem_shared>>
      tpu.wait_dma2 semaphore(%run_scoped3A_526 : memref<!tpu.dma_semaphore, #tpu.memory_space<semaphore_mem>>) src(%dma_wait3A_534 : memref<16x128xf32, #tpu.memory_space<vmem_shared>>) dst(%arg14 : memref<16x128xf32, #tpu.memory_space<vmem>>)
      tpu.yield
    }) : () -> ()
    %mul3A_406 = arith.constant 10000 : i32
    %mul3A_407 = arith.muli %arg0, %mul3A_406 : i32
    %add3A_408 = arith.addi %mul3A_407, %mul3A_4 : i32
    %add3A_409 = arith.constant 368 : i32
    %add3A_410 = arith.addi %add3A_408, %add3A_409 : i32
    "tpu.region"() ({
      %run_scoped3A_526 = tpu.sem_alloc : memref<!tpu.dma_semaphore, #tpu.memory_space<semaphore_mem>>
      %dma_start3A_527 = arith.constant 0 : i32
      %dma_start3A_528 = tpu.memref_slice %arg8[%add3A_410, %dma_start3A_527] : memref<20000x128xf32, #tpu.memory_space<hbm>> -> memref<16x128xf32, #tpu.memory_space<hbm>>
      %dma_start3A_529 = arith.constant 0 : i32
      %dma_start3A_530 = tpu.memref_slice %arg8[%add3A_410, %dma_start3A_529] : memref<20000x128xf32, #tpu.memory_space<hbm>> -> memref<16x128xf32, #tpu.memory_space<hbm>>
      tpu.enqueue_dma source(%arg14 : memref<16x128xf32, #tpu.memory_space<vmem>>) target(%dma_start3A_530 : memref<16x128xf32, #tpu.memory_space<hbm>>) target_semaphore(%run_scoped3A_526 : memref<!tpu.dma_semaphore, #tpu.memory_space<semaphore_mem>>)
      %dma_wait3A_531 = arith.constant 0 : i32
      %dma_wait3A_532 = tpu.memref_slice %arg8[%add3A_410, %dma_wait3A_531] : memref<20000x128xf32, #tpu.memory_space<hbm>> -> memref<16x128xf32, #tpu.memory_space<hbm>>
      %dma_wait3A_533 = arith.constant 0 : i32
      %dma_wait3A_534 = tpu.memref_slice %arg8[%add3A_410, %dma_wait3A_533] : memref<20000x128xf32, #tpu.memory_space<hbm>> -> memref<16x128xf32, #tpu.memory_space<hbm>>
      tpu.wait_dma2 semaphore(%run_scoped3A_526 : memref<!tpu.dma_semaphore, #tpu.memory_space<semaphore_mem>>) src(%arg14 : memref<16x128xf32, #tpu.memory_space<vmem>>) dst(%dma_wait3A_534 : memref<16x128xf32, #tpu.memory_space<hbm>>)
      tpu.yield
    }) : () -> ()
    %add3A_411 = arith.constant 384 : i32
    %add3A_412 = arith.addi %mul3A_4, %add3A_411 : i32
    "tpu.region"() ({
      %run_scoped3A_526 = tpu.sem_alloc : memref<!tpu.dma_semaphore, #tpu.memory_space<semaphore_mem>>
      %dma_start3A_527 = arith.constant 0 : i32
      %dma_start3A_528 = tpu.memref_slice %arg16[%add3A_412, %dma_start3A_527] : memref<10000x128xf32, #tpu.memory_space<vmem_shared>> -> memref<16x128xf32, #tpu.memory_space<vmem_shared>>
      %dma_start3A_529 = arith.constant 0 : i32
      %dma_start3A_530 = tpu.memref_slice %arg16[%add3A_412, %dma_start3A_529] : memref<10000x128xf32, #tpu.memory_space<vmem_shared>> -> memref<16x128xf32, #tpu.memory_space<vmem_shared>>
      tpu.enqueue_dma source(%dma_start3A_530 : memref<16x128xf32, #tpu.memory_space<vmem_shared>>) target(%arg14 : memref<16x128xf32, #tpu.memory_space<vmem>>) target_semaphore(%run_scoped3A_526 : memref<!tpu.dma_semaphore, #tpu.memory_space<semaphore_mem>>)
      %dma_wait3A_531 = arith.constant 0 : i32
      %dma_wait3A_532 = tpu.memref_slice %arg16[%add3A_412, %dma_wait3A_531] : memref<10000x128xf32, #tpu.memory_space<vmem_shared>> -> memref<16x128xf32, #tpu.memory_space<vmem_shared>>
      %dma_wait3A_533 = arith.constant 0 : i32
      %dma_wait3A_534 = tpu.memref_slice %arg16[%add3A_412, %dma_wait3A_533] : memref<10000x128xf32, #tpu.memory_space<vmem_shared>> -> memref<16x128xf32, #tpu.memory_space<vmem_shared>>
      tpu.wait_dma2 semaphore(%run_scoped3A_526 : memref<!tpu.dma_semaphore, #tpu.memory_space<semaphore_mem>>) src(%dma_wait3A_534 : memref<16x128xf32, #tpu.memory_space<vmem_shared>>) dst(%arg14 : memref<16x128xf32, #tpu.memory_space<vmem>>)
      tpu.yield
    }) : () -> ()
    %mul3A_413 = arith.constant 10000 : i32
    %mul3A_414 = arith.muli %arg0, %mul3A_413 : i32
    %add3A_415 = arith.addi %mul3A_414, %mul3A_4 : i32
    %add3A_416 = arith.constant 384 : i32
    %add3A_417 = arith.addi %add3A_415, %add3A_416 : i32
    "tpu.region"() ({
      %run_scoped3A_526 = tpu.sem_alloc : memref<!tpu.dma_semaphore, #tpu.memory_space<semaphore_mem>>
      %dma_start3A_527 = arith.constant 0 : i32
      %dma_start3A_528 = tpu.memref_slice %arg8[%add3A_417, %dma_start3A_527] : memref<20000x128xf32, #tpu.memory_space<hbm>> -> memref<16x128xf32, #tpu.memory_space<hbm>>
      %dma_start3A_529 = arith.constant 0 : i32
      %dma_start3A_530 = tpu.memref_slice %arg8[%add3A_417, %dma_start3A_529] : memref<20000x128xf32, #tpu.memory_space<hbm>> -> memref<16x128xf32, #tpu.memory_space<hbm>>
      tpu.enqueue_dma source(%arg14 : memref<16x128xf32, #tpu.memory_space<vmem>>) target(%dma_start3A_530 : memref<16x128xf32, #tpu.memory_space<hbm>>) target_semaphore(%run_scoped3A_526 : memref<!tpu.dma_semaphore, #tpu.memory_space<semaphore_mem>>)
      %dma_wait3A_531 = arith.constant 0 : i32
      %dma_wait3A_532 = tpu.memref_slice %arg8[%add3A_417, %dma_wait3A_531] : memref<20000x128xf32, #tpu.memory_space<hbm>> -> memref<16x128xf32, #tpu.memory_space<hbm>>
      %dma_wait3A_533 = arith.constant 0 : i32
      %dma_wait3A_534 = tpu.memref_slice %arg8[%add3A_417, %dma_wait3A_533] : memref<20000x128xf32, #tpu.memory_space<hbm>> -> memref<16x128xf32, #tpu.memory_space<hbm>>
      tpu.wait_dma2 semaphore(%run_scoped3A_526 : memref<!tpu.dma_semaphore, #tpu.memory_space<semaphore_mem>>) src(%arg14 : memref<16x128xf32, #tpu.memory_space<vmem>>) dst(%dma_wait3A_534 : memref<16x128xf32, #tpu.memory_space<hbm>>)
      tpu.yield
    }) : () -> ()
    %add3A_418 = arith.constant 400 : i32
    %add3A_419 = arith.addi %mul3A_4, %add3A_418 : i32
    "tpu.region"() ({
      %run_scoped3A_526 = tpu.sem_alloc : memref<!tpu.dma_semaphore, #tpu.memory_space<semaphore_mem>>
      %dma_start3A_527 = arith.constant 0 : i32
      %dma_start3A_528 = tpu.memref_slice %arg16[%add3A_419, %dma_start3A_527] : memref<10000x128xf32, #tpu.memory_space<vmem_shared>> -> memref<16x128xf32, #tpu.memory_space<vmem_shared>>
      %dma_start3A_529 = arith.constant 0 : i32
      %dma_start3A_530 = tpu.memref_slice %arg16[%add3A_419, %dma_start3A_529] : memref<10000x128xf32, #tpu.memory_space<vmem_shared>> -> memref<16x128xf32, #tpu.memory_space<vmem_shared>>
      tpu.enqueue_dma source(%dma_start3A_530 : memref<16x128xf32, #tpu.memory_space<vmem_shared>>) target(%arg14 : memref<16x128xf32, #tpu.memory_space<vmem>>) target_semaphore(%run_scoped3A_526 : memref<!tpu.dma_semaphore, #tpu.memory_space<semaphore_mem>>)
      %dma_wait3A_531 = arith.constant 0 : i32
      %dma_wait3A_532 = tpu.memref_slice %arg16[%add3A_419, %dma_wait3A_531] : memref<10000x128xf32, #tpu.memory_space<vmem_shared>> -> memref<16x128xf32, #tpu.memory_space<vmem_shared>>
      %dma_wait3A_533 = arith.constant 0 : i32
      %dma_wait3A_534 = tpu.memref_slice %arg16[%add3A_419, %dma_wait3A_533] : memref<10000x128xf32, #tpu.memory_space<vmem_shared>> -> memref<16x128xf32, #tpu.memory_space<vmem_shared>>
      tpu.wait_dma2 semaphore(%run_scoped3A_526 : memref<!tpu.dma_semaphore, #tpu.memory_space<semaphore_mem>>) src(%dma_wait3A_534 : memref<16x128xf32, #tpu.memory_space<vmem_shared>>) dst(%arg14 : memref<16x128xf32, #tpu.memory_space<vmem>>)
      tpu.yield
    }) : () -> ()
    %mul3A_420 = arith.constant 10000 : i32
    %mul3A_421 = arith.muli %arg0, %mul3A_420 : i32
    %add3A_422 = arith.addi %mul3A_421, %mul3A_4 : i32
    %add3A_423 = arith.constant 400 : i32
    %add3A_424 = arith.addi %add3A_422, %add3A_423 : i32
    "tpu.region"() ({
      %run_scoped3A_526 = tpu.sem_alloc : memref<!tpu.dma_semaphore, #tpu.memory_space<semaphore_mem>>
      %dma_start3A_527 = arith.constant 0 : i32
      %dma_start3A_528 = tpu.memref_slice %arg8[%add3A_424, %dma_start3A_527] : memref<20000x128xf32, #tpu.memory_space<hbm>> -> memref<16x128xf32, #tpu.memory_space<hbm>>
      %dma_start3A_529 = arith.constant 0 : i32
      %dma_start3A_530 = tpu.memref_slice %arg8[%add3A_424, %dma_start3A_529] : memref<20000x128xf32, #tpu.memory_space<hbm>> -> memref<16x128xf32, #tpu.memory_space<hbm>>
      tpu.enqueue_dma source(%arg14 : memref<16x128xf32, #tpu.memory_space<vmem>>) target(%dma_start3A_530 : memref<16x128xf32, #tpu.memory_space<hbm>>) target_semaphore(%run_scoped3A_526 : memref<!tpu.dma_semaphore, #tpu.memory_space<semaphore_mem>>)
      %dma_wait3A_531 = arith.constant 0 : i32
      %dma_wait3A_532 = tpu.memref_slice %arg8[%add3A_424, %dma_wait3A_531] : memref<20000x128xf32, #tpu.memory_space<hbm>> -> memref<16x128xf32, #tpu.memory_space<hbm>>
      %dma_wait3A_533 = arith.constant 0 : i32
      %dma_wait3A_534 = tpu.memref_slice %arg8[%add3A_424, %dma_wait3A_533] : memref<20000x128xf32, #tpu.memory_space<hbm>> -> memref<16x128xf32, #tpu.memory_space<hbm>>
      tpu.wait_dma2 semaphore(%run_scoped3A_526 : memref<!tpu.dma_semaphore, #tpu.memory_space<semaphore_mem>>) src(%arg14 : memref<16x128xf32, #tpu.memory_space<vmem>>) dst(%dma_wait3A_534 : memref<16x128xf32, #tpu.memory_space<hbm>>)
      tpu.yield
    }) : () -> ()
    %add3A_425 = arith.constant 416 : i32
    %add3A_426 = arith.addi %mul3A_4, %add3A_425 : i32
    "tpu.region"() ({
      %run_scoped3A_526 = tpu.sem_alloc : memref<!tpu.dma_semaphore, #tpu.memory_space<semaphore_mem>>
      %dma_start3A_527 = arith.constant 0 : i32
      %dma_start3A_528 = tpu.memref_slice %arg16[%add3A_426, %dma_start3A_527] : memref<10000x128xf32, #tpu.memory_space<vmem_shared>> -> memref<16x128xf32, #tpu.memory_space<vmem_shared>>
      %dma_start3A_529 = arith.constant 0 : i32
      %dma_start3A_530 = tpu.memref_slice %arg16[%add3A_426, %dma_start3A_529] : memref<10000x128xf32, #tpu.memory_space<vmem_shared>> -> memref<16x128xf32, #tpu.memory_space<vmem_shared>>
      tpu.enqueue_dma source(%dma_start3A_530 : memref<16x128xf32, #tpu.memory_space<vmem_shared>>) target(%arg14 : memref<16x128xf32, #tpu.memory_space<vmem>>) target_semaphore(%run_scoped3A_526 : memref<!tpu.dma_semaphore, #tpu.memory_space<semaphore_mem>>)
      %dma_wait3A_531 = arith.constant 0 : i32
      %dma_wait3A_532 = tpu.memref_slice %arg16[%add3A_426, %dma_wait3A_531] : memref<10000x128xf32, #tpu.memory_space<vmem_shared>> -> memref<16x128xf32, #tpu.memory_space<vmem_shared>>
      %dma_wait3A_533 = arith.constant 0 : i32
      %dma_wait3A_534 = tpu.memref_slice %arg16[%add3A_426, %dma_wait3A_533] : memref<10000x128xf32, #tpu.memory_space<vmem_shared>> -> memref<16x128xf32, #tpu.memory_space<vmem_shared>>
      tpu.wait_dma2 semaphore(%run_scoped3A_526 : memref<!tpu.dma_semaphore, #tpu.memory_space<semaphore_mem>>) src(%dma_wait3A_534 : memref<16x128xf32, #tpu.memory_space<vmem_shared>>) dst(%arg14 : memref<16x128xf32, #tpu.memory_space<vmem>>)
      tpu.yield
    }) : () -> ()
    %mul3A_427 = arith.constant 10000 : i32
    %mul3A_428 = arith.muli %arg0, %mul3A_427 : i32
    %add3A_429 = arith.addi %mul3A_428, %mul3A_4 : i32
    %add3A_430 = arith.constant 416 : i32
    %add3A_431 = arith.addi %add3A_429, %add3A_430 : i32
    "tpu.region"() ({
      %run_scoped3A_526 = tpu.sem_alloc : memref<!tpu.dma_semaphore, #tpu.memory_space<semaphore_mem>>
      %dma_start3A_527 = arith.constant 0 : i32
      %dma_start3A_528 = tpu.memref_slice %arg8[%add3A_431, %dma_start3A_527] : memref<20000x128xf32, #tpu.memory_space<hbm>> -> memref<16x128xf32, #tpu.memory_space<hbm>>
      %dma_start3A_529 = arith.constant 0 : i32
      %dma_start3A_530 = tpu.memref_slice %arg8[%add3A_431, %dma_start3A_529] : memref<20000x128xf32, #tpu.memory_space<hbm>> -> memref<16x128xf32, #tpu.memory_space<hbm>>
      tpu.enqueue_dma source(%arg14 : memref<16x128xf32, #tpu.memory_space<vmem>>) target(%dma_start3A_530 : memref<16x128xf32, #tpu.memory_space<hbm>>) target_semaphore(%run_scoped3A_526 : memref<!tpu.dma_semaphore, #tpu.memory_space<semaphore_mem>>)
      %dma_wait3A_531 = arith.constant 0 : i32
      %dma_wait3A_532 = tpu.memref_slice %arg8[%add3A_431, %dma_wait3A_531] : memref<20000x128xf32, #tpu.memory_space<hbm>> -> memref<16x128xf32, #tpu.memory_space<hbm>>
      %dma_wait3A_533 = arith.constant 0 : i32
      %dma_wait3A_534 = tpu.memref_slice %arg8[%add3A_431, %dma_wait3A_533] : memref<20000x128xf32, #tpu.memory_space<hbm>> -> memref<16x128xf32, #tpu.memory_space<hbm>>
      tpu.wait_dma2 semaphore(%run_scoped3A_526 : memref<!tpu.dma_semaphore, #tpu.memory_space<semaphore_mem>>) src(%arg14 : memref<16x128xf32, #tpu.memory_space<vmem>>) dst(%dma_wait3A_534 : memref<16x128xf32, #tpu.memory_space<hbm>>)
      tpu.yield
    }) : () -> ()
    %add3A_432 = arith.constant 432 : i32
    %add3A_433 = arith.addi %mul3A_4, %add3A_432 : i32
    "tpu.region"() ({
      %run_scoped3A_526 = tpu.sem_alloc : memref<!tpu.dma_semaphore, #tpu.memory_space<semaphore_mem>>
      %dma_start3A_527 = arith.constant 0 : i32
      %dma_start3A_528 = tpu.memref_slice %arg16[%add3A_433, %dma_start3A_527] : memref<10000x128xf32, #tpu.memory_space<vmem_shared>> -> memref<16x128xf32, #tpu.memory_space<vmem_shared>>
      %dma_start3A_529 = arith.constant 0 : i32
      %dma_start3A_530 = tpu.memref_slice %arg16[%add3A_433, %dma_start3A_529] : memref<10000x128xf32, #tpu.memory_space<vmem_shared>> -> memref<16x128xf32, #tpu.memory_space<vmem_shared>>
      tpu.enqueue_dma source(%dma_start3A_530 : memref<16x128xf32, #tpu.memory_space<vmem_shared>>) target(%arg14 : memref<16x128xf32, #tpu.memory_space<vmem>>) target_semaphore(%run_scoped3A_526 : memref<!tpu.dma_semaphore, #tpu.memory_space<semaphore_mem>>)
      %dma_wait3A_531 = arith.constant 0 : i32
      %dma_wait3A_532 = tpu.memref_slice %arg16[%add3A_433, %dma_wait3A_531] : memref<10000x128xf32, #tpu.memory_space<vmem_shared>> -> memref<16x128xf32, #tpu.memory_space<vmem_shared>>
      %dma_wait3A_533 = arith.constant 0 : i32
      %dma_wait3A_534 = tpu.memref_slice %arg16[%add3A_433, %dma_wait3A_533] : memref<10000x128xf32, #tpu.memory_space<vmem_shared>> -> memref<16x128xf32, #tpu.memory_space<vmem_shared>>
      tpu.wait_dma2 semaphore(%run_scoped3A_526 : memref<!tpu.dma_semaphore, #tpu.memory_space<semaphore_mem>>) src(%dma_wait3A_534 : memref<16x128xf32, #tpu.memory_space<vmem_shared>>) dst(%arg14 : memref<16x128xf32, #tpu.memory_space<vmem>>)
      tpu.yield
    }) : () -> ()
    %mul3A_434 = arith.constant 10000 : i32
    %mul3A_435 = arith.muli %arg0, %mul3A_434 : i32
    %add3A_436 = arith.addi %mul3A_435, %mul3A_4 : i32
    %add3A_437 = arith.constant 432 : i32
    %add3A_438 = arith.addi %add3A_436, %add3A_437 : i32
    "tpu.region"() ({
      %run_scoped3A_526 = tpu.sem_alloc : memref<!tpu.dma_semaphore, #tpu.memory_space<semaphore_mem>>
      %dma_start3A_527 = arith.constant 0 : i32
      %dma_start3A_528 = tpu.memref_slice %arg8[%add3A_438, %dma_start3A_527] : memref<20000x128xf32, #tpu.memory_space<hbm>> -> memref<16x128xf32, #tpu.memory_space<hbm>>
      %dma_start3A_529 = arith.constant 0 : i32
      %dma_start3A_530 = tpu.memref_slice %arg8[%add3A_438, %dma_start3A_529] : memref<20000x128xf32, #tpu.memory_space<hbm>> -> memref<16x128xf32, #tpu.memory_space<hbm>>
      tpu.enqueue_dma source(%arg14 : memref<16x128xf32, #tpu.memory_space<vmem>>) target(%dma_start3A_530 : memref<16x128xf32, #tpu.memory_space<hbm>>) target_semaphore(%run_scoped3A_526 : memref<!tpu.dma_semaphore, #tpu.memory_space<semaphore_mem>>)
      %dma_wait3A_531 = arith.constant 0 : i32
      %dma_wait3A_532 = tpu.memref_slice %arg8[%add3A_438, %dma_wait3A_531] : memref<20000x128xf32, #tpu.memory_space<hbm>> -> memref<16x128xf32, #tpu.memory_space<hbm>>
      %dma_wait3A_533 = arith.constant 0 : i32
      %dma_wait3A_534 = tpu.memref_slice %arg8[%add3A_438, %dma_wait3A_533] : memref<20000x128xf32, #tpu.memory_space<hbm>> -> memref<16x128xf32, #tpu.memory_space<hbm>>
      tpu.wait_dma2 semaphore(%run_scoped3A_526 : memref<!tpu.dma_semaphore, #tpu.memory_space<semaphore_mem>>) src(%arg14 : memref<16x128xf32, #tpu.memory_space<vmem>>) dst(%dma_wait3A_534 : memref<16x128xf32, #tpu.memory_space<hbm>>)
      tpu.yield
    }) : () -> ()
    %add3A_439 = arith.constant 448 : i32
    %add3A_440 = arith.addi %mul3A_4, %add3A_439 : i32
    "tpu.region"() ({
      %run_scoped3A_526 = tpu.sem_alloc : memref<!tpu.dma_semaphore, #tpu.memory_space<semaphore_mem>>
      %dma_start3A_527 = arith.constant 0 : i32
      %dma_start3A_528 = tpu.memref_slice %arg16[%add3A_440, %dma_start3A_527] : memref<10000x128xf32, #tpu.memory_space<vmem_shared>> -> memref<16x128xf32, #tpu.memory_space<vmem_shared>>
      %dma_start3A_529 = arith.constant 0 : i32
      %dma_start3A_530 = tpu.memref_slice %arg16[%add3A_440, %dma_start3A_529] : memref<10000x128xf32, #tpu.memory_space<vmem_shared>> -> memref<16x128xf32, #tpu.memory_space<vmem_shared>>
      tpu.enqueue_dma source(%dma_start3A_530 : memref<16x128xf32, #tpu.memory_space<vmem_shared>>) target(%arg14 : memref<16x128xf32, #tpu.memory_space<vmem>>) target_semaphore(%run_scoped3A_526 : memref<!tpu.dma_semaphore, #tpu.memory_space<semaphore_mem>>)
      %dma_wait3A_531 = arith.constant 0 : i32
      %dma_wait3A_532 = tpu.memref_slice %arg16[%add3A_440, %dma_wait3A_531] : memref<10000x128xf32, #tpu.memory_space<vmem_shared>> -> memref<16x128xf32, #tpu.memory_space<vmem_shared>>
      %dma_wait3A_533 = arith.constant 0 : i32
      %dma_wait3A_534 = tpu.memref_slice %arg16[%add3A_440, %dma_wait3A_533] : memref<10000x128xf32, #tpu.memory_space<vmem_shared>> -> memref<16x128xf32, #tpu.memory_space<vmem_shared>>
      tpu.wait_dma2 semaphore(%run_scoped3A_526 : memref<!tpu.dma_semaphore, #tpu.memory_space<semaphore_mem>>) src(%dma_wait3A_534 : memref<16x128xf32, #tpu.memory_space<vmem_shared>>) dst(%arg14 : memref<16x128xf32, #tpu.memory_space<vmem>>)
      tpu.yield
    }) : () -> ()
    %mul3A_441 = arith.constant 10000 : i32
    %mul3A_442 = arith.muli %arg0, %mul3A_441 : i32
    %add3A_443 = arith.addi %mul3A_442, %mul3A_4 : i32
    %add3A_444 = arith.constant 448 : i32
    %add3A_445 = arith.addi %add3A_443, %add3A_444 : i32
    "tpu.region"() ({
      %run_scoped3A_526 = tpu.sem_alloc : memref<!tpu.dma_semaphore, #tpu.memory_space<semaphore_mem>>
      %dma_start3A_527 = arith.constant 0 : i32
      %dma_start3A_528 = tpu.memref_slice %arg8[%add3A_445, %dma_start3A_527] : memref<20000x128xf32, #tpu.memory_space<hbm>> -> memref<16x128xf32, #tpu.memory_space<hbm>>
      %dma_start3A_529 = arith.constant 0 : i32
      %dma_start3A_530 = tpu.memref_slice %arg8[%add3A_445, %dma_start3A_529] : memref<20000x128xf32, #tpu.memory_space<hbm>> -> memref<16x128xf32, #tpu.memory_space<hbm>>
      tpu.enqueue_dma source(%arg14 : memref<16x128xf32, #tpu.memory_space<vmem>>) target(%dma_start3A_530 : memref<16x128xf32, #tpu.memory_space<hbm>>) target_semaphore(%run_scoped3A_526 : memref<!tpu.dma_semaphore, #tpu.memory_space<semaphore_mem>>)
      %dma_wait3A_531 = arith.constant 0 : i32
      %dma_wait3A_532 = tpu.memref_slice %arg8[%add3A_445, %dma_wait3A_531] : memref<20000x128xf32, #tpu.memory_space<hbm>> -> memref<16x128xf32, #tpu.memory_space<hbm>>
      %dma_wait3A_533 = arith.constant 0 : i32
      %dma_wait3A_534 = tpu.memref_slice %arg8[%add3A_445, %dma_wait3A_533] : memref<20000x128xf32, #tpu.memory_space<hbm>> -> memref<16x128xf32, #tpu.memory_space<hbm>>
      tpu.wait_dma2 semaphore(%run_scoped3A_526 : memref<!tpu.dma_semaphore, #tpu.memory_space<semaphore_mem>>) src(%arg14 : memref<16x128xf32, #tpu.memory_space<vmem>>) dst(%dma_wait3A_534 : memref<16x128xf32, #tpu.memory_space<hbm>>)
      tpu.yield
    }) : () -> ()
    %add3A_446 = arith.constant 464 : i32
    %add3A_447 = arith.addi %mul3A_4, %add3A_446 : i32
    "tpu.region"() ({
      %run_scoped3A_526 = tpu.sem_alloc : memref<!tpu.dma_semaphore, #tpu.memory_space<semaphore_mem>>
      %dma_start3A_527 = arith.constant 0 : i32
      %dma_start3A_528 = tpu.memref_slice %arg16[%add3A_447, %dma_start3A_527] : memref<10000x128xf32, #tpu.memory_space<vmem_shared>> -> memref<16x128xf32, #tpu.memory_space<vmem_shared>>
      %dma_start3A_529 = arith.constant 0 : i32
      %dma_start3A_530 = tpu.memref_slice %arg16[%add3A_447, %dma_start3A_529] : memref<10000x128xf32, #tpu.memory_space<vmem_shared>> -> memref<16x128xf32, #tpu.memory_space<vmem_shared>>
      tpu.enqueue_dma source(%dma_start3A_530 : memref<16x128xf32, #tpu.memory_space<vmem_shared>>) target(%arg14 : memref<16x128xf32, #tpu.memory_space<vmem>>) target_semaphore(%run_scoped3A_526 : memref<!tpu.dma_semaphore, #tpu.memory_space<semaphore_mem>>)
      %dma_wait3A_531 = arith.constant 0 : i32
      %dma_wait3A_532 = tpu.memref_slice %arg16[%add3A_447, %dma_wait3A_531] : memref<10000x128xf32, #tpu.memory_space<vmem_shared>> -> memref<16x128xf32, #tpu.memory_space<vmem_shared>>
      %dma_wait3A_533 = arith.constant 0 : i32
      %dma_wait3A_534 = tpu.memref_slice %arg16[%add3A_447, %dma_wait3A_533] : memref<10000x128xf32, #tpu.memory_space<vmem_shared>> -> memref<16x128xf32, #tpu.memory_space<vmem_shared>>
      tpu.wait_dma2 semaphore(%run_scoped3A_526 : memref<!tpu.dma_semaphore, #tpu.memory_space<semaphore_mem>>) src(%dma_wait3A_534 : memref<16x128xf32, #tpu.memory_space<vmem_shared>>) dst(%arg14 : memref<16x128xf32, #tpu.memory_space<vmem>>)
      tpu.yield
    }) : () -> ()
    %mul3A_448 = arith.constant 10000 : i32
    %mul3A_449 = arith.muli %arg0, %mul3A_448 : i32
    %add3A_450 = arith.addi %mul3A_449, %mul3A_4 : i32
    %add3A_451 = arith.constant 464 : i32
    %add3A_452 = arith.addi %add3A_450, %add3A_451 : i32
    "tpu.region"() ({
      %run_scoped3A_526 = tpu.sem_alloc : memref<!tpu.dma_semaphore, #tpu.memory_space<semaphore_mem>>
      %dma_start3A_527 = arith.constant 0 : i32
      %dma_start3A_528 = tpu.memref_slice %arg8[%add3A_452, %dma_start3A_527] : memref<20000x128xf32, #tpu.memory_space<hbm>> -> memref<16x128xf32, #tpu.memory_space<hbm>>
      %dma_start3A_529 = arith.constant 0 : i32
      %dma_start3A_530 = tpu.memref_slice %arg8[%add3A_452, %dma_start3A_529] : memref<20000x128xf32, #tpu.memory_space<hbm>> -> memref<16x128xf32, #tpu.memory_space<hbm>>
      tpu.enqueue_dma source(%arg14 : memref<16x128xf32, #tpu.memory_space<vmem>>) target(%dma_start3A_530 : memref<16x128xf32, #tpu.memory_space<hbm>>) target_semaphore(%run_scoped3A_526 : memref<!tpu.dma_semaphore, #tpu.memory_space<semaphore_mem>>)
      %dma_wait3A_531 = arith.constant 0 : i32
      %dma_wait3A_532 = tpu.memref_slice %arg8[%add3A_452, %dma_wait3A_531] : memref<20000x128xf32, #tpu.memory_space<hbm>> -> memref<16x128xf32, #tpu.memory_space<hbm>>
      %dma_wait3A_533 = arith.constant 0 : i32
      %dma_wait3A_534 = tpu.memref_slice %arg8[%add3A_452, %dma_wait3A_533] : memref<20000x128xf32, #tpu.memory_space<hbm>> -> memref<16x128xf32, #tpu.memory_space<hbm>>
      tpu.wait_dma2 semaphore(%run_scoped3A_526 : memref<!tpu.dma_semaphore, #tpu.memory_space<semaphore_mem>>) src(%arg14 : memref<16x128xf32, #tpu.memory_space<vmem>>) dst(%dma_wait3A_534 : memref<16x128xf32, #tpu.memory_space<hbm>>)
      tpu.yield
    }) : () -> ()
    %add3A_453 = arith.constant 480 : i32
    %add3A_454 = arith.addi %mul3A_4, %add3A_453 : i32
    "tpu.region"() ({
      %run_scoped3A_526 = tpu.sem_alloc : memref<!tpu.dma_semaphore, #tpu.memory_space<semaphore_mem>>
      %dma_start3A_527 = arith.constant 0 : i32
      %dma_start3A_528 = tpu.memref_slice %arg16[%add3A_454, %dma_start3A_527] : memref<10000x128xf32, #tpu.memory_space<vmem_shared>> -> memref<16x128xf32, #tpu.memory_space<vmem_shared>>
      %dma_start3A_529 = arith.constant 0 : i32
      %dma_start3A_530 = tpu.memref_slice %arg16[%add3A_454, %dma_start3A_529] : memref<10000x128xf32, #tpu.memory_space<vmem_shared>> -> memref<16x128xf32, #tpu.memory_space<vmem_shared>>
      tpu.enqueue_dma source(%dma_start3A_530 : memref<16x128xf32, #tpu.memory_space<vmem_shared>>) target(%arg14 : memref<16x128xf32, #tpu.memory_space<vmem>>) target_semaphore(%run_scoped3A_526 : memref<!tpu.dma_semaphore, #tpu.memory_space<semaphore_mem>>)
      %dma_wait3A_531 = arith.constant 0 : i32
      %dma_wait3A_532 = tpu.memref_slice %arg16[%add3A_454, %dma_wait3A_531] : memref<10000x128xf32, #tpu.memory_space<vmem_shared>> -> memref<16x128xf32, #tpu.memory_space<vmem_shared>>
      %dma_wait3A_533 = arith.constant 0 : i32
      %dma_wait3A_534 = tpu.memref_slice %arg16[%add3A_454, %dma_wait3A_533] : memref<10000x128xf32, #tpu.memory_space<vmem_shared>> -> memref<16x128xf32, #tpu.memory_space<vmem_shared>>
      tpu.wait_dma2 semaphore(%run_scoped3A_526 : memref<!tpu.dma_semaphore, #tpu.memory_space<semaphore_mem>>) src(%dma_wait3A_534 : memref<16x128xf32, #tpu.memory_space<vmem_shared>>) dst(%arg14 : memref<16x128xf32, #tpu.memory_space<vmem>>)
      tpu.yield
    }) : () -> ()
    %mul3A_455 = arith.constant 10000 : i32
    %mul3A_456 = arith.muli %arg0, %mul3A_455 : i32
    %add3A_457 = arith.addi %mul3A_456, %mul3A_4 : i32
    %add3A_458 = arith.constant 480 : i32
    %add3A_459 = arith.addi %add3A_457, %add3A_458 : i32
    "tpu.region"() ({
      %run_scoped3A_526 = tpu.sem_alloc : memref<!tpu.dma_semaphore, #tpu.memory_space<semaphore_mem>>
      %dma_start3A_527 = arith.constant 0 : i32
      %dma_start3A_528 = tpu.memref_slice %arg8[%add3A_459, %dma_start3A_527] : memref<20000x128xf32, #tpu.memory_space<hbm>> -> memref<16x128xf32, #tpu.memory_space<hbm>>
      %dma_start3A_529 = arith.constant 0 : i32
      %dma_start3A_530 = tpu.memref_slice %arg8[%add3A_459, %dma_start3A_529] : memref<20000x128xf32, #tpu.memory_space<hbm>> -> memref<16x128xf32, #tpu.memory_space<hbm>>
      tpu.enqueue_dma source(%arg14 : memref<16x128xf32, #tpu.memory_space<vmem>>) target(%dma_start3A_530 : memref<16x128xf32, #tpu.memory_space<hbm>>) target_semaphore(%run_scoped3A_526 : memref<!tpu.dma_semaphore, #tpu.memory_space<semaphore_mem>>)
      %dma_wait3A_531 = arith.constant 0 : i32
      %dma_wait3A_532 = tpu.memref_slice %arg8[%add3A_459, %dma_wait3A_531] : memref<20000x128xf32, #tpu.memory_space<hbm>> -> memref<16x128xf32, #tpu.memory_space<hbm>>
      %dma_wait3A_533 = arith.constant 0 : i32
      %dma_wait3A_534 = tpu.memref_slice %arg8[%add3A_459, %dma_wait3A_533] : memref<20000x128xf32, #tpu.memory_space<hbm>> -> memref<16x128xf32, #tpu.memory_space<hbm>>
      tpu.wait_dma2 semaphore(%run_scoped3A_526 : memref<!tpu.dma_semaphore, #tpu.memory_space<semaphore_mem>>) src(%arg14 : memref<16x128xf32, #tpu.memory_space<vmem>>) dst(%dma_wait3A_534 : memref<16x128xf32, #tpu.memory_space<hbm>>)
      tpu.yield
    }) : () -> ()
    %add3A_460 = arith.constant 496 : i32
    %add3A_461 = arith.addi %mul3A_4, %add3A_460 : i32
    "tpu.region"() ({
      %run_scoped3A_526 = tpu.sem_alloc : memref<!tpu.dma_semaphore, #tpu.memory_space<semaphore_mem>>
      %dma_start3A_527 = arith.constant 0 : i32
      %dma_start3A_528 = tpu.memref_slice %arg16[%add3A_461, %dma_start3A_527] : memref<10000x128xf32, #tpu.memory_space<vmem_shared>> -> memref<16x128xf32, #tpu.memory_space<vmem_shared>>
      %dma_start3A_529 = arith.constant 0 : i32
      %dma_start3A_530 = tpu.memref_slice %arg16[%add3A_461, %dma_start3A_529] : memref<10000x128xf32, #tpu.memory_space<vmem_shared>> -> memref<16x128xf32, #tpu.memory_space<vmem_shared>>
      tpu.enqueue_dma source(%dma_start3A_530 : memref<16x128xf32, #tpu.memory_space<vmem_shared>>) target(%arg14 : memref<16x128xf32, #tpu.memory_space<vmem>>) target_semaphore(%run_scoped3A_526 : memref<!tpu.dma_semaphore, #tpu.memory_space<semaphore_mem>>)
      %dma_wait3A_531 = arith.constant 0 : i32
      %dma_wait3A_532 = tpu.memref_slice %arg16[%add3A_461, %dma_wait3A_531] : memref<10000x128xf32, #tpu.memory_space<vmem_shared>> -> memref<16x128xf32, #tpu.memory_space<vmem_shared>>
      %dma_wait3A_533 = arith.constant 0 : i32
      %dma_wait3A_534 = tpu.memref_slice %arg16[%add3A_461, %dma_wait3A_533] : memref<10000x128xf32, #tpu.memory_space<vmem_shared>> -> memref<16x128xf32, #tpu.memory_space<vmem_shared>>
      tpu.wait_dma2 semaphore(%run_scoped3A_526 : memref<!tpu.dma_semaphore, #tpu.memory_space<semaphore_mem>>) src(%dma_wait3A_534 : memref<16x128xf32, #tpu.memory_space<vmem_shared>>) dst(%arg14 : memref<16x128xf32, #tpu.memory_space<vmem>>)
      tpu.yield
    }) : () -> ()
    %mul3A_462 = arith.constant 10000 : i32
    %mul3A_463 = arith.muli %arg0, %mul3A_462 : i32
    %add3A_464 = arith.addi %mul3A_463, %mul3A_4 : i32
    %add3A_465 = arith.constant 496 : i32
    %add3A_466 = arith.addi %add3A_464, %add3A_465 : i32
    "tpu.region"() ({
      %run_scoped3A_526 = tpu.sem_alloc : memref<!tpu.dma_semaphore, #tpu.memory_space<semaphore_mem>>
      %dma_start3A_527 = arith.constant 0 : i32
      %dma_start3A_528 = tpu.memref_slice %arg8[%add3A_466, %dma_start3A_527] : memref<20000x128xf32, #tpu.memory_space<hbm>> -> memref<16x128xf32, #tpu.memory_space<hbm>>
      %dma_start3A_529 = arith.constant 0 : i32
      %dma_start3A_530 = tpu.memref_slice %arg8[%add3A_466, %dma_start3A_529] : memref<20000x128xf32, #tpu.memory_space<hbm>> -> memref<16x128xf32, #tpu.memory_space<hbm>>
      tpu.enqueue_dma source(%arg14 : memref<16x128xf32, #tpu.memory_space<vmem>>) target(%dma_start3A_530 : memref<16x128xf32, #tpu.memory_space<hbm>>) target_semaphore(%run_scoped3A_526 : memref<!tpu.dma_semaphore, #tpu.memory_space<semaphore_mem>>)
      %dma_wait3A_531 = arith.constant 0 : i32
      %dma_wait3A_532 = tpu.memref_slice %arg8[%add3A_466, %dma_wait3A_531] : memref<20000x128xf32, #tpu.memory_space<hbm>> -> memref<16x128xf32, #tpu.memory_space<hbm>>
      %dma_wait3A_533 = arith.constant 0 : i32
      %dma_wait3A_534 = tpu.memref_slice %arg8[%add3A_466, %dma_wait3A_533] : memref<20000x128xf32, #tpu.memory_space<hbm>> -> memref<16x128xf32, #tpu.memory_space<hbm>>
      tpu.wait_dma2 semaphore(%run_scoped3A_526 : memref<!tpu.dma_semaphore, #tpu.memory_space<semaphore_mem>>) src(%arg14 : memref<16x128xf32, #tpu.memory_space<vmem>>) dst(%dma_wait3A_534 : memref<16x128xf32, #tpu.memory_space<hbm>>)
      tpu.yield
    }) : () -> ()
    %add3A_467 = arith.constant 512 : i32
    %add3A_468 = arith.addi %mul3A_4, %add3A_467 : i32
    "tpu.region"() ({
      %run_scoped3A_526 = tpu.sem_alloc : memref<!tpu.dma_semaphore, #tpu.memory_space<semaphore_mem>>
      %dma_start3A_527 = arith.constant 0 : i32
      %dma_start3A_528 = tpu.memref_slice %arg16[%add3A_468, %dma_start3A_527] : memref<10000x128xf32, #tpu.memory_space<vmem_shared>> -> memref<16x128xf32, #tpu.memory_space<vmem_shared>>
      %dma_start3A_529 = arith.constant 0 : i32
      %dma_start3A_530 = tpu.memref_slice %arg16[%add3A_468, %dma_start3A_529] : memref<10000x128xf32, #tpu.memory_space<vmem_shared>> -> memref<16x128xf32, #tpu.memory_space<vmem_shared>>
      tpu.enqueue_dma source(%dma_start3A_530 : memref<16x128xf32, #tpu.memory_space<vmem_shared>>) target(%arg14 : memref<16x128xf32, #tpu.memory_space<vmem>>) target_semaphore(%run_scoped3A_526 : memref<!tpu.dma_semaphore, #tpu.memory_space<semaphore_mem>>)
      %dma_wait3A_531 = arith.constant 0 : i32
      %dma_wait3A_532 = tpu.memref_slice %arg16[%add3A_468, %dma_wait3A_531] : memref<10000x128xf32, #tpu.memory_space<vmem_shared>> -> memref<16x128xf32, #tpu.memory_space<vmem_shared>>
      %dma_wait3A_533 = arith.constant 0 : i32
      %dma_wait3A_534 = tpu.memref_slice %arg16[%add3A_468, %dma_wait3A_533] : memref<10000x128xf32, #tpu.memory_space<vmem_shared>> -> memref<16x128xf32, #tpu.memory_space<vmem_shared>>
      tpu.wait_dma2 semaphore(%run_scoped3A_526 : memref<!tpu.dma_semaphore, #tpu.memory_space<semaphore_mem>>) src(%dma_wait3A_534 : memref<16x128xf32, #tpu.memory_space<vmem_shared>>) dst(%arg14 : memref<16x128xf32, #tpu.memory_space<vmem>>)
      tpu.yield
    }) : () -> ()
    %mul3A_469 = arith.constant 10000 : i32
    %mul3A_470 = arith.muli %arg0, %mul3A_469 : i32
    %add3A_471 = arith.addi %mul3A_470, %mul3A_4 : i32
    %add3A_472 = arith.constant 512 : i32
    %add3A_473 = arith.addi %add3A_471, %add3A_472 : i32
    "tpu.region"() ({
      %run_scoped3A_526 = tpu.sem_alloc : memref<!tpu.dma_semaphore, #tpu.memory_space<semaphore_mem>>
      %dma_start3A_527 = arith.constant 0 : i32
      %dma_start3A_528 = tpu.memref_slice %arg8[%add3A_473, %dma_start3A_527] : memref<20000x128xf32, #tpu.memory_space<hbm>> -> memref<16x128xf32, #tpu.memory_space<hbm>>
      %dma_start3A_529 = arith.constant 0 : i32
      %dma_start3A_530 = tpu.memref_slice %arg8[%add3A_473, %dma_start3A_529] : memref<20000x128xf32, #tpu.memory_space<hbm>> -> memref<16x128xf32, #tpu.memory_space<hbm>>
      tpu.enqueue_dma source(%arg14 : memref<16x128xf32, #tpu.memory_space<vmem>>) target(%dma_start3A_530 : memref<16x128xf32, #tpu.memory_space<hbm>>) target_semaphore(%run_scoped3A_526 : memref<!tpu.dma_semaphore, #tpu.memory_space<semaphore_mem>>)
      %dma_wait3A_531 = arith.constant 0 : i32
      %dma_wait3A_532 = tpu.memref_slice %arg8[%add3A_473, %dma_wait3A_531] : memref<20000x128xf32, #tpu.memory_space<hbm>> -> memref<16x128xf32, #tpu.memory_space<hbm>>
      %dma_wait3A_533 = arith.constant 0 : i32
      %dma_wait3A_534 = tpu.memref_slice %arg8[%add3A_473, %dma_wait3A_533] : memref<20000x128xf32, #tpu.memory_space<hbm>> -> memref<16x128xf32, #tpu.memory_space<hbm>>
      tpu.wait_dma2 semaphore(%run_scoped3A_526 : memref<!tpu.dma_semaphore, #tpu.memory_space<semaphore_mem>>) src(%arg14 : memref<16x128xf32, #tpu.memory_space<vmem>>) dst(%dma_wait3A_534 : memref<16x128xf32, #tpu.memory_space<hbm>>)
      tpu.yield
    }) : () -> ()
    %add3A_474 = arith.constant 528 : i32
    %add3A_475 = arith.addi %mul3A_4, %add3A_474 : i32
    "tpu.region"() ({
      %run_scoped3A_526 = tpu.sem_alloc : memref<!tpu.dma_semaphore, #tpu.memory_space<semaphore_mem>>
      %dma_start3A_527 = arith.constant 0 : i32
      %dma_start3A_528 = tpu.memref_slice %arg16[%add3A_475, %dma_start3A_527] : memref<10000x128xf32, #tpu.memory_space<vmem_shared>> -> memref<16x128xf32, #tpu.memory_space<vmem_shared>>
      %dma_start3A_529 = arith.constant 0 : i32
      %dma_start3A_530 = tpu.memref_slice %arg16[%add3A_475, %dma_start3A_529] : memref<10000x128xf32, #tpu.memory_space<vmem_shared>> -> memref<16x128xf32, #tpu.memory_space<vmem_shared>>
      tpu.enqueue_dma source(%dma_start3A_530 : memref<16x128xf32, #tpu.memory_space<vmem_shared>>) target(%arg14 : memref<16x128xf32, #tpu.memory_space<vmem>>) target_semaphore(%run_scoped3A_526 : memref<!tpu.dma_semaphore, #tpu.memory_space<semaphore_mem>>)
      %dma_wait3A_531 = arith.constant 0 : i32
      %dma_wait3A_532 = tpu.memref_slice %arg16[%add3A_475, %dma_wait3A_531] : memref<10000x128xf32, #tpu.memory_space<vmem_shared>> -> memref<16x128xf32, #tpu.memory_space<vmem_shared>>
      %dma_wait3A_533 = arith.constant 0 : i32
      %dma_wait3A_534 = tpu.memref_slice %arg16[%add3A_475, %dma_wait3A_533] : memref<10000x128xf32, #tpu.memory_space<vmem_shared>> -> memref<16x128xf32, #tpu.memory_space<vmem_shared>>
      tpu.wait_dma2 semaphore(%run_scoped3A_526 : memref<!tpu.dma_semaphore, #tpu.memory_space<semaphore_mem>>) src(%dma_wait3A_534 : memref<16x128xf32, #tpu.memory_space<vmem_shared>>) dst(%arg14 : memref<16x128xf32, #tpu.memory_space<vmem>>)
      tpu.yield
    }) : () -> ()
    %mul3A_476 = arith.constant 10000 : i32
    %mul3A_477 = arith.muli %arg0, %mul3A_476 : i32
    %add3A_478 = arith.addi %mul3A_477, %mul3A_4 : i32
    %add3A_479 = arith.constant 528 : i32
    %add3A_480 = arith.addi %add3A_478, %add3A_479 : i32
    "tpu.region"() ({
      %run_scoped3A_526 = tpu.sem_alloc : memref<!tpu.dma_semaphore, #tpu.memory_space<semaphore_mem>>
      %dma_start3A_527 = arith.constant 0 : i32
      %dma_start3A_528 = tpu.memref_slice %arg8[%add3A_480, %dma_start3A_527] : memref<20000x128xf32, #tpu.memory_space<hbm>> -> memref<16x128xf32, #tpu.memory_space<hbm>>
      %dma_start3A_529 = arith.constant 0 : i32
      %dma_start3A_530 = tpu.memref_slice %arg8[%add3A_480, %dma_start3A_529] : memref<20000x128xf32, #tpu.memory_space<hbm>> -> memref<16x128xf32, #tpu.memory_space<hbm>>
      tpu.enqueue_dma source(%arg14 : memref<16x128xf32, #tpu.memory_space<vmem>>) target(%dma_start3A_530 : memref<16x128xf32, #tpu.memory_space<hbm>>) target_semaphore(%run_scoped3A_526 : memref<!tpu.dma_semaphore, #tpu.memory_space<semaphore_mem>>)
      %dma_wait3A_531 = arith.constant 0 : i32
      %dma_wait3A_532 = tpu.memref_slice %arg8[%add3A_480, %dma_wait3A_531] : memref<20000x128xf32, #tpu.memory_space<hbm>> -> memref<16x128xf32, #tpu.memory_space<hbm>>
      %dma_wait3A_533 = arith.constant 0 : i32
      %dma_wait3A_534 = tpu.memref_slice %arg8[%add3A_480, %dma_wait3A_533] : memref<20000x128xf32, #tpu.memory_space<hbm>> -> memref<16x128xf32, #tpu.memory_space<hbm>>
      tpu.wait_dma2 semaphore(%run_scoped3A_526 : memref<!tpu.dma_semaphore, #tpu.memory_space<semaphore_mem>>) src(%arg14 : memref<16x128xf32, #tpu.memory_space<vmem>>) dst(%dma_wait3A_534 : memref<16x128xf32, #tpu.memory_space<hbm>>)
      tpu.yield
    }) : () -> ()
    %add3A_481 = arith.constant 544 : i32
    %add3A_482 = arith.addi %mul3A_4, %add3A_481 : i32
    "tpu.region"() ({
      %run_scoped3A_526 = tpu.sem_alloc : memref<!tpu.dma_semaphore, #tpu.memory_space<semaphore_mem>>
      %dma_start3A_527 = arith.constant 0 : i32
      %dma_start3A_528 = tpu.memref_slice %arg16[%add3A_482, %dma_start3A_527] : memref<10000x128xf32, #tpu.memory_space<vmem_shared>> -> memref<16x128xf32, #tpu.memory_space<vmem_shared>>
      %dma_start3A_529 = arith.constant 0 : i32
      %dma_start3A_530 = tpu.memref_slice %arg16[%add3A_482, %dma_start3A_529] : memref<10000x128xf32, #tpu.memory_space<vmem_shared>> -> memref<16x128xf32, #tpu.memory_space<vmem_shared>>
      tpu.enqueue_dma source(%dma_start3A_530 : memref<16x128xf32, #tpu.memory_space<vmem_shared>>) target(%arg14 : memref<16x128xf32, #tpu.memory_space<vmem>>) target_semaphore(%run_scoped3A_526 : memref<!tpu.dma_semaphore, #tpu.memory_space<semaphore_mem>>)
      %dma_wait3A_531 = arith.constant 0 : i32
      %dma_wait3A_532 = tpu.memref_slice %arg16[%add3A_482, %dma_wait3A_531] : memref<10000x128xf32, #tpu.memory_space<vmem_shared>> -> memref<16x128xf32, #tpu.memory_space<vmem_shared>>
      %dma_wait3A_533 = arith.constant 0 : i32
      %dma_wait3A_534 = tpu.memref_slice %arg16[%add3A_482, %dma_wait3A_533] : memref<10000x128xf32, #tpu.memory_space<vmem_shared>> -> memref<16x128xf32, #tpu.memory_space<vmem_shared>>
      tpu.wait_dma2 semaphore(%run_scoped3A_526 : memref<!tpu.dma_semaphore, #tpu.memory_space<semaphore_mem>>) src(%dma_wait3A_534 : memref<16x128xf32, #tpu.memory_space<vmem_shared>>) dst(%arg14 : memref<16x128xf32, #tpu.memory_space<vmem>>)
      tpu.yield
    }) : () -> ()
    %mul3A_483 = arith.constant 10000 : i32
    %mul3A_484 = arith.muli %arg0, %mul3A_483 : i32
    %add3A_485 = arith.addi %mul3A_484, %mul3A_4 : i32
    %add3A_486 = arith.constant 544 : i32
    %add3A_487 = arith.addi %add3A_485, %add3A_486 : i32
    "tpu.region"() ({
      %run_scoped3A_526 = tpu.sem_alloc : memref<!tpu.dma_semaphore, #tpu.memory_space<semaphore_mem>>
      %dma_start3A_527 = arith.constant 0 : i32
      %dma_start3A_528 = tpu.memref_slice %arg8[%add3A_487, %dma_start3A_527] : memref<20000x128xf32, #tpu.memory_space<hbm>> -> memref<16x128xf32, #tpu.memory_space<hbm>>
      %dma_start3A_529 = arith.constant 0 : i32
      %dma_start3A_530 = tpu.memref_slice %arg8[%add3A_487, %dma_start3A_529] : memref<20000x128xf32, #tpu.memory_space<hbm>> -> memref<16x128xf32, #tpu.memory_space<hbm>>
      tpu.enqueue_dma source(%arg14 : memref<16x128xf32, #tpu.memory_space<vmem>>) target(%dma_start3A_530 : memref<16x128xf32, #tpu.memory_space<hbm>>) target_semaphore(%run_scoped3A_526 : memref<!tpu.dma_semaphore, #tpu.memory_space<semaphore_mem>>)
      %dma_wait3A_531 = arith.constant 0 : i32
      %dma_wait3A_532 = tpu.memref_slice %arg8[%add3A_487, %dma_wait3A_531] : memref<20000x128xf32, #tpu.memory_space<hbm>> -> memref<16x128xf32, #tpu.memory_space<hbm>>
      %dma_wait3A_533 = arith.constant 0 : i32
      %dma_wait3A_534 = tpu.memref_slice %arg8[%add3A_487, %dma_wait3A_533] : memref<20000x128xf32, #tpu.memory_space<hbm>> -> memref<16x128xf32, #tpu.memory_space<hbm>>
      tpu.wait_dma2 semaphore(%run_scoped3A_526 : memref<!tpu.dma_semaphore, #tpu.memory_space<semaphore_mem>>) src(%arg14 : memref<16x128xf32, #tpu.memory_space<vmem>>) dst(%dma_wait3A_534 : memref<16x128xf32, #tpu.memory_space<hbm>>)
      tpu.yield
    }) : () -> ()
    %add3A_488 = arith.constant 560 : i32
    %add3A_489 = arith.addi %mul3A_4, %add3A_488 : i32
    "tpu.region"() ({
      %run_scoped3A_526 = tpu.sem_alloc : memref<!tpu.dma_semaphore, #tpu.memory_space<semaphore_mem>>
      %dma_start3A_527 = arith.constant 0 : i32
      %dma_start3A_528 = tpu.memref_slice %arg16[%add3A_489, %dma_start3A_527] : memref<10000x128xf32, #tpu.memory_space<vmem_shared>> -> memref<16x128xf32, #tpu.memory_space<vmem_shared>>
      %dma_start3A_529 = arith.constant 0 : i32
      %dma_start3A_530 = tpu.memref_slice %arg16[%add3A_489, %dma_start3A_529] : memref<10000x128xf32, #tpu.memory_space<vmem_shared>> -> memref<16x128xf32, #tpu.memory_space<vmem_shared>>
      tpu.enqueue_dma source(%dma_start3A_530 : memref<16x128xf32, #tpu.memory_space<vmem_shared>>) target(%arg14 : memref<16x128xf32, #tpu.memory_space<vmem>>) target_semaphore(%run_scoped3A_526 : memref<!tpu.dma_semaphore, #tpu.memory_space<semaphore_mem>>)
      %dma_wait3A_531 = arith.constant 0 : i32
      %dma_wait3A_532 = tpu.memref_slice %arg16[%add3A_489, %dma_wait3A_531] : memref<10000x128xf32, #tpu.memory_space<vmem_shared>> -> memref<16x128xf32, #tpu.memory_space<vmem_shared>>
      %dma_wait3A_533 = arith.constant 0 : i32
      %dma_wait3A_534 = tpu.memref_slice %arg16[%add3A_489, %dma_wait3A_533] : memref<10000x128xf32, #tpu.memory_space<vmem_shared>> -> memref<16x128xf32, #tpu.memory_space<vmem_shared>>
      tpu.wait_dma2 semaphore(%run_scoped3A_526 : memref<!tpu.dma_semaphore, #tpu.memory_space<semaphore_mem>>) src(%dma_wait3A_534 : memref<16x128xf32, #tpu.memory_space<vmem_shared>>) dst(%arg14 : memref<16x128xf32, #tpu.memory_space<vmem>>)
      tpu.yield
    }) : () -> ()
    %mul3A_490 = arith.constant 10000 : i32
    %mul3A_491 = arith.muli %arg0, %mul3A_490 : i32
    %add3A_492 = arith.addi %mul3A_491, %mul3A_4 : i32
    %add3A_493 = arith.constant 560 : i32
    %add3A_494 = arith.addi %add3A_492, %add3A_493 : i32
    "tpu.region"() ({
      %run_scoped3A_526 = tpu.sem_alloc : memref<!tpu.dma_semaphore, #tpu.memory_space<semaphore_mem>>
      %dma_start3A_527 = arith.constant 0 : i32
      %dma_start3A_528 = tpu.memref_slice %arg8[%add3A_494, %dma_start3A_527] : memref<20000x128xf32, #tpu.memory_space<hbm>> -> memref<16x128xf32, #tpu.memory_space<hbm>>
      %dma_start3A_529 = arith.constant 0 : i32
      %dma_start3A_530 = tpu.memref_slice %arg8[%add3A_494, %dma_start3A_529] : memref<20000x128xf32, #tpu.memory_space<hbm>> -> memref<16x128xf32, #tpu.memory_space<hbm>>
      tpu.enqueue_dma source(%arg14 : memref<16x128xf32, #tpu.memory_space<vmem>>) target(%dma_start3A_530 : memref<16x128xf32, #tpu.memory_space<hbm>>) target_semaphore(%run_scoped3A_526 : memref<!tpu.dma_semaphore, #tpu.memory_space<semaphore_mem>>)
      %dma_wait3A_531 = arith.constant 0 : i32
      %dma_wait3A_532 = tpu.memref_slice %arg8[%add3A_494, %dma_wait3A_531] : memref<20000x128xf32, #tpu.memory_space<hbm>> -> memref<16x128xf32, #tpu.memory_space<hbm>>
      %dma_wait3A_533 = arith.constant 0 : i32
      %dma_wait3A_534 = tpu.memref_slice %arg8[%add3A_494, %dma_wait3A_533] : memref<20000x128xf32, #tpu.memory_space<hbm>> -> memref<16x128xf32, #tpu.memory_space<hbm>>
      tpu.wait_dma2 semaphore(%run_scoped3A_526 : memref<!tpu.dma_semaphore, #tpu.memory_space<semaphore_mem>>) src(%arg14 : memref<16x128xf32, #tpu.memory_space<vmem>>) dst(%dma_wait3A_534 : memref<16x128xf32, #tpu.memory_space<hbm>>)
      tpu.yield
    }) : () -> ()
    %add3A_495 = arith.constant 576 : i32
    %add3A_496 = arith.addi %mul3A_4, %add3A_495 : i32
    "tpu.region"() ({
      %run_scoped3A_526 = tpu.sem_alloc : memref<!tpu.dma_semaphore, #tpu.memory_space<semaphore_mem>>
      %dma_start3A_527 = arith.constant 0 : i32
      %dma_start3A_528 = tpu.memref_slice %arg16[%add3A_496, %dma_start3A_527] : memref<10000x128xf32, #tpu.memory_space<vmem_shared>> -> memref<16x128xf32, #tpu.memory_space<vmem_shared>>
      %dma_start3A_529 = arith.constant 0 : i32
      %dma_start3A_530 = tpu.memref_slice %arg16[%add3A_496, %dma_start3A_529] : memref<10000x128xf32, #tpu.memory_space<vmem_shared>> -> memref<16x128xf32, #tpu.memory_space<vmem_shared>>
      tpu.enqueue_dma source(%dma_start3A_530 : memref<16x128xf32, #tpu.memory_space<vmem_shared>>) target(%arg14 : memref<16x128xf32, #tpu.memory_space<vmem>>) target_semaphore(%run_scoped3A_526 : memref<!tpu.dma_semaphore, #tpu.memory_space<semaphore_mem>>)
      %dma_wait3A_531 = arith.constant 0 : i32
      %dma_wait3A_532 = tpu.memref_slice %arg16[%add3A_496, %dma_wait3A_531] : memref<10000x128xf32, #tpu.memory_space<vmem_shared>> -> memref<16x128xf32, #tpu.memory_space<vmem_shared>>
      %dma_wait3A_533 = arith.constant 0 : i32
      %dma_wait3A_534 = tpu.memref_slice %arg16[%add3A_496, %dma_wait3A_533] : memref<10000x128xf32, #tpu.memory_space<vmem_shared>> -> memref<16x128xf32, #tpu.memory_space<vmem_shared>>
      tpu.wait_dma2 semaphore(%run_scoped3A_526 : memref<!tpu.dma_semaphore, #tpu.memory_space<semaphore_mem>>) src(%dma_wait3A_534 : memref<16x128xf32, #tpu.memory_space<vmem_shared>>) dst(%arg14 : memref<16x128xf32, #tpu.memory_space<vmem>>)
      tpu.yield
    }) : () -> ()
    %mul3A_497 = arith.constant 10000 : i32
    %mul3A_498 = arith.muli %arg0, %mul3A_497 : i32
    %add3A_499 = arith.addi %mul3A_498, %mul3A_4 : i32
    %add3A_500 = arith.constant 576 : i32
    %add3A_501 = arith.addi %add3A_499, %add3A_500 : i32
    "tpu.region"() ({
      %run_scoped3A_526 = tpu.sem_alloc : memref<!tpu.dma_semaphore, #tpu.memory_space<semaphore_mem>>
      %dma_start3A_527 = arith.constant 0 : i32
      %dma_start3A_528 = tpu.memref_slice %arg8[%add3A_501, %dma_start3A_527] : memref<20000x128xf32, #tpu.memory_space<hbm>> -> memref<16x128xf32, #tpu.memory_space<hbm>>
      %dma_start3A_529 = arith.constant 0 : i32
      %dma_start3A_530 = tpu.memref_slice %arg8[%add3A_501, %dma_start3A_529] : memref<20000x128xf32, #tpu.memory_space<hbm>> -> memref<16x128xf32, #tpu.memory_space<hbm>>
      tpu.enqueue_dma source(%arg14 : memref<16x128xf32, #tpu.memory_space<vmem>>) target(%dma_start3A_530 : memref<16x128xf32, #tpu.memory_space<hbm>>) target_semaphore(%run_scoped3A_526 : memref<!tpu.dma_semaphore, #tpu.memory_space<semaphore_mem>>)
      %dma_wait3A_531 = arith.constant 0 : i32
      %dma_wait3A_532 = tpu.memref_slice %arg8[%add3A_501, %dma_wait3A_531] : memref<20000x128xf32, #tpu.memory_space<hbm>> -> memref<16x128xf32, #tpu.memory_space<hbm>>
      %dma_wait3A_533 = arith.constant 0 : i32
      %dma_wait3A_534 = tpu.memref_slice %arg8[%add3A_501, %dma_wait3A_533] : memref<20000x128xf32, #tpu.memory_space<hbm>> -> memref<16x128xf32, #tpu.memory_space<hbm>>
      tpu.wait_dma2 semaphore(%run_scoped3A_526 : memref<!tpu.dma_semaphore, #tpu.memory_space<semaphore_mem>>) src(%arg14 : memref<16x128xf32, #tpu.memory_space<vmem>>) dst(%dma_wait3A_534 : memref<16x128xf32, #tpu.memory_space<hbm>>)
      tpu.yield
    }) : () -> ()
    %add3A_502 = arith.constant 592 : i32
    %add3A_503 = arith.addi %mul3A_4, %add3A_502 : i32
    "tpu.region"() ({
      %run_scoped3A_526 = tpu.sem_alloc : memref<!tpu.dma_semaphore, #tpu.memory_space<semaphore_mem>>
      %dma_start3A_527 = arith.constant 0 : i32
      %dma_start3A_528 = tpu.memref_slice %arg16[%add3A_503, %dma_start3A_527] : memref<10000x128xf32, #tpu.memory_space<vmem_shared>> -> memref<16x128xf32, #tpu.memory_space<vmem_shared>>
      %dma_start3A_529 = arith.constant 0 : i32
      %dma_start3A_530 = tpu.memref_slice %arg16[%add3A_503, %dma_start3A_529] : memref<10000x128xf32, #tpu.memory_space<vmem_shared>> -> memref<16x128xf32, #tpu.memory_space<vmem_shared>>
      tpu.enqueue_dma source(%dma_start3A_530 : memref<16x128xf32, #tpu.memory_space<vmem_shared>>) target(%arg14 : memref<16x128xf32, #tpu.memory_space<vmem>>) target_semaphore(%run_scoped3A_526 : memref<!tpu.dma_semaphore, #tpu.memory_space<semaphore_mem>>)
      %dma_wait3A_531 = arith.constant 0 : i32
      %dma_wait3A_532 = tpu.memref_slice %arg16[%add3A_503, %dma_wait3A_531] : memref<10000x128xf32, #tpu.memory_space<vmem_shared>> -> memref<16x128xf32, #tpu.memory_space<vmem_shared>>
      %dma_wait3A_533 = arith.constant 0 : i32
      %dma_wait3A_534 = tpu.memref_slice %arg16[%add3A_503, %dma_wait3A_533] : memref<10000x128xf32, #tpu.memory_space<vmem_shared>> -> memref<16x128xf32, #tpu.memory_space<vmem_shared>>
      tpu.wait_dma2 semaphore(%run_scoped3A_526 : memref<!tpu.dma_semaphore, #tpu.memory_space<semaphore_mem>>) src(%dma_wait3A_534 : memref<16x128xf32, #tpu.memory_space<vmem_shared>>) dst(%arg14 : memref<16x128xf32, #tpu.memory_space<vmem>>)
      tpu.yield
    }) : () -> ()
    %mul3A_504 = arith.constant 10000 : i32
    %mul3A_505 = arith.muli %arg0, %mul3A_504 : i32
    %add3A_506 = arith.addi %mul3A_505, %mul3A_4 : i32
    %add3A_507 = arith.constant 592 : i32
    %add3A_508 = arith.addi %add3A_506, %add3A_507 : i32
    "tpu.region"() ({
      %run_scoped3A_526 = tpu.sem_alloc : memref<!tpu.dma_semaphore, #tpu.memory_space<semaphore_mem>>
      %dma_start3A_527 = arith.constant 0 : i32
      %dma_start3A_528 = tpu.memref_slice %arg8[%add3A_508, %dma_start3A_527] : memref<20000x128xf32, #tpu.memory_space<hbm>> -> memref<16x128xf32, #tpu.memory_space<hbm>>
      %dma_start3A_529 = arith.constant 0 : i32
      %dma_start3A_530 = tpu.memref_slice %arg8[%add3A_508, %dma_start3A_529] : memref<20000x128xf32, #tpu.memory_space<hbm>> -> memref<16x128xf32, #tpu.memory_space<hbm>>
      tpu.enqueue_dma source(%arg14 : memref<16x128xf32, #tpu.memory_space<vmem>>) target(%dma_start3A_530 : memref<16x128xf32, #tpu.memory_space<hbm>>) target_semaphore(%run_scoped3A_526 : memref<!tpu.dma_semaphore, #tpu.memory_space<semaphore_mem>>)
      %dma_wait3A_531 = arith.constant 0 : i32
      %dma_wait3A_532 = tpu.memref_slice %arg8[%add3A_508, %dma_wait3A_531] : memref<20000x128xf32, #tpu.memory_space<hbm>> -> memref<16x128xf32, #tpu.memory_space<hbm>>
      %dma_wait3A_533 = arith.constant 0 : i32
      %dma_wait3A_534 = tpu.memref_slice %arg8[%add3A_508, %dma_wait3A_533] : memref<20000x128xf32, #tpu.memory_space<hbm>> -> memref<16x128xf32, #tpu.memory_space<hbm>>
      tpu.wait_dma2 semaphore(%run_scoped3A_526 : memref<!tpu.dma_semaphore, #tpu.memory_space<semaphore_mem>>) src(%arg14 : memref<16x128xf32, #tpu.memory_space<vmem>>) dst(%dma_wait3A_534 : memref<16x128xf32, #tpu.memory_space<hbm>>)
      tpu.yield
    }) : () -> ()
    %add3A_509 = arith.constant 608 : i32
    %add3A_510 = arith.addi %mul3A_4, %add3A_509 : i32
    "tpu.region"() ({
      %run_scoped3A_526 = tpu.sem_alloc : memref<!tpu.dma_semaphore, #tpu.memory_space<semaphore_mem>>
      %dma_start3A_527 = arith.constant 0 : i32
      %dma_start3A_528 = tpu.memref_slice %arg16[%add3A_510, %dma_start3A_527] : memref<10000x128xf32, #tpu.memory_space<vmem_shared>> -> memref<16x128xf32, #tpu.memory_space<vmem_shared>>
      %dma_start3A_529 = arith.constant 0 : i32
      %dma_start3A_530 = tpu.memref_slice %arg16[%add3A_510, %dma_start3A_529] : memref<10000x128xf32, #tpu.memory_space<vmem_shared>> -> memref<16x128xf32, #tpu.memory_space<vmem_shared>>
      tpu.enqueue_dma source(%dma_start3A_530 : memref<16x128xf32, #tpu.memory_space<vmem_shared>>) target(%arg14 : memref<16x128xf32, #tpu.memory_space<vmem>>) target_semaphore(%run_scoped3A_526 : memref<!tpu.dma_semaphore, #tpu.memory_space<semaphore_mem>>)
      %dma_wait3A_531 = arith.constant 0 : i32
      %dma_wait3A_532 = tpu.memref_slice %arg16[%add3A_510, %dma_wait3A_531] : memref<10000x128xf32, #tpu.memory_space<vmem_shared>> -> memref<16x128xf32, #tpu.memory_space<vmem_shared>>
      %dma_wait3A_533 = arith.constant 0 : i32
      %dma_wait3A_534 = tpu.memref_slice %arg16[%add3A_510, %dma_wait3A_533] : memref<10000x128xf32, #tpu.memory_space<vmem_shared>> -> memref<16x128xf32, #tpu.memory_space<vmem_shared>>
      tpu.wait_dma2 semaphore(%run_scoped3A_526 : memref<!tpu.dma_semaphore, #tpu.memory_space<semaphore_mem>>) src(%dma_wait3A_534 : memref<16x128xf32, #tpu.memory_space<vmem_shared>>) dst(%arg14 : memref<16x128xf32, #tpu.memory_space<vmem>>)
      tpu.yield
    }) : () -> ()
    %mul3A_511 = arith.constant 10000 : i32
    %mul3A_512 = arith.muli %arg0, %mul3A_511 : i32
    %add3A_513 = arith.addi %mul3A_512, %mul3A_4 : i32
    %add3A_514 = arith.constant 608 : i32
    %add3A_515 = arith.addi %add3A_513, %add3A_514 : i32
    "tpu.region"() ({
      %run_scoped3A_526 = tpu.sem_alloc : memref<!tpu.dma_semaphore, #tpu.memory_space<semaphore_mem>>
      %dma_start3A_527 = arith.constant 0 : i32
      %dma_start3A_528 = tpu.memref_slice %arg8[%add3A_515, %dma_start3A_527] : memref<20000x128xf32, #tpu.memory_space<hbm>> -> memref<16x128xf32, #tpu.memory_space<hbm>>
      %dma_start3A_529 = arith.constant 0 : i32
      %dma_start3A_530 = tpu.memref_slice %arg8[%add3A_515, %dma_start3A_529] : memref<20000x128xf32, #tpu.memory_space<hbm>> -> memref<16x128xf32, #tpu.memory_space<hbm>>
      tpu.enqueue_dma source(%arg14 : memref<16x128xf32, #tpu.memory_space<vmem>>) target(%dma_start3A_530 : memref<16x128xf32, #tpu.memory_space<hbm>>) target_semaphore(%run_scoped3A_526 : memref<!tpu.dma_semaphore, #tpu.memory_space<semaphore_mem>>)
      %dma_wait3A_531 = arith.constant 0 : i32
      %dma_wait3A_532 = tpu.memref_slice %arg8[%add3A_515, %dma_wait3A_531] : memref<20000x128xf32, #tpu.memory_space<hbm>> -> memref<16x128xf32, #tpu.memory_space<hbm>>
      %dma_wait3A_533 = arith.constant 0 : i32
      %dma_wait3A_534 = tpu.memref_slice %arg8[%add3A_515, %dma_wait3A_533] : memref<20000x128xf32, #tpu.memory_space<hbm>> -> memref<16x128xf32, #tpu.memory_space<hbm>>
      tpu.wait_dma2 semaphore(%run_scoped3A_526 : memref<!tpu.dma_semaphore, #tpu.memory_space<semaphore_mem>>) src(%arg14 : memref<16x128xf32, #tpu.memory_space<vmem>>) dst(%dma_wait3A_534 : memref<16x128xf32, #tpu.memory_space<hbm>>)
      tpu.yield
    }) : () -> ()
    %eq3A_516 = arith.constant 0 : i32
    %eq3A_517 = arith.cmpi eq, %arg1, %eq3A_516 : i32
    %convert_element_type3A_518 = arith.extui %eq3A_517 : i1 to i32
    %cond3A_519 = arith.constant 0 : i32
    %cond3A_520 = arith.cmpi ne, %convert_element_type3A_518, %cond3A_519 : i32
    scf.if %cond3A_520 {
      "tpu.region"() ({
        %run_scoped3A_531 = tpu.sem_alloc : memref<!tpu.dma_semaphore, #tpu.memory_space<semaphore_mem>>
        %dma_start3A_532 = arith.constant 0 : i32
        %dma_start3A_533 = arith.constant 0 : i32
        %dma_start3A_534 = tpu.memref_slice %arg14[%dma_start3A_532, %dma_start3A_533] : memref<16x128xf32, #tpu.memory_space<vmem>> -> memref<16x128xf32, #tpu.memory_space<vmem>>
        %dma_start3A_535 = arith.constant 9984 : i32
        %dma_start3A_536 = arith.constant 0 : i32
        %dma_start3A_537 = tpu.memref_slice %arg16[%dma_start3A_535, %dma_start3A_536] : memref<10000x128xf32, #tpu.memory_space<vmem_shared>> -> memref<16x128xf32, #tpu.memory_space<vmem_shared>>
        %dma_start3A_538 = arith.constant 0 : i32
        %dma_start3A_539 = arith.constant 0 : i32
        %dma_start3A_540 = tpu.memref_slice %arg14[%dma_start3A_538, %dma_start3A_539] : memref<16x128xf32, #tpu.memory_space<vmem>> -> memref<16x128xf32, #tpu.memory_space<vmem>>
        %dma_start3A_541 = arith.constant 9984 : i32
        %dma_start3A_542 = arith.constant 0 : i32
        %dma_start3A_543 = tpu.memref_slice %arg16[%dma_start3A_541, %dma_start3A_542] : memref<10000x128xf32, #tpu.memory_space<vmem_shared>> -> memref<16x128xf32, #tpu.memory_space<vmem_shared>>
        tpu.enqueue_dma source(%dma_start3A_543 : memref<16x128xf32, #tpu.memory_space<vmem_shared>>) target(%dma_start3A_540 : memref<16x128xf32, #tpu.memory_space<vmem>>) target_semaphore(%run_scoped3A_531 : memref<!tpu.dma_semaphore, #tpu.memory_space<semaphore_mem>>)
        %dma_wait3A_544 = arith.constant 0 : i32
        %dma_wait3A_545 = arith.constant 0 : i32
        %dma_wait3A_546 = tpu.memref_slice %arg14[%dma_wait3A_544, %dma_wait3A_545] : memref<16x128xf32, #tpu.memory_space<vmem>> -> memref<16x128xf32, #tpu.memory_space<vmem>>
        %dma_wait3A_547 = arith.constant 9984 : i32
        %dma_wait3A_548 = arith.constant 0 : i32
        %dma_wait3A_549 = tpu.memref_slice %arg16[%dma_wait3A_547, %dma_wait3A_548] : memref<10000x128xf32, #tpu.memory_space<vmem_shared>> -> memref<16x128xf32, #tpu.memory_space<vmem_shared>>
        %dma_wait3A_550 = arith.constant 0 : i32
        %dma_wait3A_551 = arith.constant 0 : i32
        %dma_wait3A_552 = tpu.memref_slice %arg14[%dma_wait3A_550, %dma_wait3A_551] : memref<16x128xf32, #tpu.memory_space<vmem>> -> memref<16x128xf32, #tpu.memory_space<vmem>>
        %dma_wait3A_553 = arith.constant 9984 : i32
        %dma_wait3A_554 = arith.constant 0 : i32
        %dma_wait3A_555 = tpu.memref_slice %arg16[%dma_wait3A_553, %dma_wait3A_554] : memref<10000x128xf32, #tpu.memory_space<vmem_shared>> -> memref<16x128xf32, #tpu.memory_space<vmem_shared>>
        tpu.wait_dma2 semaphore(%run_scoped3A_531 : memref<!tpu.dma_semaphore, #tpu.memory_space<semaphore_mem>>) src(%dma_wait3A_555 : memref<16x128xf32, #tpu.memory_space<vmem_shared>>) dst(%dma_wait3A_552 : memref<16x128xf32, #tpu.memory_space<vmem>>)
        tpu.yield
      }) : () -> ()
      %mul3A_526 = arith.constant 10000 : i32
      %mul3A_527 = arith.muli %arg0, %mul3A_526 : i32
      %add3A_528 = arith.constant 10000 : i32
      %add3A_529 = arith.addi %mul3A_527, %add3A_528 : i32
      %sub3A = arith.constant 16 : i32
      %sub3A_530 = arith.subi %add3A_529, %sub3A : i32
      "tpu.region"() ({
        %run_scoped3A_531 = tpu.sem_alloc : memref<!tpu.dma_semaphore, #tpu.memory_space<semaphore_mem>>
        %dma_start3A_532 = arith.constant 0 : i32
        %dma_start3A_533 = arith.constant 0 : i32
        %dma_start3A_534 = tpu.memref_slice %arg14[%dma_start3A_532, %dma_start3A_533] : memref<16x128xf32, #tpu.memory_space<vmem>> -> memref<16x128xf32, #tpu.memory_space<vmem>>
        %dma_start3A_535 = arith.constant 0 : i32
        %dma_start3A_536 = tpu.memref_slice %arg8[%sub3A_530, %dma_start3A_535] : memref<20000x128xf32, #tpu.memory_space<hbm>> -> memref<16x128xf32, #tpu.memory_space<hbm>>
        %dma_start3A_537 = arith.constant 0 : i32
        %dma_start3A_538 = tpu.memref_slice %arg8[%sub3A_530, %dma_start3A_537] : memref<20000x128xf32, #tpu.memory_space<hbm>> -> memref<16x128xf32, #tpu.memory_space<hbm>>
        %dma_start3A_539 = arith.constant 0 : i32
        %dma_start3A_540 = arith.constant 0 : i32
        %dma_start3A_541 = tpu.memref_slice %arg14[%dma_start3A_539, %dma_start3A_540] : memref<16x128xf32, #tpu.memory_space<vmem>> -> memref<16x128xf32, #tpu.memory_space<vmem>>
        tpu.enqueue_dma source(%dma_start3A_541 : memref<16x128xf32, #tpu.memory_space<vmem>>) target(%dma_start3A_538 : memref<16x128xf32, #tpu.memory_space<hbm>>) target_semaphore(%run_scoped3A_531 : memref<!tpu.dma_semaphore, #tpu.memory_space<semaphore_mem>>)
        %dma_wait3A_542 = arith.constant 0 : i32
        %dma_wait3A_543 = arith.constant 0 : i32
        %dma_wait3A_544 = tpu.memref_slice %arg14[%dma_wait3A_542, %dma_wait3A_543] : memref<16x128xf32, #tpu.memory_space<vmem>> -> memref<16x128xf32, #tpu.memory_space<vmem>>
        %dma_wait3A_545 = arith.constant 0 : i32
        %dma_wait3A_546 = tpu.memref_slice %arg8[%sub3A_530, %dma_wait3A_545] : memref<20000x128xf32, #tpu.memory_space<hbm>> -> memref<16x128xf32, #tpu.memory_space<hbm>>
        %dma_wait3A_547 = arith.constant 0 : i32
        %dma_wait3A_548 = tpu.memref_slice %arg8[%sub3A_530, %dma_wait3A_547] : memref<20000x128xf32, #tpu.memory_space<hbm>> -> memref<16x128xf32, #tpu.memory_space<hbm>>
        %dma_wait3A_549 = arith.constant 0 : i32
        %dma_wait3A_550 = arith.constant 0 : i32
        %dma_wait3A_551 = tpu.memref_slice %arg14[%dma_wait3A_549, %dma_wait3A_550] : memref<16x128xf32, #tpu.memory_space<vmem>> -> memref<16x128xf32, #tpu.memory_space<vmem>>
        tpu.wait_dma2 semaphore(%run_scoped3A_531 : memref<!tpu.dma_semaphore, #tpu.memory_space<semaphore_mem>>) src(%dma_wait3A_551 : memref<16x128xf32, #tpu.memory_space<vmem>>) dst(%dma_wait3A_548 : memref<16x128xf32, #tpu.memory_space<hbm>>)
        tpu.yield
      }) : () -> ()
    } else {
    }
    %lt3A_521 = arith.constant 10 : i32
    %lt3A_522 = arith.cmpi slt, %arg1, %lt3A_521 : i32
    %convert_element_type3A_523 = arith.extui %lt3A_522 : i1 to i32
    %cond3A_524 = arith.constant 0 : i32
    %cond3A_525 = arith.cmpi ne, %convert_element_type3A_523, %cond3A_524 : i32
    scf.if %cond3A_525 {
      %mul3A_526 = arith.constant 1000 : i32
      %mul3A_527 = arith.muli %arg1, %mul3A_526 : i32
      "tpu.region"() ({
        %run_scoped3A_533 = tpu.sem_alloc : memref<!tpu.dma_semaphore, #tpu.memory_space<semaphore_mem>>
        %dma_start3A_534 = tpu.memref_slice %arg17[%mul3A_527] : memref<10000xf32, #tpu.memory_space<vmem_shared>> -> memref<1000xf32, #tpu.memory_space<vmem_shared>>
        %dma_start3A_535 = tpu.memref_slice %arg17[%mul3A_527] : memref<10000xf32, #tpu.memory_space<vmem_shared>> -> memref<1000xf32, #tpu.memory_space<vmem_shared>>
        tpu.enqueue_dma source(%dma_start3A_535 : memref<1000xf32, #tpu.memory_space<vmem_shared>>) target(%arg15 : memref<1000xf32, #tpu.memory_space<vmem>>) target_semaphore(%run_scoped3A_533 : memref<!tpu.dma_semaphore, #tpu.memory_space<semaphore_mem>>)
        %dma_wait3A_536 = tpu.memref_slice %arg17[%mul3A_527] : memref<10000xf32, #tpu.memory_space<vmem_shared>> -> memref<1000xf32, #tpu.memory_space<vmem_shared>>
        %dma_wait3A_537 = tpu.memref_slice %arg17[%mul3A_527] : memref<10000xf32, #tpu.memory_space<vmem_shared>> -> memref<1000xf32, #tpu.memory_space<vmem_shared>>
        tpu.wait_dma2 semaphore(%run_scoped3A_533 : memref<!tpu.dma_semaphore, #tpu.memory_space<semaphore_mem>>) src(%dma_wait3A_537 : memref<1000xf32, #tpu.memory_space<vmem_shared>>) dst(%arg15 : memref<1000xf32, #tpu.memory_space<vmem>>)
        tpu.yield
      }) : () -> ()
      %mul3A_528 = arith.constant 10000 : i32
      %mul3A_529 = arith.muli %arg0, %mul3A_528 : i32
      %mul3A_530 = arith.constant 1000 : i32
      %mul3A_531 = arith.muli %arg1, %mul3A_530 : i32
      %add3A_532 = arith.addi %mul3A_529, %mul3A_531 : i32
      "tpu.region"() ({
        %run_scoped3A_533 = tpu.sem_alloc : memref<!tpu.dma_semaphore, #tpu.memory_space<semaphore_mem>>
        %dma_start3A_534 = tpu.memref_slice %arg9[%add3A_532] : memref<20000xf32, #tpu.memory_space<hbm>> -> memref<1000xf32, #tpu.memory_space<hbm>>
        %dma_start3A_535 = tpu.memref_slice %arg9[%add3A_532] : memref<20000xf32, #tpu.memory_space<hbm>> -> memref<1000xf32, #tpu.memory_space<hbm>>
        tpu.enqueue_dma source(%arg15 : memref<1000xf32, #tpu.memory_space<vmem>>) target(%dma_start3A_535 : memref<1000xf32, #tpu.memory_space<hbm>>) target_semaphore(%run_scoped3A_533 : memref<!tpu.dma_semaphore, #tpu.memory_space<semaphore_mem>>)
        %dma_wait3A_536 = tpu.memref_slice %arg9[%add3A_532] : memref<20000xf32, #tpu.memory_space<hbm>> -> memref<1000xf32, #tpu.memory_space<hbm>>
        %dma_wait3A_537 = tpu.memref_slice %arg9[%add3A_532] : memref<20000xf32, #tpu.memory_space<hbm>> -> memref<1000xf32, #tpu.memory_space<hbm>>
        tpu.wait_dma2 semaphore(%run_scoped3A_533 : memref<!tpu.dma_semaphore, #tpu.memory_space<semaphore_mem>>) src(%arg15 : memref<1000xf32, #tpu.memory_space<vmem>>) dst(%dma_wait3A_537 : memref<1000xf32, #tpu.memory_space<hbm>>)
        tpu.yield
      }) : () -> ()
    } else {
    }
    return
  }
}

module attributes {stable_mosaic.version = 14 : i64} {
  func.func @_scale_body(%arg0: memref<10000x128xf32, #tpu.memory_space<vmem>>, %arg1: memref<2x10000xf32, #tpu.memory_space<vmem>>, %arg2: memref<10000x128xf32, #tpu.memory_space<vmem>>, %arg3: memref<2x10000xf32, #tpu.memory_space<vmem>>, %arg4: memref<10000x128xf32, #tpu.memory_space<vmem>>) attributes {dimension_semantics = [], scalar_prefetch = 0 : i64, scratch_operands = 0 : i64, tpu.core_type = #tpu.core_type<tc>} {
    %get3A = arith.constant 0 : index
    %get3A_0 = arith.constant 0 : index
    %get3A_1 = vector.load %arg1[%get3A, %get3A_0] : memref<2x10000xf32, #tpu.memory_space<vmem>>, vector<2x10000xf32>
    %max3A = arith.constant 1.000000e+00 : f32
    %max3A_2 = vector.broadcast %max3A : f32 to vector<2x10000xf32>
    %max3A_3 = arith.maximumf %get3A_1, %max3A_2 : vector<2x10000xf32>
    %rsqrt3A = math.rsqrt %max3A_3 : vector<2x10000xf32>
    %transpose3A = tpu.transpose %rsqrt3A, [1, 0] : vector<2x10000xf32> -> vector<10000x2xf32>
    %get3A_4 = arith.constant 0 : index
    %get3A_5 = arith.constant 0 : index
    %get3A_6 = vector.load %arg0[%get3A_4, %get3A_5] : memref<10000x128xf32, #tpu.memory_space<vmem>>, vector<10000x128xf32>
    %slice3A = vector.extract_strided_slice %transpose3A {offsets = [0, 0], sizes = [10000, 1], strides = [1, 1]} : vector<10000x2xf32> to vector<10000x1xf32>
    %mul3A = vector.broadcast %slice3A : vector<10000x1xf32> to vector<10000x128xf32>
    %mul3A_7 = arith.mulf %get3A_6, %mul3A : vector<10000x128xf32>
    %swap3A = arith.constant 0 : index
    %swap3A_8 = arith.constant 0 : index
    %swap3A_9 = vector.load %arg2[%swap3A, %swap3A_8] : memref<10000x128xf32, #tpu.memory_space<vmem>>, vector<10000x128xf32>
    tpu.vector_store %arg2[%swap3A, %swap3A_8], %mul3A_7 {strides = array<i32>} : memref<10000x128xf32, #tpu.memory_space<vmem>>, vector<10000x128xf32>,
    %swap3A_10 = arith.constant 0 : index
    %swap3A_11 = arith.constant 0 : index
    %swap3A_12 = vector.load %arg3[%swap3A_10, %swap3A_11] : memref<2x10000xf32, #tpu.memory_space<vmem>>, vector<2x10000xf32>
    tpu.vector_store %arg3[%swap3A_10, %swap3A_11], %rsqrt3A {strides = array<i32>} : memref<2x10000xf32, #tpu.memory_space<vmem>>, vector<2x10000xf32>,
    %slice3A_13 = vector.extract_strided_slice %transpose3A {offsets = [0, 1], sizes = [10000, 1], strides = [1, 1]} : vector<10000x2xf32> to vector<10000x1xf32>
    %broadcast_in_dim3A = vector.shape_cast %slice3A_13 : vector<10000x1xf32> to vector<10000x1xf32>
    %broadcast_in_dim3A_14 = vector.broadcast %broadcast_in_dim3A : vector<10000x1xf32> to vector<10000x128xf32>
    %swap3A_15 = arith.constant 0 : index
    %swap3A_16 = arith.constant 0 : index
    %swap3A_17 = vector.load %arg4[%swap3A_15, %swap3A_16] : memref<10000x128xf32, #tpu.memory_space<vmem>>, vector<10000x128xf32>
    tpu.vector_store %arg4[%swap3A_15, %swap3A_16], %broadcast_in_dim3A_14 {strides = array<i32>} : memref<10000x128xf32, #tpu.memory_space<vmem>>, vector<10000x128xf32>,
    return
  }
}

module attributes {stable_mosaic.version = 14 : i64} {
  func.func @_out_body(%arg0: memref<20000x128xf32, #tpu.memory_space<vmem>>, %arg1: memref<2x10000xf32, #tpu.memory_space<vmem>>, %arg2: memref<2x10000xf32, #tpu.memory_space<vmem>>, %arg3: memref<10000x128xf32, #tpu.memory_space<vmem>>, %arg4: memref<128x256xf32, #tpu.memory_space<vmem>>, %arg5: memref<1x256xf32, #tpu.memory_space<vmem>>, %arg6: memref<256x64xf32, #tpu.memory_space<vmem>>, %arg7: memref<1x64xf32, #tpu.memory_space<vmem>>, %arg8: memref<1x64xf32, #tpu.memory_space<vmem>>) attributes {dimension_semantics = [], scalar_prefetch = 0 : i64, scratch_operands = 0 : i64, tpu.core_type = #tpu.core_type<tc>} {
    %get3A = arith.constant 0 : index
    %get3A_0 = arith.constant 0 : index
    %get3A_1 = vector.load %arg0[%get3A, %get3A_0] : memref<20000x128xf32, #tpu.memory_space<vmem>>, vector<10000x128xf32>
    %get3A_2 = arith.constant 10000 : index
    %get3A_3 = arith.constant 0 : index
    %get3A_4 = vector.load %arg0[%get3A_2, %get3A_3] : memref<20000x128xf32, #tpu.memory_space<vmem>>, vector<10000x128xf32>
    %add3A = arith.addf %get3A_1, %get3A_4 : vector<10000x128xf32>
    %get3A_5 = arith.constant 0 : index
    %get3A_6 = arith.constant 0 : index
    %get3A_7 = vector.load %arg3[%get3A_5, %get3A_6] : memref<10000x128xf32, #tpu.memory_space<vmem>>, vector<10000x128xf32>
    %mul3A = arith.mulf %add3A, %get3A_7 : vector<10000x128xf32>
    %get3A_8 = arith.constant 0 : index
    %get3A_9 = arith.constant 0 : index
    %get3A_10 = vector.load %arg4[%get3A_8, %get3A_9] : memref<128x256xf32, #tpu.memory_space<vmem>>, vector<128x256xf32>
    %dot_general3A = arith.constant dense<0.000000e+00> : vector<10000x256xf32>
    %dot_general3A_11 = tpu.matmul %mul3A, %get3A_10, %dot_general3A {dimension_numbers = #tpu.dot_dimension_numbers<[1], [0], [0], [1], [0, 0, 1, 1], [], []>, transpose_lhs_hint = false} : vector<10000x128xf32>, vector<128x256xf32>, vector<10000x256xf32> -> vector<10000x256xf32>
    %get3A_12 = arith.constant 0 : index
    %get3A_13 = arith.constant 0 : index
    %get3A_14 = vector.load %arg5[%get3A_12, %get3A_13] : memref<1x256xf32, #tpu.memory_space<vmem>>, vector<1x256xf32>
    %add3A_15 = vector.broadcast %get3A_14 : vector<1x256xf32> to vector<10000x256xf32>
    %add3A_16 = arith.addf %dot_general3A_11, %add3A_15 : vector<10000x256xf32>
    %max3A = arith.constant 0.000000e+00 : f32
    %max3A_17 = vector.broadcast %max3A : f32 to vector<10000x256xf32>
    %max3A_18 = arith.maximumf %add3A_16, %max3A_17 : vector<10000x256xf32>
    %get3A_19 = arith.constant 0 : index
    %get3A_20 = arith.constant 0 : index
    %get3A_21 = vector.load %arg2[%get3A_19, %get3A_20] : memref<2x10000xf32, #tpu.memory_space<vmem>>, vector<1x10000xf32>
    %get3A_22 = arith.constant 0 : index
    %get3A_23 = arith.constant 0 : index
    %get3A_24 = vector.load %arg1[%get3A_22, %get3A_23] : memref<2x10000xf32, #tpu.memory_space<vmem>>, vector<1x10000xf32>
    %get3A_25 = arith.constant 1 : index
    %get3A_26 = arith.constant 0 : index
    %get3A_27 = vector.load %arg1[%get3A_25, %get3A_26] : memref<2x10000xf32, #tpu.memory_space<vmem>>, vector<1x10000xf32>
    %add3A_28 = arith.addf %get3A_24, %get3A_27 : vector<1x10000xf32>
    %mul3A_29 = arith.mulf %get3A_21, %add3A_28 : vector<1x10000xf32>
    %dot_general3A_30 = arith.constant dense<0.000000e+00> : vector<1x256xf32>
    %dot_general3A_31 = tpu.matmul %mul3A_29, %max3A_18, %dot_general3A_30 {dimension_numbers = #tpu.dot_dimension_numbers<[1], [0], [0], [1], [0, 0, 1, 1], [], []>, transpose_lhs_hint = false} : vector<1x10000xf32>, vector<10000x256xf32>, vector<1x256xf32> -> vector<1x256xf32>
    %get3A_32 = arith.constant 0 : index
    %get3A_33 = arith.constant 0 : index
    %get3A_34 = vector.load %arg6[%get3A_32, %get3A_33] : memref<256x64xf32, #tpu.memory_space<vmem>>, vector<256x64xf32>
    %dot_general3A_35 = arith.constant dense<0.000000e+00> : vector<1x64xf32>
    %dot_general3A_36 = tpu.matmul %dot_general3A_31, %get3A_34, %dot_general3A_35 {dimension_numbers = #tpu.dot_dimension_numbers<[1], [0], [0], [1], [0, 0, 1, 1], [], []>, transpose_lhs_hint = false} : vector<1x256xf32>, vector<256x64xf32>, vector<1x64xf32> -> vector<1x64xf32>
    %mul3A_37 = arith.constant 9.99999974E-5 : f32
    %mul3A_38 = vector.broadcast %mul3A_37 : f32 to vector<1x64xf32>
    %mul3A_39 = arith.mulf %dot_general3A_36, %mul3A_38 : vector<1x64xf32>
    %get3A_40 = arith.constant 0 : index
    %get3A_41 = arith.constant 0 : index
    %get3A_42 = vector.load %arg7[%get3A_40, %get3A_41] : memref<1x64xf32, #tpu.memory_space<vmem>>, vector<1x64xf32>
    %add3A_43 = arith.addf %mul3A_39, %get3A_42 : vector<1x64xf32>
    %swap3A = arith.constant 0 : index
    %swap3A_44 = arith.constant 0 : index
    %swap3A_45 = vector.load %arg8[%swap3A, %swap3A_44] : memref<1x64xf32, #tpu.memory_space<vmem>>, vector<1x64xf32>
    tpu.vector_store %arg8[%swap3A, %swap3A_44], %add3A_43 {strides = array<i32>} : memref<1x64xf32, #tpu.memory_space<vmem>>, vector<1x64xf32>,
    return
  }
}

</mosaic_0001>

<sc_bundles>
// kernel: kernel.6.cloned.1.call-start
scs
__scs_entry_jumppad:
0x0: {  	(pc) =	sbr.rel $0x88, $3  }
0x1: {  	(tag) =	ssettag $0x0;
	lr =	simm.s32 $0x1  }
0x2: {  	[smem:$0x3F9B] =	sst lr;
	_ =	strace $0xD0000000  }
0x3: {  	_ = 	snop  }
0x4: {  	_ = 	snop  }
0x5: {  	_ = 	snop  }
0x6: {  	_ = 	snop  }
0x7: {  	_ = 	snop  }
__scs_overlays_trampoline_lowered:
0x8: {  	[smem:$0x3FAA] =	sst s0  }
0x9: {  	[smem:$0x3FAB] =	sst s1  }
0xa: {  	[smem:$0x3FAC] =	sst s2  }
0xb: {  	[smem:$0x3FAD] =	sst s3  }
0xc: {  	[smem:$0x3FAE] =	sst s4  }
0xd: {  	[smem:$0x3FAF] =	sst s5  }
0xe: {  	[smem:$0x3FB0] =	sst s6  }
0xf: {  	[smem:$0x3FB1] =	sst s7  }
0x10: {  	[smem:$0x3FB2] =	sst s8  }
0x11: {  	[smem:$0x3FB3] =	sst s9;
	s0 =	simm.s32 @!p0 $0x0  }
0x12: {  	s1 =	sld [smem:$0x3F99];
	s0 =	simm.s32 @p0 $0x1  }
0x13: {  	[smem:$0x3FB4] =	sst s0;
	s0 =	simm.s32 @!p1 $0x0  }
0x14: {  	s2 =	sld [smem:$0x3F98];
	s0 =	simm.s32 @p1 $0x1  }
0x15: {  	[smem:$0x3FB5] =	sst s0;
	s0 =	simm.s32 @!p2 $0x0  }
0x16: {  	s3 =	sld [smem:$0x3FDB];
	s0 =	simm.s32 @p2 $0x1  }
0x17: {  	s4 =	simm.s32 $0x1BF5;
	[smem:$0x3FB7] =	sst s0  }
0x18: {  	s0 =	sld [smem:$0x3F9A];
	_ =	swait.ge [sflag:s4], $0x0  }
0x19: {  	s7 =	sld [smem:$0x3F9B]  }
0x1a: {  	s8 =	sadd.s32 $0xFFFFE003, lr  }
0x1b: {  	s9 =	sadd.s32 $0xFFFFFEF7, lr;
	s5 =	simm.s32 $0xFFFFFFFF;
	p2 =	slt.u32 s8, $0xFFFFF086  }
0x1c: {  	p1 =	slt.u32 s9, $0xF7A;
	s5 =	simm.s32 @!p2 $0x0  }
0x1d: {  	s5 =	simm.s32 @p1 $0x1;
	p0 =	seq.s32 s7, s2  }
0x1e: {  	s7 =	smul.u32 @!p0 $0xF7A, s2;
	p2 =	seq.s32 @!p0 s5, $0x0  }
0x1f: {  	s9 =	smul.u32 $0xF7A, s1;
	s8 =	simm.s32 @!p0 $0x1BF5;
	p2 =	por !p2, p0  }
0x20: {  	[sflag:s8] =	ssyncset.s32 @!p0 $0xFFFFF086;
	s6 =	sadd.s32 @!p0 s3, s7;
	s7 =	simm.s32 @!p0 $0x108  }
0x21: {  	s3 =	sadd.s32 s3, s9;
	s6 =	sadd.s32 @!p0 $0x88, s6;
	s7 =	simm.s32 @p2 $0x1082  }
0x22: {  	[simem:s7], [sflag:s8] =	dma.local @!p0 [hbm:s6], $0xF7A  }
0x23: {  	s9 =	sor.u32 $0xD0000000, s2;
	s6 =	simm.s32 $0x108;
	_ =	swait.ge @!p0 [sflag:s8], $0x0  }
0x24: {  	s3 =	sadd.s32 $0x88, s3;
	s6 =	simm.s32 @!p1 $0x1082;
	[sflag:s4] =	ssyncset.s32 $0xFFFFF086  }
0x25: {  	[simem:s6], [sflag:s4] =	dma.local [hbm:s3], $0xF7A  }
0x26: {  	[smem:$0x3F9B] =	sst s1;
	(tag) =	ssettag s2;
	_ =	strace s9  }
0x27: {  	s1 =	sld [smem:$0x3FAB]  }
0x28: {  	s2 =	sld [smem:$0x3FAC]  }
0x29: {  	s4 =	sld [smem:$0x3FAE]  }
0x2a: {  	p0 =	seq.s32 s5, $0x0;
	s5 =	sld [smem:$0x3FAF]  }
0x2b: {  	s6 =	sld [smem:$0x3FB0]  }
0x2c: {  	s7 =	sld [smem:$0x3FB1]  }
0x2d: {  	s3 =	simm.s32 $0x108;
	s8 =	sld [smem:$0x3FB2]  }
0x2e: {  	s3 =	simm.s32 @!p0 $0x1082;
	s9 =	sld [smem:$0x3FB3]  }
0x2f: {  	lr =	sadd.s32 s0, s3;
	s0 =	sld [smem:$0x3FAA]  }
0x30: {  	s3 =	sld [smem:$0x3FAD]  }
0x31: {  	[smem:$0x3FB6] =	sst s10  }
0x32: {  	s10 =	sld [smem:$0x3FB4];
	_ =	sdelay $0x3  }
0x33: {  	p0 =	seq.s32 s10, $0x1;
	s10 =	sld [smem:$0x3FB6];
	_ =	sdelay $0x3  }
0x34: {  	[smem:$0x3FB6] =	sst s10  }
0x35: {  	s10 =	sld [smem:$0x3FB5];
	_ =	sdelay $0x3  }
0x36: {  	p1 =	seq.s32 s10, $0x1;
	s10 =	sld [smem:$0x3FB6];
	_ =	sdelay $0x3  }
0x37: {  	[smem:$0x3FB6] =	sst s10  }
0x38: {  	s10 =	sld [smem:$0x3FB7]  }
0x39: {  	_ = 	snop;
	(pc) =	sbr.ind lr, $3  }
0x3a: {  	_ = 	snop  }
0x3b: {  	_ = 	snop  }
0x3c: {  	p2 =	seq.s32 s10, $0x1;
	s10 =	sld [smem:$0x3FB6]  }
0x3d: {  	_ =	shalt  }
0x3e: {  	_ =	shalt  }
0x3f: {  	_ =	shalt  }
0x40: {  	_ =	shalt  }
0x41: {  	_ =	shalt  }
0x42: {  	_ =	shalt  }
0x43: {  	_ =	shalt  }
0x44: {  	_ =	shalt  }
0x45: {  	_ =	shalt  }
0x46: {  	_ =	shalt  }
0x47: {  	_ =	shalt  }
0x48: {  	_ =	shalt  }
0x49: {  	_ =	shalt  }
0x4a: {  	_ =	shalt  }
0x4b: {  	_ =	shalt  }
0x4c: {  	_ =	shalt  }
0x4d: {  	_ =	shalt  }
0x4e: {  	_ =	shalt  }
0x4f: {  	_ =	shalt  }
0x50: {  	_ =	shalt  }
0x51: {  	_ =	shalt  }
0x52: {  	_ =	shalt  }
0x53: {  	_ =	shalt  }
0x54: {  	_ =	shalt  }
0x55: {  	_ =	shalt  }
0x56: {  	_ =	shalt  }
0x57: {  	_ =	shalt  }
0x58: {  	_ =	shalt  }
0x59: {  	_ =	shalt  }
0x5a: {  	_ =	shalt  }
0x5b: {  	_ =	shalt  }
0x5c: {  	_ =	shalt  }
0x5d: {  	_ =	shalt  }
0x5e: {  	_ =	shalt  }
0x5f: {  	_ =	shalt  }
0x60: {  	_ =	shalt  }
0x61: {  	_ =	shalt  }
0x62: {  	_ =	shalt  }
0x63: {  	_ =	shalt  }
0x64: {  	_ =	shalt  }
0x65: {  	_ =	shalt  }
0x66: {  	_ =	shalt  }
0x67: {  	_ =	shalt  }
0x68: {  	_ =	shalt  }
0x69: {  	_ =	shalt  }
0x6a: {  	_ =	shalt  }
0x6b: {  	_ =	shalt  }
0x6c: {  	_ =	shalt  }
0x6d: {  	_ =	shalt  }
0x6e: {  	_ =	shalt  }
0x6f: {  	_ =	shalt  }
0x70: {  	_ =	shalt  }
0x71: {  	_ =	shalt  }
0x72: {  	_ =	shalt  }
0x73: {  	_ =	shalt  }
0x74: {  	_ =	shalt  }
0x75: {  	_ =	shalt  }
0x76: {  	_ =	shalt  }
0x77: {  	_ =	shalt  }
0x78: {  	_ =	shalt  }
0x79: {  	_ =	shalt  }
0x7a: {  	_ =	shalt  }
0x7b: {  	_ =	shalt  }
0x7c: {  	_ =	shalt  }
0x7d: {  	_ =	shalt  }
0x7e: {  	_ =	shalt  }
0x7f: {  	_ =	shalt  }
0x80: {  	_ =	shalt  }
0x81: {  	_ =	shalt  }
0x82: {  	_ =	shalt  }
0x83: {  	_ =	shalt  }
0x84: {  	_ =	shalt  }
0x85: {  	_ =	shalt  }
0x86: {  	_ =	shalt  }
0x87: {  	_ =	shalt  }
.Lfunc_end0:
.L_simem_size_0:
called_computation_lowered:
.L_overlay_start_0:
0x88: {  	s2 =	sld [smem:$0x3FD9]  }
0x89: {  	s3 =	sld [smem:$0x3FFE];
	_ =	sdelay $0x1  }
0x8a: {  	s1 =	srdreg.scid  }
0x8b: {  	s0 =	sand.u32 $0x1, s1  }
0x8c: {  	s16 =	sshll.u32 s0, $0xA;
	s2 =	sadd.s32 s3, s2  }
0x8d: {  	s2 =	sadd.s32 s2, s16  }
0x8e: {  	[smem:$0x3FC2] =	sst s2  }
0x8f: {  	_ = 	snop  }
0x90: {  	(tm) =	ssettm $0x1  }
0x91: {  	s17 =	sld [smem:$0x3FFB];
	_ =	sdelay $0x3  }
0x92: {  	_ =	strace s17  }
0x93: {  	s2 =	sld [smem:$0x3FFC];
	_ =	sdelay $0x3  }
0x94: {  	_ =	strace s2  }
0x95: {  	s2 =	sld [smem:$0x3FFD];
	_ =	sdelay $0x3  }
0x96: {  	_ =	strace s2  }
0x97: {  	_ =	strace $0x8FFFFFFF  }
0x98: {  	s18 =	sld [smem:$0x3FDB];
	_ =	sdelay $0x1  }
0x99: {  	s19 =	simm.s32 $_scs_section_size  }
0x9a: {  	s4 =	simm.s32 $_size__tile_overlayer_lowered;
	s5 =	simm.s32 $_tile_overlayer_lowered  }
0x9b: {  	s22 =	simm.s32 $0x1BFF;
	s21 =	sshll.u32 s5, $0x1;
	s2 =	sadd.s32 s19, s18  }
0x9c: {  	s6 =	simm.s32 $0x0;
	s20 =	sshll.u32 s4, $0x1;
	s4 =	sadd.s32 s21, s2  }
0x9d: {  	[timem:s6], [sflag:s22] =	dma.local [hbm:s4], s20  }
0x9e: {  	_ =	swait.ge [sflag:s22], s20  }
0x9f: {  	s3 =	ssub.s32 $0x0, s20;
	[sflag:s22] =	ssyncset.done $0x0  }
0xa0: {  	[sflag:s22] =	ssyncadd.s32 s3;
	_ =	sdelay $0x1  }
0xa1: {  	s23 =	simm.s32 $0x1B8B  }
0xa2: {  	_ =	swait.ge [sflag:s23], $0x1  }
0xa3: {  	[sflag:s23] =	ssyncset.done $0x0  }
0xa4: {  	s25 =	simm.s32 $0x1B8E;
	s24 =	sld [smem:$0x3FFE];
	[sflag:s23] =	ssyncadd.s32 $0xFFFFFFFF  }
0xa5: {  	s26 =	simm.s32 $execute0_lowered;
	[smem:$0x3FD2] =	sst s25  }
0xa6: {  	s4 =	sshll.u32 s26, $0x1;
	_ =	strace $0x80000046;
	[dreg:$0x1] =	wrdreg $0xFFFFFFFF  }
0xa7: {  	s28 =	simm.s32 $_size_execute0_lowered;
	s2 =	sadd.s32 s2, s4;
	[dreg:$0x0] =	wrdreg $0x0  }
0xa8: {  	s4 =	sshll.u32 s28, $0x1;
	[dreg:$0x2] =	wrdreg s2  }
0xa9: {  	[dreg:$0x3] =	wrdreg s4  }
0xaa: {  	[dreg:$0x4] =	wrdreg $0xC0  }
0xab: {  	_ =	task [dreg:s6], $0x5FFFF  }
0xac: {  	[dreg:$0x1] =	wrdreg $0xFFFFFFFF  }
0xad: {  	[dreg:$0x0] =	wrdreg $0x60  }
0xae: {  	[dreg:$0x2] =	wrdreg s24  }
0xaf: {  	[dreg:$0x3] =	wrdreg $0xCC800  }
0xb0: {  	[dreg:$0x4] =	wrdreg $0x9  }
0xb1: {  	_ =	task.clear_ibuf [dreg:s6], $0x5FFFF;
	_ =	strace $0x90000046  }
0xb2: {  	s29 =	simm.s32 $0x9;
	_ =	strace $0x80000048  }
0xb3: {  	_ =	swait.ge [sflag:s29], $0x1  }
0xb4: {  	[sflag:s29] =	ssyncadd.s32 $0xFFFFFFFF  }
0xb5: {  	_ =	strace $0x90000048  }
0xb6: {  	_ =	sfence  }
0xb7: {  	s30 =	sld [smem:$0x0];
	_ =	sdelay $0x2  }
0xb8: {  	s31 =	sshll.u32 s1, $0xD;
	s1 =	sshrl.u32 s1, $0x2  }
0xb9: {  	s3 =	sand.u32 $0x4000, s31;
	s1 =	sadd.s32 s1, s30  }
0xba: {  	s0 =	sor.u32 s3, s0;
	s1 =	sshll.u32 s1, $0x11  }
0xbb: {  	s0 =	sor.u32 s1, s0  }
0xbc: {  	s0 =	sadd.s32 $0x8F2B, s0  }
0xbd: {  	[sflag:s0] =	ssyncadd.remote.s32 $0x1  }
0xbe: {  	_ =	sfence.sel $0xFFFF  }
0xbf: {  	[dreg:$0x0] =	wrdreg $0xFFFFFFFF;
	(pc) =	sbr.abs _section_cstart, $3  }
0xc0: {  	[dreg:$0x1] =	wrdreg $0xFFFFFFFF  }
0xc1: {  	_ =	task.clear_ibuf [dreg:s6], $0x2FFFF;
	_ =	strace $0x9FFFFFFF  }
0xc2: {  	(tm) =	ssettm $0x7FFFFFFF  }
0xc3: {  	_ =	shalt  }
tec
execute0_lowered:
.L_overlay_start_1:
0x0: {  	(tag) =	ssettag $0x1  }
0x1: {  	s5 =	rddreg [dreg:$0x0]  }
0x2: {  	s2 =	rddreg [dreg:$0x1]  }
0x3: {  	s0 =	rddreg [dreg:$0x2]  }
0x4: {  	s4 =	srdreg.scid;
	s1 =	stileid.u32  }
0x5: {  	s3 =	simm.s32 $0x0;
	s15 =	simm.s32 $0xC800;
	s10 =	smul.u32 $0x3E8, s1  }
0x6: {  	s16 =	simm.s32 $0x1;
	s17 =	simm.s32 $0x0;
	s11 =	smul.u32 $0xFA0, s1  }
0x7: {  	s6 =	sand.u32 $0x1, s4;
	[smem:$0x7FF] =	sst s3;
	s30 =	smul.u32 $0xC800, s1  }
0x8: {  	s7 =	sadd.s32 $0x1400, s5;
	s9 =	sadd.s32 $0x1A400, s5;
	s14 =	smul.u32 $0x1900, s1  }
0x9: {  	p1 =	sgt.u32 s1, $0x9;
	s4 =	smul.u32 $0x2710, s6;
	s29 =	ssub.s32 $0x2, s6  }
0xa: {  	_ =	strace $0x80000047;
	p0 =	seq.s32 s6, $0x1;
	s13 =	sshrl.u32 s29, $0x1  }
0xb: {  	s11 =	sshrl.u32 s11, $0x2;
	s6 =	sadd.s32 s7, s14;
	s8 =	sadd.s32 s10, s4  }
0xc: {  	s4 =	sadd.s32 $0x33400, s5;
	s13 =	ssub.s32 s29, s13;
	s8 =	sshrl.u32 s8, $0x3  }
0xd: {  	s10 =	sadd.s32 s10, s2;
	s12 =	sadd.s32 s8, s5;
	s8 =	sshrl.u32 s30, $0x3  }
0xe: {  	s5 =	sadd.s32 s11, s2;
	s31 =	sadd.s32 $0xC80, s8;
	s8 =	sadd.s32 s9, s14  }
0xf: {  	s11 =	sadd.s32 $0x33600, s12;
	s12 =	smax.u32 s13, $0x1;
	s13 =	simm.s32 $0x2  }
0x10: {  	v0 =	vimm.f32 $1.000000000e+00;
	s14 =	simm.s32 $0x50;
	s7 =	sadd.s32 s7, s31;
	s9 =	sadd.s32 s9, s31  }
.LBB2_1:
0x11: {  	s18 =	simm.s32 @!p1 $0x0;
	s19 =	simm.s32 @!p1 $0xC880  }
0x12: {  	[tilespmem:s19], [sflag:$0x2] =	stream.linear.gather @!p1 [hbm4b:s4+s18], $0x400, $0x38;
	[tilespmem:$0xCEF8] =	vst v63  }
0x13: {  	s18 =	simm.s32 @!p1 $0x2  }
0x14: {  	_ =	swait.ge @!p1 [sflag:s18], $0x400  }
0x15: {  	[sflag:s18] =	ssyncset.done @!p1 $0x0  }
0x16: {  	[sflag:s18] =	ssyncadd.s32 @!p1 $0xFFFFFC00  }
0x17: {  	[spmem:s5] =	stream.linear.scatter @!p1 [tilespmem:s19], [sflag:$0x2], $0x3E8, $0x38;
	[tilespmem:$0xCEF8] =	vst v63  }
0x18: {  	_ =	swait.ge @!p1 [sflag:s18], $0x3E8  }
0x19: {  	[sflag:s18] =	ssyncset.done @!p1 $0x0  }
0x1a: {  	[sflag:s18] =	ssyncadd.s32 @!p1 $0xFFFFFC18  }
.Ltmp0:
0x1b: {  	[tilespmem:$0xC800] =	vst v0;
	(pc) =	sbr.rel @!p0 .LBB2_2-.Ltmp0, $4  }
0x1c: {  	[tilespmem:$0xC810] =	vst v0  }
0x1d: {  	[tilespmem:$0xC820] =	vst v0  }
0x1e: {  	[tilespmem:$0xC830] =	vst v0  }
0x1f: {  	s19 =	simm.s32 $0x80;
	s18 =	simm.s32 $0x0;
	[tilespmem:$0xC840] =	vst v0  }
0x20: {  	s21 =	sadd.s32 $0x0, s8;
	s20 =	simm.s32 $0x400  }
.LBB2_8:
0x21: {  	[tilespmem:s18], [sflag:$0x2] =	stream.linear.gather [hbm4b:s21+s3], $0x280, $0x38;
	[tilespmem:$0xCEF8] =	vst v63  }
0x22: {  	s21 =	smov.u32 s19;
	s18 =	smov.u32 s20;
	p2 =	sne.s32 s19, $0xC00  }
.Ltmp1:
0x23: {  	s19 =	sadd.s32 $0x80, s19;
	(pc) =	sbr.rel @p2 .LBB2_8-.Ltmp1, $2  }
0x24: {  	_ =	sdelay $0x2  }
0x25: {  	s20 =	sadd.s32 $0x400, s20;
	s21 =	sadd.s32 s21, s8  }
0x26: {  	[tilespmem:s18], [sflag:$0x2] =	stream.linear.gather [hbm4b:s21+s3], $0x280, $0x38;
	[tilespmem:$0xCEF8] =	vst v63  }
0x27: {  	_ =	swait.ge [sflag:s13], $0x3E80  }
0x28: {  	s18 =	simm.s32 $0x6400;
	s19 =	simm.s32 $0x80;
	[sflag:s13] =	ssyncset.done $0x0  }
0x29: {  	s21 =	sadd.s32 $0x0, s9;
	s20 =	simm.s32 $0x6800;
	[sflag:s13] =	ssyncadd.s32 $0xFFFFC180  }
.LBB2_10:
0x2a: {  	[tilespmem:s18], [sflag:$0x2] =	stream.linear.gather [hbm4b:s21+s3], $0x280, $0x38;
	[tilespmem:$0xCEF8] =	vst v63  }
0x2b: {  	s21 =	smov.u32 s19;
	s18 =	smov.u32 s20;
	p2 =	sne.s32 s19, $0xC00  }
.Ltmp2:
0x2c: {  	s19 =	sadd.s32 $0x80, s19;
	(pc) =	sbr.rel @p2 .LBB2_10-.Ltmp2, $2  }
0x2d: {  	_ =	sdelay $0x2  }
0x2e: {  	s20 =	sadd.s32 $0x400, s20;
	s21 =	sadd.s32 s21, s9  }
.Ltmp3:
0x2f: {  	(pc) =	sbr.rel .LBB2_12-.Ltmp3, $2  }
0x30: {  	_ =	sdelay $0x2  }
0x31: {  	[tilespmem:s18], [sflag:$0x2] =	stream.linear.gather [hbm4b:s21+s3], $0x280, $0x38;
	[tilespmem:$0xCEF8] =	vst v63  }
.LBB2_2:
0x32: {  	s21 =	sadd.s32 $0x0, s6;
	s20 =	simm.s32 $0x400  }
.LBB2_3:
0x33: {  	[tilespmem:s18], [sflag:$0x2] =	stream.linear.gather [hbm4b:s21+s3], $0x280, $0x38;
	[tilespmem:$0xCEF8] =	vst v63  }
0x34: {  	s21 =	smov.u32 s19;
	s18 =	smov.u32 s20;
	p2 =	sne.s32 s19, $0xC00  }
.Ltmp4:
0x35: {  	s19 =	sadd.s32 $0x80, s19;
	(pc) =	sbr.rel @p2 .LBB2_3-.Ltmp4, $2  }
0x36: {  	_ =	sdelay $0x2  }
0x37: {  	s20 =	sadd.s32 $0x400, s20;
	s21 =	sadd.s32 s21, s6  }
0x38: {  	[tilespmem:s18], [sflag:$0x2] =	stream.linear.gather [hbm4b:s21+s3], $0x280, $0x38;
	[tilespmem:$0xCEF8] =	vst v63  }
0x39: {  	_ =	swait.ge [sflag:s13], $0x3E80  }
0x3a: {  	s18 =	simm.s32 $0x6400;
	s19 =	simm.s32 $0x80;
	[sflag:s13] =	ssyncset.done $0x0  }
0x3b: {  	s21 =	sadd.s32 $0x0, s7;
	s20 =	simm.s32 $0x6800;
	[sflag:s13] =	ssyncadd.s32 $0xFFFFC180  }
.LBB2_5:
0x3c: {  	[tilespmem:s18], [sflag:$0x2] =	stream.linear.gather [hbm4b:s21+s3], $0x280, $0x38;
	[tilespmem:$0xCEF8] =	vst v63  }
0x3d: {  	s21 =	smov.u32 s19;
	s18 =	smov.u32 s20;
	p2 =	seq.s32 s19, $0xC00  }
.Ltmp5:
0x3e: {  	s19 =	sadd.s32 $0x80, s19;
	(pc) =	sbr.rel @!p2 .LBB2_5-.Ltmp5, $2  }
0x3f: {  	_ =	sdelay $0x2  }
0x40: {  	s20 =	sadd.s32 $0x400, s20;
	s21 =	sadd.s32 s21, s7  }
0x41: {  	[tilespmem:s18], [sflag:$0x2] =	stream.linear.gather [hbm4b:s21+s3], $0x280, $0x38;
	[tilespmem:$0xCEF8] =	vst v63  }
.LBB2_12:
0x42: {  	s18 =	simm.s32 $0x0;
	s19 =	simm.s32 $0xFFFFFF83  }
0x43: {  	s18 =	smin.u32 s18, s19  }
0x44: {  	s19 =	smulhi.u32 $0xCCCCCCCD, s18;
	_ =	sdelay $0x1  }
0x45: {  	_ =	swait.ge [sflag:s13], $0x3E80;
	p2 =	por $0x0, $0x0;
	s20 =	sshrl.u32 s19, $0x2  }
0x46: {  	s21 =	simm.s32 $0x6400;
	s31 =	simm.s32 $0xFFFFFF84;
	s20 =	smul.u32 $0x5, s20  }
0x47: {  	[sflag:s13] =	ssyncset.done $0x0;
	s21 =	simm.s32 @!p2 $0x0;
	s19 =	sshll.u32 s19, $0x8  }
0x48: {  	[sflag:s13] =	ssyncadd.s32 $0xFFFFC180;
	s19 =	sand.u32 $0x3FFFFC00, s19;
	s18 =	ssub.s32 s18, s20  }
0x49: {  	s19 =	sadd.s32 s19, s21;
	s20 =	sshll.u32 s18, $0x7;
	s18 =	simm.s32 $0x1  }
0x4a: {  	[bflag:$0x0] =	sbarrier.arrive $0xFFFF;
	s19 =	sor.u32 s20, s19;
	s21 =	smin.u32 s18, s31  }
0x4b: {  	[spmem:s2] =	stream.indirect.scatter.add.f32 [tilespmem:s15], [sflag:$0x1], $0x1, s19, s14, $0xb8;
	[tilespmem:$0xCEF8] =	vst v63  }
0x4c: {  	p2 =	por $0x1, $0x1;
	s22 =	smulhi.u32 $0xCCCCCCCD, s21  }
0x4d: {  	s20 =	simm.s32 @!p2 $0x1;
	s19 =	simm.s32 $0x2  }
.LBB2_13:
0x4e: {  	s23 =	sshrl.u32 s22, $0x2;
	_ =	swait.ge @!p2 [sflag:s20], $0x50;
	s24 =	smov.u32 s19  }
0x4f: {  	s19 =	sadd.s32 $0x1, s19;
	p4 =	sgt.u32 s18, $0x7C;
	s23 =	smul.u32 $0x5, s23  }
0x50: {  	s22 =	sshll.u32 s22, $0x8;
	p3 =	sne.s32 s19, $0xFA;
	[sflag:s20] =	ssyncset.done @!p2 $0x0  }
0x51: {  	[sflag:s20] =	ssyncadd.s32 @!p2 $0xFFFFFFB0;
	s20 =	ssub.s32 s21, s23;
	s21 =	simm.s32 $0x6400  }
0x52: {  	s22 =	sand.u32 $0x3FFFFC00, s22;
	s21 =	simm.s32 @!p4 $0x0  }
.Ltmp6:
0x53: {  	s20 =	sshll.u32 s20, $0x7;
	s21 =	sadd.s32 s22, s21;
	(pc) =	sbr.rel @p3 .LBB2_13-.Ltmp6, $4  }
0x54: {  	p2 =	slt.u32 s18, $0x8;
	s22 =	sadd.s32 $0xFFFFFF83, s24;
	s23 =	sor.u32 s20, s21  }
0x55: {  	s18 =	smov.u32 s24;
	s21 =	smin.u32 s24, s22;
	s20 =	simm.s32 @!p2 $0x1  }
0x56: {  	s22 =	smulhi.u32 $0xCCCCCCCD, s21  }
0x57: {  	[spmem:s2] =	stream.indirect.scatter.add.f32 [tilespmem:s15], [sflag:$0x1], $0x1, s23, s14, $0xb8;
	[tilespmem:$0xCEF8] =	vst v63  }
0x58: {  	s19 =	sshrl.u32 s22, $0x2  }
0x59: {  	s19 =	smul.u32 $0x5, s19  }
0x5a: {  	_ =	swait.ge @!p2 [sflag:s20], $0x50;
	p3 =	sgt.u32 s18, $0x7C  }
0x5b: {  	s30 =	sshll.u32 s22, $0x8;
	s19 =	ssub.s32 s21, s19;
	s21 =	simm.s32 $0x6400  }
0x5c: {  	[sflag:s20] =	ssyncset.done @!p2 $0x0;
	s22 =	sand.u32 $0x3FFFFC00, s30;
	s21 =	simm.s32 @!p3 $0x0  }
0x5d: {  	s19 =	sshll.u32 s19, $0x7;
	p3 =	slt.u32 s18, $0x8;
	s21 =	sadd.s32 s22, s21  }
0x5e: {  	[sflag:s20] =	ssyncadd.s32 @!p2 $0xFFFFFFB0;
	s31 =	sor.u32 s19, s21;
	s19 =	simm.s32 @!p3 $0x1  }
0x5f: {  	[spmem:s2] =	stream.indirect.scatter.add.f32 [tilespmem:s15], [sflag:$0x1], $0x1, s31, s14, $0xb8;
	[tilespmem:$0xCEF8] =	vst v63  }
0x60: {  	_ =	swait.ge @!p3 [sflag:s19], $0x50  }
0x61: {  	[sflag:s19] =	ssyncset.done @!p3 $0x0  }
0x62: {  	[sflag:s19] =	ssyncadd.s32 @!p3 $0xFFFFFFB0  }
0x63: {  	_ =	swait.ge [sflag:s16], $0x50  }
0x64: {  	[sflag:s16] =	ssyncset.done $0x0  }
0x65: {  	[sflag:s16] =	ssyncadd.s32 $0xFFFFFFB0  }
0x66: {  	_ =	swait.ge [sflag:s16], $0x50  }
0x67: {  	[sflag:s16] =	ssyncset.done $0x0  }
0x68: {  	[sflag:s16] =	ssyncadd.s32 $0xFFFFFFB0  }
0x69: {  	_ =	swait.ge [sflag:s16], $0x50  }
0x6a: {  	[sflag:s16] =	ssyncset.done $0x0  }
0x6b: {  	[sflag:s16] =	ssyncadd.s32 $0xFFFFFFB0  }
0x6c: {  	_ =	swait.ge [sflag:s16], $0x50  }
0x6d: {  	[sflag:s16] =	ssyncset.done $0x0  }
0x6e: {  	[sflag:s16] =	ssyncadd.s32 $0xFFFFFFB0  }
0x6f: {  	_ =	swait.ge [sflag:s16], $0x50  }
0x70: {  	[sflag:s16] =	ssyncset.done $0x0  }
0x71: {  	[sflag:s16] =	ssyncadd.s32 $0xFFFFFFB0  }
0x72: {  	_ =	swait.ge [sflag:s16], $0x50  }
0x73: {  	[sflag:s16] =	ssyncset.done $0x0  }
0x74: {  	[sflag:s16] =	ssyncadd.s32 $0xFFFFFFB0  }
0x75: {  	_ =	swait.ge [sflag:s16], $0x50  }
0x76: {  	[sflag:s16] =	ssyncset.done $0x0  }
0x77: {  	[sflag:s16] =	ssyncadd.s32 $0xFFFFFFB0  }
0x78: {  	_ =	swait.ge [sflag:s16], $0x50  }
0x79: {  	[sflag:s16] =	ssyncset.done $0x0  }
0x7a: {  	[sflag:s16] =	ssyncadd.s32 $0xFFFFFFB0  }
0x7b: {  	s18 =	simm.s32 @!p1 $0xC880;
	s19 =	simm.s32 @!p1 $0x2;
	[bflag:$0x0] =	sbarrier.arrive $0xFFFF  }
0x7c: {  	[tilespmem:s18], [sflag:$0x2] =	stream.linear.gather @!p1 [spmem:s10], $0x3E8, $0x38;
	[tilespmem:$0xCEF8] =	vst v63  }
0x7d: {  	s17 =	sadd.s32 $0x1, s17;
	_ =	swait.ge @!p1 [sflag:s19], $0x3E8  }
0x7e: {  	p2 =	sne.s32 s17, s12;
	[sflag:s19] =	ssyncset.done @!p1 $0x0  }
.Ltmp7:
0x7f: {  	s20 =	simm.s32 @!p1 $0x0;
	[sflag:s19] =	ssyncadd.s32 @!p1 $0xFFFFFC18;
	(pc) =	sbr.rel @p2 .LBB2_1-.Ltmp7, $4  }
0x80: {  	[hbm4b:s11+s20] =	stream.linear.scatter @!p1 [tilespmem:s18], [sflag:$0x2], $0x3E8, $0x38;
	[tilespmem:$0xCEF8] =	vst v63  }
0x81: {  	_ =	swait.ge @!p1 [sflag:s19], $0x3E8  }
0x82: {  	[sflag:s19] =	ssyncset.done @!p1 $0x0  }
0x83: {  	[sflag:s19] =	ssyncadd.s32 @!p1 $0xFFFFFC18  }
0x84: {  	_ =	sfence.sel $0x180000  }
0x85: {  	[bflag:$0x0] =	sbarrier.arrive $0xFFFF  }
0x86: {  	p0 =	sne.s32 s1, $0x0;
	_ =	strace $0x90000047  }
0x87: {  	s0 =	sadd.s32 @!p0 $0x100000, s0;
	[bflag:$0x2] =	sbarrier.arrive $0xFFFF  }
0x88: {  	[sflag:s0] =	ssyncadd.tile.s32 @!p0 $0x1;
	_ =	shalt  }
.Lfunc_end2:
_tile_overlayer_lowered:
.L_overlay_start_2:
0x89: {  	(tag) =	ssettag $0x2  }
0x8a: {  	s0 =	rddreg [dreg:$0x0];
	s2 =	stileid.u32  }
0x8b: {  	s1 =	rddreg [dreg:$0x1];
	p0 =	sne.s32 s2, $0x0  }
0x8c: {  	s3 =	rddreg [dreg:$0x2];
	[bflag:$0x3] =	sbarrier.arrive $0xFFFF;
	s2 =	simm.s32 @!p0 $0x1C02  }
0x8d: {  	[timem:s3], [sflag:s2] =	dma.local @!p0 [hbm:s0], s1  }
0x8e: {  	s0 =	simm.s32 @!p0 $0x2  }
0x8f: {  	_ =	swait.ge @!p0 [sflag:s0], s1  }
0x90: {  	s1 =	ssub.s32 @!p0 $0x0, s1;
	[sflag:s0] =	ssyncset.done @!p0 $0x0  }
0x91: {  	[sflag:s0] =	ssyncadd.s32 @!p0 s1  }
0x92: {  	[bflag:$0x3] =	sbarrier.arrive $0xFFFF  }
0x93: {  	_ =	shalt  }

// kernel: kernel.9.cloned.1.call-start
scs
__scs_entry_jumppad:
0x0: {  	(pc) =	sbr.rel $0x88, $3  }
0x1: {  	(tag) =	ssettag $0x0;
	lr =	simm.s32 $0x1  }
0x2: {  	[smem:$0x3F9B] =	sst lr;
	_ =	strace $0xD0000000  }
0x3: {  	_ = 	snop  }
0x4: {  	_ = 	snop  }
0x5: {  	_ = 	snop  }
0x6: {  	_ = 	snop  }
0x7: {  	_ = 	snop  }
__scs_overlays_trampoline_lowered:
0x8: {  	[smem:$0x3FAA] =	sst s0  }
0x9: {  	[smem:$0x3FAB] =	sst s1  }
0xa: {  	[smem:$0x3FAC] =	sst s2  }
0xb: {  	[smem:$0x3FAD] =	sst s3  }
0xc: {  	[smem:$0x3FAE] =	sst s4  }
0xd: {  	[smem:$0x3FAF] =	sst s5  }
0xe: {  	[smem:$0x3FB0] =	sst s6  }
0xf: {  	[smem:$0x3FB1] =	sst s7  }
0x10: {  	[smem:$0x3FB2] =	sst s8  }
0x11: {  	[smem:$0x3FB3] =	sst s9;
	s0 =	simm.s32 @!p0 $0x0  }
0x12: {  	s1 =	sld [smem:$0x3F99];
	s0 =	simm.s32 @p0 $0x1  }
0x13: {  	[smem:$0x3FB4] =	sst s0;
	s0 =	simm.s32 @!p1 $0x0  }
0x14: {  	s2 =	sld [smem:$0x3F98];
	s0 =	simm.s32 @p1 $0x1  }
0x15: {  	[smem:$0x3FB5] =	sst s0;
	s0 =	simm.s32 @!p2 $0x0  }
0x16: {  	s3 =	sld [smem:$0x3FDB];
	s0 =	simm.s32 @p2 $0x1  }
0x17: {  	s4 =	simm.s32 $0x1BF5;
	[smem:$0x3FB7] =	sst s0  }
0x18: {  	s0 =	sld [smem:$0x3F9A];
	_ =	swait.ge [sflag:s4], $0x0  }
0x19: {  	s7 =	sld [smem:$0x3F9B]  }
0x1a: {  	s8 =	sadd.s32 $0xFFFFE003, lr  }
0x1b: {  	s9 =	sadd.s32 $0xFFFFFEF7, lr;
	s5 =	simm.s32 $0xFFFFFFFF;
	p2 =	slt.u32 s8, $0xFFFFF086  }
0x1c: {  	p1 =	slt.u32 s9, $0xF7A;
	s5 =	simm.s32 @!p2 $0x0  }
0x1d: {  	s5 =	simm.s32 @p1 $0x1;
	p0 =	seq.s32 s7, s2  }
0x1e: {  	s7 =	smul.u32 @!p0 $0xF7A, s2;
	p2 =	seq.s32 @!p0 s5, $0x0  }
0x1f: {  	s9 =	smul.u32 $0xF7A, s1;
	s8 =	simm.s32 @!p0 $0x1BF5;
	p2 =	por !p2, p0  }
0x20: {  	[sflag:s8] =	ssyncset.s32 @!p0 $0xFFFFF086;
	s6 =	sadd.s32 @!p0 s3, s7;
	s7 =	simm.s32 @!p0 $0x108  }
0x21: {  	s3 =	sadd.s32 s3, s9;
	s6 =	sadd.s32 @!p0 $0x88, s6;
	s7 =	simm.s32 @p2 $0x1082  }
0x22: {  	[simem:s7], [sflag:s8] =	dma.local @!p0 [hbm:s6], $0xF7A  }
0x23: {  	s9 =	sor.u32 $0xD0000000, s2;
	s6 =	simm.s32 $0x108;
	_ =	swait.ge @!p0 [sflag:s8], $0x0  }
0x24: {  	s3 =	sadd.s32 $0x88, s3;
	s6 =	simm.s32 @!p1 $0x1082;
	[sflag:s4] =	ssyncset.s32 $0xFFFFF086  }
0x25: {  	[simem:s6], [sflag:s4] =	dma.local [hbm:s3], $0xF7A  }
0x26: {  	[smem:$0x3F9B] =	sst s1;
	(tag) =	ssettag s2;
	_ =	strace s9  }
0x27: {  	s1 =	sld [smem:$0x3FAB]  }
0x28: {  	s2 =	sld [smem:$0x3FAC]  }
0x29: {  	s4 =	sld [smem:$0x3FAE]  }
0x2a: {  	p0 =	seq.s32 s5, $0x0;
	s5 =	sld [smem:$0x3FAF]  }
0x2b: {  	s6 =	sld [smem:$0x3FB0]  }
0x2c: {  	s7 =	sld [smem:$0x3FB1]  }
0x2d: {  	s3 =	simm.s32 $0x108;
	s8 =	sld [smem:$0x3FB2]  }
0x2e: {  	s3 =	simm.s32 @!p0 $0x1082;
	s9 =	sld [smem:$0x3FB3]  }
0x2f: {  	lr =	sadd.s32 s0, s3;
	s0 =	sld [smem:$0x3FAA]  }
0x30: {  	s3 =	sld [smem:$0x3FAD]  }
0x31: {  	[smem:$0x3FB6] =	sst s10  }
0x32: {  	s10 =	sld [smem:$0x3FB4];
	_ =	sdelay $0x3  }
0x33: {  	p0 =	seq.s32 s10, $0x1;
	s10 =	sld [smem:$0x3FB6];
	_ =	sdelay $0x3  }
0x34: {  	[smem:$0x3FB6] =	sst s10  }
0x35: {  	s10 =	sld [smem:$0x3FB5];
	_ =	sdelay $0x3  }
0x36: {  	p1 =	seq.s32 s10, $0x1;
	s10 =	sld [smem:$0x3FB6];
	_ =	sdelay $0x3  }
0x37: {  	[smem:$0x3FB6] =	sst s10  }
0x38: {  	s10 =	sld [smem:$0x3FB7]  }
0x39: {  	_ = 	snop;
	(pc) =	sbr.ind lr, $3  }
0x3a: {  	_ = 	snop  }
0x3b: {  	_ = 	snop  }
0x3c: {  	p2 =	seq.s32 s10, $0x1;
	s10 =	sld [smem:$0x3FB6]  }
0x3d: {  	_ =	shalt  }
0x3e: {  	_ =	shalt  }
0x3f: {  	_ =	shalt  }
0x40: {  	_ =	shalt  }
0x41: {  	_ =	shalt  }
0x42: {  	_ =	shalt  }
0x43: {  	_ =	shalt  }
0x44: {  	_ =	shalt  }
0x45: {  	_ =	shalt  }
0x46: {  	_ =	shalt  }
0x47: {  	_ =	shalt  }
0x48: {  	_ =	shalt  }
0x49: {  	_ =	shalt  }
0x4a: {  	_ =	shalt  }
0x4b: {  	_ =	shalt  }
0x4c: {  	_ =	shalt  }
0x4d: {  	_ =	shalt  }
0x4e: {  	_ =	shalt  }
0x4f: {  	_ =	shalt  }
0x50: {  	_ =	shalt  }
0x51: {  	_ =	shalt  }
0x52: {  	_ =	shalt  }
0x53: {  	_ =	shalt  }
0x54: {  	_ =	shalt  }
0x55: {  	_ =	shalt  }
0x56: {  	_ =	shalt  }
0x57: {  	_ =	shalt  }
0x58: {  	_ =	shalt  }
0x59: {  	_ =	shalt  }
0x5a: {  	_ =	shalt  }
0x5b: {  	_ =	shalt  }
0x5c: {  	_ =	shalt  }
0x5d: {  	_ =	shalt  }
0x5e: {  	_ =	shalt  }
0x5f: {  	_ =	shalt  }
0x60: {  	_ =	shalt  }
0x61: {  	_ =	shalt  }
0x62: {  	_ =	shalt  }
0x63: {  	_ =	shalt  }
0x64: {  	_ =	shalt  }
0x65: {  	_ =	shalt  }
0x66: {  	_ =	shalt  }
0x67: {  	_ =	shalt  }
0x68: {  	_ =	shalt  }
0x69: {  	_ =	shalt  }
0x6a: {  	_ =	shalt  }
0x6b: {  	_ =	shalt  }
0x6c: {  	_ =	shalt  }
0x6d: {  	_ =	shalt  }
0x6e: {  	_ =	shalt  }
0x6f: {  	_ =	shalt  }
0x70: {  	_ =	shalt  }
0x71: {  	_ =	shalt  }
0x72: {  	_ =	shalt  }
0x73: {  	_ =	shalt  }
0x74: {  	_ =	shalt  }
0x75: {  	_ =	shalt  }
0x76: {  	_ =	shalt  }
0x77: {  	_ =	shalt  }
0x78: {  	_ =	shalt  }
0x79: {  	_ =	shalt  }
0x7a: {  	_ =	shalt  }
0x7b: {  	_ =	shalt  }
0x7c: {  	_ =	shalt  }
0x7d: {  	_ =	shalt  }
0x7e: {  	_ =	shalt  }
0x7f: {  	_ =	shalt  }
0x80: {  	_ =	shalt  }
0x81: {  	_ =	shalt  }
0x82: {  	_ =	shalt  }
0x83: {  	_ =	shalt  }
0x84: {  	_ =	shalt  }
0x85: {  	_ =	shalt  }
0x86: {  	_ =	shalt  }
0x87: {  	_ =	shalt  }
.Lfunc_end0:
.L_simem_size_0:
called_computation.1_lowered:
.L_overlay_start_0:
0x88: {  	s2 =	sld [smem:$0x3FD9]  }
0x89: {  	s3 =	sld [smem:$0x3FFE];
	_ =	sdelay $0x1  }
0x8a: {  	s1 =	srdreg.scid  }
0x8b: {  	s0 =	sand.u32 $0x1, s1  }
0x8c: {  	s16 =	sshll.u32 s0, $0xA;
	s2 =	sadd.s32 s3, s2  }
0x8d: {  	s2 =	sadd.s32 s2, s16  }
0x8e: {  	[smem:$0x3FC2] =	sst s2  }
0x8f: {  	_ = 	snop  }
0x90: {  	(tm) =	ssettm $0x1  }
0x91: {  	s17 =	sld [smem:$0x3FFB];
	_ =	sdelay $0x3  }
0x92: {  	_ =	strace s17  }
0x93: {  	s2 =	sld [smem:$0x3FFC];
	_ =	sdelay $0x3  }
0x94: {  	_ =	strace s2  }
0x95: {  	s2 =	sld [smem:$0x3FFD];
	_ =	sdelay $0x3  }
0x96: {  	_ =	strace s2  }
0x97: {  	_ =	strace $0x8FFFFFFF  }
0x98: {  	s18 =	sld [smem:$0x3FDB];
	_ =	sdelay $0x1  }
0x99: {  	s19 =	simm.s32 $_scs_section_size  }
0x9a: {  	s4 =	simm.s32 $_size__tile_overlayer_lowered;
	s5 =	simm.s32 $_tile_overlayer_lowered  }
0x9b: {  	s22 =	simm.s32 $0x1BFF;
	s21 =	sshll.u32 s5, $0x1;
	s2 =	sadd.s32 s19, s18  }
0x9c: {  	s6 =	simm.s32 $0x0;
	s20 =	sshll.u32 s4, $0x1;
	s4 =	sadd.s32 s21, s2  }
0x9d: {  	[timem:s6], [sflag:s22] =	dma.local [hbm:s4], s20  }
0x9e: {  	_ =	swait.ge [sflag:s22], s20  }
0x9f: {  	s3 =	ssub.s32 $0x0, s20;
	[sflag:s22] =	ssyncset.done $0x0  }
0xa0: {  	[sflag:s22] =	ssyncadd.s32 s3;
	_ =	sdelay $0x1  }
0xa1: {  	s23 =	simm.s32 $0x1B8B  }
0xa2: {  	_ =	swait.ge [sflag:s23], $0x1  }
0xa3: {  	[sflag:s23] =	ssyncset.done $0x0  }
0xa4: {  	s25 =	simm.s32 $0x1B8E;
	s24 =	sld [smem:$0x3FFE];
	[sflag:s23] =	ssyncadd.s32 $0xFFFFFFFF  }
0xa5: {  	s26 =	simm.s32 $execute0_lowered;
	[smem:$0x3FD2] =	sst s25  }
0xa6: {  	s4 =	sshll.u32 s26, $0x1;
	_ =	strace $0x80000049;
	[dreg:$0x1] =	wrdreg $0xFFFFFFFF  }
0xa7: {  	s28 =	simm.s32 $_size_execute0_lowered;
	s2 =	sadd.s32 s2, s4;
	[dreg:$0x0] =	wrdreg $0x0  }
0xa8: {  	s4 =	sshll.u32 s28, $0x1;
	[dreg:$0x2] =	wrdreg s2  }
0xa9: {  	[dreg:$0x3] =	wrdreg s4  }
0xaa: {  	[dreg:$0x4] =	wrdreg $0xC0  }
0xab: {  	_ =	task [dreg:s6], $0x5FFFF  }
0xac: {  	[dreg:$0x1] =	wrdreg $0xFFFFFFFF  }
0xad: {  	[dreg:$0x0] =	wrdreg $0x60  }
0xae: {  	[dreg:$0x2] =	wrdreg s24  }
0xaf: {  	[dreg:$0x3] =	wrdreg $0x96000  }
0xb0: {  	[dreg:$0x4] =	wrdreg $0x1CE800  }
0xb1: {  	[dreg:$0x5] =	wrdreg $0x1D0F80  }
0xb2: {  	[dreg:$0x6] =	wrdreg $0x9  }
0xb3: {  	_ =	task.clear_ibuf [dreg:s6], $0x7FFFF;
	_ =	strace $0x90000049  }
0xb4: {  	s29 =	simm.s32 $0x9;
	_ =	strace $0x8000004B  }
0xb5: {  	_ =	swait.ge [sflag:s29], $0x1  }
0xb6: {  	[sflag:s29] =	ssyncadd.s32 $0xFFFFFFFF  }
0xb7: {  	_ =	strace $0x9000004B  }
0xb8: {  	_ =	sfence  }
0xb9: {  	s30 =	sld [smem:$0x0];
	_ =	sdelay $0x2  }
0xba: {  	s31 =	sshll.u32 s1, $0xD;
	s1 =	sshrl.u32 s1, $0x2  }
0xbb: {  	s3 =	sand.u32 $0x4000, s31;
	s1 =	sadd.s32 s1, s30  }
0xbc: {  	s0 =	sor.u32 s3, s0;
	s1 =	sshll.u32 s1, $0x11  }
0xbd: {  	s0 =	sor.u32 s1, s0  }
0xbe: {  	s0 =	sadd.s32 $0x8F2B, s0  }
0xbf: {  	[sflag:s0] =	ssyncadd.remote.s32 $0x1  }
0xc0: {  	_ =	sfence.sel $0xFFFF  }
0xc1: {  	[dreg:$0x0] =	wrdreg $0xFFFFFFFF;
	(pc) =	sbr.abs _section_cstart, $3  }
0xc2: {  	[dreg:$0x1] =	wrdreg $0xFFFFFFFF  }
0xc3: {  	_ =	task.clear_ibuf [dreg:s6], $0x2FFFF;
	_ =	strace $0x9FFFFFFF  }
0xc4: {  	(tm) =	ssettm $0x7FFFFFFF  }
0xc5: {  	_ =	shalt  }
tec
execute0_lowered:
.L_overlay_start_1:
0x0: {  	(tag) =	ssettag $0x1  }
0x1: {  	s1 =	rddreg [dreg:$0x0]  }
0x2: {  	s2 =	srdreg.scid;
	s0 =	rddreg [dreg:$0x1]  }
0x3: {  	s7 =	stileid.u32;
	s3 =	rddreg [dreg:$0x3];
	s6 =	sand.u32 $0x1, s2  }
0x4: {  	s2 =	rddreg [dreg:$0x2];
	s8 =	smul.u32 $0x3E8, s7;
	s11 =	sadd.s32 $0x5AE00, s1  }
0x5: {  	s17 =	sadd.s32 $0x33400, s1;
	s15 =	smul.u32 $0x4E000, s7;
	s16 =	sadd.s32 $0x5BA00, s1  }
0x6: {  	s21 =	smul.u32 $0x270, s7;
	p1 =	sgt.u32 s7, $0x9;
	p0 =	sne.s32 s7, $0x0  }
0x7: {  	s4 =	sshll.u32 s6, $0x4;
	s12 =	smul.u32 $0x2710, s6;
	s13 =	ssub.s32 $0x2, s6  }
0x8: {  	s6 =	smul.u32 $0x138800, s6;
	s5 =	sor.u32 s7, s4;
	s4 =	simm.s32 $0x0  }
0x9: {  	s10 =	sshrl.u32 s8, $0x3;
	s14 =	sshrl.u32 s13, $0x1;
	s19 =	sadd.s32 s8, s2  }
0xa: {  	s20 =	sshrl.u32 s15, $0x2;
	s5 =	smul.u32 $0xC80, s5;
	[smem:$0x7FF] =	sst s4  }
0xb: {  	s10 =	sadd.s32 s10, s1;
	_ =	strace $0x8000004A;
	[dreg:$0x5] =	wrdreg s11  }
0xc: {  	s18 =	sadd.s32 s8, s12;
	s13 =	ssub.s32 s13, s14;
	[dreg:$0x6] =	wrdreg s17  }
0xd: {  	s8 =	sadd.s32 s8, s3;
	s6 =	sshrl.u32 s6, $0x3;
	[dreg:$0x7] =	wrdreg s19  }
0xe: {  	s11 =	sshrl.u32 s18, $0x3;
	s10 =	sadd.s32 $0x5A800, s10;
	[dreg:$0x9] =	wrdreg s8  }
0xf: {  	s6 =	sadd.s32 s16, s6;
	s7 =	smax.u32 s13, $0x1;
	s9 =	sadd.s32 s5, s1  }
0x10: {  	s5 =	sadd.s32 $0x33600, s1;
	s1 =	sadd.s32 s11, s1;
	[dreg:$0x8] =	wrdreg s10  }
0x11: {  	s11 =	sadd.s32 s20, s0;
	s6 =	sadd.s32 $0x27000, s6;
	[dreg:$0x12] =	wrdreg s7  }
0x12: {  	s10 =	sadd.s32 $0x1000, s11;
	[dreg:$0x10] =	wrdreg s6  }
0x13: {  	s22 =	sadd.s32 $0x1800, s11;
	[dreg:$0xa] =	wrdreg s10  }
0x14: {  	s23 =	sadd.s32 $0x2000, s11;
	[dreg:$0xb] =	wrdreg s22  }
0x15: {  	s24 =	sadd.s32 $0x2800, s11;
	[dreg:$0xc] =	wrdreg s23  }
0x16: {  	s25 =	sadd.s32 $0x3000, s11;
	[dreg:$0xd] =	wrdreg s24  }
0x17: {  	s8 =	sadd.s32 s21, s12;
	s26 =	sadd.s32 $0x3800, s11;
	[dreg:$0xe] =	wrdreg s25  }
0x18: {  	s8 =	sshll.u32 s8, $0x4;
	s1 =	sadd.s32 $0x5B000, s1;
	[dreg:$0xf] =	wrdreg s26  }
0x19: {  	s19 =	sadd.s32 s16, s8;
	s8 =	sadd.s32 $0x4800, s11;
	[dreg:$0x11] =	wrdreg s1  }
0x1a: {  	s12 =	sadd.s32 $0x6000, s11;
	[dreg:$0x13] =	wrdreg s8  }
0x1b: {  	s13 =	sadd.s32 $0x6800, s11;
	[dreg:$0x16] =	wrdreg s12  }
0x1c: {  	s14 =	sadd.s32 $0x7000, s11;
	[dreg:$0x17] =	wrdreg s13  }
0x1d: {  	s17 =	sadd.s32 $0x7800, s11;
	[dreg:$0x18] =	wrdreg s14  }
0x1e: {  	s18 =	sadd.s32 $0x8000, s11;
	[dreg:$0x19] =	wrdreg s17  }
0x1f: {  	s20 =	sadd.s32 $0x8800, s11;
	[dreg:$0x1a] =	wrdreg s18  }
0x20: {  	s6 =	sadd.s32 $0xB000, s11;
	[dreg:$0x1b] =	wrdreg s20  }
0x21: {  	s21 =	sadd.s32 $0x1400, s9;
	s7 =	sadd.s32 $0xB800, s11;
	[smem:$0x7CD] =	sst s6  }
0x22: {  	s22 =	sadd.s32 $0x1A400, s9;
	s9 =	sadd.s32 $0x5000, s11;
	[smem:$0x7CE] =	sst s7  }
0x23: {  	s10 =	sadd.s32 $0x5800, s11;
	[dreg:$0x14] =	wrdreg s9  }
0x24: {  	s23 =	sadd.s32 $0x9000, s11;
	[dreg:$0x15] =	wrdreg s10  }
0x25: {  	s24 =	sadd.s32 $0x9800, s11;
	[dreg:$0x1c] =	wrdreg s23  }
0x26: {  	s25 =	sadd.s32 $0xA000, s11;
	[dreg:$0x1d] =	wrdreg s24  }
0x27: {  	s26 =	sadd.s32 $0xA800, s11;
	[dreg:$0x1e] =	wrdreg s25  }
0x28: {  	s8 =	sadd.s32 $0xC000, s11;
	[dreg:$0x1f] =	wrdreg s26  }
0x29: {  	s12 =	sadd.s32 $0xD800, s11;
	[smem:$0x7CF] =	sst s8  }
0x2a: {  	s13 =	sadd.s32 $0xE000, s11;
	[smem:$0x7D2] =	sst s12  }
0x2b: {  	s14 =	sadd.s32 $0xE800, s11;
	[smem:$0x7D3] =	sst s13  }
0x2c: {  	s17 =	sadd.s32 $0xF000, s11;
	[smem:$0x7D4] =	sst s14  }
0x2d: {  	s18 =	sadd.s32 $0xF800, s11;
	[smem:$0x7D5] =	sst s17  }
0x2e: {  	s20 =	sadd.s32 $0x138000, s0;
	[smem:$0x7D6] =	sst s18  }
0x2f: {  	s7 =	sadd.s32 $0x300, s19;
	[smem:$0x7D7] =	sst s20  }
0x30: {  	s9 =	sadd.s32 $0xC800, s11;
	[smem:$0x7DA] =	sst s7  }
0x31: {  	s10 =	sadd.s32 $0xD000, s11;
	[smem:$0x7D0] =	sst s9  }
0x32: {  	s25 =	sadd.s32 $0x100, s19;
	[smem:$0x7D1] =	sst s10  }
0x33: {  	s26 =	sadd.s32 $0x200, s19;
	[smem:$0x7D8] =	sst s25  }
0x34: {  	s8 =	sadd.s32 $0x400, s19;
	[smem:$0x7D9] =	sst s26  }
0x35: {  	s12 =	sadd.s32 $0x700, s19;
	[smem:$0x7DB] =	sst s8  }
0x36: {  	s13 =	sadd.s32 $0x800, s19;
	[smem:$0x7DE] =	sst s12  }
0x37: {  	s14 =	sadd.s32 $0x900, s19;
	[smem:$0x7DF] =	sst s13  }
0x38: {  	s17 =	sadd.s32 $0xA00, s19;
	[smem:$0x7E0] =	sst s14  }
0x39: {  	s18 =	sadd.s32 $0xB00, s19;
	[smem:$0x7E1] =	sst s17  }
0x3a: {  	s20 =	sadd.s32 $0xC00, s19;
	[smem:$0x7E2] =	sst s18  }
0x3b: {  	s7 =	sadd.s32 $0xF00, s19;
	[smem:$0x7E3] =	sst s20  }
0x3c: {  	s9 =	sadd.s32 $0x500, s19;
	[smem:$0x7E6] =	sst s7  }
0x3d: {  	s10 =	sadd.s32 $0x600, s19;
	[smem:$0x7DC] =	sst s9  }
0x3e: {  	s25 =	sadd.s32 $0xD00, s19;
	[smem:$0x7DD] =	sst s10  }
0x3f: {  	s26 =	sadd.s32 $0xE00, s19;
	[smem:$0x7E4] =	sst s25  }
0x40: {  	s8 =	sadd.s32 $0x1000, s19;
	[smem:$0x7E5] =	sst s26  }
0x41: {  	s12 =	sadd.s32 $0x1300, s19;
	[smem:$0x7E7] =	sst s8  }
0x42: {  	s13 =	sadd.s32 $0x1400, s19;
	[smem:$0x7EA] =	sst s12  }
0x43: {  	s14 =	sadd.s32 $0x1500, s19;
	[smem:$0x7EB] =	sst s13  }
0x44: {  	s17 =	sadd.s32 $0x1600, s19;
	[smem:$0x7EC] =	sst s14  }
0x45: {  	s18 =	sadd.s32 $0x1700, s19;
	[smem:$0x7ED] =	sst s17  }
0x46: {  	s20 =	sadd.s32 $0x1800, s19;
	[smem:$0x7EE] =	sst s18  }
0x47: {  	s7 =	sadd.s32 $0x1B00, s19;
	[smem:$0x7EF] =	sst s20  }
0x48: {  	s9 =	sadd.s32 $0x1100, s19;
	[smem:$0x7F2] =	sst s7  }
0x49: {  	s10 =	sadd.s32 $0x1200, s19;
	[smem:$0x7E8] =	sst s9  }
0x4a: {  	s25 =	sadd.s32 $0x1900, s19;
	[smem:$0x7E9] =	sst s10  }
0x4b: {  	s26 =	sadd.s32 $0x1A00, s19;
	[smem:$0x7F0] =	sst s25  }
0x4c: {  	s8 =	sadd.s32 $0x1C00, s19;
	[smem:$0x7F1] =	sst s26  }
0x4d: {  	s15 =	sadd.s32 $0x800, s11;
	s12 =	sadd.s32 $0x1F00, s19;
	[smem:$0x7F3] =	sst s8  }
0x4e: {  	s16 =	sadd.s32 $0x4000, s11;
	s13 =	sadd.s32 $0x2000, s19;
	[smem:$0x7F6] =	sst s12  }
0x4f: {  	s28 =	sadd.s32 $0x10000, s11;
	s14 =	sadd.s32 $0x2100, s19;
	[smem:$0x7F7] =	sst s13  }
0x50: {  	s29 =	sadd.s32 $0x10800, s11;
	s17 =	sadd.s32 $0x2200, s19;
	[smem:$0x7F8] =	sst s14  }
0x51: {  	s30 =	sadd.s32 $0x11000, s11;
	s18 =	sadd.s32 $0x2300, s19;
	[smem:$0x7F9] =	sst s17  }
0x52: {  	s31 =	sadd.s32 $0x11800, s11;
	s20 =	sadd.s32 $0x2400, s19;
	[smem:$0x7FA] =	sst s18  }
0x53: {  	s1 =	sadd.s32 $0x12000, s11;
	s9 =	sadd.s32 $0x1D00, s19;
	[smem:$0x7FB] =	sst s20  }
.Ltmp0:
0x54: {  	s10 =	sadd.s32 $0x1E00, s19;
	[smem:$0x7F4] =	sst s9;
	(pc) =	sbr.rel .LBB2_1-.Ltmp0, $4  }
0x55: {  	s6 =	simm.s32 $0x8A00;
	s25 =	sadd.s32 $0x2500, s19;
	[smem:$0x7F5] =	sst s10  }
0x56: {  	s23 =	sadd.s32 $0x12800, s11;
	s26 =	sadd.s32 $0x2600, s19;
	[smem:$0x7FC] =	sst s25  }
0x57: {  	s24 =	sadd.s32 $0x13000, s11;
	s7 =	simm.s32 $0xE;
	[smem:$0x7FD] =	sst s26  }
0x58: {  	s9 =	simm.s32 $0x50;
	s10 =	simm.s32 $0xD;
	s25 =	simm.s32 $0x0  }
.LBB2_10:
0x59: {  	s8 =	sld [smem:$0x7D7];
	_ =	sdelay $0x2  }
0x5a: {  	[tilespmem:s6], [sflag:$0xE] =	stream.linear.gather [spmem:s8], $0x800, $0x38;
	[tilespmem:$0x1D370] =	vst v63  }
0x5b: {  	_ =	swait.ge [sflag:s7], $0x800  }
0x5c: {  	[sflag:s7] =	ssyncset.done $0x0  }
0x5d: {  	s26 =	rddreg [dreg:$0x10];
	[sflag:s7] =	ssyncadd.s32 $0xFFFFF800  }
0x5e: {  	[hbm4b:s26+s4] =	stream.linear.scatter [tilespmem:s6], [sflag:$0xE], $0x800, $0x38;
	[tilespmem:$0x1D370] =	vst v63  }
0x5f: {  	_ =	swait.ge [sflag:s7], $0x800  }
0x60: {  	[sflag:s7] =	ssyncset.done $0x0  }
0x61: {  	[sflag:s7] =	ssyncadd.s32 $0xFFFFF800  }
.LBB2_12:
0x62: {  	s8 =	rddreg [dreg:$0x7];
	s12 =	simm.s32 $0x9200  }
0x63: {  	[tilespmem:s12], [sflag:$0xE] =	stream.linear.gather [spmem:s8], $0x3E8, $0x38;
	[tilespmem:$0x1D370] =	vst v63  }
0x64: {  	_ =	swait.ge [sflag:s7], $0x3E8  }
0x65: {  	[sflag:s7] =	ssyncset.done $0x0  }
0x66: {  	s26 =	rddreg [dreg:$0x11];
	[sflag:s7] =	ssyncadd.s32 $0xFFFFFC18  }
0x67: {  	[hbm4b:s26+s4] =	stream.linear.scatter [tilespmem:s12], [sflag:$0xE], $0x3E8, $0x38;
	[tilespmem:$0x1D370] =	vst v63  }
0x68: {  	_ =	swait.ge [sflag:s7], $0x3E8  }
0x69: {  	[sflag:s7] =	ssyncset.done $0x0  }
0x6a: {  	[sflag:s7] =	ssyncadd.s32 $0xFFFFFC18  }
.LBB2_13:
0x6b: {  	s25 =	sadd.s32 $0x1, s25;
	s8 =	rddreg [dreg:$0x12]  }
0x6c: {  	p2 =	sne.s32 s25, s8  }
.Ltmp1:
0x6d: {  	_ = 	snop;
	(pc) =	sbr.rel @!p2 .LBB2_14-.Ltmp1, $1  }
0x6e: {  	_ =	sdelay $0x3  }
.LBB2_1:
0x6f: {  	s8 =	simm.s32 @!p1 $0x0;
	s12 =	simm.s32 @!p1 $0x9200;
	s13 =	rddreg [dreg:$0x6]  }
0x70: {  	[tilespmem:s12], [sflag:$0xE] =	stream.linear.gather @!p1 [hbm4b:s13+s8], $0x400, $0x38;
	[tilespmem:$0x1D370] =	vst v63  }
0x71: {  	s13 =	simm.s32 @!p1 $0xE  }
0x72: {  	_ =	swait.ge @!p1 [sflag:s13], $0x400  }
0x73: {  	[sflag:s13] =	ssyncset.done @!p1 $0x0  }
0x74: {  	s14 =	rddreg [dreg:$0x7];
	[sflag:s13] =	ssyncadd.s32 @!p1 $0xFFFFFC00  }
0x75: {  	[spmem:s14] =	stream.linear.scatter @!p1 [tilespmem:s12], [sflag:$0xE], $0x3E8, $0x38;
	[tilespmem:$0x1D370] =	vst v63  }
0x76: {  	_ =	swait.ge @!p1 [sflag:s13], $0x3E8  }
0x77: {  	[sflag:s13] =	ssyncset.done @!p1 $0x0  }
0x78: {  	s14 =	rddreg [dreg:$0x8];
	[sflag:s13] =	ssyncadd.s32 @!p1 $0xFFFFFC18  }
0x79: {  	[tilespmem:s12], [sflag:$0xE] =	stream.linear.gather @!p1 [hbm4b:s14+s8], $0x3E8, $0x38;
	[tilespmem:$0x1D370] =	vst v63  }
0x7a: {  	_ =	swait.ge @!p1 [sflag:s13], $0x3E8  }
0x7b: {  	[sflag:s13] =	ssyncset.done @!p1 $0x0  }
0x7c: {  	s8 =	rddreg [dreg:$0x9];
	[sflag:s13] =	ssyncadd.s32 @!p1 $0xFFFFFC18  }
0x7d: {  	[spmem:s8] =	stream.linear.scatter @!p1 [tilespmem:s12], [sflag:$0xE], $0x3E8, $0x38;
	[tilespmem:$0x1D370] =	vst v63  }
0x7e: {  	_ =	swait.ge @!p1 [sflag:s13], $0x3E8  }
0x7f: {  	[sflag:s13] =	ssyncset.done @!p1 $0x0  }
0x80: {  	s17 =	rddreg [dreg:$0x5];
	[sflag:s13] =	ssyncadd.s32 @!p1 $0xFFFFFC18  }
0x81: {  	[tilespmem:s6], [sflag:$0xE] =	stream.linear.gather [hbm4b:s17+s4], $0x800, $0x38;
	[tilespmem:$0x1D370] =	vst v63  }
0x82: {  	_ =	swait.ge [sflag:s7], $0x800  }
0x83: {  	[sflag:s7] =	ssyncset.done $0x0  }
0x84: {  	[sflag:s7] =	ssyncadd.s32 $0xFFFFF800  }
0x85: {  	[spmem:s11] =	stream.linear.scatter [tilespmem:s6], [sflag:$0xE], $0x800, $0x38;
	[tilespmem:$0x1D370] =	vst v63  }
0x86: {  	_ =	swait.ge [sflag:s7], $0x800  }
0x87: {  	[sflag:s7] =	ssyncset.done $0x0  }
0x88: {  	[sflag:s7] =	ssyncadd.s32 $0xFFFFF800  }
0x89: {  	[spmem:s15] =	stream.linear.scatter [tilespmem:s6], [sflag:$0xE], $0x800, $0x38;
	[tilespmem:$0x1D370] =	vst v63  }
0x8a: {  	_ =	swait.ge [sflag:s7], $0x800  }
0x8b: {  	[sflag:s7] =	ssyncset.done $0x0  }
0x8c: {  	s18 =	rddreg [dreg:$0xa];
	[sflag:s7] =	ssyncadd.s32 $0xFFFFF800  }
0x8d: {  	[spmem:s18] =	stream.linear.scatter [tilespmem:s6], [sflag:$0xE], $0x800, $0x38;
	[tilespmem:$0x1D370] =	vst v63  }
0x8e: {  	_ =	swait.ge [sflag:s7], $0x800  }
0x8f: {  	[sflag:s7] =	ssyncset.done $0x0  }
0x90: {  	s26 =	rddreg [dreg:$0xb];
	[sflag:s7] =	ssyncadd.s32 $0xFFFFF800  }
0x91: {  	[spmem:s26] =	stream.linear.scatter [tilespmem:s6], [sflag:$0xE], $0x800, $0x38;
	[tilespmem:$0x1D370] =	vst v63  }
0x92: {  	_ =	swait.ge [sflag:s7], $0x800  }
0x93: {  	[sflag:s7] =	ssyncset.done $0x0  }
0x94: {  	s12 =	rddreg [dreg:$0xc];
	[sflag:s7] =	ssyncadd.s32 $0xFFFFF800  }
0x95: {  	[spmem:s12] =	stream.linear.scatter [tilespmem:s6], [sflag:$0xE], $0x800, $0x38;
	[tilespmem:$0x1D370] =	vst v63  }
0x96: {  	_ =	swait.ge [sflag:s7], $0x800  }
0x97: {  	[sflag:s7] =	ssyncset.done $0x0  }
0x98: {  	s13 =	rddreg [dreg:$0xd];
	[sflag:s7] =	ssyncadd.s32 $0xFFFFF800  }
0x99: {  	[spmem:s13] =	stream.linear.scatter [tilespmem:s6], [sflag:$0xE], $0x800, $0x38;
	[tilespmem:$0x1D370] =	vst v63  }
0x9a: {  	_ =	swait.ge [sflag:s7], $0x800  }
0x9b: {  	[sflag:s7] =	ssyncset.done $0x0  }
0x9c: {  	s14 =	rddreg [dreg:$0xe];
	[sflag:s7] =	ssyncadd.s32 $0xFFFFF800  }
0x9d: {  	[spmem:s14] =	stream.linear.scatter [tilespmem:s6], [sflag:$0xE], $0x800, $0x38;
	[tilespmem:$0x1D370] =	vst v63  }
0x9e: {  	_ =	swait.ge [sflag:s7], $0x800  }
0x9f: {  	[sflag:s7] =	ssyncset.done $0x0  }
0xa0: {  	s20 =	smov.u32 s15;
	s15 =	rddreg [dreg:$0xf];
	[sflag:s7] =	ssyncadd.s32 $0xFFFFF800  }
0xa1: {  	[spmem:s15] =	stream.linear.scatter [tilespmem:s6], [sflag:$0xE], $0x800, $0x38;
	[tilespmem:$0x1D370] =	vst v63  }
0xa2: {  	_ =	swait.ge [sflag:s7], $0x800  }
0xa3: {  	[sflag:s7] =	ssyncset.done $0x0  }
0xa4: {  	[sflag:s7] =	ssyncadd.s32 $0xFFFFF800  }
0xa5: {  	[spmem:s16] =	stream.linear.scatter [tilespmem:s6], [sflag:$0xE], $0x800, $0x38;
	[tilespmem:$0x1D370] =	vst v63  }
0xa6: {  	_ =	swait.ge [sflag:s7], $0x800  }
0xa7: {  	[sflag:s7] =	ssyncset.done $0x0  }
0xa8: {  	s26 =	smov.u32 s16;
	s16 =	rddreg [dreg:$0x13];
	[sflag:s7] =	ssyncadd.s32 $0xFFFFF800  }
0xa9: {  	[spmem:s16] =	stream.linear.scatter [tilespmem:s6], [sflag:$0xE], $0x800, $0x38;
	[tilespmem:$0x1D370] =	vst v63  }
0xaa: {  	_ =	swait.ge [sflag:s7], $0x800  }
0xab: {  	[sflag:s7] =	ssyncset.done $0x0  }
0xac: {  	s17 =	rddreg [dreg:$0x14];
	[sflag:s7] =	ssyncadd.s32 $0xFFFFF800  }
0xad: {  	[spmem:s17] =	stream.linear.scatter [tilespmem:s6], [sflag:$0xE], $0x800, $0x38;
	[tilespmem:$0x1D370] =	vst v63  }
0xae: {  	_ =	swait.ge [sflag:s7], $0x800  }
0xaf: {  	[sflag:s7] =	ssyncset.done $0x0  }
0xb0: {  	s18 =	rddreg [dreg:$0x15];
	[sflag:s7] =	ssyncadd.s32 $0xFFFFF800  }
0xb1: {  	[spmem:s18] =	stream.linear.scatter [tilespmem:s6], [sflag:$0xE], $0x800, $0x38;
	[tilespmem:$0x1D370] =	vst v63  }
0xb2: {  	_ =	swait.ge [sflag:s7], $0x800  }
0xb3: {  	[sflag:s7] =	ssyncset.done $0x0  }
0xb4: {  	s12 =	rddreg [dreg:$0x16];
	[sflag:s7] =	ssyncadd.s32 $0xFFFFF800  }
0xb5: {  	[spmem:s12] =	stream.linear.scatter [tilespmem:s6], [sflag:$0xE], $0x800, $0x38;
	[tilespmem:$0x1D370] =	vst v63  }
0xb6: {  	_ =	swait.ge [sflag:s7], $0x800  }
0xb7: {  	[sflag:s7] =	ssyncset.done $0x0  }
0xb8: {  	s13 =	rddreg [dreg:$0x17];
	[sflag:s7] =	ssyncadd.s32 $0xFFFFF800  }
0xb9: {  	[spmem:s13] =	stream.linear.scatter [tilespmem:s6], [sflag:$0xE], $0x800, $0x38;
	[tilespmem:$0x1D370] =	vst v63  }
0xba: {  	_ =	swait.ge [sflag:s7], $0x800  }
0xbb: {  	[sflag:s7] =	ssyncset.done $0x0  }
0xbc: {  	s14 =	rddreg [dreg:$0x18];
	[sflag:s7] =	ssyncadd.s32 $0xFFFFF800  }
0xbd: {  	[spmem:s14] =	stream.linear.scatter [tilespmem:s6], [sflag:$0xE], $0x800, $0x38;
	[tilespmem:$0x1D370] =	vst v63  }
0xbe: {  	_ =	swait.ge [sflag:s7], $0x800  }
0xbf: {  	[sflag:s7] =	ssyncset.done $0x0  }
0xc0: {  	s15 =	rddreg [dreg:$0x19];
	[sflag:s7] =	ssyncadd.s32 $0xFFFFF800  }
0xc1: {  	[spmem:s15] =	stream.linear.scatter [tilespmem:s6], [sflag:$0xE], $0x800, $0x38;
	[tilespmem:$0x1D370] =	vst v63  }
0xc2: {  	_ =	swait.ge [sflag:s7], $0x800  }
0xc3: {  	[sflag:s7] =	ssyncset.done $0x0  }
0xc4: {  	s16 =	rddreg [dreg:$0x1a];
	[sflag:s7] =	ssyncadd.s32 $0xFFFFF800  }
0xc5: {  	[spmem:s16] =	stream.linear.scatter [tilespmem:s6], [sflag:$0xE], $0x800, $0x38;
	[tilespmem:$0x1D370] =	vst v63  }
0xc6: {  	_ =	swait.ge [sflag:s7], $0x800  }
0xc7: {  	[sflag:s7] =	ssyncset.done $0x0  }
0xc8: {  	s17 =	rddreg [dreg:$0x1b];
	[sflag:s7] =	ssyncadd.s32 $0xFFFFF800  }
0xc9: {  	[spmem:s17] =	stream.linear.scatter [tilespmem:s6], [sflag:$0xE], $0x800, $0x38;
	[tilespmem:$0x1D370] =	vst v63  }
0xca: {  	_ =	swait.ge [sflag:s7], $0x800  }
0xcb: {  	[sflag:s7] =	ssyncset.done $0x0  }
0xcc: {  	s18 =	rddreg [dreg:$0x1c];
	[sflag:s7] =	ssyncadd.s32 $0xFFFFF800  }
0xcd: {  	[spmem:s18] =	stream.linear.scatter [tilespmem:s6], [sflag:$0xE], $0x800, $0x38;
	[tilespmem:$0x1D370] =	vst v63  }
0xce: {  	_ =	swait.ge [sflag:s7], $0x800  }
0xcf: {  	[sflag:s7] =	ssyncset.done $0x0  }
0xd0: {  	s12 =	rddreg [dreg:$0x1d];
	[sflag:s7] =	ssyncadd.s32 $0xFFFFF800  }
0xd1: {  	[spmem:s12] =	stream.linear.scatter [tilespmem:s6], [sflag:$0xE], $0x800, $0x38;
	[tilespmem:$0x1D370] =	vst v63  }
0xd2: {  	_ =	swait.ge [sflag:s7], $0x800  }
0xd3: {  	[sflag:s7] =	ssyncset.done $0x0  }
0xd4: {  	s13 =	rddreg [dreg:$0x1e];
	[sflag:s7] =	ssyncadd.s32 $0xFFFFF800  }
0xd5: {  	[spmem:s13] =	stream.linear.scatter [tilespmem:s6], [sflag:$0xE], $0x800, $0x38;
	[tilespmem:$0x1D370] =	vst v63  }
0xd6: {  	_ =	swait.ge [sflag:s7], $0x800  }
0xd7: {  	[sflag:s7] =	ssyncset.done $0x0  }
0xd8: {  	s14 =	rddreg [dreg:$0x1f];
	[sflag:s7] =	ssyncadd.s32 $0xFFFFF800  }
0xd9: {  	[spmem:s14] =	stream.linear.scatter [tilespmem:s6], [sflag:$0xE], $0x800, $0x38;
	[tilespmem:$0x1D370] =	vst v63  }
0xda: {  	_ =	swait.ge [sflag:s7], $0x800  }
0xdb: {  	s15 =	sld [smem:$0x7CD]  }
0xdc: {  	[sflag:s7] =	ssyncset.done $0x0  }
0xdd: {  	[sflag:s7] =	ssyncadd.s32 $0xFFFFF800  }
0xde: {  	[spmem:s15] =	stream.linear.scatter [tilespmem:s6], [sflag:$0xE], $0x800, $0x38;
	[tilespmem:$0x1D370] =	vst v63  }
0xdf: {  	_ =	swait.ge [sflag:s7], $0x800  }
0xe0: {  	s16 =	sld [smem:$0x7CE]  }
0xe1: {  	[sflag:s7] =	ssyncset.done $0x0  }
0xe2: {  	[sflag:s7] =	ssyncadd.s32 $0xFFFFF800  }
0xe3: {  	[spmem:s16] =	stream.linear.scatter [tilespmem:s6], [sflag:$0xE], $0x800, $0x38;
	[tilespmem:$0x1D370] =	vst v63  }
0xe4: {  	_ =	swait.ge [sflag:s7], $0x800  }
0xe5: {  	s17 =	sld [smem:$0x7CF]  }
0xe6: {  	[sflag:s7] =	ssyncset.done $0x0  }
0xe7: {  	[sflag:s7] =	ssyncadd.s32 $0xFFFFF800  }
0xe8: {  	[spmem:s17] =	stream.linear.scatter [tilespmem:s6], [sflag:$0xE], $0x800, $0x38;
	[tilespmem:$0x1D370] =	vst v63  }
0xe9: {  	_ =	swait.ge [sflag:s7], $0x800  }
0xea: {  	s18 =	sld [smem:$0x7D0]  }
0xeb: {  	[sflag:s7] =	ssyncset.done $0x0  }
0xec: {  	[sflag:s7] =	ssyncadd.s32 $0xFFFFF800  }
0xed: {  	[spmem:s18] =	stream.linear.scatter [tilespmem:s6], [sflag:$0xE], $0x800, $0x38;
	[tilespmem:$0x1D370] =	vst v63  }
0xee: {  	_ =	swait.ge [sflag:s7], $0x800  }
0xef: {  	s12 =	sld [smem:$0x7D1]  }
0xf0: {  	[sflag:s7] =	ssyncset.done $0x0  }
0xf1: {  	[sflag:s7] =	ssyncadd.s32 $0xFFFFF800  }
0xf2: {  	[spmem:s12] =	stream.linear.scatter [tilespmem:s6], [sflag:$0xE], $0x800, $0x38;
	[tilespmem:$0x1D370] =	vst v63  }
0xf3: {  	_ =	swait.ge [sflag:s7], $0x800  }
0xf4: {  	s13 =	sld [smem:$0x7D2]  }
0xf5: {  	[sflag:s7] =	ssyncset.done $0x0  }
0xf6: {  	[sflag:s7] =	ssyncadd.s32 $0xFFFFF800  }
0xf7: {  	[spmem:s13] =	stream.linear.scatter [tilespmem:s6], [sflag:$0xE], $0x800, $0x38;
	[tilespmem:$0x1D370] =	vst v63  }
0xf8: {  	_ =	swait.ge [sflag:s7], $0x800  }
0xf9: {  	s14 =	sld [smem:$0x7D3]  }
0xfa: {  	[sflag:s7] =	ssyncset.done $0x0  }
0xfb: {  	[sflag:s7] =	ssyncadd.s32 $0xFFFFF800  }
0xfc: {  	[spmem:s14] =	stream.linear.scatter [tilespmem:s6], [sflag:$0xE], $0x800, $0x38;
	[tilespmem:$0x1D370] =	vst v63  }
0xfd: {  	_ =	swait.ge [sflag:s7], $0x800  }
0xfe: {  	s15 =	sld [smem:$0x7D4]  }
0xff: {  	[sflag:s7] =	ssyncset.done $0x0  }
0x100: {  	[sflag:s7] =	ssyncadd.s32 $0xFFFFF800  }
0x101: {  	[spmem:s15] =	stream.linear.scatter [tilespmem:s6], [sflag:$0xE], $0x800, $0x38;
	[tilespmem:$0x1D370] =	vst v63  }
0x102: {  	_ =	swait.ge [sflag:s7], $0x800  }
0x103: {  	s16 =	sld [smem:$0x7D5]  }
0x104: {  	[sflag:s7] =	ssyncset.done $0x0  }
0x105: {  	[sflag:s7] =	ssyncadd.s32 $0xFFFFF800  }
0x106: {  	[spmem:s16] =	stream.linear.scatter [tilespmem:s6], [sflag:$0xE], $0x800, $0x38;
	[tilespmem:$0x1D370] =	vst v63  }
0x107: {  	_ =	swait.ge [sflag:s7], $0x800  }
0x108: {  	s17 =	sld [smem:$0x7D6]  }
0x109: {  	[sflag:s7] =	ssyncset.done $0x0  }
0x10a: {  	[sflag:s7] =	ssyncadd.s32 $0xFFFFF800  }
0x10b: {  	[spmem:s17] =	stream.linear.scatter [tilespmem:s6], [sflag:$0xE], $0x800, $0x38;
	[tilespmem:$0x1D370] =	vst v63  }
0x10c: {  	_ =	swait.ge [sflag:s7], $0x800  }
0x10d: {  	[sflag:s7] =	ssyncset.done $0x0  }
0x10e: {  	[sflag:s7] =	ssyncadd.s32 $0xFFFFF800  }
0x10f: {  	[spmem:s28] =	stream.linear.scatter [tilespmem:s6], [sflag:$0xE], $0x800, $0x38;
	[tilespmem:$0x1D370] =	vst v63  }
0x110: {  	_ =	swait.ge [sflag:s7], $0x800  }
0x111: {  	[sflag:s7] =	ssyncset.done $0x0  }
0x112: {  	[sflag:s7] =	ssyncadd.s32 $0xFFFFF800  }
0x113: {  	[spmem:s29] =	stream.linear.scatter [tilespmem:s6], [sflag:$0xE], $0x800, $0x38;
	[tilespmem:$0x1D370] =	vst v63  }
0x114: {  	_ =	swait.ge [sflag:s7], $0x800  }
0x115: {  	[sflag:s7] =	ssyncset.done $0x0  }
0x116: {  	[sflag:s7] =	ssyncadd.s32 $0xFFFFF800  }
0x117: {  	[spmem:s30] =	stream.linear.scatter [tilespmem:s6], [sflag:$0xE], $0x800, $0x38;
	[tilespmem:$0x1D370] =	vst v63  }
0x118: {  	_ =	swait.ge [sflag:s7], $0x800  }
0x119: {  	[sflag:s7] =	ssyncset.done $0x0  }
0x11a: {  	[sflag:s7] =	ssyncadd.s32 $0xFFFFF800  }
0x11b: {  	[spmem:s31] =	stream.linear.scatter [tilespmem:s6], [sflag:$0xE], $0x800, $0x38;
	[tilespmem:$0x1D370] =	vst v63  }
0x11c: {  	_ =	swait.ge [sflag:s7], $0x800  }
0x11d: {  	[sflag:s7] =	ssyncset.done $0x0  }
0x11e: {  	[sflag:s7] =	ssyncadd.s32 $0xFFFFF800  }
0x11f: {  	[spmem:s1] =	stream.linear.scatter [tilespmem:s6], [sflag:$0xE], $0x800, $0x38;
	[tilespmem:$0x1D370] =	vst v63  }
0x120: {  	_ =	swait.ge [sflag:s7], $0x800  }
0x121: {  	[sflag:s7] =	ssyncset.done $0x0  }
0x122: {  	[sflag:s7] =	ssyncadd.s32 $0xFFFFF800  }
0x123: {  	[spmem:s23] =	stream.linear.scatter [tilespmem:s6], [sflag:$0xE], $0x800, $0x38;
	[tilespmem:$0x1D370] =	vst v63  }
0x124: {  	_ =	swait.ge [sflag:s7], $0x800  }
0x125: {  	[sflag:s7] =	ssyncset.done $0x0  }
0x126: {  	[sflag:s7] =	ssyncadd.s32 $0xFFFFF800  }
0x127: {  	[spmem:s24] =	stream.linear.scatter [tilespmem:s6], [sflag:$0xE], $0x800, $0x38;
	[tilespmem:$0x1D370] =	vst v63  }
0x128: {  	_ =	swait.ge [sflag:s7], $0x800  }
0x129: {  	s12 =	sld [smem:$0x7D7]  }
0x12a: {  	[sflag:s7] =	ssyncset.done $0x0  }
0x12b: {  	s8 =	simm.s32 @!p0 $0x8A00;
	[sflag:s7] =	ssyncadd.s32 $0xFFFFF800  }
0x12c: {  	[spmem:s12] =	stream.linear.scatter @!p0 [tilespmem:s8], [sflag:$0xE], $0x800, $0x38;
	[tilespmem:$0x1D370] =	vst v63  }
0x12d: {  	s8 =	simm.s32 @!p0 $0xE  }
0x12e: {  	_ =	swait.ge @!p0 [sflag:s8], $0x800  }
0x12f: {  	[sflag:s8] =	ssyncset.done @!p0 $0x0  }
0x130: {  	[sflag:s8] =	ssyncadd.s32 @!p0 $0xFFFFF800  }
0x131: {  	[tilespmem:s4], [sflag:$0xE] =	stream.linear.gather [hbm4b:s21+s4], $0x280, $0x38;
	[tilespmem:$0x1D370] =	vst v63  }
0x132: {  	_ =	swait.ge [sflag:s7], $0x280  }
0x133: {  	[sflag:s7] =	ssyncset.done $0x0  }
0x134: {  	s18 =	simm.s32 $0x800;
	[sflag:s7] =	ssyncadd.s32 $0xFFFFFD80  }
0x135: {  	[tilespmem:s18], [sflag:$0xE] =	stream.linear.gather [hbm4b:s22+s4], $0x280, $0x38;
	[tilespmem:$0x1D370] =	vst v63  }
0x136: {  	_ =	swait.ge [sflag:s7], $0x280  }
0x137: {  	[sflag:s7] =	ssyncset.done $0x0  }
0x138: {  	[sflag:s7] =	ssyncadd.s32 $0xFFFFFD80  }
0x139: {  	s13 =	simm.s32 $0x1000;
	[bflag:$0x0] =	sbarrier.arrive $0xFFFF  }
0x13a: {  	[tilespmem:s13], [sflag:$0x1] =	stream.indirect.gather [hbm4b:s5+s9], $0x80, s4, s9, $0xb8;
	[tilespmem:$0x1D370] =	vst v63  }
0x13b: {  	s14 =	simm.s32 $0x8800  }
0x13c: {  	[tilespmem:s14], [sflag:$0x4] =	stream.indirect.gather [spmem:s3], $0x1, s18, s9, $0xb8;
	[tilespmem:$0x1D370] =	vst v63  }
0x13d: {  	s15 =	simm.s32 $0x80;
	s16 =	simm.s32 $0x3800  }
0x13e: {  	[tilespmem:s16], [sflag:$0x2] =	stream.indirect.gather [hbm4b:s5+s9], $0x80, s15, s9, $0xb8;
	[tilespmem:$0x1D370] =	vst v63  }
0x13f: {  	s17 =	simm.s32 $0x880;
	s8 =	simm.s32 $0x0;
	s18 =	simm.s32 $0x8880  }
0x140: {  	[tilespmem:s18], [sflag:$0x5] =	stream.indirect.gather [spmem:s3], $0x1, s17, s9, $0xb8;
	[tilespmem:$0x1D370] =	vst v63  }
.LBB2_2:
0x141: {  	s12 =	smul.u32 $0xAB, s8;
	_ =	sdelay $0x1  }
0x142: {  	s12 =	sshrl.u32 s12, $0x9  }
0x143: {  	s12 =	sand.u32 $0x7F, s12  }
0x144: {  	p2 =	seq.s32 s8, $0x0;
	s12 =	smul.u32 $0x3, s12  }
0x145: {  	s13 =	sadd.s32 @!p2 $0xFFFFFFFF, s8  }
0x146: {  	s14 =	sand.u32 @!p2 $0xFF, s13;
	s12 =	ssub.s32 s8, s12  }
0x147: {  	s14 =	smul.u32 @!p2 $0xAB, s14;
	s12 =	sand.u32 $0xFF, s12  }
0x148: {  	s15 =	sadd.s32 $0x1, s12  }
0x149: {  	s16 =	smul.u32 $0xCD, s8;
	s14 =	sshrl.u32 @!p2 s14, $0x9;
	_ =	swait.ge [sflag:s15], $0x2800  }
0x14a: {  	s14 =	smul.u32 @!p2 $0x3, s14;
	[sflag:s15] =	ssyncset.done $0x0  }
0x14b: {  	s17 =	sor.u32 $0x4, s12;
	[sflag:s15] =	ssyncadd.s32 $0xFFFFD800  }
0x14c: {  	s16 =	sshrl.u32 s16, $0xA;
	s14 =	ssub.s32 @!p2 s13, s14;
	_ =	swait.ge [sflag:s17], $0x50  }
0x14d: {  	s13 =	sand.u32 $0x3F, s16;
	s16 =	sand.u32 @!p2 $0xFF, s14;
	[sflag:s17] =	ssyncset.done $0x0  }
0x14e: {  	s18 =	smul.u32 $0x5, s13;
	s15 =	sadd.s32 @!p2 $0x7, s16;
	[sflag:s17] =	ssyncadd.s32 $0xFFFFFFB0  }
0x14f: {  	_ =	swait.ge @!p2 [sflag:s15], $0x2800  }
0x150: {  	p3 =	sgt.u32 s8, $0x77;
	s14 =	ssub.s32 s8, s18;
	[sflag:s15] =	ssyncset.done @!p2 $0x0  }
0x151: {  	[sflag:s15] =	ssyncadd.s32 @!p2 $0xFFFFD800;
	s15 =	sand.u32 @!p3 $0xFF, s14  }
0x152: {  	p4 =	sne.s32 @!p3 s15, $0x0  }
0x153: {  	p4 =	por p3, p4  }
.Ltmp2:
0x154: {  	_ = 	snop;
	(pc) =	sbr.rel @p4 .LBB2_4-.Ltmp2, $4  }
0x155: {  	s16 =	sadd.s32 @!p2 $0xA, s16  }
0x156: {  	_ =	swait.ge @!p2 [sflag:s16], $0x50  }
0x157: {  	[sflag:s16] =	ssyncset.done @!p2 $0x0  }
0x158: {  	[sflag:s16] =	ssyncadd.s32 @!p2 $0xFFFFFFB0  }
0x159: {  	s15 =	sadd.s32 $0x1, s13  }
.Ltmp3:
0x15a: {  	s16 =	sshll.u32 s15, $0xA;
	s15 =	sshll.u32 s15, $0x7;
	(pc) =	sbr.rel .LBB2_7-.Ltmp3, $4  }
0x15b: {  	s16 =	sand.u32 $0x400, s16;
	s17 =	sadd.s32 s21, s15  }
0x15c: {  	[tilespmem:s16], [sflag:$0xD] =	stream.linear.gather [hbm4b:s17+s4], $0x280, $0x38;
	[tilespmem:$0x1D370] =	vst v63  }
0x15d: {  	s15 =	sadd.s32 s22, s15;
	s16 =	sor.u32 $0x800, s16  }
0x15e: {  	[tilespmem:s16], [sflag:$0xD] =	stream.linear.gather [hbm4b:s15+s4], $0x280, $0x38;
	[tilespmem:$0x1D370] =	vst v63  }
.LBB2_4:
0x15f: {  	p2 =	sne.s32 @!p3 s15, $0x2  }
0x160: {  	p2 =	por p3, p2  }
.Ltmp4:
0x161: {  	_ = 	snop;
	(pc) =	sbr.rel @p2 .LBB2_6-.Ltmp4, $1  }
0x162: {  	_ =	sdelay $0x3  }
0x163: {  	_ =	swait.ge [sflag:s10], $0x280  }
0x164: {  	[sflag:s10] =	ssyncset.done $0x0  }
0x165: {  	[sflag:s10] =	ssyncadd.s32 $0xFFFFFD80  }
0x166: {  	_ =	swait.ge [sflag:s10], $0x280  }
0x167: {  	[sflag:s10] =	ssyncset.done $0x0  }
0x168: {  	[sflag:s10] =	ssyncadd.s32 $0xFFFFFD80  }
.LBB2_7:
0x169: {  	s15 =	sadd.s32 $0x2, s8  }
0x16a: {  	s16 =	sand.u32 $0xFF, s15  }
0x16b: {  	s17 =	smul.u32 $0xAB, s16;
	_ =	sdelay $0x1  }
0x16c: {  	s16 =	smul.u32 $0xCD, s16;
	s17 =	sshrl.u32 s17, $0x9  }
0x16d: {  	s17 =	smul.u32 $0x3, s17  }
0x16e: {  	s18 =	sshrl.u32 s16, $0xA  }
0x16f: {  	s18 =	smul.u32 $0x5, s18;
	s17 =	ssub.s32 s15, s17  }
0x170: {  	s17 =	sand.u32 $0xFF, s17  }
0x171: {  	s15 =	ssub.s32 s15, s18;
	s18 =	smul.u32 $0xA000, s17  }
0x172: {  	s15 =	sand.u32 $0xFF, s15  }
0x173: {  	s16 =	sand.u32 $0x400, s16;
	s15 =	sshll.u32 s15, $0x7;
	s18 =	sshrl.u32 s18, $0x2  }
0x174: {  	s15 =	sor.u32 s15, s16;
	s16 =	sadd.s32 $0x1, s17;
	s18 =	sadd.s32 $0x1000, s18  }
0x175: {  	[tilespmem:s18], [sflag:s16] =	stream.indirect.gather [hbm4b:s5+s9], $0x80, s15, s9, $0xb8;
	[tilespmem:$0x1D370] =	vst v63  }
0x176: {  	s18 =	sshll.u32 s17, $0x7  }
0x177: {  	s15 =	sor.u32 $0x800, s15;
	s17 =	sor.u32 $0x4, s17;
	s16 =	sor.u32 $0x8800, s18  }
0x178: {  	[tilespmem:s16], [sflag:s17] =	stream.indirect.gather [spmem:s3], $0x1, s15, s9, $0xb8;
	[tilespmem:$0x1D370] =	vst v63  }
.LBB2_8:
0x179: {  	s15 =	smul.u32 $0xA000, s12;
	s14 =	sand.u32 $0xFF, s14;
	s13 =	sshll.u32 s13, $0xA  }
0x17a: {  	s18 =	sshll.u32 s12, $0x7;
	s17 =	sadd.s32 $0x7, s12;
	s8 =	sadd.s32 $0x1, s8  }
0x17b: {  	s13 =	sand.u32 $0x400, s13;
	s14 =	sshll.u32 s14, $0x7;
	p2 =	sne.s32 s8, $0x7D  }
.Ltmp5:
0x17c: {  	s15 =	sshrl.u32 s15, $0x2;
	s13 =	sadd.s32 s14, s13;
	(pc) =	sbr.rel @p2 .LBB2_2-.Ltmp5, $4  }
.Ltmp6:
0x17d: {  	s15 =	sadd.s32 $0x1000, s15;
	s16 =	sadd.s32 $0x800, s13;
	(pc) =	sbr.rel @!p2 .LBB2_9-.Ltmp6, $4  }
0x17e: {  	[spmem:s0] =	stream.indirect.scatter.add.f32 [tilespmem:s15], [sflag:s17], $0x80, s16, s9, $0xb8;
	[tilespmem:$0x1D370] =	vst v63  }
0x17f: {  	s14 =	sor.u32 $0x8800, s18;
	s18 =	sadd.s32 $0xA, s12  }
0x180: {  	[spmem:s2] =	stream.indirect.scatter.add.f32 [tilespmem:s14], [sflag:s18], $0x1, s13, s9, $0xb8;
	[tilespmem:$0x1D370] =	vst v63  }
0x181: {  	_ = 	snop  }
.LBB2_6:
0x182: {  	p2 =	sgt.u32 s8, $0x7A  }
.Ltmp7:
0x183: {  	_ = 	snop;
	(pc) =	sbr.rel @p2 .LBB2_8-.Ltmp7, $4  }
.Ltmp8:
0x184: {  	_ = 	snop;
	(pc) =	sbr.rel @!p2 .LBB2_7-.Ltmp8, $4  }
0x185: {  	_ = 	snop  }
0x186: {  	_ = 	snop  }
0x187: {  	_ = 	snop  }
0x188: {  	_ = 	snop  }
.LBB2_9:
0x189: {  	s8 =	simm.s32 $0x8  }
0x18a: {  	_ =	swait.ge [sflag:s8], $0x2800  }
0x18b: {  	[sflag:s8] =	ssyncset.done $0x0  }
0x18c: {  	s15 =	simm.s32 $0xB;
	[sflag:s8] =	ssyncadd.s32 $0xFFFFD800  }
0x18d: {  	_ =	swait.ge [sflag:s15], $0x50  }
0x18e: {  	[sflag:s15] =	ssyncset.done $0x0  }
0x18f: {  	[sflag:s15] =	ssyncadd.s32 $0xFFFFFFB0  }
0x190: {  	[bflag:$0x0] =	sbarrier.arrive $0xFFFF  }
0x191: {  	[tilespmem:s6], [sflag:$0xE] =	stream.linear.gather [spmem:s11], $0x800, $0x38;
	[tilespmem:$0x1D370] =	vst v63  }
0x192: {  	_ =	swait.ge [sflag:s7], $0x800  }
0x193: {  	[sflag:s7] =	ssyncset.done $0x0  }
0x194: {  	[sflag:s7] =	ssyncadd.s32 $0xFFFFF800  }
0x195: {  	[hbm4b:s19+s4] =	stream.linear.scatter [tilespmem:s6], [sflag:$0xE], $0x800, $0x38;
	[tilespmem:$0x1D370] =	vst v63  }
0x196: {  	_ =	swait.ge [sflag:s7], $0x800  }
0x197: {  	[sflag:s7] =	ssyncset.done $0x0  }
0x198: {  	[sflag:s7] =	ssyncadd.s32 $0xFFFFF800  }
0x199: {  	[tilespmem:s6], [sflag:$0xE] =	stream.linear.gather [spmem:s20], $0x800, $0x38;
	[tilespmem:$0x1D370] =	vst v63  }
0x19a: {  	_ =	swait.ge [sflag:s7], $0x800  }
0x19b: {  	s16 =	sld [smem:$0x7D8]  }
0x19c: {  	[sflag:s7] =	ssyncset.done $0x0  }
0x19d: {  	[sflag:s7] =	ssyncadd.s32 $0xFFFFF800  }
0x19e: {  	[hbm4b:s16+s4] =	stream.linear.scatter [tilespmem:s6], [sflag:$0xE], $0x800, $0x38;
	[tilespmem:$0x1D370] =	vst v63  }
0x19f: {  	_ =	swait.ge [sflag:s7], $0x800  }
0x1a0: {  	[sflag:s7] =	ssyncset.done $0x0  }
0x1a1: {  	s17 =	rddreg [dreg:$0xa];
	[sflag:s7] =	ssyncadd.s32 $0xFFFFF800  }
0x1a2: {  	[tilespmem:s6], [sflag:$0xE] =	stream.linear.gather [spmem:s17], $0x800, $0x38;
	[tilespmem:$0x1D370] =	vst v63  }
0x1a3: {  	_ =	swait.ge [sflag:s7], $0x800  }
0x1a4: {  	s18 =	sld [smem:$0x7D9]  }
0x1a5: {  	[sflag:s7] =	ssyncset.done $0x0  }
0x1a6: {  	[sflag:s7] =	ssyncadd.s32 $0xFFFFF800  }
0x1a7: {  	[hbm4b:s18+s4] =	stream.linear.scatter [tilespmem:s6], [sflag:$0xE], $0x800, $0x38;
	[tilespmem:$0x1D370] =	vst v63  }
0x1a8: {  	_ =	swait.ge [sflag:s7], $0x800  }
0x1a9: {  	[sflag:s7] =	ssyncset.done $0x0  }
0x1aa: {  	s15 =	smov.u32 s20;
	s20 =	rddreg [dreg:$0xb];
	[sflag:s7] =	ssyncadd.s32 $0xFFFFF800  }
0x1ab: {  	[tilespmem:s6], [sflag:$0xE] =	stream.linear.gather [spmem:s20], $0x800, $0x38;
	[tilespmem:$0x1D370] =	vst v63  }
0x1ac: {  	_ =	swait.ge [sflag:s7], $0x800  }
0x1ad: {  	s12 =	sld [smem:$0x7DA]  }
0x1ae: {  	[sflag:s7] =	ssyncset.done $0x0  }
0x1af: {  	[sflag:s7] =	ssyncadd.s32 $0xFFFFF800  }
0x1b0: {  	[hbm4b:s12+s4] =	stream.linear.scatter [tilespmem:s6], [sflag:$0xE], $0x800, $0x38;
	[tilespmem:$0x1D370] =	vst v63  }
0x1b1: {  	_ =	swait.ge [sflag:s7], $0x800  }
0x1b2: {  	[sflag:s7] =	ssyncset.done $0x0  }
0x1b3: {  	s13 =	rddreg [dreg:$0xc];
	[sflag:s7] =	ssyncadd.s32 $0xFFFFF800  }
0x1b4: {  	[tilespmem:s6], [sflag:$0xE] =	stream.linear.gather [spmem:s13], $0x800, $0x38;
	[tilespmem:$0x1D370] =	vst v63  }
0x1b5: {  	_ =	swait.ge [sflag:s7], $0x800  }
0x1b6: {  	s14 =	sld [smem:$0x7DB]  }
0x1b7: {  	[sflag:s7] =	ssyncset.done $0x0  }
0x1b8: {  	[sflag:s7] =	ssyncadd.s32 $0xFFFFF800  }
0x1b9: {  	[hbm4b:s14+s4] =	stream.linear.scatter [tilespmem:s6], [sflag:$0xE], $0x800, $0x38;
	[tilespmem:$0x1D370] =	vst v63  }
0x1ba: {  	_ =	swait.ge [sflag:s7], $0x800  }
0x1bb: {  	[sflag:s7] =	ssyncset.done $0x0  }
0x1bc: {  	s16 =	rddreg [dreg:$0xd];
	[sflag:s7] =	ssyncadd.s32 $0xFFFFF800  }
0x1bd: {  	[tilespmem:s6], [sflag:$0xE] =	stream.linear.gather [spmem:s16], $0x800, $0x38;
	[tilespmem:$0x1D370] =	vst v63  }
0x1be: {  	_ =	swait.ge [sflag:s7], $0x800  }
0x1bf: {  	s17 =	sld [smem:$0x7DC]  }
0x1c0: {  	[sflag:s7] =	ssyncset.done $0x0  }
0x1c1: {  	[sflag:s7] =	ssyncadd.s32 $0xFFFFF800  }
0x1c2: {  	[hbm4b:s17+s4] =	stream.linear.scatter [tilespmem:s6], [sflag:$0xE], $0x800, $0x38;
	[tilespmem:$0x1D370] =	vst v63  }
0x1c3: {  	_ =	swait.ge [sflag:s7], $0x800  }
0x1c4: {  	[sflag:s7] =	ssyncset.done $0x0  }
0x1c5: {  	s18 =	rddreg [dreg:$0xe];
	[sflag:s7] =	ssyncadd.s32 $0xFFFFF800  }
0x1c6: {  	[tilespmem:s6], [sflag:$0xE] =	stream.linear.gather [spmem:s18], $0x800, $0x38;
	[tilespmem:$0x1D370] =	vst v63  }
0x1c7: {  	_ =	swait.ge [sflag:s7], $0x800  }
0x1c8: {  	s20 =	sld [smem:$0x7DD]  }
0x1c9: {  	[sflag:s7] =	ssyncset.done $0x0  }
0x1ca: {  	[sflag:s7] =	ssyncadd.s32 $0xFFFFF800  }
0x1cb: {  	[hbm4b:s20+s4] =	stream.linear.scatter [tilespmem:s6], [sflag:$0xE], $0x800, $0x38;
	[tilespmem:$0x1D370] =	vst v63  }
0x1cc: {  	_ =	swait.ge [sflag:s7], $0x800  }
0x1cd: {  	[sflag:s7] =	ssyncset.done $0x0  }
0x1ce: {  	s12 =	rddreg [dreg:$0xf];
	[sflag:s7] =	ssyncadd.s32 $0xFFFFF800  }
0x1cf: {  	[tilespmem:s6], [sflag:$0xE] =	stream.linear.gather [spmem:s12], $0x800, $0x38;
	[tilespmem:$0x1D370] =	vst v63  }
0x1d0: {  	_ =	swait.ge [sflag:s7], $0x800  }
0x1d1: {  	s13 =	sld [smem:$0x7DE]  }
0x1d2: {  	[sflag:s7] =	ssyncset.done $0x0  }
0x1d3: {  	[sflag:s7] =	ssyncadd.s32 $0xFFFFF800  }
0x1d4: {  	[hbm4b:s13+s4] =	stream.linear.scatter [tilespmem:s6], [sflag:$0xE], $0x800, $0x38;
	[tilespmem:$0x1D370] =	vst v63  }
0x1d5: {  	_ =	swait.ge [sflag:s7], $0x800  }
0x1d6: {  	[sflag:s7] =	ssyncset.done $0x0  }
0x1d7: {  	[sflag:s7] =	ssyncadd.s32 $0xFFFFF800  }
0x1d8: {  	[tilespmem:s6], [sflag:$0xE] =	stream.linear.gather [spmem:s26], $0x800, $0x38;
	[tilespmem:$0x1D370] =	vst v63  }
0x1d9: {  	_ =	swait.ge [sflag:s7], $0x800  }
0x1da: {  	s14 =	sld [smem:$0x7DF]  }
0x1db: {  	[sflag:s7] =	ssyncset.done $0x0  }
0x1dc: {  	[sflag:s7] =	ssyncadd.s32 $0xFFFFF800  }
0x1dd: {  	[hbm4b:s14+s4] =	stream.linear.scatter [tilespmem:s6], [sflag:$0xE], $0x800, $0x38;
	[tilespmem:$0x1D370] =	vst v63  }
0x1de: {  	_ =	swait.ge [sflag:s7], $0x800  }
0x1df: {  	[sflag:s7] =	ssyncset.done $0x0  }
0x1e0: {  	s17 =	rddreg [dreg:$0x13];
	[sflag:s7] =	ssyncadd.s32 $0xFFFFF800  }
0x1e1: {  	[tilespmem:s6], [sflag:$0xE] =	stream.linear.gather [spmem:s17], $0x800, $0x38;
	[tilespmem:$0x1D370] =	vst v63  }
0x1e2: {  	_ =	swait.ge [sflag:s7], $0x800  }
0x1e3: {  	s18 =	sld [smem:$0x7E0]  }
0x1e4: {  	[sflag:s7] =	ssyncset.done $0x0  }
0x1e5: {  	[sflag:s7] =	ssyncadd.s32 $0xFFFFF800  }
0x1e6: {  	[hbm4b:s18+s4] =	stream.linear.scatter [tilespmem:s6], [sflag:$0xE], $0x800, $0x38;
	[tilespmem:$0x1D370] =	vst v63  }
0x1e7: {  	_ =	swait.ge [sflag:s7], $0x800  }
0x1e8: {  	[sflag:s7] =	ssyncset.done $0x0  }
0x1e9: {  	s20 =	rddreg [dreg:$0x14];
	[sflag:s7] =	ssyncadd.s32 $0xFFFFF800  }
0x1ea: {  	[tilespmem:s6], [sflag:$0xE] =	stream.linear.gather [spmem:s20], $0x800, $0x38;
	[tilespmem:$0x1D370] =	vst v63  }
0x1eb: {  	_ =	swait.ge [sflag:s7], $0x800  }
0x1ec: {  	s16 =	smov.u32 s26;
	s26 =	sld [smem:$0x7E1]  }
0x1ed: {  	[sflag:s7] =	ssyncset.done $0x0  }
0x1ee: {  	[sflag:s7] =	ssyncadd.s32 $0xFFFFF800  }
0x1ef: {  	[hbm4b:s26+s4] =	stream.linear.scatter [tilespmem:s6], [sflag:$0xE], $0x800, $0x38;
	[tilespmem:$0x1D370] =	vst v63  }
0x1f0: {  	_ =	swait.ge [sflag:s7], $0x800  }
0x1f1: {  	[sflag:s7] =	ssyncset.done $0x0  }
0x1f2: {  	s12 =	rddreg [dreg:$0x15];
	[sflag:s7] =	ssyncadd.s32 $0xFFFFF800  }
0x1f3: {  	[tilespmem:s6], [sflag:$0xE] =	stream.linear.gather [spmem:s12], $0x800, $0x38;
	[tilespmem:$0x1D370] =	vst v63  }
0x1f4: {  	_ =	swait.ge [sflag:s7], $0x800  }
0x1f5: {  	s13 =	sld [smem:$0x7E2]  }
0x1f6: {  	[sflag:s7] =	ssyncset.done $0x0  }
0x1f7: {  	[sflag:s7] =	ssyncadd.s32 $0xFFFFF800  }
0x1f8: {  	[hbm4b:s13+s4] =	stream.linear.scatter [tilespmem:s6], [sflag:$0xE], $0x800, $0x38;
	[tilespmem:$0x1D370] =	vst v63  }
0x1f9: {  	_ =	swait.ge [sflag:s7], $0x800  }
0x1fa: {  	[sflag:s7] =	ssyncset.done $0x0  }
0x1fb: {  	s14 =	rddreg [dreg:$0x16];
	[sflag:s7] =	ssyncadd.s32 $0xFFFFF800  }
0x1fc: {  	[tilespmem:s6], [sflag:$0xE] =	stream.linear.gather [spmem:s14], $0x800, $0x38;
	[tilespmem:$0x1D370] =	vst v63  }
0x1fd: {  	_ =	swait.ge [sflag:s7], $0x800  }
0x1fe: {  	s17 =	sld [smem:$0x7E3]  }
0x1ff: {  	[sflag:s7] =	ssyncset.done $0x0  }
0x200: {  	[sflag:s7] =	ssyncadd.s32 $0xFFFFF800  }
0x201: {  	[hbm4b:s17+s4] =	stream.linear.scatter [tilespmem:s6], [sflag:$0xE], $0x800, $0x38;
	[tilespmem:$0x1D370] =	vst v63  }
0x202: {  	_ =	swait.ge [sflag:s7], $0x800  }
0x203: {  	[sflag:s7] =	ssyncset.done $0x0  }
0x204: {  	s18 =	rddreg [dreg:$0x17];
	[sflag:s7] =	ssyncadd.s32 $0xFFFFF800  }
0x205: {  	[tilespmem:s6], [sflag:$0xE] =	stream.linear.gather [spmem:s18], $0x800, $0x38;
	[tilespmem:$0x1D370] =	vst v63  }
0x206: {  	_ =	swait.ge [sflag:s7], $0x800  }
0x207: {  	s20 =	sld [smem:$0x7E4]  }
0x208: {  	[sflag:s7] =	ssyncset.done $0x0  }
0x209: {  	[sflag:s7] =	ssyncadd.s32 $0xFFFFF800  }
0x20a: {  	[hbm4b:s20+s4] =	stream.linear.scatter [tilespmem:s6], [sflag:$0xE], $0x800, $0x38;
	[tilespmem:$0x1D370] =	vst v63  }
0x20b: {  	_ =	swait.ge [sflag:s7], $0x800  }
0x20c: {  	[sflag:s7] =	ssyncset.done $0x0  }
0x20d: {  	s26 =	rddreg [dreg:$0x18];
	[sflag:s7] =	ssyncadd.s32 $0xFFFFF800  }
0x20e: {  	[tilespmem:s6], [sflag:$0xE] =	stream.linear.gather [spmem:s26], $0x800, $0x38;
	[tilespmem:$0x1D370] =	vst v63  }
0x20f: {  	_ =	swait.ge [sflag:s7], $0x800  }
0x210: {  	s12 =	sld [smem:$0x7E5]  }
0x211: {  	[sflag:s7] =	ssyncset.done $0x0  }
0x212: {  	[sflag:s7] =	ssyncadd.s32 $0xFFFFF800  }
0x213: {  	[hbm4b:s12+s4] =	stream.linear.scatter [tilespmem:s6], [sflag:$0xE], $0x800, $0x38;
	[tilespmem:$0x1D370] =	vst v63  }
0x214: {  	_ =	swait.ge [sflag:s7], $0x800  }
0x215: {  	[sflag:s7] =	ssyncset.done $0x0  }
0x216: {  	s13 =	rddreg [dreg:$0x19];
	[sflag:s7] =	ssyncadd.s32 $0xFFFFF800  }
0x217: {  	[tilespmem:s6], [sflag:$0xE] =	stream.linear.gather [spmem:s13], $0x800, $0x38;
	[tilespmem:$0x1D370] =	vst v63  }
0x218: {  	_ =	swait.ge [sflag:s7], $0x800  }
0x219: {  	s14 =	sld [smem:$0x7E6]  }
0x21a: {  	[sflag:s7] =	ssyncset.done $0x0  }
0x21b: {  	[sflag:s7] =	ssyncadd.s32 $0xFFFFF800  }
0x21c: {  	[hbm4b:s14+s4] =	stream.linear.scatter [tilespmem:s6], [sflag:$0xE], $0x800, $0x38;
	[tilespmem:$0x1D370] =	vst v63  }
0x21d: {  	_ =	swait.ge [sflag:s7], $0x800  }
0x21e: {  	[sflag:s7] =	ssyncset.done $0x0  }
0x21f: {  	s17 =	rddreg [dreg:$0x1a];
	[sflag:s7] =	ssyncadd.s32 $0xFFFFF800  }
0x220: {  	[tilespmem:s6], [sflag:$0xE] =	stream.linear.gather [spmem:s17], $0x800, $0x38;
	[tilespmem:$0x1D370] =	vst v63  }
0x221: {  	_ =	swait.ge [sflag:s7], $0x800  }
0x222: {  	s18 =	sld [smem:$0x7E7]  }
0x223: {  	[sflag:s7] =	ssyncset.done $0x0  }
0x224: {  	[sflag:s7] =	ssyncadd.s32 $0xFFFFF800  }
0x225: {  	[hbm4b:s18+s4] =	stream.linear.scatter [tilespmem:s6], [sflag:$0xE], $0x800, $0x38;
	[tilespmem:$0x1D370] =	vst v63  }
0x226: {  	_ =	swait.ge [sflag:s7], $0x800  }
0x227: {  	[sflag:s7] =	ssyncset.done $0x0  }
0x228: {  	s20 =	rddreg [dreg:$0x1b];
	[sflag:s7] =	ssyncadd.s32 $0xFFFFF800  }
0x229: {  	[tilespmem:s6], [sflag:$0xE] =	stream.linear.gather [spmem:s20], $0x800, $0x38;
	[tilespmem:$0x1D370] =	vst v63  }
0x22a: {  	_ =	swait.ge [sflag:s7], $0x800  }
0x22b: {  	s26 =	sld [smem:$0x7E8]  }
0x22c: {  	[sflag:s7] =	ssyncset.done $0x0  }
0x22d: {  	[sflag:s7] =	ssyncadd.s32 $0xFFFFF800  }
0x22e: {  	[hbm4b:s26+s4] =	stream.linear.scatter [tilespmem:s6], [sflag:$0xE], $0x800, $0x38;
	[tilespmem:$0x1D370] =	vst v63  }
0x22f: {  	_ =	swait.ge [sflag:s7], $0x800  }
0x230: {  	[sflag:s7] =	ssyncset.done $0x0  }
0x231: {  	s12 =	rddreg [dreg:$0x1c];
	[sflag:s7] =	ssyncadd.s32 $0xFFFFF800  }
0x232: {  	[tilespmem:s6], [sflag:$0xE] =	stream.linear.gather [spmem:s12], $0x800, $0x38;
	[tilespmem:$0x1D370] =	vst v63  }
0x233: {  	_ =	swait.ge [sflag:s7], $0x800  }
0x234: {  	s13 =	sld [smem:$0x7E9]  }
0x235: {  	[sflag:s7] =	ssyncset.done $0x0  }
0x236: {  	[sflag:s7] =	ssyncadd.s32 $0xFFFFF800  }
0x237: {  	[hbm4b:s13+s4] =	stream.linear.scatter [tilespmem:s6], [sflag:$0xE], $0x800, $0x38;
	[tilespmem:$0x1D370] =	vst v63  }
0x238: {  	_ =	swait.ge [sflag:s7], $0x800  }
0x239: {  	[sflag:s7] =	ssyncset.done $0x0  }
0x23a: {  	s14 =	rddreg [dreg:$0x1d];
	[sflag:s7] =	ssyncadd.s32 $0xFFFFF800  }
0x23b: {  	[tilespmem:s6], [sflag:$0xE] =	stream.linear.gather [spmem:s14], $0x800, $0x38;
	[tilespmem:$0x1D370] =	vst v63  }
0x23c: {  	_ =	swait.ge [sflag:s7], $0x800  }
0x23d: {  	s17 =	sld [smem:$0x7EA]  }
0x23e: {  	[sflag:s7] =	ssyncset.done $0x0  }
0x23f: {  	[sflag:s7] =	ssyncadd.s32 $0xFFFFF800  }
0x240: {  	[hbm4b:s17+s4] =	stream.linear.scatter [tilespmem:s6], [sflag:$0xE], $0x800, $0x38;
	[tilespmem:$0x1D370] =	vst v63  }
0x241: {  	_ =	swait.ge [sflag:s7], $0x800  }
0x242: {  	[sflag:s7] =	ssyncset.done $0x0  }
0x243: {  	s18 =	rddreg [dreg:$0x1e];
	[sflag:s7] =	ssyncadd.s32 $0xFFFFF800  }
0x244: {  	[tilespmem:s6], [sflag:$0xE] =	stream.linear.gather [spmem:s18], $0x800, $0x38;
	[tilespmem:$0x1D370] =	vst v63  }
0x245: {  	_ =	swait.ge [sflag:s7], $0x800  }
0x246: {  	s20 =	sld [smem:$0x7EB]  }
0x247: {  	[sflag:s7] =	ssyncset.done $0x0  }
0x248: {  	[sflag:s7] =	ssyncadd.s32 $0xFFFFF800  }
0x249: {  	[hbm4b:s20+s4] =	stream.linear.scatter [tilespmem:s6], [sflag:$0xE], $0x800, $0x38;
	[tilespmem:$0x1D370] =	vst v63  }
0x24a: {  	_ =	swait.ge [sflag:s7], $0x800  }
0x24b: {  	[sflag:s7] =	ssyncset.done $0x0  }
0x24c: {  	s26 =	rddreg [dreg:$0x1f];
	[sflag:s7] =	ssyncadd.s32 $0xFFFFF800  }
0x24d: {  	[tilespmem:s6], [sflag:$0xE] =	stream.linear.gather [spmem:s26], $0x800, $0x38;
	[tilespmem:$0x1D370] =	vst v63  }
0x24e: {  	_ =	swait.ge [sflag:s7], $0x800  }
0x24f: {  	s12 =	sld [smem:$0x7EC]  }
0x250: {  	[sflag:s7] =	ssyncset.done $0x0  }
0x251: {  	[sflag:s7] =	ssyncadd.s32 $0xFFFFF800  }
0x252: {  	[hbm4b:s12+s4] =	stream.linear.scatter [tilespmem:s6], [sflag:$0xE], $0x800, $0x38;
	[tilespmem:$0x1D370] =	vst v63  }
0x253: {  	_ =	swait.ge [sflag:s7], $0x800  }
0x254: {  	s13 =	sld [smem:$0x7CD]  }
0x255: {  	[sflag:s7] =	ssyncset.done $0x0  }
0x256: {  	[sflag:s7] =	ssyncadd.s32 $0xFFFFF800  }
0x257: {  	[tilespmem:s6], [sflag:$0xE] =	stream.linear.gather [spmem:s13], $0x800, $0x38;
	[tilespmem:$0x1D370] =	vst v63  }
0x258: {  	_ =	swait.ge [sflag:s7], $0x800  }
0x259: {  	s14 =	sld [smem:$0x7ED]  }
0x25a: {  	[sflag:s7] =	ssyncset.done $0x0  }
0x25b: {  	[sflag:s7] =	ssyncadd.s32 $0xFFFFF800  }
0x25c: {  	[hbm4b:s14+s4] =	stream.linear.scatter [tilespmem:s6], [sflag:$0xE], $0x800, $0x38;
	[tilespmem:$0x1D370] =	vst v63  }
0x25d: {  	_ =	swait.ge [sflag:s7], $0x800  }
0x25e: {  	s17 =	sld [smem:$0x7CE]  }
0x25f: {  	[sflag:s7] =	ssyncset.done $0x0  }
0x260: {  	[sflag:s7] =	ssyncadd.s32 $0xFFFFF800  }
0x261: {  	[tilespmem:s6], [sflag:$0xE] =	stream.linear.gather [spmem:s17], $0x800, $0x38;
	[tilespmem:$0x1D370] =	vst v63  }
0x262: {  	_ =	swait.ge [sflag:s7], $0x800  }
0x263: {  	s18 =	sld [smem:$0x7EE]  }
0x264: {  	[sflag:s7] =	ssyncset.done $0x0  }
0x265: {  	[sflag:s7] =	ssyncadd.s32 $0xFFFFF800  }
0x266: {  	[hbm4b:s18+s4] =	stream.linear.scatter [tilespmem:s6], [sflag:$0xE], $0x800, $0x38;
	[tilespmem:$0x1D370] =	vst v63  }
0x267: {  	_ =	swait.ge [sflag:s7], $0x800  }
0x268: {  	s20 =	sld [smem:$0x7CF]  }
0x269: {  	[sflag:s7] =	ssyncset.done $0x0  }
0x26a: {  	[sflag:s7] =	ssyncadd.s32 $0xFFFFF800  }
0x26b: {  	[tilespmem:s6], [sflag:$0xE] =	stream.linear.gather [spmem:s20], $0x800, $0x38;
	[tilespmem:$0x1D370] =	vst v63  }
0x26c: {  	_ =	swait.ge [sflag:s7], $0x800  }
0x26d: {  	s26 =	sld [smem:$0x7EF]  }
0x26e: {  	[sflag:s7] =	ssyncset.done $0x0  }
0x26f: {  	[sflag:s7] =	ssyncadd.s32 $0xFFFFF800  }
0x270: {  	[hbm4b:s26+s4] =	stream.linear.scatter [tilespmem:s6], [sflag:$0xE], $0x800, $0x38;
	[tilespmem:$0x1D370] =	vst v63  }
0x271: {  	_ =	swait.ge [sflag:s7], $0x800  }
0x272: {  	s12 =	sld [smem:$0x7D0]  }
0x273: {  	[sflag:s7] =	ssyncset.done $0x0  }
0x274: {  	[sflag:s7] =	ssyncadd.s32 $0xFFFFF800  }
0x275: {  	[tilespmem:s6], [sflag:$0xE] =	stream.linear.gather [spmem:s12], $0x800, $0x38;
	[tilespmem:$0x1D370] =	vst v63  }
0x276: {  	_ =	swait.ge [sflag:s7], $0x800  }
0x277: {  	s13 =	sld [smem:$0x7F0]  }
0x278: {  	[sflag:s7] =	ssyncset.done $0x0  }
0x279: {  	[sflag:s7] =	ssyncadd.s32 $0xFFFFF800  }
0x27a: {  	[hbm4b:s13+s4] =	stream.linear.scatter [tilespmem:s6], [sflag:$0xE], $0x800, $0x38;
	[tilespmem:$0x1D370] =	vst v63  }
0x27b: {  	_ =	swait.ge [sflag:s7], $0x800  }
0x27c: {  	s14 =	sld [smem:$0x7D1]  }
0x27d: {  	[sflag:s7] =	ssyncset.done $0x0  }
0x27e: {  	[sflag:s7] =	ssyncadd.s32 $0xFFFFF800  }
0x27f: {  	[tilespmem:s6], [sflag:$0xE] =	stream.linear.gather [spmem:s14], $0x800, $0x38;
	[tilespmem:$0x1D370] =	vst v63  }
0x280: {  	_ =	swait.ge [sflag:s7], $0x800  }
0x281: {  	s17 =	sld [smem:$0x7F1]  }
0x282: {  	[sflag:s7] =	ssyncset.done $0x0  }
0x283: {  	[sflag:s7] =	ssyncadd.s32 $0xFFFFF800  }
0x284: {  	[hbm4b:s17+s4] =	stream.linear.scatter [tilespmem:s6], [sflag:$0xE], $0x800, $0x38;
	[tilespmem:$0x1D370] =	vst v63  }
0x285: {  	_ =	swait.ge [sflag:s7], $0x800  }
0x286: {  	s18 =	sld [smem:$0x7D2]  }
0x287: {  	[sflag:s7] =	ssyncset.done $0x0  }
0x288: {  	[sflag:s7] =	ssyncadd.s32 $0xFFFFF800  }
0x289: {  	[tilespmem:s6], [sflag:$0xE] =	stream.linear.gather [spmem:s18], $0x800, $0x38;
	[tilespmem:$0x1D370] =	vst v63  }
0x28a: {  	_ =	swait.ge [sflag:s7], $0x800  }
0x28b: {  	s20 =	sld [smem:$0x7F2]  }
0x28c: {  	[sflag:s7] =	ssyncset.done $0x0  }
0x28d: {  	[sflag:s7] =	ssyncadd.s32 $0xFFFFF800  }
0x28e: {  	[hbm4b:s20+s4] =	stream.linear.scatter [tilespmem:s6], [sflag:$0xE], $0x800, $0x38;
	[tilespmem:$0x1D370] =	vst v63  }
0x28f: {  	_ =	swait.ge [sflag:s7], $0x800  }
0x290: {  	s26 =	sld [smem:$0x7D3]  }
0x291: {  	[sflag:s7] =	ssyncset.done $0x0  }
0x292: {  	[sflag:s7] =	ssyncadd.s32 $0xFFFFF800  }
0x293: {  	[tilespmem:s6], [sflag:$0xE] =	stream.linear.gather [spmem:s26], $0x800, $0x38;
	[tilespmem:$0x1D370] =	vst v63  }
0x294: {  	_ =	swait.ge [sflag:s7], $0x800  }
0x295: {  	s12 =	sld [smem:$0x7F3]  }
0x296: {  	[sflag:s7] =	ssyncset.done $0x0  }
0x297: {  	[sflag:s7] =	ssyncadd.s32 $0xFFFFF800  }
0x298: {  	[hbm4b:s12+s4] =	stream.linear.scatter [tilespmem:s6], [sflag:$0xE], $0x800, $0x38;
	[tilespmem:$0x1D370] =	vst v63  }
0x299: {  	_ =	swait.ge [sflag:s7], $0x800  }
0x29a: {  	s13 =	sld [smem:$0x7D4]  }
0x29b: {  	[sflag:s7] =	ssyncset.done $0x0  }
0x29c: {  	[sflag:s7] =	ssyncadd.s32 $0xFFFFF800  }
0x29d: {  	[tilespmem:s6], [sflag:$0xE] =	stream.linear.gather [spmem:s13], $0x800, $0x38;
	[tilespmem:$0x1D370] =	vst v63  }
0x29e: {  	_ =	swait.ge [sflag:s7], $0x800  }
0x29f: {  	s14 =	sld [smem:$0x7F4]  }
0x2a0: {  	[sflag:s7] =	ssyncset.done $0x0  }
0x2a1: {  	[sflag:s7] =	ssyncadd.s32 $0xFFFFF800  }
0x2a2: {  	[hbm4b:s14+s4] =	stream.linear.scatter [tilespmem:s6], [sflag:$0xE], $0x800, $0x38;
	[tilespmem:$0x1D370] =	vst v63  }
0x2a3: {  	_ =	swait.ge [sflag:s7], $0x800  }
0x2a4: {  	s17 =	sld [smem:$0x7D5]  }
0x2a5: {  	[sflag:s7] =	ssyncset.done $0x0  }
0x2a6: {  	[sflag:s7] =	ssyncadd.s32 $0xFFFFF800  }
0x2a7: {  	[tilespmem:s6], [sflag:$0xE] =	stream.linear.gather [spmem:s17], $0x800, $0x38;
	[tilespmem:$0x1D370] =	vst v63  }
0x2a8: {  	_ =	swait.ge [sflag:s7], $0x800  }
0x2a9: {  	s18 =	sld [smem:$0x7F5]  }
0x2aa: {  	[sflag:s7] =	ssyncset.done $0x0  }
0x2ab: {  	[sflag:s7] =	ssyncadd.s32 $0xFFFFF800  }
0x2ac: {  	[hbm4b:s18+s4] =	stream.linear.scatter [tilespmem:s6], [sflag:$0xE], $0x800, $0x38;
	[tilespmem:$0x1D370] =	vst v63  }
0x2ad: {  	_ =	swait.ge [sflag:s7], $0x800  }
0x2ae: {  	s20 =	sld [smem:$0x7D6]  }
0x2af: {  	[sflag:s7] =	ssyncset.done $0x0  }
0x2b0: {  	[sflag:s7] =	ssyncadd.s32 $0xFFFFF800  }
0x2b1: {  	[tilespmem:s6], [sflag:$0xE] =	stream.linear.gather [spmem:s20], $0x800, $0x38;
	[tilespmem:$0x1D370] =	vst v63  }
0x2b2: {  	_ =	swait.ge [sflag:s7], $0x800  }
0x2b3: {  	s26 =	sld [smem:$0x7F6]  }
0x2b4: {  	[sflag:s7] =	ssyncset.done $0x0  }
0x2b5: {  	[sflag:s7] =	ssyncadd.s32 $0xFFFFF800  }
0x2b6: {  	[hbm4b:s26+s4] =	stream.linear.scatter [tilespmem:s6], [sflag:$0xE], $0x800, $0x38;
	[tilespmem:$0x1D370] =	vst v63  }
0x2b7: {  	_ =	swait.ge [sflag:s7], $0x800  }
0x2b8: {  	[sflag:s7] =	ssyncset.done $0x0  }
0x2b9: {  	[sflag:s7] =	ssyncadd.s32 $0xFFFFF800  }
0x2ba: {  	[tilespmem:s6], [sflag:$0xE] =	stream.linear.gather [spmem:s28], $0x800, $0x38;
	[tilespmem:$0x1D370] =	vst v63  }
0x2bb: {  	_ =	swait.ge [sflag:s7], $0x800  }
0x2bc: {  	s12 =	sld [smem:$0x7F7]  }
0x2bd: {  	[sflag:s7] =	ssyncset.done $0x0  }
0x2be: {  	[sflag:s7] =	ssyncadd.s32 $0xFFFFF800  }
0x2bf: {  	[hbm4b:s12+s4] =	stream.linear.scatter [tilespmem:s6], [sflag:$0xE], $0x800, $0x38;
	[tilespmem:$0x1D370] =	vst v63  }
0x2c0: {  	_ =	swait.ge [sflag:s7], $0x800  }
0x2c1: {  	[sflag:s7] =	ssyncset.done $0x0  }
0x2c2: {  	[sflag:s7] =	ssyncadd.s32 $0xFFFFF800  }
0x2c3: {  	[tilespmem:s6], [sflag:$0xE] =	stream.linear.gather [spmem:s29], $0x800, $0x38;
	[tilespmem:$0x1D370] =	vst v63  }
0x2c4: {  	_ =	swait.ge [sflag:s7], $0x800  }
0x2c5: {  	s13 =	sld [smem:$0x7F8]  }
0x2c6: {  	[sflag:s7] =	ssyncset.done $0x0  }
0x2c7: {  	[sflag:s7] =	ssyncadd.s32 $0xFFFFF800  }
0x2c8: {  	[hbm4b:s13+s4] =	stream.linear.scatter [tilespmem:s6], [sflag:$0xE], $0x800, $0x38;
	[tilespmem:$0x1D370] =	vst v63  }
0x2c9: {  	_ =	swait.ge [sflag:s7], $0x800  }
0x2ca: {  	[sflag:s7] =	ssyncset.done $0x0  }
0x2cb: {  	[sflag:s7] =	ssyncadd.s32 $0xFFFFF800  }
0x2cc: {  	[tilespmem:s6], [sflag:$0xE] =	stream.linear.gather [spmem:s30], $0x800, $0x38;
	[tilespmem:$0x1D370] =	vst v63  }
0x2cd: {  	_ =	swait.ge [sflag:s7], $0x800  }
0x2ce: {  	s14 =	sld [smem:$0x7F9]  }
0x2cf: {  	[sflag:s7] =	ssyncset.done $0x0  }
0x2d0: {  	[sflag:s7] =	ssyncadd.s32 $0xFFFFF800  }
0x2d1: {  	[hbm4b:s14+s4] =	stream.linear.scatter [tilespmem:s6], [sflag:$0xE], $0x800, $0x38;
	[tilespmem:$0x1D370] =	vst v63  }
0x2d2: {  	_ =	swait.ge [sflag:s7], $0x800  }
0x2d3: {  	[sflag:s7] =	ssyncset.done $0x0  }
0x2d4: {  	[sflag:s7] =	ssyncadd.s32 $0xFFFFF800  }
0x2d5: {  	[tilespmem:s6], [sflag:$0xE] =	stream.linear.gather [spmem:s31], $0x800, $0x38;
	[tilespmem:$0x1D370] =	vst v63  }
0x2d6: {  	_ =	swait.ge [sflag:s7], $0x800  }
0x2d7: {  	s17 =	sld [smem:$0x7FA]  }
0x2d8: {  	[sflag:s7] =	ssyncset.done $0x0  }
0x2d9: {  	[sflag:s7] =	ssyncadd.s32 $0xFFFFF800  }
0x2da: {  	[hbm4b:s17+s4] =	stream.linear.scatter [tilespmem:s6], [sflag:$0xE], $0x800, $0x38;
	[tilespmem:$0x1D370] =	vst v63  }
0x2db: {  	_ =	swait.ge [sflag:s7], $0x800  }
0x2dc: {  	[sflag:s7] =	ssyncset.done $0x0  }
0x2dd: {  	[sflag:s7] =	ssyncadd.s32 $0xFFFFF800  }
0x2de: {  	[tilespmem:s6], [sflag:$0xE] =	stream.linear.gather [spmem:s1], $0x800, $0x38;
	[tilespmem:$0x1D370] =	vst v63  }
0x2df: {  	_ =	swait.ge [sflag:s7], $0x800  }
0x2e0: {  	s18 =	sld [smem:$0x7FB]  }
0x2e1: {  	[sflag:s7] =	ssyncset.done $0x0  }
0x2e2: {  	[sflag:s7] =	ssyncadd.s32 $0xFFFFF800  }
0x2e3: {  	[hbm4b:s18+s4] =	stream.linear.scatter [tilespmem:s6], [sflag:$0xE], $0x800, $0x38;
	[tilespmem:$0x1D370] =	vst v63  }
0x2e4: {  	_ =	swait.ge [sflag:s7], $0x800  }
0x2e5: {  	[sflag:s7] =	ssyncset.done $0x0  }
0x2e6: {  	[sflag:s7] =	ssyncadd.s32 $0xFFFFF800  }
0x2e7: {  	[tilespmem:s6], [sflag:$0xE] =	stream.linear.gather [spmem:s23], $0x800, $0x38;
	[tilespmem:$0x1D370] =	vst v63  }
0x2e8: {  	_ =	swait.ge [sflag:s7], $0x800  }
0x2e9: {  	s20 =	sld [smem:$0x7FC]  }
0x2ea: {  	[sflag:s7] =	ssyncset.done $0x0  }
0x2eb: {  	[sflag:s7] =	ssyncadd.s32 $0xFFFFF800  }
0x2ec: {  	[hbm4b:s20+s4] =	stream.linear.scatter [tilespmem:s6], [sflag:$0xE], $0x800, $0x38;
	[tilespmem:$0x1D370] =	vst v63  }
0x2ed: {  	_ =	swait.ge [sflag:s7], $0x800  }
0x2ee: {  	[sflag:s7] =	ssyncset.done $0x0  }
0x2ef: {  	[sflag:s7] =	ssyncadd.s32 $0xFFFFF800  }
0x2f0: {  	[tilespmem:s6], [sflag:$0xE] =	stream.linear.gather [spmem:s24], $0x800, $0x38;
	[tilespmem:$0x1D370] =	vst v63  }
0x2f1: {  	_ =	swait.ge [sflag:s7], $0x800  }
0x2f2: {  	s26 =	sld [smem:$0x7FD]  }
0x2f3: {  	[sflag:s7] =	ssyncset.done $0x0  }
.Ltmp9:
0x2f4: {  	[sflag:s7] =	ssyncadd.s32 $0xFFFFF800;
	(pc) =	sbr.rel @!p0 .LBB2_10-.Ltmp9, $4  }
0x2f5: {  	[hbm4b:s26+s4] =	stream.linear.scatter [tilespmem:s6], [sflag:$0xE], $0x800, $0x38;
	[tilespmem:$0x1D370] =	vst v63  }
0x2f6: {  	_ =	swait.ge [sflag:s7], $0x800  }
0x2f7: {  	[sflag:s7] =	ssyncset.done $0x0  }
0x2f8: {  	[sflag:s7] =	ssyncadd.s32 $0xFFFFF800  }
.Ltmp10:
0x2f9: {  	(pc) =	sbr.rel @p1 .LBB2_13-.Ltmp10, $4  }
.Ltmp11:
0x2fa: {  	(pc) =	sbr.rel @!p1 .LBB2_12-.Ltmp11, $4  }
0x2fb: {  	_ = 	snop  }
0x2fc: {  	_ = 	snop  }
0x2fd: {  	_ = 	snop  }
0x2fe: {  	_ = 	snop  }
.LBB2_14:
0x2ff: {  	_ =	sfence.sel $0x180000  }
0x300: {  	[bflag:$0x0] =	sbarrier.arrive $0xFFFF  }
0x301: {  	_ =	strace $0x9000004A  }
0x302: {  	[bflag:$0x2] =	sbarrier.arrive $0xFFFF  }
0x303: {  	s0 =	rddreg [dreg:$0x4]  }
0x304: {  	s0 =	sadd.s32 @!p0 $0x100000, s0  }
0x305: {  	[sflag:s0] =	ssyncadd.tile.s32 @!p0 $0x1;
	_ =	shalt  }
.Lfunc_end2:
_tile_overlayer_lowered:
.L_overlay_start_2:
0x306: {  	(tag) =	ssettag $0x2  }
0x307: {  	s0 =	rddreg [dreg:$0x0];
	s2 =	stileid.u32  }
0x308: {  	s1 =	rddreg [dreg:$0x1];
	p0 =	sne.s32 s2, $0x0  }
0x309: {  	s3 =	rddreg [dreg:$0x2];
	[bflag:$0x3] =	sbarrier.arrive $0xFFFF;
	s2 =	simm.s32 @!p0 $0x1C0E  }
0x30a: {  	[timem:s3], [sflag:s2] =	dma.local @!p0 [hbm:s0], s1  }
0x30b: {  	s0 =	simm.s32 @!p0 $0xE  }
0x30c: {  	_ =	swait.ge @!p0 [sflag:s0], s1  }
0x30d: {  	s1 =	ssub.s32 @!p0 $0x0, s1;
	[sflag:s0] =	ssyncset.done @!p0 $0x0  }
0x30e: {  	[sflag:s0] =	ssyncadd.s32 @!p0 s1  }
0x30f: {  	[bflag:$0x3] =	sbarrier.arrive $0xFFFF  }
0x310: {  	_ =	shalt  }

</sc_bundles>
